<compile_context>
chip_gen: v7x
topology: tpu7x:2x2x1
jax: 0.10.2.dev20260603
libtpu: 0.0.44.dev20260713+nightly
codegen_flags: <defaults>
</compile_context>

<pallas_src>
import functools
import math

import numpy as np
import jax
import jax.numpy as jnp
from jax import lax
from jax.experimental import pallas as pl
from jax.experimental.pallas import tpu as pltpu

_NS = 16
_EMB = 64
_TINY = np.float32(np.finfo(np.float32).tiny)
_KS0 = np.uint32(0)
_KS1 = np.uint32(42)
_KS2 = np.uint32(0x1BD11BDA ^ 42)
_ROTS = ((13, 15, 26, 6), (17, 29, 16, 24))


def _threefry_bits(cnt):
    ks = (_KS0, _KS1, _KS2)
    x0 = jnp.zeros_like(cnt)
    x1 = cnt + _KS1
    for i in range(5):
        for r in _ROTS[i % 2]:
            x0 = x0 + x1
            x1 = (x1 << np.uint32(r)) | (x1 >> np.uint32(32 - r))
            x1 = x0 ^ x1
        x0 = x0 + ks[(i + 1) % 3]
        x1 = x1 + ks[(i + 2) % 3] + np.uint32(i + 1)
    return x0 ^ x1


def _sample_kernel(hm_ref, jt_ref, fr_ref, out_ref, *, j, hw, w, bj):
    b = pl.program_id(0)
    hm = hm_ref[0]
    probs = jnp.where(hm < 0.0, 0.0, hm)
    posm = probs > 0.0
    logits = jnp.where(posm, jnp.log(jnp.where(posm, probs, 1.0)),
                       -jnp.inf)
    col = lax.broadcasted_iota(jnp.int32, (j, hw), 1)
    row = lax.broadcasted_iota(jnp.int32, (j, hw), 0)
    base = b * (j * hw) + row * hw + col
    stride_s = bj * hw

    x_cols, y_cols, p_cols = [], [], []
    for s in range(_NS):
        cnt = (base + s * stride_s).astype(jnp.uint32)
        bits = _threefry_bits(cnt)
        fb = (bits >> np.uint32(9)) | np.uint32(0x3F800000)
        u = lax.bitcast_convert_type(fb, jnp.float32) - 1.0
        u = jnp.maximum(u, _TINY)
        g = -jnp.log(-jnp.log(u))
        score = g + logits
        m = jnp.max(score, axis=1, keepdims=True)
        idx = jnp.min(jnp.where(score == m, col, hw), axis=1,
                      keepdims=True)
        p = jnp.sum(jnp.where(col == idx, probs, 0.0), axis=1,
                    keepdims=True)
        q = idx // w
        x_cols.append((idx - q * w).astype(jnp.float32))
        y_cols.append(q.astype(jnp.float32))
        p_cols.append(p)

    X = jnp.concatenate(x_cols, axis=1)
    Y = jnp.concatenate(y_cols, axis=1)
    P = jnp.concatenate(p_cols, axis=1)

    n_tot = j * _NS
    xc = X - jnp.sum(X) / n_tot
    yc = Y - jnp.sum(Y) / n_tot
    m2 = (jnp.sum(xc) + jnp.sum(yc)) / (2 * n_tot)
    var = (jnp.sum((xc - m2) ** 2) + jnp.sum((yc - m2) ** 2)) / (2 * n_tot - 1)
    std = jnp.sqrt(var)
    xn = xc / std
    yn = yc / std

    d3 = lax.broadcasted_iota(jnp.int32, (j, _NS, 2 * _EMB), 2)
    coord = jnp.where(d3 < _EMB, xn[:, :, None], yn[:, :, None])
    freqs = fr_ref[...][None]
    arg = coord * freqs
    emb = jnp.where((d3 % _EMB) < (_EMB // 2), jnp.sin(arg), jnp.cos(arg))
    tok = emb * P[:, :, None] + jt_ref[...][:, None, :]
    out_ref[0] = tok


def kernel(heatmap, joint_table):
    b, j, h, w = heatmap.shape
    hw = h * w
    hm = heatmap.reshape(b, j, hw)

    half = _EMB // 2
    scale = math.log(10000.0) / (half - 1)
    fr = jnp.exp(jnp.arange(half, dtype=jnp.float32) * -scale)
    fr128 = jnp.concatenate([fr, fr, fr, fr]).reshape(1, 4 * half)

    out = pl.pallas_call(
        functools.partial(_sample_kernel, j=j, hw=hw, w=w, bj=b * j),
        grid=(b,),
        in_specs=[
            pl.BlockSpec((1, j, hw), lambda i: (i, 0, 0)),
            pl.BlockSpec((j, 2 * _EMB), lambda i: (0, 0)),
            pl.BlockSpec((1, 4 * half), lambda i: (0, 0)),
        ],
        out_specs=pl.BlockSpec((1, j, _NS, 2 * _EMB), lambda i: (i, 0, 0, 0)),
        out_shape=jax.ShapeDtypeStruct((b, j, _NS, 2 * _EMB), jnp.float32),
        compiler_params=pltpu.CompilerParams(
            dimension_semantics=("parallel",)),
    )(hm, joint_table, fr128)
    return jnp.transpose(out, (0, 2, 1, 3))

# --- scband reference (transcript-rebuilt; emitter-appended) ---
"""Pipeline reference for scband-heatmap-sampling-poseformer-35802847379705 (READ-ONLY COPY).

The authoritative reference and input builder live on the scoring server;
editing this copy changes nothing except your own understanding.
"""

import jax, jax.numpy as jnp
import numpy as np
import math

B, J, H, W = 256, 16, 64, 64
NUM_SAMPLES = 16  # without_argmax=True -> all 16 come from multinomial sampling
EMB_DIM = 64


def sinusoidal_emb(x, dim, base_freq=10000.0):
    half = dim // 2
    scale = math.log(base_freq) / (half - 1)
    freqs = jnp.exp(jnp.arange(half, dtype=jnp.float32) * -scale)
    e = x[..., None] * freqs
    return jnp.concatenate([jnp.sin(e), jnp.cos(e)], axis=-1)


def setup_inputs(seed: int = 0) -> dict:
    key = jax.random.key(seed)
    k1, k2 = jax.random.split(key)
    heatmap = jax.random.uniform(k1, (B, J, H, W), dtype=jnp.float32)
    # learned parameter: nn.Embedding(16, 2*emb_dim)
    joint_table = jax.random.normal(k2, (16, 2 * EMB_DIM), dtype=jnp.float32)
    return {"heatmap": heatmap, "joint_table": joint_table}


def reference(heatmap, joint_table):
    b, j, h, w = heatmap.shape
    # HeatmapSampler.sample: threshold (min_threshold<0 -> clamp negatives), tau=1.0
    probs = jnp.where(heatmap < 0.0, 0.0, heatmap)
    flat = probs.reshape(b * j, h * w)
    # torch.multinomial(flat, NUM_SAMPLES, replacement=True)
    logits = jnp.where(flat > 0.0, jnp.log(jnp.where(flat > 0.0, flat, 1.0)), -jnp.inf)
    skey = jax.random.key(42)
    samples = jax.random.categorical(skey, logits, shape=(NUM_SAMPLES, b * j)).T  # (bj, n)
    # return_ordered=False, probs gathered for posemb scaling
    sample_probs = jnp.take_along_axis(flat, samples, axis=-1).reshape(b, j, NUM_SAMPLES)
    samples_f = samples.reshape(b, j, NUM_SAMPLES).astype(jnp.float32)
    x = jnp.mod(samples_f, float(w))
    y = jnp.floor(samples_f / float(w))
    # normalize_poses with normalization_method='mean_std'
    x = x - jnp.mean(x, axis=(1, 2), keepdims=True)
    y = y - jnp.mean(y, axis=(1, 2), keepdims=True)
    xy = jnp.stack([x, y], axis=-1)  # (b, j, n, 2)
    std = jnp.std(xy, axis=(1, 2, 3), ddof=1).reshape(b, 1, 1)
    x = x / std
    y = y / std
    # positional_embedding='sin': SinusoidalPosEmb per coordinate, concatenated
    emb_x = sinusoidal_emb(x, EMB_DIM)  # (b, j, n, EMB_DIM)
    emb_y = sinusoidal_emb(y, EMB_DIM)
    pos = jnp.concatenate([emb_x, emb_y], axis=-1)  # (b, j, n, 2*EMB_DIM)
    # posemb scaling by sample probability (without_posemb_scaling=False)
    pos = pos * sample_probs[..., None]
    # add learned joint embedding (16 joints)
    tok = pos + joint_table[None, :, None, :]
    # tokens for downstream transformer: (b, n, j, 2*EMB_DIM); without_transformer=True
    tok = jnp.transpose(tok, (0, 2, 1, 3))
    return tok

if __name__ == "__main__":
    import jax
    _d = setup_inputs()
    print(jax.jit(kernel)(*tuple(_d.values())))

</pallas_src>

<mosaic_0001>
module attributes {stable_mosaic.version = 14 : i64} {
  func.func @_sample_kernel(%arg0: i32, %arg1: memref<1x16x4096xf32, #tpu.memory_space<vmem>>, %arg2: memref<16x128xf32, #tpu.memory_space<vmem>>, %arg3: memref<1x128xf32, #tpu.memory_space<vmem>>, %arg4: memref<1x16x16x128xf32, #tpu.memory_space<vmem>>) attributes {dimension_semantics = [#tpu.dimension_semantics<parallel>], iteration_bounds = array<i64: 256>, scalar_prefetch = 0 : i64, scratch_operands = 0 : i64, tpu.core_type = #tpu.core_type<tc>, window_params = [{transform_indices = @transform_0, window_bounds = array<i64: 1, 16, 4096>}, {pipeline_mode = #tpu.pipeline_mode<synchronous>, transform_indices = @transform_1, window_bounds = array<i64: 16, 128>}, {pipeline_mode = #tpu.pipeline_mode<synchronous>, transform_indices = @transform_2, window_bounds = array<i64: 1, 128>}, {transform_indices = @transform_3, window_bounds = array<i64: 1, 16, 16, 128>}]} {
    %get3A = arith.constant 0 : index
    %get3A_0 = arith.constant 0 : index
    %get3A_1 = arith.constant 0 : index
    %get3A_2 = vector.load %arg1[%get3A, %get3A_0, %get3A_1] : memref<1x16x4096xf32, #tpu.memory_space<vmem>>, vector<1x16x4096xf32>
    %get3A_3 = vector.shape_cast %get3A_2 : vector<1x16x4096xf32> to vector<16x4096xf32>
    %lt3A = arith.constant 0.000000e+00 : f32
    %lt3A_4 = vector.broadcast %lt3A : f32 to vector<16x4096xf32>
    %lt3A_5 = arith.cmpf olt, %get3A_3, %lt3A_4 : vector<16x4096xf32>
    %jit3A = arith.constant 0.000000e+00 : f32
    %broadcast_in_dim3A = vector.broadcast %jit3A : f32 to vector<16x4096xf32>
    %select_n3A = arith.select %lt3A_5, %broadcast_in_dim3A, %get3A_3 : vector<16x4096xi1>, vector<16x4096xf32>
    %gt3A = arith.constant 0.000000e+00 : f32
    %gt3A_6 = vector.broadcast %gt3A : f32 to vector<16x4096xf32>
    %gt3A_7 = arith.cmpf ogt, %select_n3A, %gt3A_6 : vector<16x4096xf32>
    %jit3A_8 = arith.constant 1.000000e+00 : f32
    %broadcast_in_dim3A_9 = vector.broadcast %jit3A_8 : f32 to vector<16x4096xf32>
    %select_n3A_10 = arith.select %gt3A_7, %select_n3A, %broadcast_in_dim3A_9 : vector<16x4096xi1>, vector<16x4096xf32>
    %log3A = math.log %select_n3A_10 : vector<16x4096xf32>
    %jit3A_11 = arith.constant 0xFF800000 : f32
    %broadcast_in_dim3A_12 = vector.broadcast %jit3A_11 : f32 to vector<16x4096xf32>
    %select_n3A_13 = arith.select %gt3A_7, %log3A, %broadcast_in_dim3A_12 : vector<16x4096xi1>, vector<16x4096xf32>
    %iota3A = tpu.iota {dimensions = array<i32: 1>} : vector<16x4096xi32>
    %iota3A_14 = tpu.iota {dimensions = array<i32: 0>} : vector<16x4096xi32>
    %mul3A = arith.constant 65536 : i32
    %mul3A_15 = arith.muli %arg0, %mul3A : i32
    %mul3A_16 = arith.constant 4096 : i32
    %mul3A_17 = vector.broadcast %mul3A_16 : i32 to vector<16x4096xi32>
    %mul3A_18 = arith.muli %iota3A_14, %mul3A_17 : vector<16x4096xi32>
    %add3A = vector.broadcast %mul3A_15 : i32 to vector<16x4096xi32>
    %add3A_19 = arith.addi %add3A, %mul3A_18 : vector<16x4096xi32>
    %add3A_20 = arith.addi %add3A_19, %iota3A : vector<16x4096xi32>
    %add3A_21 = arith.constant 0 : i32
    %add3A_22 = vector.broadcast %add3A_21 : i32 to vector<16x4096xi32>
    %add3A_23 = arith.addi %add3A_20, %add3A_22 : vector<16x4096xi32>
    %broadcast_in_dim3A_24 = arith.constant 0 : i32
    %broadcast_in_dim3A_25 = vector.broadcast %broadcast_in_dim3A_24 : i32 to vector<16x4096xi32>
    %add3A_26 = arith.constant 42 : i32
    %add3A_27 = vector.broadcast %add3A_26 : i32 to vector<16x4096xi32>
    %add3A_28 = arith.addi %add3A_23, %add3A_27 : vector<16x4096xi32>
    %add3A_29 = arith.addi %broadcast_in_dim3A_25, %add3A_28 : vector<16x4096xi32>
    %shift_left3A = arith.constant 13 : i32
    %shift_left3A_30 = vector.broadcast %shift_left3A : i32 to vector<16x4096xi32>
    %shift_left3A_31 = arith.shli %add3A_28, %shift_left3A_30 : vector<16x4096xi32>
    %shift_right_logical3A = arith.constant 19 : i32
    %shift_right_logical3A_32 = vector.broadcast %shift_right_logical3A : i32 to vector<16x4096xi32>
    %shift_right_logical3A_33 = arith.shrui %add3A_28, %shift_right_logical3A_32 : vector<16x4096xi32>
    %or3A = arith.ori %shift_left3A_31, %shift_right_logical3A_33 : vector<16x4096xi32>
    %xor3A = arith.xori %add3A_29, %or3A : vector<16x4096xi32>
    %add3A_34 = arith.addi %add3A_29, %xor3A : vector<16x4096xi32>
    %shift_left3A_35 = arith.constant 15 : i32
    %shift_left3A_36 = vector.broadcast %shift_left3A_35 : i32 to vector<16x4096xi32>
    %shift_left3A_37 = arith.shli %xor3A, %shift_left3A_36 : vector<16x4096xi32>
    %shift_right_logical3A_38 = arith.constant 17 : i32
    %shift_right_logical3A_39 = vector.broadcast %shift_right_logical3A_38 : i32 to vector<16x4096xi32>
    %shift_right_logical3A_40 = arith.shrui %xor3A, %shift_right_logical3A_39 : vector<16x4096xi32>
    %or3A_41 = arith.ori %shift_left3A_37, %shift_right_logical3A_40 : vector<16x4096xi32>
    %xor3A_42 = arith.xori %add3A_34, %or3A_41 : vector<16x4096xi32>
    %add3A_43 = arith.addi %add3A_34, %xor3A_42 : vector<16x4096xi32>
    %shift_left3A_44 = arith.constant 26 : i32
    %shift_left3A_45 = vector.broadcast %shift_left3A_44 : i32 to vector<16x4096xi32>
    %shift_left3A_46 = arith.shli %xor3A_42, %shift_left3A_45 : vector<16x4096xi32>
    %shift_right_logical3A_47 = arith.constant 6 : i32
    %shift_right_logical3A_48 = vector.broadcast %shift_right_logical3A_47 : i32 to vector<16x4096xi32>
    %shift_right_logical3A_49 = arith.shrui %xor3A_42, %shift_right_logical3A_48 : vector<16x4096xi32>
    %or3A_50 = arith.ori %shift_left3A_46, %shift_right_logical3A_49 : vector<16x4096xi32>
    %xor3A_51 = arith.xori %add3A_43, %or3A_50 : vector<16x4096xi32>
    %add3A_52 = arith.addi %add3A_43, %xor3A_51 : vector<16x4096xi32>
    %shift_left3A_53 = arith.constant 6 : i32
    %shift_left3A_54 = vector.broadcast %shift_left3A_53 : i32 to vector<16x4096xi32>
    %shift_left3A_55 = arith.shli %xor3A_51, %shift_left3A_54 : vector<16x4096xi32>
    %shift_right_logical3A_56 = arith.constant 26 : i32
    %shift_right_logical3A_57 = vector.broadcast %shift_right_logical3A_56 : i32 to vector<16x4096xi32>
    %shift_right_logical3A_58 = arith.shrui %xor3A_51, %shift_right_logical3A_57 : vector<16x4096xi32>
    %or3A_59 = arith.ori %shift_left3A_55, %shift_right_logical3A_58 : vector<16x4096xi32>
    %xor3A_60 = arith.xori %add3A_52, %or3A_59 : vector<16x4096xi32>
    %add3A_61 = arith.constant 42 : i32
    %add3A_62 = vector.broadcast %add3A_61 : i32 to vector<16x4096xi32>
    %add3A_63 = arith.addi %add3A_52, %add3A_62 : vector<16x4096xi32>
    %add3A_64 = arith.constant 466689008 : i32
    %add3A_65 = vector.broadcast %add3A_64 : i32 to vector<16x4096xi32>
    %add3A_66 = arith.addi %xor3A_60, %add3A_65 : vector<16x4096xi32>
    %add3A_67 = arith.constant 1 : i32
    %add3A_68 = vector.broadcast %add3A_67 : i32 to vector<16x4096xi32>
    %add3A_69 = arith.addi %add3A_66, %add3A_68 : vector<16x4096xi32>
    %add3A_70 = arith.addi %add3A_63, %add3A_69 : vector<16x4096xi32>
    %shift_left3A_71 = arith.constant 17 : i32
    %shift_left3A_72 = vector.broadcast %shift_left3A_71 : i32 to vector<16x4096xi32>
    %shift_left3A_73 = arith.shli %add3A_69, %shift_left3A_72 : vector<16x4096xi32>
    %shift_right_logical3A_74 = arith.constant 15 : i32
    %shift_right_logical3A_75 = vector.broadcast %shift_right_logical3A_74 : i32 to vector<16x4096xi32>
    %shift_right_logical3A_76 = arith.shrui %add3A_69, %shift_right_logical3A_75 : vector<16x4096xi32>
    %or3A_77 = arith.ori %shift_left3A_73, %shift_right_logical3A_76 : vector<16x4096xi32>
    %xor3A_78 = arith.xori %add3A_70, %or3A_77 : vector<16x4096xi32>
    %add3A_79 = arith.addi %add3A_70, %xor3A_78 : vector<16x4096xi32>
    %shift_left3A_80 = arith.constant 29 : i32
    %shift_left3A_81 = vector.broadcast %shift_left3A_80 : i32 to vector<16x4096xi32>
    %shift_left3A_82 = arith.shli %xor3A_78, %shift_left3A_81 : vector<16x4096xi32>
    %shift_right_logical3A_83 = arith.constant 3 : i32
    %shift_right_logical3A_84 = vector.broadcast %shift_right_logical3A_83 : i32 to vector<16x4096xi32>
    %shift_right_logical3A_85 = arith.shrui %xor3A_78, %shift_right_logical3A_84 : vector<16x4096xi32>
    %or3A_86 = arith.ori %shift_left3A_82, %shift_right_logical3A_85 : vector<16x4096xi32>
    %xor3A_87 = arith.xori %add3A_79, %or3A_86 : vector<16x4096xi32>
    %add3A_88 = arith.addi %add3A_79, %xor3A_87 : vector<16x4096xi32>
    %shift_left3A_89 = arith.constant 16 : i32
    %shift_left3A_90 = vector.broadcast %shift_left3A_89 : i32 to vector<16x4096xi32>
    %shift_left3A_91 = arith.shli %xor3A_87, %shift_left3A_90 : vector<16x4096xi32>
    %shift_right_logical3A_92 = arith.constant 16 : i32
    %shift_right_logical3A_93 = vector.broadcast %shift_right_logical3A_92 : i32 to vector<16x4096xi32>
    %shift_right_logical3A_94 = arith.shrui %xor3A_87, %shift_right_logical3A_93 : vector<16x4096xi32>
    %or3A_95 = arith.ori %shift_left3A_91, %shift_right_logical3A_94 : vector<16x4096xi32>
    %xor3A_96 = arith.xori %add3A_88, %or3A_95 : vector<16x4096xi32>
    %add3A_97 = arith.addi %add3A_88, %xor3A_96 : vector<16x4096xi32>
    %shift_left3A_98 = arith.constant 24 : i32
    %shift_left3A_99 = vector.broadcast %shift_left3A_98 : i32 to vector<16x4096xi32>
    %shift_left3A_100 = arith.shli %xor3A_96, %shift_left3A_99 : vector<16x4096xi32>
    %shift_right_logical3A_101 = arith.constant 8 : i32
    %shift_right_logical3A_102 = vector.broadcast %shift_right_logical3A_101 : i32 to vector<16x4096xi32>
    %shift_right_logical3A_103 = arith.shrui %xor3A_96, %shift_right_logical3A_102 : vector<16x4096xi32>
    %or3A_104 = arith.ori %shift_left3A_100, %shift_right_logical3A_103 : vector<16x4096xi32>
    %xor3A_105 = arith.xori %add3A_97, %or3A_104 : vector<16x4096xi32>
    %add3A_106 = arith.constant 466689008 : i32
    %add3A_107 = vector.broadcast %add3A_106 : i32 to vector<16x4096xi32>
    %add3A_108 = arith.addi %add3A_97, %add3A_107 : vector<16x4096xi32>
    %add3A_109 = arith.constant 0 : i32
    %add3A_110 = vector.broadcast %add3A_109 : i32 to vector<16x4096xi32>
    %add3A_111 = arith.addi %xor3A_105, %add3A_110 : vector<16x4096xi32>
    %add3A_112 = arith.constant 2 : i32
    %add3A_113 = vector.broadcast %add3A_112 : i32 to vector<16x4096xi32>
    %add3A_114 = arith.addi %add3A_111, %add3A_113 : vector<16x4096xi32>
    %add3A_115 = arith.addi %add3A_108, %add3A_114 : vector<16x4096xi32>
    %shift_left3A_116 = arith.constant 13 : i32
    %shift_left3A_117 = vector.broadcast %shift_left3A_116 : i32 to vector<16x4096xi32>
    %shift_left3A_118 = arith.shli %add3A_114, %shift_left3A_117 : vector<16x4096xi32>
    %shift_right_logical3A_119 = arith.constant 19 : i32
    %shift_right_logical3A_120 = vector.broadcast %shift_right_logical3A_119 : i32 to vector<16x4096xi32>
    %shift_right_logical3A_121 = arith.shrui %add3A_114, %shift_right_logical3A_120 : vector<16x4096xi32>
    %or3A_122 = arith.ori %shift_left3A_118, %shift_right_logical3A_121 : vector<16x4096xi32>
    %xor3A_123 = arith.xori %add3A_115, %or3A_122 : vector<16x4096xi32>
    %add3A_124 = arith.addi %add3A_115, %xor3A_123 : vector<16x4096xi32>
    %shift_left3A_125 = arith.constant 15 : i32
    %shift_left3A_126 = vector.broadcast %shift_left3A_125 : i32 to vector<16x4096xi32>
    %shift_left3A_127 = arith.shli %xor3A_123, %shift_left3A_126 : vector<16x4096xi32>
    %shift_right_logical3A_128 = arith.constant 17 : i32
    %shift_right_logical3A_129 = vector.broadcast %shift_right_logical3A_128 : i32 to vector<16x4096xi32>
    %shift_right_logical3A_130 = arith.shrui %xor3A_123, %shift_right_logical3A_129 : vector<16x4096xi32>
    %or3A_131 = arith.ori %shift_left3A_127, %shift_right_logical3A_130 : vector<16x4096xi32>
    %xor3A_132 = arith.xori %add3A_124, %or3A_131 : vector<16x4096xi32>
    %add3A_133 = arith.addi %add3A_124, %xor3A_132 : vector<16x4096xi32>
    %shift_left3A_134 = arith.constant 26 : i32
    %shift_left3A_135 = vector.broadcast %shift_left3A_134 : i32 to vector<16x4096xi32>
    %shift_left3A_136 = arith.shli %xor3A_132, %shift_left3A_135 : vector<16x4096xi32>
    %shift_right_logical3A_137 = arith.constant 6 : i32
    %shift_right_logical3A_138 = vector.broadcast %shift_right_logical3A_137 : i32 to vector<16x4096xi32>
    %shift_right_logical3A_139 = arith.shrui %xor3A_132, %shift_right_logical3A_138 : vector<16x4096xi32>
    %or3A_140 = arith.ori %shift_left3A_136, %shift_right_logical3A_139 : vector<16x4096xi32>
    %xor3A_141 = arith.xori %add3A_133, %or3A_140 : vector<16x4096xi32>
    %add3A_142 = arith.addi %add3A_133, %xor3A_141 : vector<16x4096xi32>
    %shift_left3A_143 = arith.constant 6 : i32
    %shift_left3A_144 = vector.broadcast %shift_left3A_143 : i32 to vector<16x4096xi32>
    %shift_left3A_145 = arith.shli %xor3A_141, %shift_left3A_144 : vector<16x4096xi32>
    %shift_right_logical3A_146 = arith.constant 26 : i32
    %shift_right_logical3A_147 = vector.broadcast %shift_right_logical3A_146 : i32 to vector<16x4096xi32>
    %shift_right_logical3A_148 = arith.shrui %xor3A_141, %shift_right_logical3A_147 : vector<16x4096xi32>
    %or3A_149 = arith.ori %shift_left3A_145, %shift_right_logical3A_148 : vector<16x4096xi32>
    %xor3A_150 = arith.xori %add3A_142, %or3A_149 : vector<16x4096xi32>
    %add3A_151 = arith.constant 0 : i32
    %add3A_152 = vector.broadcast %add3A_151 : i32 to vector<16x4096xi32>
    %add3A_153 = arith.addi %add3A_142, %add3A_152 : vector<16x4096xi32>
    %add3A_154 = arith.constant 42 : i32
    %add3A_155 = vector.broadcast %add3A_154 : i32 to vector<16x4096xi32>
    %add3A_156 = arith.addi %xor3A_150, %add3A_155 : vector<16x4096xi32>
    %add3A_157 = arith.constant 3 : i32
    %add3A_158 = vector.broadcast %add3A_157 : i32 to vector<16x4096xi32>
    %add3A_159 = arith.addi %add3A_156, %add3A_158 : vector<16x4096xi32>
    %add3A_160 = arith.addi %add3A_153, %add3A_159 : vector<16x4096xi32>
    %shift_left3A_161 = arith.constant 17 : i32
    %shift_left3A_162 = vector.broadcast %shift_left3A_161 : i32 to vector<16x4096xi32>
    %shift_left3A_163 = arith.shli %add3A_159, %shift_left3A_162 : vector<16x4096xi32>
    %shift_right_logical3A_164 = arith.constant 15 : i32
    %shift_right_logical3A_165 = vector.broadcast %shift_right_logical3A_164 : i32 to vector<16x4096xi32>
    %shift_right_logical3A_166 = arith.shrui %add3A_159, %shift_right_logical3A_165 : vector<16x4096xi32>
    %or3A_167 = arith.ori %shift_left3A_163, %shift_right_logical3A_166 : vector<16x4096xi32>
    %xor3A_168 = arith.xori %add3A_160, %or3A_167 : vector<16x4096xi32>
    %add3A_169 = arith.addi %add3A_160, %xor3A_168 : vector<16x4096xi32>
    %shift_left3A_170 = arith.constant 29 : i32
    %shift_left3A_171 = vector.broadcast %shift_left3A_170 : i32 to vector<16x4096xi32>
    %shift_left3A_172 = arith.shli %xor3A_168, %shift_left3A_171 : vector<16x4096xi32>
    %shift_right_logical3A_173 = arith.constant 3 : i32
    %shift_right_logical3A_174 = vector.broadcast %shift_right_logical3A_173 : i32 to vector<16x4096xi32>
    %shift_right_logical3A_175 = arith.shrui %xor3A_168, %shift_right_logical3A_174 : vector<16x4096xi32>
    %or3A_176 = arith.ori %shift_left3A_172, %shift_right_logical3A_175 : vector<16x4096xi32>
    %xor3A_177 = arith.xori %add3A_169, %or3A_176 : vector<16x4096xi32>
    %add3A_178 = arith.addi %add3A_169, %xor3A_177 : vector<16x4096xi32>
    %shift_left3A_179 = arith.constant 16 : i32
    %shift_left3A_180 = vector.broadcast %shift_left3A_179 : i32 to vector<16x4096xi32>
    %shift_left3A_181 = arith.shli %xor3A_177, %shift_left3A_180 : vector<16x4096xi32>
    %shift_right_logical3A_182 = arith.constant 16 : i32
    %shift_right_logical3A_183 = vector.broadcast %shift_right_logical3A_182 : i32 to vector<16x4096xi32>
    %shift_right_logical3A_184 = arith.shrui %xor3A_177, %shift_right_logical3A_183 : vector<16x4096xi32>
    %or3A_185 = arith.ori %shift_left3A_181, %shift_right_logical3A_184 : vector<16x4096xi32>
    %xor3A_186 = arith.xori %add3A_178, %or3A_185 : vector<16x4096xi32>
    %add3A_187 = arith.addi %add3A_178, %xor3A_186 : vector<16x4096xi32>
    %shift_left3A_188 = arith.constant 24 : i32
    %shift_left3A_189 = vector.broadcast %shift_left3A_188 : i32 to vector<16x4096xi32>
    %shift_left3A_190 = arith.shli %xor3A_186, %shift_left3A_189 : vector<16x4096xi32>
    %shift_right_logical3A_191 = arith.constant 8 : i32
    %shift_right_logical3A_192 = vector.broadcast %shift_right_logical3A_191 : i32 to vector<16x4096xi32>
    %shift_right_logical3A_193 = arith.shrui %xor3A_186, %shift_right_logical3A_192 : vector<16x4096xi32>
    %or3A_194 = arith.ori %shift_left3A_190, %shift_right_logical3A_193 : vector<16x4096xi32>
    %xor3A_195 = arith.xori %add3A_187, %or3A_194 : vector<16x4096xi32>
    %add3A_196 = arith.constant 42 : i32
    %add3A_197 = vector.broadcast %add3A_196 : i32 to vector<16x4096xi32>
    %add3A_198 = arith.addi %add3A_187, %add3A_197 : vector<16x4096xi32>
    %add3A_199 = arith.constant 466689008 : i32
    %add3A_200 = vector.broadcast %add3A_199 : i32 to vector<16x4096xi32>
    %add3A_201 = arith.addi %xor3A_195, %add3A_200 : vector<16x4096xi32>
    %add3A_202 = arith.constant 4 : i32
    %add3A_203 = vector.broadcast %add3A_202 : i32 to vector<16x4096xi32>
    %add3A_204 = arith.addi %add3A_201, %add3A_203 : vector<16x4096xi32>
    %add3A_205 = arith.addi %add3A_198, %add3A_204 : vector<16x4096xi32>
    %shift_left3A_206 = arith.constant 13 : i32
    %shift_left3A_207 = vector.broadcast %shift_left3A_206 : i32 to vector<16x4096xi32>
    %shift_left3A_208 = arith.shli %add3A_204, %shift_left3A_207 : vector<16x4096xi32>
    %shift_right_logical3A_209 = arith.constant 19 : i32
    %shift_right_logical3A_210 = vector.broadcast %shift_right_logical3A_209 : i32 to vector<16x4096xi32>
    %shift_right_logical3A_211 = arith.shrui %add3A_204, %shift_right_logical3A_210 : vector<16x4096xi32>
    %or3A_212 = arith.ori %shift_left3A_208, %shift_right_logical3A_211 : vector<16x4096xi32>
    %xor3A_213 = arith.xori %add3A_205, %or3A_212 : vector<16x4096xi32>
    %add3A_214 = arith.addi %add3A_205, %xor3A_213 : vector<16x4096xi32>
    %shift_left3A_215 = arith.constant 15 : i32
    %shift_left3A_216 = vector.broadcast %shift_left3A_215 : i32 to vector<16x4096xi32>
    %shift_left3A_217 = arith.shli %xor3A_213, %shift_left3A_216 : vector<16x4096xi32>
    %shift_right_logical3A_218 = arith.constant 17 : i32
    %shift_right_logical3A_219 = vector.broadcast %shift_right_logical3A_218 : i32 to vector<16x4096xi32>
    %shift_right_logical3A_220 = arith.shrui %xor3A_213, %shift_right_logical3A_219 : vector<16x4096xi32>
    %or3A_221 = arith.ori %shift_left3A_217, %shift_right_logical3A_220 : vector<16x4096xi32>
    %xor3A_222 = arith.xori %add3A_214, %or3A_221 : vector<16x4096xi32>
    %add3A_223 = arith.addi %add3A_214, %xor3A_222 : vector<16x4096xi32>
    %shift_left3A_224 = arith.constant 26 : i32
    %shift_left3A_225 = vector.broadcast %shift_left3A_224 : i32 to vector<16x4096xi32>
    %shift_left3A_226 = arith.shli %xor3A_222, %shift_left3A_225 : vector<16x4096xi32>
    %shift_right_logical3A_227 = arith.constant 6 : i32
    %shift_right_logical3A_228 = vector.broadcast %shift_right_logical3A_227 : i32 to vector<16x4096xi32>
    %shift_right_logical3A_229 = arith.shrui %xor3A_222, %shift_right_logical3A_228 : vector<16x4096xi32>
    %or3A_230 = arith.ori %shift_left3A_226, %shift_right_logical3A_229 : vector<16x4096xi32>
    %xor3A_231 = arith.xori %add3A_223, %or3A_230 : vector<16x4096xi32>
    %add3A_232 = arith.addi %add3A_223, %xor3A_231 : vector<16x4096xi32>
    %shift_left3A_233 = arith.constant 6 : i32
    %shift_left3A_234 = vector.broadcast %shift_left3A_233 : i32 to vector<16x4096xi32>
    %shift_left3A_235 = arith.shli %xor3A_231, %shift_left3A_234 : vector<16x4096xi32>
    %shift_right_logical3A_236 = arith.constant 26 : i32
    %shift_right_logical3A_237 = vector.broadcast %shift_right_logical3A_236 : i32 to vector<16x4096xi32>
    %shift_right_logical3A_238 = arith.shrui %xor3A_231, %shift_right_logical3A_237 : vector<16x4096xi32>
    %or3A_239 = arith.ori %shift_left3A_235, %shift_right_logical3A_238 : vector<16x4096xi32>
    %xor3A_240 = arith.xori %add3A_232, %or3A_239 : vector<16x4096xi32>
    %add3A_241 = arith.constant 466689008 : i32
    %add3A_242 = vector.broadcast %add3A_241 : i32 to vector<16x4096xi32>
    %add3A_243 = arith.addi %add3A_232, %add3A_242 : vector<16x4096xi32>
    %add3A_244 = arith.constant 0 : i32
    %add3A_245 = vector.broadcast %add3A_244 : i32 to vector<16x4096xi32>
    %add3A_246 = arith.addi %xor3A_240, %add3A_245 : vector<16x4096xi32>
    %add3A_247 = arith.constant 5 : i32
    %add3A_248 = vector.broadcast %add3A_247 : i32 to vector<16x4096xi32>
    %add3A_249 = arith.addi %add3A_246, %add3A_248 : vector<16x4096xi32>
    %xor3A_250 = arith.xori %add3A_243, %add3A_249 : vector<16x4096xi32>
    %shift_right_logical3A_251 = arith.constant 9 : i32
    %shift_right_logical3A_252 = vector.broadcast %shift_right_logical3A_251 : i32 to vector<16x4096xi32>
    %shift_right_logical3A_253 = arith.shrui %xor3A_250, %shift_right_logical3A_252 : vector<16x4096xi32>
    %or3A_254 = arith.constant 1065353216 : i32
    %or3A_255 = vector.broadcast %or3A_254 : i32 to vector<16x4096xi32>
    %or3A_256 = arith.ori %shift_right_logical3A_253, %or3A_255 : vector<16x4096xi32>
    %bitcast_convert_type3A = tpu.bitcast %or3A_256 : vector<16x4096xi32> -> vector<16x4096xf32>
    %sub3A = arith.constant 1.000000e+00 : f32
    %sub3A_257 = vector.broadcast %sub3A : f32 to vector<16x4096xf32>
    %sub3A_258 = arith.subf %bitcast_convert_type3A, %sub3A_257 : vector<16x4096xf32>
    %max3A = arith.constant 1.17549435E-38 : f32
    %max3A_259 = vector.broadcast %max3A : f32 to vector<16x4096xf32>
    %max3A_260 = arith.maximumf %sub3A_258, %max3A_259 : vector<16x4096xf32>
    %log3A_261 = math.log %max3A_260 : vector<16x4096xf32>
    %neg3A = arith.constant 0.000000e+00 : f32
    %neg3A_262 = vector.broadcast %neg3A : f32 to vector<16x4096xf32>
    %neg3A_263 = arith.subf %neg3A_262, %log3A_261 : vector<16x4096xf32>
    %log3A_264 = math.log %neg3A_263 : vector<16x4096xf32>
    %neg3A_265 = arith.constant 0.000000e+00 : f32
    %neg3A_266 = vector.broadcast %neg3A_265 : f32 to vector<16x4096xf32>
    %neg3A_267 = arith.subf %neg3A_266, %log3A_264 : vector<16x4096xf32>
    %add3A_268 = arith.addf %neg3A_267, %select_n3A_13 : vector<16x4096xf32>
    %reduce_max3A = arith.constant dense<0xFF800000> : vector<16xf32>
    %reduce_max3A_269 = vector.multi_reduction <maximumf>, %add3A_268, %reduce_max3A [1] : vector<16x4096xf32> to vector<16xf32>
    %broadcast_in_dim3A_270 = vector.shape_cast %reduce_max3A_269 : vector<16xf32> to vector<16x1xf32>
    %eq3A = vector.broadcast %broadcast_in_dim3A_270 : vector<16x1xf32> to vector<16x4096xf32>
    %eq3A_271 = arith.cmpf oeq, %add3A_268, %eq3A : vector<16x4096xf32>
    %jit3A_272 = arith.constant 4096 : i32
    %broadcast_in_dim3A_273 = vector.broadcast %jit3A_272 : i32 to vector<16x4096xi32>
    %select_n3A_274 = arith.select %eq3A_271, %iota3A, %broadcast_in_dim3A_273 : vector<16x4096xi1>, vector<16x4096xi32>
    %reduce_min3A = arith.constant dense<2147483647> : vector<16xi32>
    %reduce_min3A_275 = vector.multi_reduction <minsi>, %select_n3A_274, %reduce_min3A [1] : vector<16x4096xi32> to vector<16xi32>
    %broadcast_in_dim3A_276 = vector.shape_cast %reduce_min3A_275 : vector<16xi32> to vector<16x1xi32>
    %eq3A_277 = vector.broadcast %broadcast_in_dim3A_276 : vector<16x1xi32> to vector<16x4096xi32>
    %eq3A_278 = arith.cmpi eq, %iota3A, %eq3A_277 : vector<16x4096xi32>
    %jit3A_279 = arith.constant 0.000000e+00 : f32
    %broadcast_in_dim3A_280 = vector.broadcast %jit3A_279 : f32 to vector<16x4096xf32>
    %select_n3A_281 = arith.select %eq3A_278, %select_n3A, %broadcast_in_dim3A_280 : vector<16x4096xi1>, vector<16x4096xf32>
    %reduce_sum3A = arith.constant dense<0.000000e+00> : vector<16xf32>
    %reduce_sum3A_282 = vector.multi_reduction <add>, %select_n3A_281, %reduce_sum3A [1] : vector<16x4096xf32> to vector<16xf32>
    %broadcast_in_dim3A_283 = vector.shape_cast %reduce_sum3A_282 : vector<16xf32> to vector<16x1xf32>
    %jit3A_284 = arith.constant 64 : i32
    %div3A = vector.broadcast %jit3A_284 : i32 to vector<16x1xi32>
    %div3A_285 = arith.divsi %broadcast_in_dim3A_276, %div3A : vector<16x1xi32>
    %sign3A = arith.constant 0 : i32
    %sign3A_286 = vector.broadcast %sign3A : i32 to vector<16x1xi32>
    %sign3A_287 = arith.cmpi sgt, %broadcast_in_dim3A_276, %sign3A_286 : vector<16x1xi32>
    %sign3A_288 = arith.extui %sign3A_287 : vector<16x1xi1> to vector<16x1xi32>
    %sign3A_289 = arith.constant 0 : i32
    %sign3A_290 = vector.broadcast %sign3A_289 : i32 to vector<16x1xi32>
    %sign3A_291 = arith.cmpi slt, %broadcast_in_dim3A_276, %sign3A_290 : vector<16x1xi32>
    %sign3A_292 = arith.extui %sign3A_291 : vector<16x1xi1> to vector<16x1xi32>
    %sign3A_293 = arith.subi %sign3A_288, %sign3A_292 : vector<16x1xi32>
    %sign3A_294 = arith.constant 0 : i32
    %sign3A_295 = arith.cmpi sgt, %jit3A_284, %sign3A_294 : i32
    %sign3A_296 = arith.extui %sign3A_295 : i1 to i32
    %sign3A_297 = arith.constant 0 : i32
    %sign3A_298 = arith.cmpi slt, %jit3A_284, %sign3A_297 : i32
    %sign3A_299 = arith.extui %sign3A_298 : i1 to i32
    %sign3A_300 = arith.subi %sign3A_296, %sign3A_299 : i32
    %ne3A = vector.broadcast %sign3A_300 : i32 to vector<16x1xi32>
    %ne3A_301 = arith.cmpi ne, %sign3A_293, %ne3A : vector<16x1xi32>
    %rem3A = vector.broadcast %jit3A_284 : i32 to vector<16x1xi32>
    %rem3A_302 = arith.remsi %broadcast_in_dim3A_276, %rem3A : vector<16x1xi32>
    %ne3A_303 = arith.constant 0 : i32
    %ne3A_304 = vector.broadcast %ne3A_303 : i32 to vector<16x1xi32>
    %ne3A_305 = arith.cmpi ne, %rem3A_302, %ne3A_304 : vector<16x1xi32>
    %and3A = arith.andi %ne3A_301, %ne3A_305 : vector<16x1xi1>
    %sub3A_306 = arith.constant 1 : i32
    %sub3A_307 = vector.broadcast %sub3A_306 : i32 to vector<16x1xi32>
    %sub3A_308 = arith.subi %div3A_285, %sub3A_307 : vector<16x1xi32>
    %select_n3A_309 = arith.select %and3A, %sub3A_308, %div3A_285 : vector<16x1xi1>, vector<16x1xi32>
    %mul3A_310 = arith.constant 64 : i32
    %mul3A_311 = vector.broadcast %mul3A_310 : i32 to vector<16x1xi32>
    %mul3A_312 = arith.muli %select_n3A_309, %mul3A_311 : vector<16x1xi32>
    %sub3A_313 = arith.subi %broadcast_in_dim3A_276, %mul3A_312 : vector<16x1xi32>
    %convert_element_type3A = arith.sitofp %sub3A_313 : vector<16x1xi32> to vector<16x1xf32>
    %convert_element_type3A_314 = arith.sitofp %select_n3A_309 : vector<16x1xi32> to vector<16x1xf32>
    %add3A_315 = arith.constant 16777216 : i32
    %add3A_316 = vector.broadcast %add3A_315 : i32 to vector<16x4096xi32>
    %add3A_317 = arith.addi %add3A_20, %add3A_316 : vector<16x4096xi32>
    %broadcast_in_dim3A_318 = arith.constant 0 : i32
    %broadcast_in_dim3A_319 = vector.broadcast %broadcast_in_dim3A_318 : i32 to vector<16x4096xi32>
    %add3A_320 = arith.constant 42 : i32
    %add3A_321 = vector.broadcast %add3A_320 : i32 to vector<16x4096xi32>
    %add3A_322 = arith.addi %add3A_317, %add3A_321 : vector<16x4096xi32>
    %add3A_323 = arith.addi %broadcast_in_dim3A_319, %add3A_322 : vector<16x4096xi32>
    %shift_left3A_324 = arith.constant 13 : i32
    %shift_left3A_325 = vector.broadcast %shift_left3A_324 : i32 to vector<16x4096xi32>
    %shift_left3A_326 = arith.shli %add3A_322, %shift_left3A_325 : vector<16x4096xi32>
    %shift_right_logical3A_327 = arith.constant 19 : i32
    %shift_right_logical3A_328 = vector.broadcast %shift_right_logical3A_327 : i32 to vector<16x4096xi32>
    %shift_right_logical3A_329 = arith.shrui %add3A_322, %shift_right_logical3A_328 : vector<16x4096xi32>
    %or3A_330 = arith.ori %shift_left3A_326, %shift_right_logical3A_329 : vector<16x4096xi32>
    %xor3A_331 = arith.xori %add3A_323, %or3A_330 : vector<16x4096xi32>
    %add3A_332 = arith.addi %add3A_323, %xor3A_331 : vector<16x4096xi32>
    %shift_left3A_333 = arith.constant 15 : i32
    %shift_left3A_334 = vector.broadcast %shift_left3A_333 : i32 to vector<16x4096xi32>
    %shift_left3A_335 = arith.shli %xor3A_331, %shift_left3A_334 : vector<16x4096xi32>
    %shift_right_logical3A_336 = arith.constant 17 : i32
    %shift_right_logical3A_337 = vector.broadcast %shift_right_logical3A_336 : i32 to vector<16x4096xi32>
    %shift_right_logical3A_338 = arith.shrui %xor3A_331, %shift_right_logical3A_337 : vector<16x4096xi32>
    %or3A_339 = arith.ori %shift_left3A_335, %shift_right_logical3A_338 : vector<16x4096xi32>
    %xor3A_340 = arith.xori %add3A_332, %or3A_339 : vector<16x4096xi32>
    %add3A_341 = arith.addi %add3A_332, %xor3A_340 : vector<16x4096xi32>
    %shift_left3A_342 = arith.constant 26 : i32
    %shift_left3A_343 = vector.broadcast %shift_left3A_342 : i32 to vector<16x4096xi32>
    %shift_left3A_344 = arith.shli %xor3A_340, %shift_left3A_343 : vector<16x4096xi32>
    %shift_right_logical3A_345 = arith.constant 6 : i32
    %shift_right_logical3A_346 = vector.broadcast %shift_right_logical3A_345 : i32 to vector<16x4096xi32>
    %shift_right_logical3A_347 = arith.shrui %xor3A_340, %shift_right_logical3A_346 : vector<16x4096xi32>
    %or3A_348 = arith.ori %shift_left3A_344, %shift_right_logical3A_347 : vector<16x4096xi32>
    %xor3A_349 = arith.xori %add3A_341, %or3A_348 : vector<16x4096xi32>
    %add3A_350 = arith.addi %add3A_341, %xor3A_349 : vector<16x4096xi32>
    %shift_left3A_351 = arith.constant 6 : i32
    %shift_left3A_352 = vector.broadcast %shift_left3A_351 : i32 to vector<16x4096xi32>
    %shift_left3A_353 = arith.shli %xor3A_349, %shift_left3A_352 : vector<16x4096xi32>
    %shift_right_logical3A_354 = arith.constant 26 : i32
    %shift_right_logical3A_355 = vector.broadcast %shift_right_logical3A_354 : i32 to vector<16x4096xi32>
    %shift_right_logical3A_356 = arith.shrui %xor3A_349, %shift_right_logical3A_355 : vector<16x4096xi32>
    %or3A_357 = arith.ori %shift_left3A_353, %shift_right_logical3A_356 : vector<16x4096xi32>
    %xor3A_358 = arith.xori %add3A_350, %or3A_357 : vector<16x4096xi32>
    %add3A_359 = arith.constant 42 : i32
    %add3A_360 = vector.broadcast %add3A_359 : i32 to vector<16x4096xi32>
    %add3A_361 = arith.addi %add3A_350, %add3A_360 : vector<16x4096xi32>
    %add3A_362 = arith.constant 466689008 : i32
    %add3A_363 = vector.broadcast %add3A_362 : i32 to vector<16x4096xi32>
    %add3A_364 = arith.addi %xor3A_358, %add3A_363 : vector<16x4096xi32>
    %add3A_365 = arith.constant 1 : i32
    %add3A_366 = vector.broadcast %add3A_365 : i32 to vector<16x4096xi32>
    %add3A_367 = arith.addi %add3A_364, %add3A_366 : vector<16x4096xi32>
    %add3A_368 = arith.addi %add3A_361, %add3A_367 : vector<16x4096xi32>
    %shift_left3A_369 = arith.constant 17 : i32
    %shift_left3A_370 = vector.broadcast %shift_left3A_369 : i32 to vector<16x4096xi32>
    %shift_left3A_371 = arith.shli %add3A_367, %shift_left3A_370 : vector<16x4096xi32>
    %shift_right_logical3A_372 = arith.constant 15 : i32
    %shift_right_logical3A_373 = vector.broadcast %shift_right_logical3A_372 : i32 to vector<16x4096xi32>
    %shift_right_logical3A_374 = arith.shrui %add3A_367, %shift_right_logical3A_373 : vector<16x4096xi32>
    %or3A_375 = arith.ori %shift_left3A_371, %shift_right_logical3A_374 : vector<16x4096xi32>
    %xor3A_376 = arith.xori %add3A_368, %or3A_375 : vector<16x4096xi32>
    %add3A_377 = arith.addi %add3A_368, %xor3A_376 : vector<16x4096xi32>
    %shift_left3A_378 = arith.constant 29 : i32
    %shift_left3A_379 = vector.broadcast %shift_left3A_378 : i32 to vector<16x4096xi32>
    %shift_left3A_380 = arith.shli %xor3A_376, %shift_left3A_379 : vector<16x4096xi32>
    %shift_right_logical3A_381 = arith.constant 3 : i32
    %shift_right_logical3A_382 = vector.broadcast %shift_right_logical3A_381 : i32 to vector<16x4096xi32>
    %shift_right_logical3A_383 = arith.shrui %xor3A_376, %shift_right_logical3A_382 : vector<16x4096xi32>
    %or3A_384 = arith.ori %shift_left3A_380, %shift_right_logical3A_383 : vector<16x4096xi32>
    %xor3A_385 = arith.xori %add3A_377, %or3A_384 : vector<16x4096xi32>
    %add3A_386 = arith.addi %add3A_377, %xor3A_385 : vector<16x4096xi32>
    %shift_left3A_387 = arith.constant 16 : i32
    %shift_left3A_388 = vector.broadcast %shift_left3A_387 : i32 to vector<16x4096xi32>
    %shift_left3A_389 = arith.shli %xor3A_385, %shift_left3A_388 : vector<16x4096xi32>
    %shift_right_logical3A_390 = arith.constant 16 : i32
    %shift_right_logical3A_391 = vector.broadcast %shift_right_logical3A_390 : i32 to vector<16x4096xi32>
    %shift_right_logical3A_392 = arith.shrui %xor3A_385, %shift_right_logical3A_391 : vector<16x4096xi32>
    %or3A_393 = arith.ori %shift_left3A_389, %shift_right_logical3A_392 : vector<16x4096xi32>
    %xor3A_394 = arith.xori %add3A_386, %or3A_393 : vector<16x4096xi32>
    %add3A_395 = arith.addi %add3A_386, %xor3A_394 : vector<16x4096xi32>
    %shift_left3A_396 = arith.constant 24 : i32
    %shift_left3A_397 = vector.broadcast %shift_left3A_396 : i32 to vector<16x4096xi32>
    %shift_left3A_398 = arith.shli %xor3A_394, %shift_left3A_397 : vector<16x4096xi32>
    %shift_right_logical3A_399 = arith.constant 8 : i32
    %shift_right_logical3A_400 = vector.broadcast %shift_right_logical3A_399 : i32 to vector<16x4096xi32>
    %shift_right_logical3A_401 = arith.shrui %xor3A_394, %shift_right_logical3A_400 : vector<16x4096xi32>
    %or3A_402 = arith.ori %shift_left3A_398, %shift_right_logical3A_401 : vector<16x4096xi32>
    %xor3A_403 = arith.xori %add3A_395, %or3A_402 : vector<16x4096xi32>
    %add3A_404 = arith.constant 466689008 : i32
    %add3A_405 = vector.broadcast %add3A_404 : i32 to vector<16x4096xi32>
    %add3A_406 = arith.addi %add3A_395, %add3A_405 : vector<16x4096xi32>
    %add3A_407 = arith.constant 0 : i32
    %add3A_408 = vector.broadcast %add3A_407 : i32 to vector<16x4096xi32>
    %add3A_409 = arith.addi %xor3A_403, %add3A_408 : vector<16x4096xi32>
    %add3A_410 = arith.constant 2 : i32
    %add3A_411 = vector.broadcast %add3A_410 : i32 to vector<16x4096xi32>
    %add3A_412 = arith.addi %add3A_409, %add3A_411 : vector<16x4096xi32>
    %add3A_413 = arith.addi %add3A_406, %add3A_412 : vector<16x4096xi32>
    %shift_left3A_414 = arith.constant 13 : i32
    %shift_left3A_415 = vector.broadcast %shift_left3A_414 : i32 to vector<16x4096xi32>
    %shift_left3A_416 = arith.shli %add3A_412, %shift_left3A_415 : vector<16x4096xi32>
    %shift_right_logical3A_417 = arith.constant 19 : i32
    %shift_right_logical3A_418 = vector.broadcast %shift_right_logical3A_417 : i32 to vector<16x4096xi32>
    %shift_right_logical3A_419 = arith.shrui %add3A_412, %shift_right_logical3A_418 : vector<16x4096xi32>
    %or3A_420 = arith.ori %shift_left3A_416, %shift_right_logical3A_419 : vector<16x4096xi32>
    %xor3A_421 = arith.xori %add3A_413, %or3A_420 : vector<16x4096xi32>
    %add3A_422 = arith.addi %add3A_413, %xor3A_421 : vector<16x4096xi32>
    %shift_left3A_423 = arith.constant 15 : i32
    %shift_left3A_424 = vector.broadcast %shift_left3A_423 : i32 to vector<16x4096xi32>
    %shift_left3A_425 = arith.shli %xor3A_421, %shift_left3A_424 : vector<16x4096xi32>
    %shift_right_logical3A_426 = arith.constant 17 : i32
    %shift_right_logical3A_427 = vector.broadcast %shift_right_logical3A_426 : i32 to vector<16x4096xi32>
    %shift_right_logical3A_428 = arith.shrui %xor3A_421, %shift_right_logical3A_427 : vector<16x4096xi32>
    %or3A_429 = arith.ori %shift_left3A_425, %shift_right_logical3A_428 : vector<16x4096xi32>
    %xor3A_430 = arith.xori %add3A_422, %or3A_429 : vector<16x4096xi32>
    %add3A_431 = arith.addi %add3A_422, %xor3A_430 : vector<16x4096xi32>
    %shift_left3A_432 = arith.constant 26 : i32
    %shift_left3A_433 = vector.broadcast %shift_left3A_432 : i32 to vector<16x4096xi32>
    %shift_left3A_434 = arith.shli %xor3A_430, %shift_left3A_433 : vector<16x4096xi32>
    %shift_right_logical3A_435 = arith.constant 6 : i32
    %shift_right_logical3A_436 = vector.broadcast %shift_right_logical3A_435 : i32 to vector<16x4096xi32>
    %shift_right_logical3A_437 = arith.shrui %xor3A_430, %shift_right_logical3A_436 : vector<16x4096xi32>
    %or3A_438 = arith.ori %shift_left3A_434, %shift_right_logical3A_437 : vector<16x4096xi32>
    %xor3A_439 = arith.xori %add3A_431, %or3A_438 : vector<16x4096xi32>
    %add3A_440 = arith.addi %add3A_431, %xor3A_439 : vector<16x4096xi32>
    %shift_left3A_441 = arith.constant 6 : i32
    %shift_left3A_442 = vector.broadcast %shift_left3A_441 : i32 to vector<16x4096xi32>
    %shift_left3A_443 = arith.shli %xor3A_439, %shift_left3A_442 : vector<16x4096xi32>
    %shift_right_logical3A_444 = arith.constant 26 : i32
    %shift_right_logical3A_445 = vector.broadcast %shift_right_logical3A_444 : i32 to vector<16x4096xi32>
    %shift_right_logical3A_446 = arith.shrui %xor3A_439, %shift_right_logical3A_445 : vector<16x4096xi32>
    %or3A_447 = arith.ori %shift_left3A_443, %shift_right_logical3A_446 : vector<16x4096xi32>
    %xor3A_448 = arith.xori %add3A_440, %or3A_447 : vector<16x4096xi32>
    %add3A_449 = arith.constant 0 : i32
    %add3A_450 = vector.broadcast %add3A_449 : i32 to vector<16x4096xi32>
    %add3A_451 = arith.addi %add3A_440, %add3A_450 : vector<16x4096xi32>
    %add3A_452 = arith.constant 42 : i32
    %add3A_453 = vector.broadcast %add3A_452 : i32 to vector<16x4096xi32>
    %add3A_454 = arith.addi %xor3A_448, %add3A_453 : vector<16x4096xi32>
    %add3A_455 = arith.constant 3 : i32
    %add3A_456 = vector.broadcast %add3A_455 : i32 to vector<16x4096xi32>
    %add3A_457 = arith.addi %add3A_454, %add3A_456 : vector<16x4096xi32>
    %add3A_458 = arith.addi %add3A_451, %add3A_457 : vector<16x4096xi32>
    %shift_left3A_459 = arith.constant 17 : i32
    %shift_left3A_460 = vector.broadcast %shift_left3A_459 : i32 to vector<16x4096xi32>
    %shift_left3A_461 = arith.shli %add3A_457, %shift_left3A_460 : vector<16x4096xi32>
    %shift_right_logical3A_462 = arith.constant 15 : i32
    %shift_right_logical3A_463 = vector.broadcast %shift_right_logical3A_462 : i32 to vector<16x4096xi32>
    %shift_right_logical3A_464 = arith.shrui %add3A_457, %shift_right_logical3A_463 : vector<16x4096xi32>
    %or3A_465 = arith.ori %shift_left3A_461, %shift_right_logical3A_464 : vector<16x4096xi32>
    %xor3A_466 = arith.xori %add3A_458, %or3A_465 : vector<16x4096xi32>
    %add3A_467 = arith.addi %add3A_458, %xor3A_466 : vector<16x4096xi32>
    %shift_left3A_468 = arith.constant 29 : i32
    %shift_left3A_469 = vector.broadcast %shift_left3A_468 : i32 to vector<16x4096xi32>
    %shift_left3A_470 = arith.shli %xor3A_466, %shift_left3A_469 : vector<16x4096xi32>
    %shift_right_logical3A_471 = arith.constant 3 : i32
    %shift_right_logical3A_472 = vector.broadcast %shift_right_logical3A_471 : i32 to vector<16x4096xi32>
    %shift_right_logical3A_473 = arith.shrui %xor3A_466, %shift_right_logical3A_472 : vector<16x4096xi32>
    %or3A_474 = arith.ori %shift_left3A_470, %shift_right_logical3A_473 : vector<16x4096xi32>
    %xor3A_475 = arith.xori %add3A_467, %or3A_474 : vector<16x4096xi32>
    %add3A_476 = arith.addi %add3A_467, %xor3A_475 : vector<16x4096xi32>
    %shift_left3A_477 = arith.constant 16 : i32
    %shift_left3A_478 = vector.broadcast %shift_left3A_477 : i32 to vector<16x4096xi32>
    %shift_left3A_479 = arith.shli %xor3A_475, %shift_left3A_478 : vector<16x4096xi32>
    %shift_right_logical3A_480 = arith.constant 16 : i32
    %shift_right_logical3A_481 = vector.broadcast %shift_right_logical3A_480 : i32 to vector<16x4096xi32>
    %shift_right_logical3A_482 = arith.shrui %xor3A_475, %shift_right_logical3A_481 : vector<16x4096xi32>
    %or3A_483 = arith.ori %shift_left3A_479, %shift_right_logical3A_482 : vector<16x4096xi32>
    %xor3A_484 = arith.xori %add3A_476, %or3A_483 : vector<16x4096xi32>
    %add3A_485 = arith.addi %add3A_476, %xor3A_484 : vector<16x4096xi32>
    %shift_left3A_486 = arith.constant 24 : i32
    %shift_left3A_487 = vector.broadcast %shift_left3A_486 : i32 to vector<16x4096xi32>
    %shift_left3A_488 = arith.shli %xor3A_484, %shift_left3A_487 : vector<16x4096xi32>
    %shift_right_logical3A_489 = arith.constant 8 : i32
    %shift_right_logical3A_490 = vector.broadcast %shift_right_logical3A_489 : i32 to vector<16x4096xi32>
    %shift_right_logical3A_491 = arith.shrui %xor3A_484, %shift_right_logical3A_490 : vector<16x4096xi32>
    %or3A_492 = arith.ori %shift_left3A_488, %shift_right_logical3A_491 : vector<16x4096xi32>
    %xor3A_493 = arith.xori %add3A_485, %or3A_492 : vector<16x4096xi32>
    %add3A_494 = arith.constant 42 : i32
    %add3A_495 = vector.broadcast %add3A_494 : i32 to vector<16x4096xi32>
    %add3A_496 = arith.addi %add3A_485, %add3A_495 : vector<16x4096xi32>
    %add3A_497 = arith.constant 466689008 : i32
    %add3A_498 = vector.broadcast %add3A_497 : i32 to vector<16x4096xi32>
    %add3A_499 = arith.addi %xor3A_493, %add3A_498 : vector<16x4096xi32>
    %add3A_500 = arith.constant 4 : i32
    %add3A_501 = vector.broadcast %add3A_500 : i32 to vector<16x4096xi32>
    %add3A_502 = arith.addi %add3A_499, %add3A_501 : vector<16x4096xi32>
    %add3A_503 = arith.addi %add3A_496, %add3A_502 : vector<16x4096xi32>
    %shift_left3A_504 = arith.constant 13 : i32
    %shift_left3A_505 = vector.broadcast %shift_left3A_504 : i32 to vector<16x4096xi32>
    %shift_left3A_506 = arith.shli %add3A_502, %shift_left3A_505 : vector<16x4096xi32>
    %shift_right_logical3A_507 = arith.constant 19 : i32
    %shift_right_logical3A_508 = vector.broadcast %shift_right_logical3A_507 : i32 to vector<16x4096xi32>
    %shift_right_logical3A_509 = arith.shrui %add3A_502, %shift_right_logical3A_508 : vector<16x4096xi32>
    %or3A_510 = arith.ori %shift_left3A_506, %shift_right_logical3A_509 : vector<16x4096xi32>
    %xor3A_511 = arith.xori %add3A_503, %or3A_510 : vector<16x4096xi32>
    %add3A_512 = arith.addi %add3A_503, %xor3A_511 : vector<16x4096xi32>
    %shift_left3A_513 = arith.constant 15 : i32
    %shift_left3A_514 = vector.broadcast %shift_left3A_513 : i32 to vector<16x4096xi32>
    %shift_left3A_515 = arith.shli %xor3A_511, %shift_left3A_514 : vector<16x4096xi32>
    %shift_right_logical3A_516 = arith.constant 17 : i32
    %shift_right_logical3A_517 = vector.broadcast %shift_right_logical3A_516 : i32 to vector<16x4096xi32>
    %shift_right_logical3A_518 = arith.shrui %xor3A_511, %shift_right_logical3A_517 : vector<16x4096xi32>
    %or3A_519 = arith.ori %shift_left3A_515, %shift_right_logical3A_518 : vector<16x4096xi32>
    %xor3A_520 = arith.xori %add3A_512, %or3A_519 : vector<16x4096xi32>
    %add3A_521 = arith.addi %add3A_512, %xor3A_520 : vector<16x4096xi32>
    %shift_left3A_522 = arith.constant 26 : i32
    %shift_left3A_523 = vector.broadcast %shift_left3A_522 : i32 to vector<16x4096xi32>
    %shift_left3A_524 = arith.shli %xor3A_520, %shift_left3A_523 : vector<16x4096xi32>
    %shift_right_logical3A_525 = arith.constant 6 : i32
    %shift_right_logical3A_526 = vector.broadcast %shift_right_logical3A_525 : i32 to vector<16x4096xi32>
    %shift_right_logical3A_527 = arith.shrui %xor3A_520, %shift_right_logical3A_526 : vector<16x4096xi32>
    %or3A_528 = arith.ori %shift_left3A_524, %shift_right_logical3A_527 : vector<16x4096xi32>
    %xor3A_529 = arith.xori %add3A_521, %or3A_528 : vector<16x4096xi32>
    %add3A_530 = arith.addi %add3A_521, %xor3A_529 : vector<16x4096xi32>
    %shift_left3A_531 = arith.constant 6 : i32
    %shift_left3A_532 = vector.broadcast %shift_left3A_531 : i32 to vector<16x4096xi32>
    %shift_left3A_533 = arith.shli %xor3A_529, %shift_left3A_532 : vector<16x4096xi32>
    %shift_right_logical3A_534 = arith.constant 26 : i32
    %shift_right_logical3A_535 = vector.broadcast %shift_right_logical3A_534 : i32 to vector<16x4096xi32>
    %shift_right_logical3A_536 = arith.shrui %xor3A_529, %shift_right_logical3A_535 : vector<16x4096xi32>
    %or3A_537 = arith.ori %shift_left3A_533, %shift_right_logical3A_536 : vector<16x4096xi32>
    %xor3A_538 = arith.xori %add3A_530, %or3A_537 : vector<16x4096xi32>
    %add3A_539 = arith.constant 466689008 : i32
    %add3A_540 = vector.broadcast %add3A_539 : i32 to vector<16x4096xi32>
    %add3A_541 = arith.addi %add3A_530, %add3A_540 : vector<16x4096xi32>
    %add3A_542 = arith.constant 0 : i32
    %add3A_543 = vector.broadcast %add3A_542 : i32 to vector<16x4096xi32>
    %add3A_544 = arith.addi %xor3A_538, %add3A_543 : vector<16x4096xi32>
    %add3A_545 = arith.constant 5 : i32
    %add3A_546 = vector.broadcast %add3A_545 : i32 to vector<16x4096xi32>
    %add3A_547 = arith.addi %add3A_544, %add3A_546 : vector<16x4096xi32>
    %xor3A_548 = arith.xori %add3A_541, %add3A_547 : vector<16x4096xi32>
    %shift_right_logical3A_549 = arith.constant 9 : i32
    %shift_right_logical3A_550 = vector.broadcast %shift_right_logical3A_549 : i32 to vector<16x4096xi32>
    %shift_right_logical3A_551 = arith.shrui %xor3A_548, %shift_right_logical3A_550 : vector<16x4096xi32>
    %or3A_552 = arith.constant 1065353216 : i32
    %or3A_553 = vector.broadcast %or3A_552 : i32 to vector<16x4096xi32>
    %or3A_554 = arith.ori %shift_right_logical3A_551, %or3A_553 : vector<16x4096xi32>
    %bitcast_convert_type3A_555 = tpu.bitcast %or3A_554 : vector<16x4096xi32> -> vector<16x4096xf32>
    %sub3A_556 = arith.constant 1.000000e+00 : f32
    %sub3A_557 = vector.broadcast %sub3A_556 : f32 to vector<16x4096xf32>
    %sub3A_558 = arith.subf %bitcast_convert_type3A_555, %sub3A_557 : vector<16x4096xf32>
    %max3A_559 = arith.constant 1.17549435E-38 : f32
    %max3A_560 = vector.broadcast %max3A_559 : f32 to vector<16x4096xf32>
    %max3A_561 = arith.maximumf %sub3A_558, %max3A_560 : vector<16x4096xf32>
    %log3A_562 = math.log %max3A_561 : vector<16x4096xf32>
    %neg3A_563 = arith.constant 0.000000e+00 : f32
    %neg3A_564 = vector.broadcast %neg3A_563 : f32 to vector<16x4096xf32>
    %neg3A_565 = arith.subf %neg3A_564, %log3A_562 : vector<16x4096xf32>
    %log3A_566 = math.log %neg3A_565 : vector<16x4096xf32>
    %neg3A_567 = arith.constant 0.000000e+00 : f32
    %neg3A_568 = vector.broadcast %neg3A_567 : f32 to vector<16x4096xf32>
    %neg3A_569 = arith.subf %neg3A_568, %log3A_566 : vector<16x4096xf32>
    %add3A_570 = arith.addf %neg3A_569, %select_n3A_13 : vector<16x4096xf32>
    %reduce_max3A_571 = arith.constant dense<0xFF800000> : vector<16xf32>
    %reduce_max3A_572 = vector.multi_reduction <maximumf>, %add3A_570, %reduce_max3A_571 [1] : vector<16x4096xf32> to vector<16xf32>
    %broadcast_in_dim3A_573 = vector.shape_cast %reduce_max3A_572 : vector<16xf32> to vector<16x1xf32>
    %eq3A_574 = vector.broadcast %broadcast_in_dim3A_573 : vector<16x1xf32> to vector<16x4096xf32>
    %eq3A_575 = arith.cmpf oeq, %add3A_570, %eq3A_574 : vector<16x4096xf32>
    %jit3A_576 = arith.constant 4096 : i32
    %broadcast_in_dim3A_577 = vector.broadcast %jit3A_576 : i32 to vector<16x4096xi32>
    %select_n3A_578 = arith.select %eq3A_575, %iota3A, %broadcast_in_dim3A_577 : vector<16x4096xi1>, vector<16x4096xi32>
    %reduce_min3A_579 = arith.constant dense<2147483647> : vector<16xi32>
    %reduce_min3A_580 = vector.multi_reduction <minsi>, %select_n3A_578, %reduce_min3A_579 [1] : vector<16x4096xi32> to vector<16xi32>
    %broadcast_in_dim3A_581 = vector.shape_cast %reduce_min3A_580 : vector<16xi32> to vector<16x1xi32>
    %eq3A_582 = vector.broadcast %broadcast_in_dim3A_581 : vector<16x1xi32> to vector<16x4096xi32>
    %eq3A_583 = arith.cmpi eq, %iota3A, %eq3A_582 : vector<16x4096xi32>
    %jit3A_584 = arith.constant 0.000000e+00 : f32
    %broadcast_in_dim3A_585 = vector.broadcast %jit3A_584 : f32 to vector<16x4096xf32>
    %select_n3A_586 = arith.select %eq3A_583, %select_n3A, %broadcast_in_dim3A_585 : vector<16x4096xi1>, vector<16x4096xf32>
    %reduce_sum3A_587 = arith.constant dense<0.000000e+00> : vector<16xf32>
    %reduce_sum3A_588 = vector.multi_reduction <add>, %select_n3A_586, %reduce_sum3A_587 [1] : vector<16x4096xf32> to vector<16xf32>
    %broadcast_in_dim3A_589 = vector.shape_cast %reduce_sum3A_588 : vector<16xf32> to vector<16x1xf32>
    %jit3A_590 = arith.constant 64 : i32
    %div3A_591 = vector.broadcast %jit3A_590 : i32 to vector<16x1xi32>
    %div3A_592 = arith.divsi %broadcast_in_dim3A_581, %div3A_591 : vector<16x1xi32>
    %sign3A_593 = arith.constant 0 : i32
    %sign3A_594 = vector.broadcast %sign3A_593 : i32 to vector<16x1xi32>
    %sign3A_595 = arith.cmpi sgt, %broadcast_in_dim3A_581, %sign3A_594 : vector<16x1xi32>
    %sign3A_596 = arith.extui %sign3A_595 : vector<16x1xi1> to vector<16x1xi32>
    %sign3A_597 = arith.constant 0 : i32
    %sign3A_598 = vector.broadcast %sign3A_597 : i32 to vector<16x1xi32>
    %sign3A_599 = arith.cmpi slt, %broadcast_in_dim3A_581, %sign3A_598 : vector<16x1xi32>
    %sign3A_600 = arith.extui %sign3A_599 : vector<16x1xi1> to vector<16x1xi32>
    %sign3A_601 = arith.subi %sign3A_596, %sign3A_600 : vector<16x1xi32>
    %sign3A_602 = arith.constant 0 : i32
    %sign3A_603 = arith.cmpi sgt, %jit3A_590, %sign3A_602 : i32
    %sign3A_604 = arith.extui %sign3A_603 : i1 to i32
    %sign3A_605 = arith.constant 0 : i32
    %sign3A_606 = arith.cmpi slt, %jit3A_590, %sign3A_605 : i32
    %sign3A_607 = arith.extui %sign3A_606 : i1 to i32
    %sign3A_608 = arith.subi %sign3A_604, %sign3A_607 : i32
    %ne3A_609 = vector.broadcast %sign3A_608 : i32 to vector<16x1xi32>
    %ne3A_610 = arith.cmpi ne, %sign3A_601, %ne3A_609 : vector<16x1xi32>
    %rem3A_611 = vector.broadcast %jit3A_590 : i32 to vector<16x1xi32>
    %rem3A_612 = arith.remsi %broadcast_in_dim3A_581, %rem3A_611 : vector<16x1xi32>
    %ne3A_613 = arith.constant 0 : i32
    %ne3A_614 = vector.broadcast %ne3A_613 : i32 to vector<16x1xi32>
    %ne3A_615 = arith.cmpi ne, %rem3A_612, %ne3A_614 : vector<16x1xi32>
    %and3A_616 = arith.andi %ne3A_610, %ne3A_615 : vector<16x1xi1>
    %sub3A_617 = arith.constant 1 : i32
    %sub3A_618 = vector.broadcast %sub3A_617 : i32 to vector<16x1xi32>
    %sub3A_619 = arith.subi %div3A_592, %sub3A_618 : vector<16x1xi32>
    %select_n3A_620 = arith.select %and3A_616, %sub3A_619, %div3A_592 : vector<16x1xi1>, vector<16x1xi32>
    %mul3A_621 = arith.constant 64 : i32
    %mul3A_622 = vector.broadcast %mul3A_621 : i32 to vector<16x1xi32>
    %mul3A_623 = arith.muli %select_n3A_620, %mul3A_622 : vector<16x1xi32>
    %sub3A_624 = arith.subi %broadcast_in_dim3A_581, %mul3A_623 : vector<16x1xi32>
    %convert_element_type3A_625 = arith.sitofp %sub3A_624 : vector<16x1xi32> to vector<16x1xf32>
    %convert_element_type3A_626 = arith.sitofp %select_n3A_620 : vector<16x1xi32> to vector<16x1xf32>
    %add3A_627 = arith.constant 33554432 : i32
    %add3A_628 = vector.broadcast %add3A_627 : i32 to vector<16x4096xi32>
    %add3A_629 = arith.addi %add3A_20, %add3A_628 : vector<16x4096xi32>
    %broadcast_in_dim3A_630 = arith.constant 0 : i32
    %broadcast_in_dim3A_631 = vector.broadcast %broadcast_in_dim3A_630 : i32 to vector<16x4096xi32>
    %add3A_632 = arith.constant 42 : i32
    %add3A_633 = vector.broadcast %add3A_632 : i32 to vector<16x4096xi32>
    %add3A_634 = arith.addi %add3A_629, %add3A_633 : vector<16x4096xi32>
    %add3A_635 = arith.addi %broadcast_in_dim3A_631, %add3A_634 : vector<16x4096xi32>
    %shift_left3A_636 = arith.constant 13 : i32
    %shift_left3A_637 = vector.broadcast %shift_left3A_636 : i32 to vector<16x4096xi32>
    %shift_left3A_638 = arith.shli %add3A_634, %shift_left3A_637 : vector<16x4096xi32>
    %shift_right_logical3A_639 = arith.constant 19 : i32
    %shift_right_logical3A_640 = vector.broadcast %shift_right_logical3A_639 : i32 to vector<16x4096xi32>
    %shift_right_logical3A_641 = arith.shrui %add3A_634, %shift_right_logical3A_640 : vector<16x4096xi32>
    %or3A_642 = arith.ori %shift_left3A_638, %shift_right_logical3A_641 : vector<16x4096xi32>
    %xor3A_643 = arith.xori %add3A_635, %or3A_642 : vector<16x4096xi32>
    %add3A_644 = arith.addi %add3A_635, %xor3A_643 : vector<16x4096xi32>
    %shift_left3A_645 = arith.constant 15 : i32
    %shift_left3A_646 = vector.broadcast %shift_left3A_645 : i32 to vector<16x4096xi32>
    %shift_left3A_647 = arith.shli %xor3A_643, %shift_left3A_646 : vector<16x4096xi32>
    %shift_right_logical3A_648 = arith.constant 17 : i32
    %shift_right_logical3A_649 = vector.broadcast %shift_right_logical3A_648 : i32 to vector<16x4096xi32>
    %shift_right_logical3A_650 = arith.shrui %xor3A_643, %shift_right_logical3A_649 : vector<16x4096xi32>
    %or3A_651 = arith.ori %shift_left3A_647, %shift_right_logical3A_650 : vector<16x4096xi32>
    %xor3A_652 = arith.xori %add3A_644, %or3A_651 : vector<16x4096xi32>
    %add3A_653 = arith.addi %add3A_644, %xor3A_652 : vector<16x4096xi32>
    %shift_left3A_654 = arith.constant 26 : i32
    %shift_left3A_655 = vector.broadcast %shift_left3A_654 : i32 to vector<16x4096xi32>
    %shift_left3A_656 = arith.shli %xor3A_652, %shift_left3A_655 : vector<16x4096xi32>
    %shift_right_logical3A_657 = arith.constant 6 : i32
    %shift_right_logical3A_658 = vector.broadcast %shift_right_logical3A_657 : i32 to vector<16x4096xi32>
    %shift_right_logical3A_659 = arith.shrui %xor3A_652, %shift_right_logical3A_658 : vector<16x4096xi32>
    %or3A_660 = arith.ori %shift_left3A_656, %shift_right_logical3A_659 : vector<16x4096xi32>
    %xor3A_661 = arith.xori %add3A_653, %or3A_660 : vector<16x4096xi32>
    %add3A_662 = arith.addi %add3A_653, %xor3A_661 : vector<16x4096xi32>
    %shift_left3A_663 = arith.constant 6 : i32
    %shift_left3A_664 = vector.broadcast %shift_left3A_663 : i32 to vector<16x4096xi32>
    %shift_left3A_665 = arith.shli %xor3A_661, %shift_left3A_664 : vector<16x4096xi32>
    %shift_right_logical3A_666 = arith.constant 26 : i32
    %shift_right_logical3A_667 = vector.broadcast %shift_right_logical3A_666 : i32 to vector<16x4096xi32>
    %shift_right_logical3A_668 = arith.shrui %xor3A_661, %shift_right_logical3A_667 : vector<16x4096xi32>
    %or3A_669 = arith.ori %shift_left3A_665, %shift_right_logical3A_668 : vector<16x4096xi32>
    %xor3A_670 = arith.xori %add3A_662, %or3A_669 : vector<16x4096xi32>
    %add3A_671 = arith.constant 42 : i32
    %add3A_672 = vector.broadcast %add3A_671 : i32 to vector<16x4096xi32>
    %add3A_673 = arith.addi %add3A_662, %add3A_672 : vector<16x4096xi32>
    %add3A_674 = arith.constant 466689008 : i32
    %add3A_675 = vector.broadcast %add3A_674 : i32 to vector<16x4096xi32>
    %add3A_676 = arith.addi %xor3A_670, %add3A_675 : vector<16x4096xi32>
    %add3A_677 = arith.constant 1 : i32
    %add3A_678 = vector.broadcast %add3A_677 : i32 to vector<16x4096xi32>
    %add3A_679 = arith.addi %add3A_676, %add3A_678 : vector<16x4096xi32>
    %add3A_680 = arith.addi %add3A_673, %add3A_679 : vector<16x4096xi32>
    %shift_left3A_681 = arith.constant 17 : i32
    %shift_left3A_682 = vector.broadcast %shift_left3A_681 : i32 to vector<16x4096xi32>
    %shift_left3A_683 = arith.shli %add3A_679, %shift_left3A_682 : vector<16x4096xi32>
    %shift_right_logical3A_684 = arith.constant 15 : i32
    %shift_right_logical3A_685 = vector.broadcast %shift_right_logical3A_684 : i32 to vector<16x4096xi32>
    %shift_right_logical3A_686 = arith.shrui %add3A_679, %shift_right_logical3A_685 : vector<16x4096xi32>
    %or3A_687 = arith.ori %shift_left3A_683, %shift_right_logical3A_686 : vector<16x4096xi32>
    %xor3A_688 = arith.xori %add3A_680, %or3A_687 : vector<16x4096xi32>
    %add3A_689 = arith.addi %add3A_680, %xor3A_688 : vector<16x4096xi32>
    %shift_left3A_690 = arith.constant 29 : i32
    %shift_left3A_691 = vector.broadcast %shift_left3A_690 : i32 to vector<16x4096xi32>
    %shift_left3A_692 = arith.shli %xor3A_688, %shift_left3A_691 : vector<16x4096xi32>
    %shift_right_logical3A_693 = arith.constant 3 : i32
    %shift_right_logical3A_694 = vector.broadcast %shift_right_logical3A_693 : i32 to vector<16x4096xi32>
    %shift_right_logical3A_695 = arith.shrui %xor3A_688, %shift_right_logical3A_694 : vector<16x4096xi32>
    %or3A_696 = arith.ori %shift_left3A_692, %shift_right_logical3A_695 : vector<16x4096xi32>
    %xor3A_697 = arith.xori %add3A_689, %or3A_696 : vector<16x4096xi32>
    %add3A_698 = arith.addi %add3A_689, %xor3A_697 : vector<16x4096xi32>
    %shift_left3A_699 = arith.constant 16 : i32
    %shift_left3A_700 = vector.broadcast %shift_left3A_699 : i32 to vector<16x4096xi32>
    %shift_left3A_701 = arith.shli %xor3A_697, %shift_left3A_700 : vector<16x4096xi32>
    %shift_right_logical3A_702 = arith.constant 16 : i32
    %shift_right_logical3A_703 = vector.broadcast %shift_right_logical3A_702 : i32 to vector<16x4096xi32>
    %shift_right_logical3A_704 = arith.shrui %xor3A_697, %shift_right_logical3A_703 : vector<16x4096xi32>
    %or3A_705 = arith.ori %shift_left3A_701, %shift_right_logical3A_704 : vector<16x4096xi32>
    %xor3A_706 = arith.xori %add3A_698, %or3A_705 : vector<16x4096xi32>
    %add3A_707 = arith.addi %add3A_698, %xor3A_706 : vector<16x4096xi32>
    %shift_left3A_708 = arith.constant 24 : i32
    %shift_left3A_709 = vector.broadcast %shift_left3A_708 : i32 to vector<16x4096xi32>
    %shift_left3A_710 = arith.shli %xor3A_706, %shift_left3A_709 : vector<16x4096xi32>
    %shift_right_logical3A_711 = arith.constant 8 : i32
    %shift_right_logical3A_712 = vector.broadcast %shift_right_logical3A_711 : i32 to vector<16x4096xi32>
    %shift_right_logical3A_713 = arith.shrui %xor3A_706, %shift_right_logical3A_712 : vector<16x4096xi32>
    %or3A_714 = arith.ori %shift_left3A_710, %shift_right_logical3A_713 : vector<16x4096xi32>
    %xor3A_715 = arith.xori %add3A_707, %or3A_714 : vector<16x4096xi32>
    %add3A_716 = arith.constant 466689008 : i32
    %add3A_717 = vector.broadcast %add3A_716 : i32 to vector<16x4096xi32>
    %add3A_718 = arith.addi %add3A_707, %add3A_717 : vector<16x4096xi32>
    %add3A_719 = arith.constant 0 : i32
    %add3A_720 = vector.broadcast %add3A_719 : i32 to vector<16x4096xi32>
    %add3A_721 = arith.addi %xor3A_715, %add3A_720 : vector<16x4096xi32>
    %add3A_722 = arith.constant 2 : i32
    %add3A_723 = vector.broadcast %add3A_722 : i32 to vector<16x4096xi32>
    %add3A_724 = arith.addi %add3A_721, %add3A_723 : vector<16x4096xi32>
    %add3A_725 = arith.addi %add3A_718, %add3A_724 : vector<16x4096xi32>
    %shift_left3A_726 = arith.constant 13 : i32
    %shift_left3A_727 = vector.broadcast %shift_left3A_726 : i32 to vector<16x4096xi32>
    %shift_left3A_728 = arith.shli %add3A_724, %shift_left3A_727 : vector<16x4096xi32>
    %shift_right_logical3A_729 = arith.constant 19 : i32
    %shift_right_logical3A_730 = vector.broadcast %shift_right_logical3A_729 : i32 to vector<16x4096xi32>
    %shift_right_logical3A_731 = arith.shrui %add3A_724, %shift_right_logical3A_730 : vector<16x4096xi32>
    %or3A_732 = arith.ori %shift_left3A_728, %shift_right_logical3A_731 : vector<16x4096xi32>
    %xor3A_733 = arith.xori %add3A_725, %or3A_732 : vector<16x4096xi32>
    %add3A_734 = arith.addi %add3A_725, %xor3A_733 : vector<16x4096xi32>
    %shift_left3A_735 = arith.constant 15 : i32
    %shift_left3A_736 = vector.broadcast %shift_left3A_735 : i32 to vector<16x4096xi32>
    %shift_left3A_737 = arith.shli %xor3A_733, %shift_left3A_736 : vector<16x4096xi32>
    %shift_right_logical3A_738 = arith.constant 17 : i32
    %shift_right_logical3A_739 = vector.broadcast %shift_right_logical3A_738 : i32 to vector<16x4096xi32>
    %shift_right_logical3A_740 = arith.shrui %xor3A_733, %shift_right_logical3A_739 : vector<16x4096xi32>
    %or3A_741 = arith.ori %shift_left3A_737, %shift_right_logical3A_740 : vector<16x4096xi32>
    %xor3A_742 = arith.xori %add3A_734, %or3A_741 : vector<16x4096xi32>
    %add3A_743 = arith.addi %add3A_734, %xor3A_742 : vector<16x4096xi32>
    %shift_left3A_744 = arith.constant 26 : i32
    %shift_left3A_745 = vector.broadcast %shift_left3A_744 : i32 to vector<16x4096xi32>
    %shift_left3A_746 = arith.shli %xor3A_742, %shift_left3A_745 : vector<16x4096xi32>
    %shift_right_logical3A_747 = arith.constant 6 : i32
    %shift_right_logical3A_748 = vector.broadcast %shift_right_logical3A_747 : i32 to vector<16x4096xi32>
    %shift_right_logical3A_749 = arith.shrui %xor3A_742, %shift_right_logical3A_748 : vector<16x4096xi32>
    %or3A_750 = arith.ori %shift_left3A_746, %shift_right_logical3A_749 : vector<16x4096xi32>
    %xor3A_751 = arith.xori %add3A_743, %or3A_750 : vector<16x4096xi32>
    %add3A_752 = arith.addi %add3A_743, %xor3A_751 : vector<16x4096xi32>
    %shift_left3A_753 = arith.constant 6 : i32
    %shift_left3A_754 = vector.broadcast %shift_left3A_753 : i32 to vector<16x4096xi32>
    %shift_left3A_755 = arith.shli %xor3A_751, %shift_left3A_754 : vector<16x4096xi32>
    %shift_right_logical3A_756 = arith.constant 26 : i32
    %shift_right_logical3A_757 = vector.broadcast %shift_right_logical3A_756 : i32 to vector<16x4096xi32>
    %shift_right_logical3A_758 = arith.shrui %xor3A_751, %shift_right_logical3A_757 : vector<16x4096xi32>
    %or3A_759 = arith.ori %shift_left3A_755, %shift_right_logical3A_758 : vector<16x4096xi32>
    %xor3A_760 = arith.xori %add3A_752, %or3A_759 : vector<16x4096xi32>
    %add3A_761 = arith.constant 0 : i32
    %add3A_762 = vector.broadcast %add3A_761 : i32 to vector<16x4096xi32>
    %add3A_763 = arith.addi %add3A_752, %add3A_762 : vector<16x4096xi32>
    %add3A_764 = arith.constant 42 : i32
    %add3A_765 = vector.broadcast %add3A_764 : i32 to vector<16x4096xi32>
    %add3A_766 = arith.addi %xor3A_760, %add3A_765 : vector<16x4096xi32>
    %add3A_767 = arith.constant 3 : i32
    %add3A_768 = vector.broadcast %add3A_767 : i32 to vector<16x4096xi32>
    %add3A_769 = arith.addi %add3A_766, %add3A_768 : vector<16x4096xi32>
    %add3A_770 = arith.addi %add3A_763, %add3A_769 : vector<16x4096xi32>
    %shift_left3A_771 = arith.constant 17 : i32
    %shift_left3A_772 = vector.broadcast %shift_left3A_771 : i32 to vector<16x4096xi32>
    %shift_left3A_773 = arith.shli %add3A_769, %shift_left3A_772 : vector<16x4096xi32>
    %shift_right_logical3A_774 = arith.constant 15 : i32
    %shift_right_logical3A_775 = vector.broadcast %shift_right_logical3A_774 : i32 to vector<16x4096xi32>
    %shift_right_logical3A_776 = arith.shrui %add3A_769, %shift_right_logical3A_775 : vector<16x4096xi32>
    %or3A_777 = arith.ori %shift_left3A_773, %shift_right_logical3A_776 : vector<16x4096xi32>
    %xor3A_778 = arith.xori %add3A_770, %or3A_777 : vector<16x4096xi32>
    %add3A_779 = arith.addi %add3A_770, %xor3A_778 : vector<16x4096xi32>
    %shift_left3A_780 = arith.constant 29 : i32
    %shift_left3A_781 = vector.broadcast %shift_left3A_780 : i32 to vector<16x4096xi32>
    %shift_left3A_782 = arith.shli %xor3A_778, %shift_left3A_781 : vector<16x4096xi32>
    %shift_right_logical3A_783 = arith.constant 3 : i32
    %shift_right_logical3A_784 = vector.broadcast %shift_right_logical3A_783 : i32 to vector<16x4096xi32>
    %shift_right_logical3A_785 = arith.shrui %xor3A_778, %shift_right_logical3A_784 : vector<16x4096xi32>
    %or3A_786 = arith.ori %shift_left3A_782, %shift_right_logical3A_785 : vector<16x4096xi32>
    %xor3A_787 = arith.xori %add3A_779, %or3A_786 : vector<16x4096xi32>
    %add3A_788 = arith.addi %add3A_779, %xor3A_787 : vector<16x4096xi32>
    %shift_left3A_789 = arith.constant 16 : i32
    %shift_left3A_790 = vector.broadcast %shift_left3A_789 : i32 to vector<16x4096xi32>
    %shift_left3A_791 = arith.shli %xor3A_787, %shift_left3A_790 : vector<16x4096xi32>
    %shift_right_logical3A_792 = arith.constant 16 : i32
    %shift_right_logical3A_793 = vector.broadcast %shift_right_logical3A_792 : i32 to vector<16x4096xi32>
    %shift_right_logical3A_794 = arith.shrui %xor3A_787, %shift_right_logical3A_793 : vector<16x4096xi32>
    %or3A_795 = arith.ori %shift_left3A_791, %shift_right_logical3A_794 : vector<16x4096xi32>
    %xor3A_796 = arith.xori %add3A_788, %or3A_795 : vector<16x4096xi32>
    %add3A_797 = arith.addi %add3A_788, %xor3A_796 : vector<16x4096xi32>
    %shift_left3A_798 = arith.constant 24 : i32
    %shift_left3A_799 = vector.broadcast %shift_left3A_798 : i32 to vector<16x4096xi32>
    %shift_left3A_800 = arith.shli %xor3A_796, %shift_left3A_799 : vector<16x4096xi32>
    %shift_right_logical3A_801 = arith.constant 8 : i32
    %shift_right_logical3A_802 = vector.broadcast %shift_right_logical3A_801 : i32 to vector<16x4096xi32>
    %shift_right_logical3A_803 = arith.shrui %xor3A_796, %shift_right_logical3A_802 : vector<16x4096xi32>
    %or3A_804 = arith.ori %shift_left3A_800, %shift_right_logical3A_803 : vector<16x4096xi32>
    %xor3A_805 = arith.xori %add3A_797, %or3A_804 : vector<16x4096xi32>
    %add3A_806 = arith.constant 42 : i32
    %add3A_807 = vector.broadcast %add3A_806 : i32 to vector<16x4096xi32>
    %add3A_808 = arith.addi %add3A_797, %add3A_807 : vector<16x4096xi32>
    %add3A_809 = arith.constant 466689008 : i32
    %add3A_810 = vector.broadcast %add3A_809 : i32 to vector<16x4096xi32>
    %add3A_811 = arith.addi %xor3A_805, %add3A_810 : vector<16x4096xi32>
    %add3A_812 = arith.constant 4 : i32
    %add3A_813 = vector.broadcast %add3A_812 : i32 to vector<16x4096xi32>
    %add3A_814 = arith.addi %add3A_811, %add3A_813 : vector<16x4096xi32>
    %add3A_815 = arith.addi %add3A_808, %add3A_814 : vector<16x4096xi32>
    %shift_left3A_816 = arith.constant 13 : i32
    %shift_left3A_817 = vector.broadcast %shift_left3A_816 : i32 to vector<16x4096xi32>
    %shift_left3A_818 = arith.shli %add3A_814, %shift_left3A_817 : vector<16x4096xi32>
    %shift_right_logical3A_819 = arith.constant 19 : i32
    %shift_right_logical3A_820 = vector.broadcast %shift_right_logical3A_819 : i32 to vector<16x4096xi32>
    %shift_right_logical3A_821 = arith.shrui %add3A_814, %shift_right_logical3A_820 : vector<16x4096xi32>
    %or3A_822 = arith.ori %shift_left3A_818, %shift_right_logical3A_821 : vector<16x4096xi32>
    %xor3A_823 = arith.xori %add3A_815, %or3A_822 : vector<16x4096xi32>
    %add3A_824 = arith.addi %add3A_815, %xor3A_823 : vector<16x4096xi32>
    %shift_left3A_825 = arith.constant 15 : i32
    %shift_left3A_826 = vector.broadcast %shift_left3A_825 : i32 to vector<16x4096xi32>
    %shift_left3A_827 = arith.shli %xor3A_823, %shift_left3A_826 : vector<16x4096xi32>
    %shift_right_logical3A_828 = arith.constant 17 : i32
    %shift_right_logical3A_829 = vector.broadcast %shift_right_logical3A_828 : i32 to vector<16x4096xi32>
    %shift_right_logical3A_830 = arith.shrui %xor3A_823, %shift_right_logical3A_829 : vector<16x4096xi32>
    %or3A_831 = arith.ori %shift_left3A_827, %shift_right_logical3A_830 : vector<16x4096xi32>
    %xor3A_832 = arith.xori %add3A_824, %or3A_831 : vector<16x4096xi32>
    %add3A_833 = arith.addi %add3A_824, %xor3A_832 : vector<16x4096xi32>
    %shift_left3A_834 = arith.constant 26 : i32
    %shift_left3A_835 = vector.broadcast %shift_left3A_834 : i32 to vector<16x4096xi32>
    %shift_left3A_836 = arith.shli %xor3A_832, %shift_left3A_835 : vector<16x4096xi32>
    %shift_right_logical3A_837 = arith.constant 6 : i32
    %shift_right_logical3A_838 = vector.broadcast %shift_right_logical3A_837 : i32 to vector<16x4096xi32>
    %shift_right_logical3A_839 = arith.shrui %xor3A_832, %shift_right_logical3A_838 : vector<16x4096xi32>
    %or3A_840 = arith.ori %shift_left3A_836, %shift_right_logical3A_839 : vector<16x4096xi32>
    %xor3A_841 = arith.xori %add3A_833, %or3A_840 : vector<16x4096xi32>
    %add3A_842 = arith.addi %add3A_833, %xor3A_841 : vector<16x4096xi32>
    %shift_left3A_843 = arith.constant 6 : i32
    %shift_left3A_844 = vector.broadcast %shift_left3A_843 : i32 to vector<16x4096xi32>
    %shift_left3A_845 = arith.shli %xor3A_841, %shift_left3A_844 : vector<16x4096xi32>
    %shift_right_logical3A_846 = arith.constant 26 : i32
    %shift_right_logical3A_847 = vector.broadcast %shift_right_logical3A_846 : i32 to vector<16x4096xi32>
    %shift_right_logical3A_848 = arith.shrui %xor3A_841, %shift_right_logical3A_847 : vector<16x4096xi32>
    %or3A_849 = arith.ori %shift_left3A_845, %shift_right_logical3A_848 : vector<16x4096xi32>
    %xor3A_850 = arith.xori %add3A_842, %or3A_849 : vector<16x4096xi32>
    %add3A_851 = arith.constant 466689008 : i32
    %add3A_852 = vector.broadcast %add3A_851 : i32 to vector<16x4096xi32>
    %add3A_853 = arith.addi %add3A_842, %add3A_852 : vector<16x4096xi32>
    %add3A_854 = arith.constant 0 : i32
    %add3A_855 = vector.broadcast %add3A_854 : i32 to vector<16x4096xi32>
    %add3A_856 = arith.addi %xor3A_850, %add3A_855 : vector<16x4096xi32>
    %add3A_857 = arith.constant 5 : i32
    %add3A_858 = vector.broadcast %add3A_857 : i32 to vector<16x4096xi32>
    %add3A_859 = arith.addi %add3A_856, %add3A_858 : vector<16x4096xi32>
    %xor3A_860 = arith.xori %add3A_853, %add3A_859 : vector<16x4096xi32>
    %shift_right_logical3A_861 = arith.constant 9 : i32
    %shift_right_logical3A_862 = vector.broadcast %shift_right_logical3A_861 : i32 to vector<16x4096xi32>
    %shift_right_logical3A_863 = arith.shrui %xor3A_860, %shift_right_logical3A_862 : vector<16x4096xi32>
    %or3A_864 = arith.constant 1065353216 : i32
    %or3A_865 = vector.broadcast %or3A_864 : i32 to vector<16x4096xi32>
    %or3A_866 = arith.ori %shift_right_logical3A_863, %or3A_865 : vector<16x4096xi32>
    %bitcast_convert_type3A_867 = tpu.bitcast %or3A_866 : vector<16x4096xi32> -> vector<16x4096xf32>
    %sub3A_868 = arith.constant 1.000000e+00 : f32
    %sub3A_869 = vector.broadcast %sub3A_868 : f32 to vector<16x4096xf32>
    %sub3A_870 = arith.subf %bitcast_convert_type3A_867, %sub3A_869 : vector<16x4096xf32>
    %max3A_871 = arith.constant 1.17549435E-38 : f32
    %max3A_872 = vector.broadcast %max3A_871 : f32 to vector<16x4096xf32>
    %max3A_873 = arith.maximumf %sub3A_870, %max3A_872 : vector<16x4096xf32>
    %log3A_874 = math.log %max3A_873 : vector<16x4096xf32>
    %neg3A_875 = arith.constant 0.000000e+00 : f32
    %neg3A_876 = vector.broadcast %neg3A_875 : f32 to vector<16x4096xf32>
    %neg3A_877 = arith.subf %neg3A_876, %log3A_874 : vector<16x4096xf32>
    %log3A_878 = math.log %neg3A_877 : vector<16x4096xf32>
    %neg3A_879 = arith.constant 0.000000e+00 : f32
    %neg3A_880 = vector.broadcast %neg3A_879 : f32 to vector<16x4096xf32>
    %neg3A_881 = arith.subf %neg3A_880, %log3A_878 : vector<16x4096xf32>
    %add3A_882 = arith.addf %neg3A_881, %select_n3A_13 : vector<16x4096xf32>
    %reduce_max3A_883 = arith.constant dense<0xFF800000> : vector<16xf32>
    %reduce_max3A_884 = vector.multi_reduction <maximumf>, %add3A_882, %reduce_max3A_883 [1] : vector<16x4096xf32> to vector<16xf32>
    %broadcast_in_dim3A_885 = vector.shape_cast %reduce_max3A_884 : vector<16xf32> to vector<16x1xf32>
    %eq3A_886 = vector.broadcast %broadcast_in_dim3A_885 : vector<16x1xf32> to vector<16x4096xf32>
    %eq3A_887 = arith.cmpf oeq, %add3A_882, %eq3A_886 : vector<16x4096xf32>
    %jit3A_888 = arith.constant 4096 : i32
    %broadcast_in_dim3A_889 = vector.broadcast %jit3A_888 : i32 to vector<16x4096xi32>
    %select_n3A_890 = arith.select %eq3A_887, %iota3A, %broadcast_in_dim3A_889 : vector<16x4096xi1>, vector<16x4096xi32>
    %reduce_min3A_891 = arith.constant dense<2147483647> : vector<16xi32>
    %reduce_min3A_892 = vector.multi_reduction <minsi>, %select_n3A_890, %reduce_min3A_891 [1] : vector<16x4096xi32> to vector<16xi32>
    %broadcast_in_dim3A_893 = vector.shape_cast %reduce_min3A_892 : vector<16xi32> to vector<16x1xi32>
    %eq3A_894 = vector.broadcast %broadcast_in_dim3A_893 : vector<16x1xi32> to vector<16x4096xi32>
    %eq3A_895 = arith.cmpi eq, %iota3A, %eq3A_894 : vector<16x4096xi32>
    %jit3A_896 = arith.constant 0.000000e+00 : f32
    %broadcast_in_dim3A_897 = vector.broadcast %jit3A_896 : f32 to vector<16x4096xf32>
    %select_n3A_898 = arith.select %eq3A_895, %select_n3A, %broadcast_in_dim3A_897 : vector<16x4096xi1>, vector<16x4096xf32>
    %reduce_sum3A_899 = arith.constant dense<0.000000e+00> : vector<16xf32>
    %reduce_sum3A_900 = vector.multi_reduction <add>, %select_n3A_898, %reduce_sum3A_899 [1] : vector<16x4096xf32> to vector<16xf32>
    %broadcast_in_dim3A_901 = vector.shape_cast %reduce_sum3A_900 : vector<16xf32> to vector<16x1xf32>
    %jit3A_902 = arith.constant 64 : i32
    %div3A_903 = vector.broadcast %jit3A_902 : i32 to vector<16x1xi32>
    %div3A_904 = arith.divsi %broadcast_in_dim3A_893, %div3A_903 : vector<16x1xi32>
    %sign3A_905 = arith.constant 0 : i32
    %sign3A_906 = vector.broadcast %sign3A_905 : i32 to vector<16x1xi32>
    %sign3A_907 = arith.cmpi sgt, %broadcast_in_dim3A_893, %sign3A_906 : vector<16x1xi32>
    %sign3A_908 = arith.extui %sign3A_907 : vector<16x1xi1> to vector<16x1xi32>
    %sign3A_909 = arith.constant 0 : i32
    %sign3A_910 = vector.broadcast %sign3A_909 : i32 to vector<16x1xi32>
    %sign3A_911 = arith.cmpi slt, %broadcast_in_dim3A_893, %sign3A_910 : vector<16x1xi32>
    %sign3A_912 = arith.extui %sign3A_911 : vector<16x1xi1> to vector<16x1xi32>
    %sign3A_913 = arith.subi %sign3A_908, %sign3A_912 : vector<16x1xi32>
    %sign3A_914 = arith.constant 0 : i32
    %sign3A_915 = arith.cmpi sgt, %jit3A_902, %sign3A_914 : i32
    %sign3A_916 = arith.extui %sign3A_915 : i1 to i32
    %sign3A_917 = arith.constant 0 : i32
    %sign3A_918 = arith.cmpi slt, %jit3A_902, %sign3A_917 : i32
    %sign3A_919 = arith.extui %sign3A_918 : i1 to i32
    %sign3A_920 = arith.subi %sign3A_916, %sign3A_919 : i32
    %ne3A_921 = vector.broadcast %sign3A_920 : i32 to vector<16x1xi32>
    %ne3A_922 = arith.cmpi ne, %sign3A_913, %ne3A_921 : vector<16x1xi32>
    %rem3A_923 = vector.broadcast %jit3A_902 : i32 to vector<16x1xi32>
    %rem3A_924 = arith.remsi %broadcast_in_dim3A_893, %rem3A_923 : vector<16x1xi32>
    %ne3A_925 = arith.constant 0 : i32
    %ne3A_926 = vector.broadcast %ne3A_925 : i32 to vector<16x1xi32>
    %ne3A_927 = arith.cmpi ne, %rem3A_924, %ne3A_926 : vector<16x1xi32>
    %and3A_928 = arith.andi %ne3A_922, %ne3A_927 : vector<16x1xi1>
    %sub3A_929 = arith.constant 1 : i32
    %sub3A_930 = vector.broadcast %sub3A_929 : i32 to vector<16x1xi32>
    %sub3A_931 = arith.subi %div3A_904, %sub3A_930 : vector<16x1xi32>
    %select_n3A_932 = arith.select %and3A_928, %sub3A_931, %div3A_904 : vector<16x1xi1>, vector<16x1xi32>
    %mul3A_933 = arith.constant 64 : i32
    %mul3A_934 = vector.broadcast %mul3A_933 : i32 to vector<16x1xi32>
    %mul3A_935 = arith.muli %select_n3A_932, %mul3A_934 : vector<16x1xi32>
    %sub3A_936 = arith.subi %broadcast_in_dim3A_893, %mul3A_935 : vector<16x1xi32>
    %convert_element_type3A_937 = arith.sitofp %sub3A_936 : vector<16x1xi32> to vector<16x1xf32>
    %convert_element_type3A_938 = arith.sitofp %select_n3A_932 : vector<16x1xi32> to vector<16x1xf32>
    %add3A_939 = arith.constant 50331648 : i32
    %add3A_940 = vector.broadcast %add3A_939 : i32 to vector<16x4096xi32>
    %add3A_941 = arith.addi %add3A_20, %add3A_940 : vector<16x4096xi32>
    %broadcast_in_dim3A_942 = arith.constant 0 : i32
    %broadcast_in_dim3A_943 = vector.broadcast %broadcast_in_dim3A_942 : i32 to vector<16x4096xi32>
    %add3A_944 = arith.constant 42 : i32
    %add3A_945 = vector.broadcast %add3A_944 : i32 to vector<16x4096xi32>
    %add3A_946 = arith.addi %add3A_941, %add3A_945 : vector<16x4096xi32>
    %add3A_947 = arith.addi %broadcast_in_dim3A_943, %add3A_946 : vector<16x4096xi32>
    %shift_left3A_948 = arith.constant 13 : i32
    %shift_left3A_949 = vector.broadcast %shift_left3A_948 : i32 to vector<16x4096xi32>
    %shift_left3A_950 = arith.shli %add3A_946, %shift_left3A_949 : vector<16x4096xi32>
    %shift_right_logical3A_951 = arith.constant 19 : i32
    %shift_right_logical3A_952 = vector.broadcast %shift_right_logical3A_951 : i32 to vector<16x4096xi32>
    %shift_right_logical3A_953 = arith.shrui %add3A_946, %shift_right_logical3A_952 : vector<16x4096xi32>
    %or3A_954 = arith.ori %shift_left3A_950, %shift_right_logical3A_953 : vector<16x4096xi32>
    %xor3A_955 = arith.xori %add3A_947, %or3A_954 : vector<16x4096xi32>
    %add3A_956 = arith.addi %add3A_947, %xor3A_955 : vector<16x4096xi32>
    %shift_left3A_957 = arith.constant 15 : i32
    %shift_left3A_958 = vector.broadcast %shift_left3A_957 : i32 to vector<16x4096xi32>
    %shift_left3A_959 = arith.shli %xor3A_955, %shift_left3A_958 : vector<16x4096xi32>
    %shift_right_logical3A_960 = arith.constant 17 : i32
    %shift_right_logical3A_961 = vector.broadcast %shift_right_logical3A_960 : i32 to vector<16x4096xi32>
    %shift_right_logical3A_962 = arith.shrui %xor3A_955, %shift_right_logical3A_961 : vector<16x4096xi32>
    %or3A_963 = arith.ori %shift_left3A_959, %shift_right_logical3A_962 : vector<16x4096xi32>
    %xor3A_964 = arith.xori %add3A_956, %or3A_963 : vector<16x4096xi32>
    %add3A_965 = arith.addi %add3A_956, %xor3A_964 : vector<16x4096xi32>
    %shift_left3A_966 = arith.constant 26 : i32
    %shift_left3A_967 = vector.broadcast %shift_left3A_966 : i32 to vector<16x4096xi32>
    %shift_left3A_968 = arith.shli %xor3A_964, %shift_left3A_967 : vector<16x4096xi32>
    %shift_right_logical3A_969 = arith.constant 6 : i32
    %shift_right_logical3A_970 = vector.broadcast %shift_right_logical3A_969 : i32 to vector<16x4096xi32>
    %shift_right_logical3A_971 = arith.shrui %xor3A_964, %shift_right_logical3A_970 : vector<16x4096xi32>
    %or3A_972 = arith.ori %shift_left3A_968, %shift_right_logical3A_971 : vector<16x4096xi32>
    %xor3A_973 = arith.xori %add3A_965, %or3A_972 : vector<16x4096xi32>
    %add3A_974 = arith.addi %add3A_965, %xor3A_973 : vector<16x4096xi32>
    %shift_left3A_975 = arith.constant 6 : i32
    %shift_left3A_976 = vector.broadcast %shift_left3A_975 : i32 to vector<16x4096xi32>
    %shift_left3A_977 = arith.shli %xor3A_973, %shift_left3A_976 : vector<16x4096xi32>
    %shift_right_logical3A_978 = arith.constant 26 : i32
    %shift_right_logical3A_979 = vector.broadcast %shift_right_logical3A_978 : i32 to vector<16x4096xi32>
    %shift_right_logical3A_980 = arith.shrui %xor3A_973, %shift_right_logical3A_979 : vector<16x4096xi32>
    %or3A_981 = arith.ori %shift_left3A_977, %shift_right_logical3A_980 : vector<16x4096xi32>
    %xor3A_982 = arith.xori %add3A_974, %or3A_981 : vector<16x4096xi32>
    %add3A_983 = arith.constant 42 : i32
    %add3A_984 = vector.broadcast %add3A_983 : i32 to vector<16x4096xi32>
    %add3A_985 = arith.addi %add3A_974, %add3A_984 : vector<16x4096xi32>
    %add3A_986 = arith.constant 466689008 : i32
    %add3A_987 = vector.broadcast %add3A_986 : i32 to vector<16x4096xi32>
    %add3A_988 = arith.addi %xor3A_982, %add3A_987 : vector<16x4096xi32>
    %add3A_989 = arith.constant 1 : i32
    %add3A_990 = vector.broadcast %add3A_989 : i32 to vector<16x4096xi32>
    %add3A_991 = arith.addi %add3A_988, %add3A_990 : vector<16x4096xi32>
    %add3A_992 = arith.addi %add3A_985, %add3A_991 : vector<16x4096xi32>
    %shift_left3A_993 = arith.constant 17 : i32
    %shift_left3A_994 = vector.broadcast %shift_left3A_993 : i32 to vector<16x4096xi32>
    %shift_left3A_995 = arith.shli %add3A_991, %shift_left3A_994 : vector<16x4096xi32>
    %shift_right_logical3A_996 = arith.constant 15 : i32
    %shift_right_logical3A_997 = vector.broadcast %shift_right_logical3A_996 : i32 to vector<16x4096xi32>
    %shift_right_logical3A_998 = arith.shrui %add3A_991, %shift_right_logical3A_997 : vector<16x4096xi32>
    %or3A_999 = arith.ori %shift_left3A_995, %shift_right_logical3A_998 : vector<16x4096xi32>
    %xor3A_1000 = arith.xori %add3A_992, %or3A_999 : vector<16x4096xi32>
    %add3A_1001 = arith.addi %add3A_992, %xor3A_1000 : vector<16x4096xi32>
    %shift_left3A_1002 = arith.constant 29 : i32
    %shift_left3A_1003 = vector.broadcast %shift_left3A_1002 : i32 to vector<16x4096xi32>
    %shift_left3A_1004 = arith.shli %xor3A_1000, %shift_left3A_1003 : vector<16x4096xi32>
    %shift_right_logical3A_1005 = arith.constant 3 : i32
    %shift_right_logical3A_1006 = vector.broadcast %shift_right_logical3A_1005 : i32 to vector<16x4096xi32>
    %shift_right_logical3A_1007 = arith.shrui %xor3A_1000, %shift_right_logical3A_1006 : vector<16x4096xi32>
    %or3A_1008 = arith.ori %shift_left3A_1004, %shift_right_logical3A_1007 : vector<16x4096xi32>
    %xor3A_1009 = arith.xori %add3A_1001, %or3A_1008 : vector<16x4096xi32>
    %add3A_1010 = arith.addi %add3A_1001, %xor3A_1009 : vector<16x4096xi32>
    %shift_left3A_1011 = arith.constant 16 : i32
    %shift_left3A_1012 = vector.broadcast %shift_left3A_1011 : i32 to vector<16x4096xi32>
    %shift_left3A_1013 = arith.shli %xor3A_1009, %shift_left3A_1012 : vector<16x4096xi32>
    %shift_right_logical3A_1014 = arith.constant 16 : i32
    %shift_right_logical3A_1015 = vector.broadcast %shift_right_logical3A_1014 : i32 to vector<16x4096xi32>
    %shift_right_logical3A_1016 = arith.shrui %xor3A_1009, %shift_right_logical3A_1015 : vector<16x4096xi32>
    %or3A_1017 = arith.ori %shift_left3A_1013, %shift_right_logical3A_1016 : vector<16x4096xi32>
    %xor3A_1018 = arith.xori %add3A_1010, %or3A_1017 : vector<16x4096xi32>
    %add3A_1019 = arith.addi %add3A_1010, %xor3A_1018 : vector<16x4096xi32>
    %shift_left3A_1020 = arith.constant 24 : i32
    %shift_left3A_1021 = vector.broadcast %shift_left3A_1020 : i32 to vector<16x4096xi32>
    %shift_left3A_1022 = arith.shli %xor3A_1018, %shift_left3A_1021 : vector<16x4096xi32>
    %shift_right_logical3A_1023 = arith.constant 8 : i32
    %shift_right_logical3A_1024 = vector.broadcast %shift_right_logical3A_1023 : i32 to vector<16x4096xi32>
    %shift_right_logical3A_1025 = arith.shrui %xor3A_1018, %shift_right_logical3A_1024 : vector<16x4096xi32>
    %or3A_1026 = arith.ori %shift_left3A_1022, %shift_right_logical3A_1025 : vector<16x4096xi32>
    %xor3A_1027 = arith.xori %add3A_1019, %or3A_1026 : vector<16x4096xi32>
    %add3A_1028 = arith.constant 466689008 : i32
    %add3A_1029 = vector.broadcast %add3A_1028 : i32 to vector<16x4096xi32>
    %add3A_1030 = arith.addi %add3A_1019, %add3A_1029 : vector<16x4096xi32>
    %add3A_1031 = arith.constant 0 : i32
    %add3A_1032 = vector.broadcast %add3A_1031 : i32 to vector<16x4096xi32>
    %add3A_1033 = arith.addi %xor3A_1027, %add3A_1032 : vector<16x4096xi32>
    %add3A_1034 = arith.constant 2 : i32
    %add3A_1035 = vector.broadcast %add3A_1034 : i32 to vector<16x4096xi32>
    %add3A_1036 = arith.addi %add3A_1033, %add3A_1035 : vector<16x4096xi32>
    %add3A_1037 = arith.addi %add3A_1030, %add3A_1036 : vector<16x4096xi32>
    %shift_left3A_1038 = arith.constant 13 : i32
    %shift_left3A_1039 = vector.broadcast %shift_left3A_1038 : i32 to vector<16x4096xi32>
    %shift_left3A_1040 = arith.shli %add3A_1036, %shift_left3A_1039 : vector<16x4096xi32>
    %shift_right_logical3A_1041 = arith.constant 19 : i32
    %shift_right_logical3A_1042 = vector.broadcast %shift_right_logical3A_1041 : i32 to vector<16x4096xi32>
    %shift_right_logical3A_1043 = arith.shrui %add3A_1036, %shift_right_logical3A_1042 : vector<16x4096xi32>
    %or3A_1044 = arith.ori %shift_left3A_1040, %shift_right_logical3A_1043 : vector<16x4096xi32>
    %xor3A_1045 = arith.xori %add3A_1037, %or3A_1044 : vector<16x4096xi32>
    %add3A_1046 = arith.addi %add3A_1037, %xor3A_1045 : vector<16x4096xi32>
    %shift_left3A_1047 = arith.constant 15 : i32
    %shift_left3A_1048 = vector.broadcast %shift_left3A_1047 : i32 to vector<16x4096xi32>
    %shift_left3A_1049 = arith.shli %xor3A_1045, %shift_left3A_1048 : vector<16x4096xi32>
    %shift_right_logical3A_1050 = arith.constant 17 : i32
    %shift_right_logical3A_1051 = vector.broadcast %shift_right_logical3A_1050 : i32 to vector<16x4096xi32>
    %shift_right_logical3A_1052 = arith.shrui %xor3A_1045, %shift_right_logical3A_1051 : vector<16x4096xi32>
    %or3A_1053 = arith.ori %shift_left3A_1049, %shift_right_logical3A_1052 : vector<16x4096xi32>
    %xor3A_1054 = arith.xori %add3A_1046, %or3A_1053 : vector<16x4096xi32>
    %add3A_1055 = arith.addi %add3A_1046, %xor3A_1054 : vector<16x4096xi32>
    %shift_left3A_1056 = arith.constant 26 : i32
    %shift_left3A_1057 = vector.broadcast %shift_left3A_1056 : i32 to vector<16x4096xi32>
    %shift_left3A_1058 = arith.shli %xor3A_1054, %shift_left3A_1057 : vector<16x4096xi32>
    %shift_right_logical3A_1059 = arith.constant 6 : i32
    %shift_right_logical3A_1060 = vector.broadcast %shift_right_logical3A_1059 : i32 to vector<16x4096xi32>
    %shift_right_logical3A_1061 = arith.shrui %xor3A_1054, %shift_right_logical3A_1060 : vector<16x4096xi32>
    %or3A_1062 = arith.ori %shift_left3A_1058, %shift_right_logical3A_1061 : vector<16x4096xi32>
    %xor3A_1063 = arith.xori %add3A_1055, %or3A_1062 : vector<16x4096xi32>
    %add3A_1064 = arith.addi %add3A_1055, %xor3A_1063 : vector<16x4096xi32>
    %shift_left3A_1065 = arith.constant 6 : i32
    %shift_left3A_1066 = vector.broadcast %shift_left3A_1065 : i32 to vector<16x4096xi32>
    %shift_left3A_1067 = arith.shli %xor3A_1063, %shift_left3A_1066 : vector<16x4096xi32>
    %shift_right_logical3A_1068 = arith.constant 26 : i32
    %shift_right_logical3A_1069 = vector.broadcast %shift_right_logical3A_1068 : i32 to vector<16x4096xi32>
    %shift_right_logical3A_1070 = arith.shrui %xor3A_1063, %shift_right_logical3A_1069 : vector<16x4096xi32>
    %or3A_1071 = arith.ori %shift_left3A_1067, %shift_right_logical3A_1070 : vector<16x4096xi32>
    %xor3A_1072 = arith.xori %add3A_1064, %or3A_1071 : vector<16x4096xi32>
    %add3A_1073 = arith.constant 0 : i32
    %add3A_1074 = vector.broadcast %add3A_1073 : i32 to vector<16x4096xi32>
    %add3A_1075 = arith.addi %add3A_1064, %add3A_1074 : vector<16x4096xi32>
    %add3A_1076 = arith.constant 42 : i32
    %add3A_1077 = vector.broadcast %add3A_1076 : i32 to vector<16x4096xi32>
    %add3A_1078 = arith.addi %xor3A_1072, %add3A_1077 : vector<16x4096xi32>
    %add3A_1079 = arith.constant 3 : i32
    %add3A_1080 = vector.broadcast %add3A_1079 : i32 to vector<16x4096xi32>
    %add3A_1081 = arith.addi %add3A_1078, %add3A_1080 : vector<16x4096xi32>
    %add3A_1082 = arith.addi %add3A_1075, %add3A_1081 : vector<16x4096xi32>
    %shift_left3A_1083 = arith.constant 17 : i32
    %shift_left3A_1084 = vector.broadcast %shift_left3A_1083 : i32 to vector<16x4096xi32>
    %shift_left3A_1085 = arith.shli %add3A_1081, %shift_left3A_1084 : vector<16x4096xi32>
    %shift_right_logical3A_1086 = arith.constant 15 : i32
    %shift_right_logical3A_1087 = vector.broadcast %shift_right_logical3A_1086 : i32 to vector<16x4096xi32>
    %shift_right_logical3A_1088 = arith.shrui %add3A_1081, %shift_right_logical3A_1087 : vector<16x4096xi32>
    %or3A_1089 = arith.ori %shift_left3A_1085, %shift_right_logical3A_1088 : vector<16x4096xi32>
    %xor3A_1090 = arith.xori %add3A_1082, %or3A_1089 : vector<16x4096xi32>
    %add3A_1091 = arith.addi %add3A_1082, %xor3A_1090 : vector<16x4096xi32>
    %shift_left3A_1092 = arith.constant 29 : i32
    %shift_left3A_1093 = vector.broadcast %shift_left3A_1092 : i32 to vector<16x4096xi32>
    %shift_left3A_1094 = arith.shli %xor3A_1090, %shift_left3A_1093 : vector<16x4096xi32>
    %shift_right_logical3A_1095 = arith.constant 3 : i32
    %shift_right_logical3A_1096 = vector.broadcast %shift_right_logical3A_1095 : i32 to vector<16x4096xi32>
    %shift_right_logical3A_1097 = arith.shrui %xor3A_1090, %shift_right_logical3A_1096 : vector<16x4096xi32>
    %or3A_1098 = arith.ori %shift_left3A_1094, %shift_right_logical3A_1097 : vector<16x4096xi32>
    %xor3A_1099 = arith.xori %add3A_1091, %or3A_1098 : vector<16x4096xi32>
    %add3A_1100 = arith.addi %add3A_1091, %xor3A_1099 : vector<16x4096xi32>
    %shift_left3A_1101 = arith.constant 16 : i32
    %shift_left3A_1102 = vector.broadcast %shift_left3A_1101 : i32 to vector<16x4096xi32>
    %shift_left3A_1103 = arith.shli %xor3A_1099, %shift_left3A_1102 : vector<16x4096xi32>
    %shift_right_logical3A_1104 = arith.constant 16 : i32
    %shift_right_logical3A_1105 = vector.broadcast %shift_right_logical3A_1104 : i32 to vector<16x4096xi32>
    %shift_right_logical3A_1106 = arith.shrui %xor3A_1099, %shift_right_logical3A_1105 : vector<16x4096xi32>
    %or3A_1107 = arith.ori %shift_left3A_1103, %shift_right_logical3A_1106 : vector<16x4096xi32>
    %xor3A_1108 = arith.xori %add3A_1100, %or3A_1107 : vector<16x4096xi32>
    %add3A_1109 = arith.addi %add3A_1100, %xor3A_1108 : vector<16x4096xi32>
    %shift_left3A_1110 = arith.constant 24 : i32
    %shift_left3A_1111 = vector.broadcast %shift_left3A_1110 : i32 to vector<16x4096xi32>
    %shift_left3A_1112 = arith.shli %xor3A_1108, %shift_left3A_1111 : vector<16x4096xi32>
    %shift_right_logical3A_1113 = arith.constant 8 : i32
    %shift_right_logical3A_1114 = vector.broadcast %shift_right_logical3A_1113 : i32 to vector<16x4096xi32>
    %shift_right_logical3A_1115 = arith.shrui %xor3A_1108, %shift_right_logical3A_1114 : vector<16x4096xi32>
    %or3A_1116 = arith.ori %shift_left3A_1112, %shift_right_logical3A_1115 : vector<16x4096xi32>
    %xor3A_1117 = arith.xori %add3A_1109, %or3A_1116 : vector<16x4096xi32>
    %add3A_1118 = arith.constant 42 : i32
    %add3A_1119 = vector.broadcast %add3A_1118 : i32 to vector<16x4096xi32>
    %add3A_1120 = arith.addi %add3A_1109, %add3A_1119 : vector<16x4096xi32>
    %add3A_1121 = arith.constant 466689008 : i32
    %add3A_1122 = vector.broadcast %add3A_1121 : i32 to vector<16x4096xi32>
    %add3A_1123 = arith.addi %xor3A_1117, %add3A_1122 : vector<16x4096xi32>
    %add3A_1124 = arith.constant 4 : i32
    %add3A_1125 = vector.broadcast %add3A_1124 : i32 to vector<16x4096xi32>
    %add3A_1126 = arith.addi %add3A_1123, %add3A_1125 : vector<16x4096xi32>
    %add3A_1127 = arith.addi %add3A_1120, %add3A_1126 : vector<16x4096xi32>
    %shift_left3A_1128 = arith.constant 13 : i32
    %shift_left3A_1129 = vector.broadcast %shift_left3A_1128 : i32 to vector<16x4096xi32>
    %shift_left3A_1130 = arith.shli %add3A_1126, %shift_left3A_1129 : vector<16x4096xi32>
    %shift_right_logical3A_1131 = arith.constant 19 : i32
    %shift_right_logical3A_1132 = vector.broadcast %shift_right_logical3A_1131 : i32 to vector<16x4096xi32>
    %shift_right_logical3A_1133 = arith.shrui %add3A_1126, %shift_right_logical3A_1132 : vector<16x4096xi32>
    %or3A_1134 = arith.ori %shift_left3A_1130, %shift_right_logical3A_1133 : vector<16x4096xi32>
    %xor3A_1135 = arith.xori %add3A_1127, %or3A_1134 : vector<16x4096xi32>
    %add3A_1136 = arith.addi %add3A_1127, %xor3A_1135 : vector<16x4096xi32>
    %shift_left3A_1137 = arith.constant 15 : i32
    %shift_left3A_1138 = vector.broadcast %shift_left3A_1137 : i32 to vector<16x4096xi32>
    %shift_left3A_1139 = arith.shli %xor3A_1135, %shift_left3A_1138 : vector<16x4096xi32>
    %shift_right_logical3A_1140 = arith.constant 17 : i32
    %shift_right_logical3A_1141 = vector.broadcast %shift_right_logical3A_1140 : i32 to vector<16x4096xi32>
    %shift_right_logical3A_1142 = arith.shrui %xor3A_1135, %shift_right_logical3A_1141 : vector<16x4096xi32>
    %or3A_1143 = arith.ori %shift_left3A_1139, %shift_right_logical3A_1142 : vector<16x4096xi32>
    %xor3A_1144 = arith.xori %add3A_1136, %or3A_1143 : vector<16x4096xi32>
    %add3A_1145 = arith.addi %add3A_1136, %xor3A_1144 : vector<16x4096xi32>
    %shift_left3A_1146 = arith.constant 26 : i32
    %shift_left3A_1147 = vector.broadcast %shift_left3A_1146 : i32 to vector<16x4096xi32>
    %shift_left3A_1148 = arith.shli %xor3A_1144, %shift_left3A_1147 : vector<16x4096xi32>
    %shift_right_logical3A_1149 = arith.constant 6 : i32
    %shift_right_logical3A_1150 = vector.broadcast %shift_right_logical3A_1149 : i32 to vector<16x4096xi32>
    %shift_right_logical3A_1151 = arith.shrui %xor3A_1144, %shift_right_logical3A_1150 : vector<16x4096xi32>
    %or3A_1152 = arith.ori %shift_left3A_1148, %shift_right_logical3A_1151 : vector<16x4096xi32>
    %xor3A_1153 = arith.xori %add3A_1145, %or3A_1152 : vector<16x4096xi32>
    %add3A_1154 = arith.addi %add3A_1145, %xor3A_1153 : vector<16x4096xi32>
    %shift_left3A_1155 = arith.constant 6 : i32
    %shift_left3A_1156 = vector.broadcast %shift_left3A_1155 : i32 to vector<16x4096xi32>
    %shift_left3A_1157 = arith.shli %xor3A_1153, %shift_left3A_1156 : vector<16x4096xi32>
    %shift_right_logical3A_1158 = arith.constant 26 : i32
    %shift_right_logical3A_1159 = vector.broadcast %shift_right_logical3A_1158 : i32 to vector<16x4096xi32>
    %shift_right_logical3A_1160 = arith.shrui %xor3A_1153, %shift_right_logical3A_1159 : vector<16x4096xi32>
    %or3A_1161 = arith.ori %shift_left3A_1157, %shift_right_logical3A_1160 : vector<16x4096xi32>
    %xor3A_1162 = arith.xori %add3A_1154, %or3A_1161 : vector<16x4096xi32>
    %add3A_1163 = arith.constant 466689008 : i32
    %add3A_1164 = vector.broadcast %add3A_1163 : i32 to vector<16x4096xi32>
    %add3A_1165 = arith.addi %add3A_1154, %add3A_1164 : vector<16x4096xi32>
    %add3A_1166 = arith.constant 0 : i32
    %add3A_1167 = vector.broadcast %add3A_1166 : i32 to vector<16x4096xi32>
    %add3A_1168 = arith.addi %xor3A_1162, %add3A_1167 : vector<16x4096xi32>
    %add3A_1169 = arith.constant 5 : i32
    %add3A_1170 = vector.broadcast %add3A_1169 : i32 to vector<16x4096xi32>
    %add3A_1171 = arith.addi %add3A_1168, %add3A_1170 : vector<16x4096xi32>
    %xor3A_1172 = arith.xori %add3A_1165, %add3A_1171 : vector<16x4096xi32>
    %shift_right_logical3A_1173 = arith.constant 9 : i32
    %shift_right_logical3A_1174 = vector.broadcast %shift_right_logical3A_1173 : i32 to vector<16x4096xi32>
    %shift_right_logical3A_1175 = arith.shrui %xor3A_1172, %shift_right_logical3A_1174 : vector<16x4096xi32>
    %or3A_1176 = arith.constant 1065353216 : i32
    %or3A_1177 = vector.broadcast %or3A_1176 : i32 to vector<16x4096xi32>
    %or3A_1178 = arith.ori %shift_right_logical3A_1175, %or3A_1177 : vector<16x4096xi32>
    %bitcast_convert_type3A_1179 = tpu.bitcast %or3A_1178 : vector<16x4096xi32> -> vector<16x4096xf32>
    %sub3A_1180 = arith.constant 1.000000e+00 : f32
    %sub3A_1181 = vector.broadcast %sub3A_1180 : f32 to vector<16x4096xf32>
    %sub3A_1182 = arith.subf %bitcast_convert_type3A_1179, %sub3A_1181 : vector<16x4096xf32>
    %max3A_1183 = arith.constant 1.17549435E-38 : f32
    %max3A_1184 = vector.broadcast %max3A_1183 : f32 to vector<16x4096xf32>
    %max3A_1185 = arith.maximumf %sub3A_1182, %max3A_1184 : vector<16x4096xf32>
    %log3A_1186 = math.log %max3A_1185 : vector<16x4096xf32>
    %neg3A_1187 = arith.constant 0.000000e+00 : f32
    %neg3A_1188 = vector.broadcast %neg3A_1187 : f32 to vector<16x4096xf32>
    %neg3A_1189 = arith.subf %neg3A_1188, %log3A_1186 : vector<16x4096xf32>
    %log3A_1190 = math.log %neg3A_1189 : vector<16x4096xf32>
    %neg3A_1191 = arith.constant 0.000000e+00 : f32
    %neg3A_1192 = vector.broadcast %neg3A_1191 : f32 to vector<16x4096xf32>
    %neg3A_1193 = arith.subf %neg3A_1192, %log3A_1190 : vector<16x4096xf32>
    %add3A_1194 = arith.addf %neg3A_1193, %select_n3A_13 : vector<16x4096xf32>
    %reduce_max3A_1195 = arith.constant dense<0xFF800000> : vector<16xf32>
    %reduce_max3A_1196 = vector.multi_reduction <maximumf>, %add3A_1194, %reduce_max3A_1195 [1] : vector<16x4096xf32> to vector<16xf32>
    %broadcast_in_dim3A_1197 = vector.shape_cast %reduce_max3A_1196 : vector<16xf32> to vector<16x1xf32>
    %eq3A_1198 = vector.broadcast %broadcast_in_dim3A_1197 : vector<16x1xf32> to vector<16x4096xf32>
    %eq3A_1199 = arith.cmpf oeq, %add3A_1194, %eq3A_1198 : vector<16x4096xf32>
    %jit3A_1200 = arith.constant 4096 : i32
    %broadcast_in_dim3A_1201 = vector.broadcast %jit3A_1200 : i32 to vector<16x4096xi32>
    %select_n3A_1202 = arith.select %eq3A_1199, %iota3A, %broadcast_in_dim3A_1201 : vector<16x4096xi1>, vector<16x4096xi32>
    %reduce_min3A_1203 = arith.constant dense<2147483647> : vector<16xi32>
    %reduce_min3A_1204 = vector.multi_reduction <minsi>, %select_n3A_1202, %reduce_min3A_1203 [1] : vector<16x4096xi32> to vector<16xi32>
    %broadcast_in_dim3A_1205 = vector.shape_cast %reduce_min3A_1204 : vector<16xi32> to vector<16x1xi32>
    %eq3A_1206 = vector.broadcast %broadcast_in_dim3A_1205 : vector<16x1xi32> to vector<16x4096xi32>
    %eq3A_1207 = arith.cmpi eq, %iota3A, %eq3A_1206 : vector<16x4096xi32>
    %jit3A_1208 = arith.constant 0.000000e+00 : f32
    %broadcast_in_dim3A_1209 = vector.broadcast %jit3A_1208 : f32 to vector<16x4096xf32>
    %select_n3A_1210 = arith.select %eq3A_1207, %select_n3A, %broadcast_in_dim3A_1209 : vector<16x4096xi1>, vector<16x4096xf32>
    %reduce_sum3A_1211 = arith.constant dense<0.000000e+00> : vector<16xf32>
    %reduce_sum3A_1212 = vector.multi_reduction <add>, %select_n3A_1210, %reduce_sum3A_1211 [1] : vector<16x4096xf32> to vector<16xf32>
    %broadcast_in_dim3A_1213 = vector.shape_cast %reduce_sum3A_1212 : vector<16xf32> to vector<16x1xf32>
    %jit3A_1214 = arith.constant 64 : i32
    %div3A_1215 = vector.broadcast %jit3A_1214 : i32 to vector<16x1xi32>
    %div3A_1216 = arith.divsi %broadcast_in_dim3A_1205, %div3A_1215 : vector<16x1xi32>
    %sign3A_1217 = arith.constant 0 : i32
    %sign3A_1218 = vector.broadcast %sign3A_1217 : i32 to vector<16x1xi32>
    %sign3A_1219 = arith.cmpi sgt, %broadcast_in_dim3A_1205, %sign3A_1218 : vector<16x1xi32>
    %sign3A_1220 = arith.extui %sign3A_1219 : vector<16x1xi1> to vector<16x1xi32>
    %sign3A_1221 = arith.constant 0 : i32
    %sign3A_1222 = vector.broadcast %sign3A_1221 : i32 to vector<16x1xi32>
    %sign3A_1223 = arith.cmpi slt, %broadcast_in_dim3A_1205, %sign3A_1222 : vector<16x1xi32>
    %sign3A_1224 = arith.extui %sign3A_1223 : vector<16x1xi1> to vector<16x1xi32>
    %sign3A_1225 = arith.subi %sign3A_1220, %sign3A_1224 : vector<16x1xi32>
    %sign3A_1226 = arith.constant 0 : i32
    %sign3A_1227 = arith.cmpi sgt, %jit3A_1214, %sign3A_1226 : i32
    %sign3A_1228 = arith.extui %sign3A_1227 : i1 to i32
    %sign3A_1229 = arith.constant 0 : i32
    %sign3A_1230 = arith.cmpi slt, %jit3A_1214, %sign3A_1229 : i32
    %sign3A_1231 = arith.extui %sign3A_1230 : i1 to i32
    %sign3A_1232 = arith.subi %sign3A_1228, %sign3A_1231 : i32
    %ne3A_1233 = vector.broadcast %sign3A_1232 : i32 to vector<16x1xi32>
    %ne3A_1234 = arith.cmpi ne, %sign3A_1225, %ne3A_1233 : vector<16x1xi32>
    %rem3A_1235 = vector.broadcast %jit3A_1214 : i32 to vector<16x1xi32>
    %rem3A_1236 = arith.remsi %broadcast_in_dim3A_1205, %rem3A_1235 : vector<16x1xi32>
    %ne3A_1237 = arith.constant 0 : i32
    %ne3A_1238 = vector.broadcast %ne3A_1237 : i32 to vector<16x1xi32>
    %ne3A_1239 = arith.cmpi ne, %rem3A_1236, %ne3A_1238 : vector<16x1xi32>
    %and3A_1240 = arith.andi %ne3A_1234, %ne3A_1239 : vector<16x1xi1>
    %sub3A_1241 = arith.constant 1 : i32
    %sub3A_1242 = vector.broadcast %sub3A_1241 : i32 to vector<16x1xi32>
    %sub3A_1243 = arith.subi %div3A_1216, %sub3A_1242 : vector<16x1xi32>
    %select_n3A_1244 = arith.select %and3A_1240, %sub3A_1243, %div3A_1216 : vector<16x1xi1>, vector<16x1xi32>
    %mul3A_1245 = arith.constant 64 : i32
    %mul3A_1246 = vector.broadcast %mul3A_1245 : i32 to vector<16x1xi32>
    %mul3A_1247 = arith.muli %select_n3A_1244, %mul3A_1246 : vector<16x1xi32>
    %sub3A_1248 = arith.subi %broadcast_in_dim3A_1205, %mul3A_1247 : vector<16x1xi32>
    %convert_element_type3A_1249 = arith.sitofp %sub3A_1248 : vector<16x1xi32> to vector<16x1xf32>
    %convert_element_type3A_1250 = arith.sitofp %select_n3A_1244 : vector<16x1xi32> to vector<16x1xf32>
    %add3A_1251 = arith.constant 67108864 : i32
    %add3A_1252 = vector.broadcast %add3A_1251 : i32 to vector<16x4096xi32>
    %add3A_1253 = arith.addi %add3A_20, %add3A_1252 : vector<16x4096xi32>
    %broadcast_in_dim3A_1254 = arith.constant 0 : i32
    %broadcast_in_dim3A_1255 = vector.broadcast %broadcast_in_dim3A_1254 : i32 to vector<16x4096xi32>
    %add3A_1256 = arith.constant 42 : i32
    %add3A_1257 = vector.broadcast %add3A_1256 : i32 to vector<16x4096xi32>
    %add3A_1258 = arith.addi %add3A_1253, %add3A_1257 : vector<16x4096xi32>
    %add3A_1259 = arith.addi %broadcast_in_dim3A_1255, %add3A_1258 : vector<16x4096xi32>
    %shift_left3A_1260 = arith.constant 13 : i32
    %shift_left3A_1261 = vector.broadcast %shift_left3A_1260 : i32 to vector<16x4096xi32>
    %shift_left3A_1262 = arith.shli %add3A_1258, %shift_left3A_1261 : vector<16x4096xi32>
    %shift_right_logical3A_1263 = arith.constant 19 : i32
    %shift_right_logical3A_1264 = vector.broadcast %shift_right_logical3A_1263 : i32 to vector<16x4096xi32>
    %shift_right_logical3A_1265 = arith.shrui %add3A_1258, %shift_right_logical3A_1264 : vector<16x4096xi32>
    %or3A_1266 = arith.ori %shift_left3A_1262, %shift_right_logical3A_1265 : vector<16x4096xi32>
    %xor3A_1267 = arith.xori %add3A_1259, %or3A_1266 : vector<16x4096xi32>
    %add3A_1268 = arith.addi %add3A_1259, %xor3A_1267 : vector<16x4096xi32>
    %shift_left3A_1269 = arith.constant 15 : i32
    %shift_left3A_1270 = vector.broadcast %shift_left3A_1269 : i32 to vector<16x4096xi32>
    %shift_left3A_1271 = arith.shli %xor3A_1267, %shift_left3A_1270 : vector<16x4096xi32>
    %shift_right_logical3A_1272 = arith.constant 17 : i32
    %shift_right_logical3A_1273 = vector.broadcast %shift_right_logical3A_1272 : i32 to vector<16x4096xi32>
    %shift_right_logical3A_1274 = arith.shrui %xor3A_1267, %shift_right_logical3A_1273 : vector<16x4096xi32>
    %or3A_1275 = arith.ori %shift_left3A_1271, %shift_right_logical3A_1274 : vector<16x4096xi32>
    %xor3A_1276 = arith.xori %add3A_1268, %or3A_1275 : vector<16x4096xi32>
    %add3A_1277 = arith.addi %add3A_1268, %xor3A_1276 : vector<16x4096xi32>
    %shift_left3A_1278 = arith.constant 26 : i32
    %shift_left3A_1279 = vector.broadcast %shift_left3A_1278 : i32 to vector<16x4096xi32>
    %shift_left3A_1280 = arith.shli %xor3A_1276, %shift_left3A_1279 : vector<16x4096xi32>
    %shift_right_logical3A_1281 = arith.constant 6 : i32
    %shift_right_logical3A_1282 = vector.broadcast %shift_right_logical3A_1281 : i32 to vector<16x4096xi32>
    %shift_right_logical3A_1283 = arith.shrui %xor3A_1276, %shift_right_logical3A_1282 : vector<16x4096xi32>
    %or3A_1284 = arith.ori %shift_left3A_1280, %shift_right_logical3A_1283 : vector<16x4096xi32>
    %xor3A_1285 = arith.xori %add3A_1277, %or3A_1284 : vector<16x4096xi32>
    %add3A_1286 = arith.addi %add3A_1277, %xor3A_1285 : vector<16x4096xi32>
    %shift_left3A_1287 = arith.constant 6 : i32
    %shift_left3A_1288 = vector.broadcast %shift_left3A_1287 : i32 to vector<16x4096xi32>
    %shift_left3A_1289 = arith.shli %xor3A_1285, %shift_left3A_1288 : vector<16x4096xi32>
    %shift_right_logical3A_1290 = arith.constant 26 : i32
    %shift_right_logical3A_1291 = vector.broadcast %shift_right_logical3A_1290 : i32 to vector<16x4096xi32>
    %shift_right_logical3A_1292 = arith.shrui %xor3A_1285, %shift_right_logical3A_1291 : vector<16x4096xi32>
    %or3A_1293 = arith.ori %shift_left3A_1289, %shift_right_logical3A_1292 : vector<16x4096xi32>
    %xor3A_1294 = arith.xori %add3A_1286, %or3A_1293 : vector<16x4096xi32>
    %add3A_1295 = arith.constant 42 : i32
    %add3A_1296 = vector.broadcast %add3A_1295 : i32 to vector<16x4096xi32>
    %add3A_1297 = arith.addi %add3A_1286, %add3A_1296 : vector<16x4096xi32>
    %add3A_1298 = arith.constant 466689008 : i32
    %add3A_1299 = vector.broadcast %add3A_1298 : i32 to vector<16x4096xi32>
    %add3A_1300 = arith.addi %xor3A_1294, %add3A_1299 : vector<16x4096xi32>
    %add3A_1301 = arith.constant 1 : i32
    %add3A_1302 = vector.broadcast %add3A_1301 : i32 to vector<16x4096xi32>
    %add3A_1303 = arith.addi %add3A_1300, %add3A_1302 : vector<16x4096xi32>
    %add3A_1304 = arith.addi %add3A_1297, %add3A_1303 : vector<16x4096xi32>
    %shift_left3A_1305 = arith.constant 17 : i32
    %shift_left3A_1306 = vector.broadcast %shift_left3A_1305 : i32 to vector<16x4096xi32>
    %shift_left3A_1307 = arith.shli %add3A_1303, %shift_left3A_1306 : vector<16x4096xi32>
    %shift_right_logical3A_1308 = arith.constant 15 : i32
    %shift_right_logical3A_1309 = vector.broadcast %shift_right_logical3A_1308 : i32 to vector<16x4096xi32>
    %shift_right_logical3A_1310 = arith.shrui %add3A_1303, %shift_right_logical3A_1309 : vector<16x4096xi32>
    %or3A_1311 = arith.ori %shift_left3A_1307, %shift_right_logical3A_1310 : vector<16x4096xi32>
    %xor3A_1312 = arith.xori %add3A_1304, %or3A_1311 : vector<16x4096xi32>
    %add3A_1313 = arith.addi %add3A_1304, %xor3A_1312 : vector<16x4096xi32>
    %shift_left3A_1314 = arith.constant 29 : i32
    %shift_left3A_1315 = vector.broadcast %shift_left3A_1314 : i32 to vector<16x4096xi32>
    %shift_left3A_1316 = arith.shli %xor3A_1312, %shift_left3A_1315 : vector<16x4096xi32>
    %shift_right_logical3A_1317 = arith.constant 3 : i32
    %shift_right_logical3A_1318 = vector.broadcast %shift_right_logical3A_1317 : i32 to vector<16x4096xi32>
    %shift_right_logical3A_1319 = arith.shrui %xor3A_1312, %shift_right_logical3A_1318 : vector<16x4096xi32>
    %or3A_1320 = arith.ori %shift_left3A_1316, %shift_right_logical3A_1319 : vector<16x4096xi32>
    %xor3A_1321 = arith.xori %add3A_1313, %or3A_1320 : vector<16x4096xi32>
    %add3A_1322 = arith.addi %add3A_1313, %xor3A_1321 : vector<16x4096xi32>
    %shift_left3A_1323 = arith.constant 16 : i32
    %shift_left3A_1324 = vector.broadcast %shift_left3A_1323 : i32 to vector<16x4096xi32>
    %shift_left3A_1325 = arith.shli %xor3A_1321, %shift_left3A_1324 : vector<16x4096xi32>
    %shift_right_logical3A_1326 = arith.constant 16 : i32
    %shift_right_logical3A_1327 = vector.broadcast %shift_right_logical3A_1326 : i32 to vector<16x4096xi32>
    %shift_right_logical3A_1328 = arith.shrui %xor3A_1321, %shift_right_logical3A_1327 : vector<16x4096xi32>
    %or3A_1329 = arith.ori %shift_left3A_1325, %shift_right_logical3A_1328 : vector<16x4096xi32>
    %xor3A_1330 = arith.xori %add3A_1322, %or3A_1329 : vector<16x4096xi32>
    %add3A_1331 = arith.addi %add3A_1322, %xor3A_1330 : vector<16x4096xi32>
    %shift_left3A_1332 = arith.constant 24 : i32
    %shift_left3A_1333 = vector.broadcast %shift_left3A_1332 : i32 to vector<16x4096xi32>
    %shift_left3A_1334 = arith.shli %xor3A_1330, %shift_left3A_1333 : vector<16x4096xi32>
    %shift_right_logical3A_1335 = arith.constant 8 : i32
    %shift_right_logical3A_1336 = vector.broadcast %shift_right_logical3A_1335 : i32 to vector<16x4096xi32>
    %shift_right_logical3A_1337 = arith.shrui %xor3A_1330, %shift_right_logical3A_1336 : vector<16x4096xi32>
    %or3A_1338 = arith.ori %shift_left3A_1334, %shift_right_logical3A_1337 : vector<16x4096xi32>
    %xor3A_1339 = arith.xori %add3A_1331, %or3A_1338 : vector<16x4096xi32>
    %add3A_1340 = arith.constant 466689008 : i32
    %add3A_1341 = vector.broadcast %add3A_1340 : i32 to vector<16x4096xi32>
    %add3A_1342 = arith.addi %add3A_1331, %add3A_1341 : vector<16x4096xi32>
    %add3A_1343 = arith.constant 0 : i32
    %add3A_1344 = vector.broadcast %add3A_1343 : i32 to vector<16x4096xi32>
    %add3A_1345 = arith.addi %xor3A_1339, %add3A_1344 : vector<16x4096xi32>
    %add3A_1346 = arith.constant 2 : i32
    %add3A_1347 = vector.broadcast %add3A_1346 : i32 to vector<16x4096xi32>
    %add3A_1348 = arith.addi %add3A_1345, %add3A_1347 : vector<16x4096xi32>
    %add3A_1349 = arith.addi %add3A_1342, %add3A_1348 : vector<16x4096xi32>
    %shift_left3A_1350 = arith.constant 13 : i32
    %shift_left3A_1351 = vector.broadcast %shift_left3A_1350 : i32 to vector<16x4096xi32>
    %shift_left3A_1352 = arith.shli %add3A_1348, %shift_left3A_1351 : vector<16x4096xi32>
    %shift_right_logical3A_1353 = arith.constant 19 : i32
    %shift_right_logical3A_1354 = vector.broadcast %shift_right_logical3A_1353 : i32 to vector<16x4096xi32>
    %shift_right_logical3A_1355 = arith.shrui %add3A_1348, %shift_right_logical3A_1354 : vector<16x4096xi32>
    %or3A_1356 = arith.ori %shift_left3A_1352, %shift_right_logical3A_1355 : vector<16x4096xi32>
    %xor3A_1357 = arith.xori %add3A_1349, %or3A_1356 : vector<16x4096xi32>
    %add3A_1358 = arith.addi %add3A_1349, %xor3A_1357 : vector<16x4096xi32>
    %shift_left3A_1359 = arith.constant 15 : i32
    %shift_left3A_1360 = vector.broadcast %shift_left3A_1359 : i32 to vector<16x4096xi32>
    %shift_left3A_1361 = arith.shli %xor3A_1357, %shift_left3A_1360 : vector<16x4096xi32>
    %shift_right_logical3A_1362 = arith.constant 17 : i32
    %shift_right_logical3A_1363 = vector.broadcast %shift_right_logical3A_1362 : i32 to vector<16x4096xi32>
    %shift_right_logical3A_1364 = arith.shrui %xor3A_1357, %shift_right_logical3A_1363 : vector<16x4096xi32>
    %or3A_1365 = arith.ori %shift_left3A_1361, %shift_right_logical3A_1364 : vector<16x4096xi32>
    %xor3A_1366 = arith.xori %add3A_1358, %or3A_1365 : vector<16x4096xi32>
    %add3A_1367 = arith.addi %add3A_1358, %xor3A_1366 : vector<16x4096xi32>
    %shift_left3A_1368 = arith.constant 26 : i32
    %shift_left3A_1369 = vector.broadcast %shift_left3A_1368 : i32 to vector<16x4096xi32>
    %shift_left3A_1370 = arith.shli %xor3A_1366, %shift_left3A_1369 : vector<16x4096xi32>
    %shift_right_logical3A_1371 = arith.constant 6 : i32
    %shift_right_logical3A_1372 = vector.broadcast %shift_right_logical3A_1371 : i32 to vector<16x4096xi32>
    %shift_right_logical3A_1373 = arith.shrui %xor3A_1366, %shift_right_logical3A_1372 : vector<16x4096xi32>
    %or3A_1374 = arith.ori %shift_left3A_1370, %shift_right_logical3A_1373 : vector<16x4096xi32>
    %xor3A_1375 = arith.xori %add3A_1367, %or3A_1374 : vector<16x4096xi32>
    %add3A_1376 = arith.addi %add3A_1367, %xor3A_1375 : vector<16x4096xi32>
    %shift_left3A_1377 = arith.constant 6 : i32
    %shift_left3A_1378 = vector.broadcast %shift_left3A_1377 : i32 to vector<16x4096xi32>
    %shift_left3A_1379 = arith.shli %xor3A_1375, %shift_left3A_1378 : vector<16x4096xi32>
    %shift_right_logical3A_1380 = arith.constant 26 : i32
    %shift_right_logical3A_1381 = vector.broadcast %shift_right_logical3A_1380 : i32 to vector<16x4096xi32>
    %shift_right_logical3A_1382 = arith.shrui %xor3A_1375, %shift_right_logical3A_1381 : vector<16x4096xi32>
    %or3A_1383 = arith.ori %shift_left3A_1379, %shift_right_logical3A_1382 : vector<16x4096xi32>
    %xor3A_1384 = arith.xori %add3A_1376, %or3A_1383 : vector<16x4096xi32>
    %add3A_1385 = arith.constant 0 : i32
    %add3A_1386 = vector.broadcast %add3A_1385 : i32 to vector<16x4096xi32>
    %add3A_1387 = arith.addi %add3A_1376, %add3A_1386 : vector<16x4096xi32>
    %add3A_1388 = arith.constant 42 : i32
    %add3A_1389 = vector.broadcast %add3A_1388 : i32 to vector<16x4096xi32>
    %add3A_1390 = arith.addi %xor3A_1384, %add3A_1389 : vector<16x4096xi32>
    %add3A_1391 = arith.constant 3 : i32
    %add3A_1392 = vector.broadcast %add3A_1391 : i32 to vector<16x4096xi32>
    %add3A_1393 = arith.addi %add3A_1390, %add3A_1392 : vector<16x4096xi32>
    %add3A_1394 = arith.addi %add3A_1387, %add3A_1393 : vector<16x4096xi32>
    %shift_left3A_1395 = arith.constant 17 : i32
    %shift_left3A_1396 = vector.broadcast %shift_left3A_1395 : i32 to vector<16x4096xi32>
    %shift_left3A_1397 = arith.shli %add3A_1393, %shift_left3A_1396 : vector<16x4096xi32>
    %shift_right_logical3A_1398 = arith.constant 15 : i32
    %shift_right_logical3A_1399 = vector.broadcast %shift_right_logical3A_1398 : i32 to vector<16x4096xi32>
    %shift_right_logical3A_1400 = arith.shrui %add3A_1393, %shift_right_logical3A_1399 : vector<16x4096xi32>
    %or3A_1401 = arith.ori %shift_left3A_1397, %shift_right_logical3A_1400 : vector<16x4096xi32>
    %xor3A_1402 = arith.xori %add3A_1394, %or3A_1401 : vector<16x4096xi32>
    %add3A_1403 = arith.addi %add3A_1394, %xor3A_1402 : vector<16x4096xi32>
    %shift_left3A_1404 = arith.constant 29 : i32
    %shift_left3A_1405 = vector.broadcast %shift_left3A_1404 : i32 to vector<16x4096xi32>
    %shift_left3A_1406 = arith.shli %xor3A_1402, %shift_left3A_1405 : vector<16x4096xi32>
    %shift_right_logical3A_1407 = arith.constant 3 : i32
    %shift_right_logical3A_1408 = vector.broadcast %shift_right_logical3A_1407 : i32 to vector<16x4096xi32>
    %shift_right_logical3A_1409 = arith.shrui %xor3A_1402, %shift_right_logical3A_1408 : vector<16x4096xi32>
    %or3A_1410 = arith.ori %shift_left3A_1406, %shift_right_logical3A_1409 : vector<16x4096xi32>
    %xor3A_1411 = arith.xori %add3A_1403, %or3A_1410 : vector<16x4096xi32>
    %add3A_1412 = arith.addi %add3A_1403, %xor3A_1411 : vector<16x4096xi32>
    %shift_left3A_1413 = arith.constant 16 : i32
    %shift_left3A_1414 = vector.broadcast %shift_left3A_1413 : i32 to vector<16x4096xi32>
    %shift_left3A_1415 = arith.shli %xor3A_1411, %shift_left3A_1414 : vector<16x4096xi32>
    %shift_right_logical3A_1416 = arith.constant 16 : i32
    %shift_right_logical3A_1417 = vector.broadcast %shift_right_logical3A_1416 : i32 to vector<16x4096xi32>
    %shift_right_logical3A_1418 = arith.shrui %xor3A_1411, %shift_right_logical3A_1417 : vector<16x4096xi32>
    %or3A_1419 = arith.ori %shift_left3A_1415, %shift_right_logical3A_1418 : vector<16x4096xi32>
    %xor3A_1420 = arith.xori %add3A_1412, %or3A_1419 : vector<16x4096xi32>
    %add3A_1421 = arith.addi %add3A_1412, %xor3A_1420 : vector<16x4096xi32>
    %shift_left3A_1422 = arith.constant 24 : i32
    %shift_left3A_1423 = vector.broadcast %shift_left3A_1422 : i32 to vector<16x4096xi32>
    %shift_left3A_1424 = arith.shli %xor3A_1420, %shift_left3A_1423 : vector<16x4096xi32>
    %shift_right_logical3A_1425 = arith.constant 8 : i32
    %shift_right_logical3A_1426 = vector.broadcast %shift_right_logical3A_1425 : i32 to vector<16x4096xi32>
    %shift_right_logical3A_1427 = arith.shrui %xor3A_1420, %shift_right_logical3A_1426 : vector<16x4096xi32>
    %or3A_1428 = arith.ori %shift_left3A_1424, %shift_right_logical3A_1427 : vector<16x4096xi32>
    %xor3A_1429 = arith.xori %add3A_1421, %or3A_1428 : vector<16x4096xi32>
    %add3A_1430 = arith.constant 42 : i32
    %add3A_1431 = vector.broadcast %add3A_1430 : i32 to vector<16x4096xi32>
    %add3A_1432 = arith.addi %add3A_1421, %add3A_1431 : vector<16x4096xi32>
    %add3A_1433 = arith.constant 466689008 : i32
    %add3A_1434 = vector.broadcast %add3A_1433 : i32 to vector<16x4096xi32>
    %add3A_1435 = arith.addi %xor3A_1429, %add3A_1434 : vector<16x4096xi32>
    %add3A_1436 = arith.constant 4 : i32
    %add3A_1437 = vector.broadcast %add3A_1436 : i32 to vector<16x4096xi32>
    %add3A_1438 = arith.addi %add3A_1435, %add3A_1437 : vector<16x4096xi32>
    %add3A_1439 = arith.addi %add3A_1432, %add3A_1438 : vector<16x4096xi32>
    %shift_left3A_1440 = arith.constant 13 : i32
    %shift_left3A_1441 = vector.broadcast %shift_left3A_1440 : i32 to vector<16x4096xi32>
    %shift_left3A_1442 = arith.shli %add3A_1438, %shift_left3A_1441 : vector<16x4096xi32>
    %shift_right_logical3A_1443 = arith.constant 19 : i32
    %shift_right_logical3A_1444 = vector.broadcast %shift_right_logical3A_1443 : i32 to vector<16x4096xi32>
    %shift_right_logical3A_1445 = arith.shrui %add3A_1438, %shift_right_logical3A_1444 : vector<16x4096xi32>
    %or3A_1446 = arith.ori %shift_left3A_1442, %shift_right_logical3A_1445 : vector<16x4096xi32>
    %xor3A_1447 = arith.xori %add3A_1439, %or3A_1446 : vector<16x4096xi32>
    %add3A_1448 = arith.addi %add3A_1439, %xor3A_1447 : vector<16x4096xi32>
    %shift_left3A_1449 = arith.constant 15 : i32
    %shift_left3A_1450 = vector.broadcast %shift_left3A_1449 : i32 to vector<16x4096xi32>
    %shift_left3A_1451 = arith.shli %xor3A_1447, %shift_left3A_1450 : vector<16x4096xi32>
    %shift_right_logical3A_1452 = arith.constant 17 : i32
    %shift_right_logical3A_1453 = vector.broadcast %shift_right_logical3A_1452 : i32 to vector<16x4096xi32>
    %shift_right_logical3A_1454 = arith.shrui %xor3A_1447, %shift_right_logical3A_1453 : vector<16x4096xi32>
    %or3A_1455 = arith.ori %shift_left3A_1451, %shift_right_logical3A_1454 : vector<16x4096xi32>
    %xor3A_1456 = arith.xori %add3A_1448, %or3A_1455 : vector<16x4096xi32>
    %add3A_1457 = arith.addi %add3A_1448, %xor3A_1456 : vector<16x4096xi32>
    %shift_left3A_1458 = arith.constant 26 : i32
    %shift_left3A_1459 = vector.broadcast %shift_left3A_1458 : i32 to vector<16x4096xi32>
    %shift_left3A_1460 = arith.shli %xor3A_1456, %shift_left3A_1459 : vector<16x4096xi32>
    %shift_right_logical3A_1461 = arith.constant 6 : i32
    %shift_right_logical3A_1462 = vector.broadcast %shift_right_logical3A_1461 : i32 to vector<16x4096xi32>
    %shift_right_logical3A_1463 = arith.shrui %xor3A_1456, %shift_right_logical3A_1462 : vector<16x4096xi32>
    %or3A_1464 = arith.ori %shift_left3A_1460, %shift_right_logical3A_1463 : vector<16x4096xi32>
    %xor3A_1465 = arith.xori %add3A_1457, %or3A_1464 : vector<16x4096xi32>
    %add3A_1466 = arith.addi %add3A_1457, %xor3A_1465 : vector<16x4096xi32>
    %shift_left3A_1467 = arith.constant 6 : i32
    %shift_left3A_1468 = vector.broadcast %shift_left3A_1467 : i32 to vector<16x4096xi32>
    %shift_left3A_1469 = arith.shli %xor3A_1465, %shift_left3A_1468 : vector<16x4096xi32>
    %shift_right_logical3A_1470 = arith.constant 26 : i32
    %shift_right_logical3A_1471 = vector.broadcast %shift_right_logical3A_1470 : i32 to vector<16x4096xi32>
    %shift_right_logical3A_1472 = arith.shrui %xor3A_1465, %shift_right_logical3A_1471 : vector<16x4096xi32>
    %or3A_1473 = arith.ori %shift_left3A_1469, %shift_right_logical3A_1472 : vector<16x4096xi32>
    %xor3A_1474 = arith.xori %add3A_1466, %or3A_1473 : vector<16x4096xi32>
    %add3A_1475 = arith.constant 466689008 : i32
    %add3A_1476 = vector.broadcast %add3A_1475 : i32 to vector<16x4096xi32>
    %add3A_1477 = arith.addi %add3A_1466, %add3A_1476 : vector<16x4096xi32>
    %add3A_1478 = arith.constant 0 : i32
    %add3A_1479 = vector.broadcast %add3A_1478 : i32 to vector<16x4096xi32>
    %add3A_1480 = arith.addi %xor3A_1474, %add3A_1479 : vector<16x4096xi32>
    %add3A_1481 = arith.constant 5 : i32
    %add3A_1482 = vector.broadcast %add3A_1481 : i32 to vector<16x4096xi32>
    %add3A_1483 = arith.addi %add3A_1480, %add3A_1482 : vector<16x4096xi32>
    %xor3A_1484 = arith.xori %add3A_1477, %add3A_1483 : vector<16x4096xi32>
    %shift_right_logical3A_1485 = arith.constant 9 : i32
    %shift_right_logical3A_1486 = vector.broadcast %shift_right_logical3A_1485 : i32 to vector<16x4096xi32>
    %shift_right_logical3A_1487 = arith.shrui %xor3A_1484, %shift_right_logical3A_1486 : vector<16x4096xi32>
    %or3A_1488 = arith.constant 1065353216 : i32
    %or3A_1489 = vector.broadcast %or3A_1488 : i32 to vector<16x4096xi32>
    %or3A_1490 = arith.ori %shift_right_logical3A_1487, %or3A_1489 : vector<16x4096xi32>
    %bitcast_convert_type3A_1491 = tpu.bitcast %or3A_1490 : vector<16x4096xi32> -> vector<16x4096xf32>
    %sub3A_1492 = arith.constant 1.000000e+00 : f32
    %sub3A_1493 = vector.broadcast %sub3A_1492 : f32 to vector<16x4096xf32>
    %sub3A_1494 = arith.subf %bitcast_convert_type3A_1491, %sub3A_1493 : vector<16x4096xf32>
    %max3A_1495 = arith.constant 1.17549435E-38 : f32
    %max3A_1496 = vector.broadcast %max3A_1495 : f32 to vector<16x4096xf32>
    %max3A_1497 = arith.maximumf %sub3A_1494, %max3A_1496 : vector<16x4096xf32>
    %log3A_1498 = math.log %max3A_1497 : vector<16x4096xf32>
    %neg3A_1499 = arith.constant 0.000000e+00 : f32
    %neg3A_1500 = vector.broadcast %neg3A_1499 : f32 to vector<16x4096xf32>
    %neg3A_1501 = arith.subf %neg3A_1500, %log3A_1498 : vector<16x4096xf32>
    %log3A_1502 = math.log %neg3A_1501 : vector<16x4096xf32>
    %neg3A_1503 = arith.constant 0.000000e+00 : f32
    %neg3A_1504 = vector.broadcast %neg3A_1503 : f32 to vector<16x4096xf32>
    %neg3A_1505 = arith.subf %neg3A_1504, %log3A_1502 : vector<16x4096xf32>
    %add3A_1506 = arith.addf %neg3A_1505, %select_n3A_13 : vector<16x4096xf32>
    %reduce_max3A_1507 = arith.constant dense<0xFF800000> : vector<16xf32>
    %reduce_max3A_1508 = vector.multi_reduction <maximumf>, %add3A_1506, %reduce_max3A_1507 [1] : vector<16x4096xf32> to vector<16xf32>
    %broadcast_in_dim3A_1509 = vector.shape_cast %reduce_max3A_1508 : vector<16xf32> to vector<16x1xf32>
    %eq3A_1510 = vector.broadcast %broadcast_in_dim3A_1509 : vector<16x1xf32> to vector<16x4096xf32>
    %eq3A_1511 = arith.cmpf oeq, %add3A_1506, %eq3A_1510 : vector<16x4096xf32>
    %jit3A_1512 = arith.constant 4096 : i32
    %broadcast_in_dim3A_1513 = vector.broadcast %jit3A_1512 : i32 to vector<16x4096xi32>
    %select_n3A_1514 = arith.select %eq3A_1511, %iota3A, %broadcast_in_dim3A_1513 : vector<16x4096xi1>, vector<16x4096xi32>
    %reduce_min3A_1515 = arith.constant dense<2147483647> : vector<16xi32>
    %reduce_min3A_1516 = vector.multi_reduction <minsi>, %select_n3A_1514, %reduce_min3A_1515 [1] : vector<16x4096xi32> to vector<16xi32>
    %broadcast_in_dim3A_1517 = vector.shape_cast %reduce_min3A_1516 : vector<16xi32> to vector<16x1xi32>
    %eq3A_1518 = vector.broadcast %broadcast_in_dim3A_1517 : vector<16x1xi32> to vector<16x4096xi32>
    %eq3A_1519 = arith.cmpi eq, %iota3A, %eq3A_1518 : vector<16x4096xi32>
    %jit3A_1520 = arith.constant 0.000000e+00 : f32
    %broadcast_in_dim3A_1521 = vector.broadcast %jit3A_1520 : f32 to vector<16x4096xf32>
    %select_n3A_1522 = arith.select %eq3A_1519, %select_n3A, %broadcast_in_dim3A_1521 : vector<16x4096xi1>, vector<16x4096xf32>
    %reduce_sum3A_1523 = arith.constant dense<0.000000e+00> : vector<16xf32>
    %reduce_sum3A_1524 = vector.multi_reduction <add>, %select_n3A_1522, %reduce_sum3A_1523 [1] : vector<16x4096xf32> to vector<16xf32>
    %broadcast_in_dim3A_1525 = vector.shape_cast %reduce_sum3A_1524 : vector<16xf32> to vector<16x1xf32>
    %jit3A_1526 = arith.constant 64 : i32
    %div3A_1527 = vector.broadcast %jit3A_1526 : i32 to vector<16x1xi32>
    %div3A_1528 = arith.divsi %broadcast_in_dim3A_1517, %div3A_1527 : vector<16x1xi32>
    %sign3A_1529 = arith.constant 0 : i32
    %sign3A_1530 = vector.broadcast %sign3A_1529 : i32 to vector<16x1xi32>
    %sign3A_1531 = arith.cmpi sgt, %broadcast_in_dim3A_1517, %sign3A_1530 : vector<16x1xi32>
    %sign3A_1532 = arith.extui %sign3A_1531 : vector<16x1xi1> to vector<16x1xi32>
    %sign3A_1533 = arith.constant 0 : i32
    %sign3A_1534 = vector.broadcast %sign3A_1533 : i32 to vector<16x1xi32>
    %sign3A_1535 = arith.cmpi slt, %broadcast_in_dim3A_1517, %sign3A_1534 : vector<16x1xi32>
    %sign3A_1536 = arith.extui %sign3A_1535 : vector<16x1xi1> to vector<16x1xi32>
    %sign3A_1537 = arith.subi %sign3A_1532, %sign3A_1536 : vector<16x1xi32>
    %sign3A_1538 = arith.constant 0 : i32
    %sign3A_1539 = arith.cmpi sgt, %jit3A_1526, %sign3A_1538 : i32
    %sign3A_1540 = arith.extui %sign3A_1539 : i1 to i32
    %sign3A_1541 = arith.constant 0 : i32
    %sign3A_1542 = arith.cmpi slt, %jit3A_1526, %sign3A_1541 : i32
    %sign3A_1543 = arith.extui %sign3A_1542 : i1 to i32
    %sign3A_1544 = arith.subi %sign3A_1540, %sign3A_1543 : i32
    %ne3A_1545 = vector.broadcast %sign3A_1544 : i32 to vector<16x1xi32>
    %ne3A_1546 = arith.cmpi ne, %sign3A_1537, %ne3A_1545 : vector<16x1xi32>
    %rem3A_1547 = vector.broadcast %jit3A_1526 : i32 to vector<16x1xi32>
    %rem3A_1548 = arith.remsi %broadcast_in_dim3A_1517, %rem3A_1547 : vector<16x1xi32>
    %ne3A_1549 = arith.constant 0 : i32
    %ne3A_1550 = vector.broadcast %ne3A_1549 : i32 to vector<16x1xi32>
    %ne3A_1551 = arith.cmpi ne, %rem3A_1548, %ne3A_1550 : vector<16x1xi32>
    %and3A_1552 = arith.andi %ne3A_1546, %ne3A_1551 : vector<16x1xi1>
    %sub3A_1553 = arith.constant 1 : i32
    %sub3A_1554 = vector.broadcast %sub3A_1553 : i32 to vector<16x1xi32>
    %sub3A_1555 = arith.subi %div3A_1528, %sub3A_1554 : vector<16x1xi32>
    %select_n3A_1556 = arith.select %and3A_1552, %sub3A_1555, %div3A_1528 : vector<16x1xi1>, vector<16x1xi32>
    %mul3A_1557 = arith.constant 64 : i32
    %mul3A_1558 = vector.broadcast %mul3A_1557 : i32 to vector<16x1xi32>
    %mul3A_1559 = arith.muli %select_n3A_1556, %mul3A_1558 : vector<16x1xi32>
    %sub3A_1560 = arith.subi %broadcast_in_dim3A_1517, %mul3A_1559 : vector<16x1xi32>
    %convert_element_type3A_1561 = arith.sitofp %sub3A_1560 : vector<16x1xi32> to vector<16x1xf32>
    %convert_element_type3A_1562 = arith.sitofp %select_n3A_1556 : vector<16x1xi32> to vector<16x1xf32>
    %add3A_1563 = arith.constant 83886080 : i32
    %add3A_1564 = vector.broadcast %add3A_1563 : i32 to vector<16x4096xi32>
    %add3A_1565 = arith.addi %add3A_20, %add3A_1564 : vector<16x4096xi32>
    %broadcast_in_dim3A_1566 = arith.constant 0 : i32
    %broadcast_in_dim3A_1567 = vector.broadcast %broadcast_in_dim3A_1566 : i32 to vector<16x4096xi32>
    %add3A_1568 = arith.constant 42 : i32
    %add3A_1569 = vector.broadcast %add3A_1568 : i32 to vector<16x4096xi32>
    %add3A_1570 = arith.addi %add3A_1565, %add3A_1569 : vector<16x4096xi32>
    %add3A_1571 = arith.addi %broadcast_in_dim3A_1567, %add3A_1570 : vector<16x4096xi32>
    %shift_left3A_1572 = arith.constant 13 : i32
    %shift_left3A_1573 = vector.broadcast %shift_left3A_1572 : i32 to vector<16x4096xi32>
    %shift_left3A_1574 = arith.shli %add3A_1570, %shift_left3A_1573 : vector<16x4096xi32>
    %shift_right_logical3A_1575 = arith.constant 19 : i32
    %shift_right_logical3A_1576 = vector.broadcast %shift_right_logical3A_1575 : i32 to vector<16x4096xi32>
    %shift_right_logical3A_1577 = arith.shrui %add3A_1570, %shift_right_logical3A_1576 : vector<16x4096xi32>
    %or3A_1578 = arith.ori %shift_left3A_1574, %shift_right_logical3A_1577 : vector<16x4096xi32>
    %xor3A_1579 = arith.xori %add3A_1571, %or3A_1578 : vector<16x4096xi32>
    %add3A_1580 = arith.addi %add3A_1571, %xor3A_1579 : vector<16x4096xi32>
    %shift_left3A_1581 = arith.constant 15 : i32
    %shift_left3A_1582 = vector.broadcast %shift_left3A_1581 : i32 to vector<16x4096xi32>
    %shift_left3A_1583 = arith.shli %xor3A_1579, %shift_left3A_1582 : vector<16x4096xi32>
    %shift_right_logical3A_1584 = arith.constant 17 : i32
    %shift_right_logical3A_1585 = vector.broadcast %shift_right_logical3A_1584 : i32 to vector<16x4096xi32>
    %shift_right_logical3A_1586 = arith.shrui %xor3A_1579, %shift_right_logical3A_1585 : vector<16x4096xi32>
    %or3A_1587 = arith.ori %shift_left3A_1583, %shift_right_logical3A_1586 : vector<16x4096xi32>
    %xor3A_1588 = arith.xori %add3A_1580, %or3A_1587 : vector<16x4096xi32>
    %add3A_1589 = arith.addi %add3A_1580, %xor3A_1588 : vector<16x4096xi32>
    %shift_left3A_1590 = arith.constant 26 : i32
    %shift_left3A_1591 = vector.broadcast %shift_left3A_1590 : i32 to vector<16x4096xi32>
    %shift_left3A_1592 = arith.shli %xor3A_1588, %shift_left3A_1591 : vector<16x4096xi32>
    %shift_right_logical3A_1593 = arith.constant 6 : i32
    %shift_right_logical3A_1594 = vector.broadcast %shift_right_logical3A_1593 : i32 to vector<16x4096xi32>
    %shift_right_logical3A_1595 = arith.shrui %xor3A_1588, %shift_right_logical3A_1594 : vector<16x4096xi32>
    %or3A_1596 = arith.ori %shift_left3A_1592, %shift_right_logical3A_1595 : vector<16x4096xi32>
    %xor3A_1597 = arith.xori %add3A_1589, %or3A_1596 : vector<16x4096xi32>
    %add3A_1598 = arith.addi %add3A_1589, %xor3A_1597 : vector<16x4096xi32>
    %shift_left3A_1599 = arith.constant 6 : i32
    %shift_left3A_1600 = vector.broadcast %shift_left3A_1599 : i32 to vector<16x4096xi32>
    %shift_left3A_1601 = arith.shli %xor3A_1597, %shift_left3A_1600 : vector<16x4096xi32>
    %shift_right_logical3A_1602 = arith.constant 26 : i32
    %shift_right_logical3A_1603 = vector.broadcast %shift_right_logical3A_1602 : i32 to vector<16x4096xi32>
    %shift_right_logical3A_1604 = arith.shrui %xor3A_1597, %shift_right_logical3A_1603 : vector<16x4096xi32>
    %or3A_1605 = arith.ori %shift_left3A_1601, %shift_right_logical3A_1604 : vector<16x4096xi32>
    %xor3A_1606 = arith.xori %add3A_1598, %or3A_1605 : vector<16x4096xi32>
    %add3A_1607 = arith.constant 42 : i32
    %add3A_1608 = vector.broadcast %add3A_1607 : i32 to vector<16x4096xi32>
    %add3A_1609 = arith.addi %add3A_1598, %add3A_1608 : vector<16x4096xi32>
    %add3A_1610 = arith.constant 466689008 : i32
    %add3A_1611 = vector.broadcast %add3A_1610 : i32 to vector<16x4096xi32>
    %add3A_1612 = arith.addi %xor3A_1606, %add3A_1611 : vector<16x4096xi32>
    %add3A_1613 = arith.constant 1 : i32
    %add3A_1614 = vector.broadcast %add3A_1613 : i32 to vector<16x4096xi32>
    %add3A_1615 = arith.addi %add3A_1612, %add3A_1614 : vector<16x4096xi32>
    %add3A_1616 = arith.addi %add3A_1609, %add3A_1615 : vector<16x4096xi32>
    %shift_left3A_1617 = arith.constant 17 : i32
    %shift_left3A_1618 = vector.broadcast %shift_left3A_1617 : i32 to vector<16x4096xi32>
    %shift_left3A_1619 = arith.shli %add3A_1615, %shift_left3A_1618 : vector<16x4096xi32>
    %shift_right_logical3A_1620 = arith.constant 15 : i32
    %shift_right_logical3A_1621 = vector.broadcast %shift_right_logical3A_1620 : i32 to vector<16x4096xi32>
    %shift_right_logical3A_1622 = arith.shrui %add3A_1615, %shift_right_logical3A_1621 : vector<16x4096xi32>
    %or3A_1623 = arith.ori %shift_left3A_1619, %shift_right_logical3A_1622 : vector<16x4096xi32>
    %xor3A_1624 = arith.xori %add3A_1616, %or3A_1623 : vector<16x4096xi32>
    %add3A_1625 = arith.addi %add3A_1616, %xor3A_1624 : vector<16x4096xi32>
    %shift_left3A_1626 = arith.constant 29 : i32
    %shift_left3A_1627 = vector.broadcast %shift_left3A_1626 : i32 to vector<16x4096xi32>
    %shift_left3A_1628 = arith.shli %xor3A_1624, %shift_left3A_1627 : vector<16x4096xi32>
    %shift_right_logical3A_1629 = arith.constant 3 : i32
    %shift_right_logical3A_1630 = vector.broadcast %shift_right_logical3A_1629 : i32 to vector<16x4096xi32>
    %shift_right_logical3A_1631 = arith.shrui %xor3A_1624, %shift_right_logical3A_1630 : vector<16x4096xi32>
    %or3A_1632 = arith.ori %shift_left3A_1628, %shift_right_logical3A_1631 : vector<16x4096xi32>
    %xor3A_1633 = arith.xori %add3A_1625, %or3A_1632 : vector<16x4096xi32>
    %add3A_1634 = arith.addi %add3A_1625, %xor3A_1633 : vector<16x4096xi32>
    %shift_left3A_1635 = arith.constant 16 : i32
    %shift_left3A_1636 = vector.broadcast %shift_left3A_1635 : i32 to vector<16x4096xi32>
    %shift_left3A_1637 = arith.shli %xor3A_1633, %shift_left3A_1636 : vector<16x4096xi32>
    %shift_right_logical3A_1638 = arith.constant 16 : i32
    %shift_right_logical3A_1639 = vector.broadcast %shift_right_logical3A_1638 : i32 to vector<16x4096xi32>
    %shift_right_logical3A_1640 = arith.shrui %xor3A_1633, %shift_right_logical3A_1639 : vector<16x4096xi32>
    %or3A_1641 = arith.ori %shift_left3A_1637, %shift_right_logical3A_1640 : vector<16x4096xi32>
    %xor3A_1642 = arith.xori %add3A_1634, %or3A_1641 : vector<16x4096xi32>
    %add3A_1643 = arith.addi %add3A_1634, %xor3A_1642 : vector<16x4096xi32>
    %shift_left3A_1644 = arith.constant 24 : i32
    %shift_left3A_1645 = vector.broadcast %shift_left3A_1644 : i32 to vector<16x4096xi32>
    %shift_left3A_1646 = arith.shli %xor3A_1642, %shift_left3A_1645 : vector<16x4096xi32>
    %shift_right_logical3A_1647 = arith.constant 8 : i32
    %shift_right_logical3A_1648 = vector.broadcast %shift_right_logical3A_1647 : i32 to vector<16x4096xi32>
    %shift_right_logical3A_1649 = arith.shrui %xor3A_1642, %shift_right_logical3A_1648 : vector<16x4096xi32>
    %or3A_1650 = arith.ori %shift_left3A_1646, %shift_right_logical3A_1649 : vector<16x4096xi32>
    %xor3A_1651 = arith.xori %add3A_1643, %or3A_1650 : vector<16x4096xi32>
    %add3A_1652 = arith.constant 466689008 : i32
    %add3A_1653 = vector.broadcast %add3A_1652 : i32 to vector<16x4096xi32>
    %add3A_1654 = arith.addi %add3A_1643, %add3A_1653 : vector<16x4096xi32>
    %add3A_1655 = arith.constant 0 : i32
    %add3A_1656 = vector.broadcast %add3A_1655 : i32 to vector<16x4096xi32>
    %add3A_1657 = arith.addi %xor3A_1651, %add3A_1656 : vector<16x4096xi32>
    %add3A_1658 = arith.constant 2 : i32
    %add3A_1659 = vector.broadcast %add3A_1658 : i32 to vector<16x4096xi32>
    %add3A_1660 = arith.addi %add3A_1657, %add3A_1659 : vector<16x4096xi32>
    %add3A_1661 = arith.addi %add3A_1654, %add3A_1660 : vector<16x4096xi32>
    %shift_left3A_1662 = arith.constant 13 : i32
    %shift_left3A_1663 = vector.broadcast %shift_left3A_1662 : i32 to vector<16x4096xi32>
    %shift_left3A_1664 = arith.shli %add3A_1660, %shift_left3A_1663 : vector<16x4096xi32>
    %shift_right_logical3A_1665 = arith.constant 19 : i32
    %shift_right_logical3A_1666 = vector.broadcast %shift_right_logical3A_1665 : i32 to vector<16x4096xi32>
    %shift_right_logical3A_1667 = arith.shrui %add3A_1660, %shift_right_logical3A_1666 : vector<16x4096xi32>
    %or3A_1668 = arith.ori %shift_left3A_1664, %shift_right_logical3A_1667 : vector<16x4096xi32>
    %xor3A_1669 = arith.xori %add3A_1661, %or3A_1668 : vector<16x4096xi32>
    %add3A_1670 = arith.addi %add3A_1661, %xor3A_1669 : vector<16x4096xi32>
    %shift_left3A_1671 = arith.constant 15 : i32
    %shift_left3A_1672 = vector.broadcast %shift_left3A_1671 : i32 to vector<16x4096xi32>
    %shift_left3A_1673 = arith.shli %xor3A_1669, %shift_left3A_1672 : vector<16x4096xi32>
    %shift_right_logical3A_1674 = arith.constant 17 : i32
    %shift_right_logical3A_1675 = vector.broadcast %shift_right_logical3A_1674 : i32 to vector<16x4096xi32>
    %shift_right_logical3A_1676 = arith.shrui %xor3A_1669, %shift_right_logical3A_1675 : vector<16x4096xi32>
    %or3A_1677 = arith.ori %shift_left3A_1673, %shift_right_logical3A_1676 : vector<16x4096xi32>
    %xor3A_1678 = arith.xori %add3A_1670, %or3A_1677 : vector<16x4096xi32>
    %add3A_1679 = arith.addi %add3A_1670, %xor3A_1678 : vector<16x4096xi32>
    %shift_left3A_1680 = arith.constant 26 : i32
    %shift_left3A_1681 = vector.broadcast %shift_left3A_1680 : i32 to vector<16x4096xi32>
    %shift_left3A_1682 = arith.shli %xor3A_1678, %shift_left3A_1681 : vector<16x4096xi32>
    %shift_right_logical3A_1683 = arith.constant 6 : i32
    %shift_right_logical3A_1684 = vector.broadcast %shift_right_logical3A_1683 : i32 to vector<16x4096xi32>
    %shift_right_logical3A_1685 = arith.shrui %xor3A_1678, %shift_right_logical3A_1684 : vector<16x4096xi32>
    %or3A_1686 = arith.ori %shift_left3A_1682, %shift_right_logical3A_1685 : vector<16x4096xi32>
    %xor3A_1687 = arith.xori %add3A_1679, %or3A_1686 : vector<16x4096xi32>
    %add3A_1688 = arith.addi %add3A_1679, %xor3A_1687 : vector<16x4096xi32>
    %shift_left3A_1689 = arith.constant 6 : i32
    %shift_left3A_1690 = vector.broadcast %shift_left3A_1689 : i32 to vector<16x4096xi32>
    %shift_left3A_1691 = arith.shli %xor3A_1687, %shift_left3A_1690 : vector<16x4096xi32>
    %shift_right_logical3A_1692 = arith.constant 26 : i32
    %shift_right_logical3A_1693 = vector.broadcast %shift_right_logical3A_1692 : i32 to vector<16x4096xi32>
    %shift_right_logical3A_1694 = arith.shrui %xor3A_1687, %shift_right_logical3A_1693 : vector<16x4096xi32>
    %or3A_1695 = arith.ori %shift_left3A_1691, %shift_right_logical3A_1694 : vector<16x4096xi32>
    %xor3A_1696 = arith.xori %add3A_1688, %or3A_1695 : vector<16x4096xi32>
    %add3A_1697 = arith.constant 0 : i32
    %add3A_1698 = vector.broadcast %add3A_1697 : i32 to vector<16x4096xi32>
    %add3A_1699 = arith.addi %add3A_1688, %add3A_1698 : vector<16x4096xi32>
    %add3A_1700 = arith.constant 42 : i32
    %add3A_1701 = vector.broadcast %add3A_1700 : i32 to vector<16x4096xi32>
    %add3A_1702 = arith.addi %xor3A_1696, %add3A_1701 : vector<16x4096xi32>
    %add3A_1703 = arith.constant 3 : i32
    %add3A_1704 = vector.broadcast %add3A_1703 : i32 to vector<16x4096xi32>
    %add3A_1705 = arith.addi %add3A_1702, %add3A_1704 : vector<16x4096xi32>
    %add3A_1706 = arith.addi %add3A_1699, %add3A_1705 : vector<16x4096xi32>
    %shift_left3A_1707 = arith.constant 17 : i32
    %shift_left3A_1708 = vector.broadcast %shift_left3A_1707 : i32 to vector<16x4096xi32>
    %shift_left3A_1709 = arith.shli %add3A_1705, %shift_left3A_1708 : vector<16x4096xi32>
    %shift_right_logical3A_1710 = arith.constant 15 : i32
    %shift_right_logical3A_1711 = vector.broadcast %shift_right_logical3A_1710 : i32 to vector<16x4096xi32>
    %shift_right_logical3A_1712 = arith.shrui %add3A_1705, %shift_right_logical3A_1711 : vector<16x4096xi32>
    %or3A_1713 = arith.ori %shift_left3A_1709, %shift_right_logical3A_1712 : vector<16x4096xi32>
    %xor3A_1714 = arith.xori %add3A_1706, %or3A_1713 : vector<16x4096xi32>
    %add3A_1715 = arith.addi %add3A_1706, %xor3A_1714 : vector<16x4096xi32>
    %shift_left3A_1716 = arith.constant 29 : i32
    %shift_left3A_1717 = vector.broadcast %shift_left3A_1716 : i32 to vector<16x4096xi32>
    %shift_left3A_1718 = arith.shli %xor3A_1714, %shift_left3A_1717 : vector<16x4096xi32>
    %shift_right_logical3A_1719 = arith.constant 3 : i32
    %shift_right_logical3A_1720 = vector.broadcast %shift_right_logical3A_1719 : i32 to vector<16x4096xi32>
    %shift_right_logical3A_1721 = arith.shrui %xor3A_1714, %shift_right_logical3A_1720 : vector<16x4096xi32>
    %or3A_1722 = arith.ori %shift_left3A_1718, %shift_right_logical3A_1721 : vector<16x4096xi32>
    %xor3A_1723 = arith.xori %add3A_1715, %or3A_1722 : vector<16x4096xi32>
    %add3A_1724 = arith.addi %add3A_1715, %xor3A_1723 : vector<16x4096xi32>
    %shift_left3A_1725 = arith.constant 16 : i32
    %shift_left3A_1726 = vector.broadcast %shift_left3A_1725 : i32 to vector<16x4096xi32>
    %shift_left3A_1727 = arith.shli %xor3A_1723, %shift_left3A_1726 : vector<16x4096xi32>
    %shift_right_logical3A_1728 = arith.constant 16 : i32
    %shift_right_logical3A_1729 = vector.broadcast %shift_right_logical3A_1728 : i32 to vector<16x4096xi32>
    %shift_right_logical3A_1730 = arith.shrui %xor3A_1723, %shift_right_logical3A_1729 : vector<16x4096xi32>
    %or3A_1731 = arith.ori %shift_left3A_1727, %shift_right_logical3A_1730 : vector<16x4096xi32>
    %xor3A_1732 = arith.xori %add3A_1724, %or3A_1731 : vector<16x4096xi32>
    %add3A_1733 = arith.addi %add3A_1724, %xor3A_1732 : vector<16x4096xi32>
    %shift_left3A_1734 = arith.constant 24 : i32
    %shift_left3A_1735 = vector.broadcast %shift_left3A_1734 : i32 to vector<16x4096xi32>
    %shift_left3A_1736 = arith.shli %xor3A_1732, %shift_left3A_1735 : vector<16x4096xi32>
    %shift_right_logical3A_1737 = arith.constant 8 : i32
    %shift_right_logical3A_1738 = vector.broadcast %shift_right_logical3A_1737 : i32 to vector<16x4096xi32>
    %shift_right_logical3A_1739 = arith.shrui %xor3A_1732, %shift_right_logical3A_1738 : vector<16x4096xi32>
    %or3A_1740 = arith.ori %shift_left3A_1736, %shift_right_logical3A_1739 : vector<16x4096xi32>
    %xor3A_1741 = arith.xori %add3A_1733, %or3A_1740 : vector<16x4096xi32>
    %add3A_1742 = arith.constant 42 : i32
    %add3A_1743 = vector.broadcast %add3A_1742 : i32 to vector<16x4096xi32>
    %add3A_1744 = arith.addi %add3A_1733, %add3A_1743 : vector<16x4096xi32>
    %add3A_1745 = arith.constant 466689008 : i32
    %add3A_1746 = vector.broadcast %add3A_1745 : i32 to vector<16x4096xi32>
    %add3A_1747 = arith.addi %xor3A_1741, %add3A_1746 : vector<16x4096xi32>
    %add3A_1748 = arith.constant 4 : i32
    %add3A_1749 = vector.broadcast %add3A_1748 : i32 to vector<16x4096xi32>
    %add3A_1750 = arith.addi %add3A_1747, %add3A_1749 : vector<16x4096xi32>
    %add3A_1751 = arith.addi %add3A_1744, %add3A_1750 : vector<16x4096xi32>
    %shift_left3A_1752 = arith.constant 13 : i32
    %shift_left3A_1753 = vector.broadcast %shift_left3A_1752 : i32 to vector<16x4096xi32>
    %shift_left3A_1754 = arith.shli %add3A_1750, %shift_left3A_1753 : vector<16x4096xi32>
    %shift_right_logical3A_1755 = arith.constant 19 : i32
    %shift_right_logical3A_1756 = vector.broadcast %shift_right_logical3A_1755 : i32 to vector<16x4096xi32>
    %shift_right_logical3A_1757 = arith.shrui %add3A_1750, %shift_right_logical3A_1756 : vector<16x4096xi32>
    %or3A_1758 = arith.ori %shift_left3A_1754, %shift_right_logical3A_1757 : vector<16x4096xi32>
    %xor3A_1759 = arith.xori %add3A_1751, %or3A_1758 : vector<16x4096xi32>
    %add3A_1760 = arith.addi %add3A_1751, %xor3A_1759 : vector<16x4096xi32>
    %shift_left3A_1761 = arith.constant 15 : i32
    %shift_left3A_1762 = vector.broadcast %shift_left3A_1761 : i32 to vector<16x4096xi32>
    %shift_left3A_1763 = arith.shli %xor3A_1759, %shift_left3A_1762 : vector<16x4096xi32>
    %shift_right_logical3A_1764 = arith.constant 17 : i32
    %shift_right_logical3A_1765 = vector.broadcast %shift_right_logical3A_1764 : i32 to vector<16x4096xi32>
    %shift_right_logical3A_1766 = arith.shrui %xor3A_1759, %shift_right_logical3A_1765 : vector<16x4096xi32>
    %or3A_1767 = arith.ori %shift_left3A_1763, %shift_right_logical3A_1766 : vector<16x4096xi32>
    %xor3A_1768 = arith.xori %add3A_1760, %or3A_1767 : vector<16x4096xi32>
    %add3A_1769 = arith.addi %add3A_1760, %xor3A_1768 : vector<16x4096xi32>
    %shift_left3A_1770 = arith.constant 26 : i32
    %shift_left3A_1771 = vector.broadcast %shift_left3A_1770 : i32 to vector<16x4096xi32>
    %shift_left3A_1772 = arith.shli %xor3A_1768, %shift_left3A_1771 : vector<16x4096xi32>
    %shift_right_logical3A_1773 = arith.constant 6 : i32
    %shift_right_logical3A_1774 = vector.broadcast %shift_right_logical3A_1773 : i32 to vector<16x4096xi32>
    %shift_right_logical3A_1775 = arith.shrui %xor3A_1768, %shift_right_logical3A_1774 : vector<16x4096xi32>
    %or3A_1776 = arith.ori %shift_left3A_1772, %shift_right_logical3A_1775 : vector<16x4096xi32>
    %xor3A_1777 = arith.xori %add3A_1769, %or3A_1776 : vector<16x4096xi32>
    %add3A_1778 = arith.addi %add3A_1769, %xor3A_1777 : vector<16x4096xi32>
    %shift_left3A_1779 = arith.constant 6 : i32
    %shift_left3A_1780 = vector.broadcast %shift_left3A_1779 : i32 to vector<16x4096xi32>
    %shift_left3A_1781 = arith.shli %xor3A_1777, %shift_left3A_1780 : vector<16x4096xi32>
    %shift_right_logical3A_1782 = arith.constant 26 : i32
    %shift_right_logical3A_1783 = vector.broadcast %shift_right_logical3A_1782 : i32 to vector<16x4096xi32>
    %shift_right_logical3A_1784 = arith.shrui %xor3A_1777, %shift_right_logical3A_1783 : vector<16x4096xi32>
    %or3A_1785 = arith.ori %shift_left3A_1781, %shift_right_logical3A_1784 : vector<16x4096xi32>
    %xor3A_1786 = arith.xori %add3A_1778, %or3A_1785 : vector<16x4096xi32>
    %add3A_1787 = arith.constant 466689008 : i32
    %add3A_1788 = vector.broadcast %add3A_1787 : i32 to vector<16x4096xi32>
    %add3A_1789 = arith.addi %add3A_1778, %add3A_1788 : vector<16x4096xi32>
    %add3A_1790 = arith.constant 0 : i32
    %add3A_1791 = vector.broadcast %add3A_1790 : i32 to vector<16x4096xi32>
    %add3A_1792 = arith.addi %xor3A_1786, %add3A_1791 : vector<16x4096xi32>
    %add3A_1793 = arith.constant 5 : i32
    %add3A_1794 = vector.broadcast %add3A_1793 : i32 to vector<16x4096xi32>
    %add3A_1795 = arith.addi %add3A_1792, %add3A_1794 : vector<16x4096xi32>
    %xor3A_1796 = arith.xori %add3A_1789, %add3A_1795 : vector<16x4096xi32>
    %shift_right_logical3A_1797 = arith.constant 9 : i32
    %shift_right_logical3A_1798 = vector.broadcast %shift_right_logical3A_1797 : i32 to vector<16x4096xi32>
    %shift_right_logical3A_1799 = arith.shrui %xor3A_1796, %shift_right_logical3A_1798 : vector<16x4096xi32>
    %or3A_1800 = arith.constant 1065353216 : i32
    %or3A_1801 = vector.broadcast %or3A_1800 : i32 to vector<16x4096xi32>
    %or3A_1802 = arith.ori %shift_right_logical3A_1799, %or3A_1801 : vector<16x4096xi32>
    %bitcast_convert_type3A_1803 = tpu.bitcast %or3A_1802 : vector<16x4096xi32> -> vector<16x4096xf32>
    %sub3A_1804 = arith.constant 1.000000e+00 : f32
    %sub3A_1805 = vector.broadcast %sub3A_1804 : f32 to vector<16x4096xf32>
    %sub3A_1806 = arith.subf %bitcast_convert_type3A_1803, %sub3A_1805 : vector<16x4096xf32>
    %max3A_1807 = arith.constant 1.17549435E-38 : f32
    %max3A_1808 = vector.broadcast %max3A_1807 : f32 to vector<16x4096xf32>
    %max3A_1809 = arith.maximumf %sub3A_1806, %max3A_1808 : vector<16x4096xf32>
    %log3A_1810 = math.log %max3A_1809 : vector<16x4096xf32>
    %neg3A_1811 = arith.constant 0.000000e+00 : f32
    %neg3A_1812 = vector.broadcast %neg3A_1811 : f32 to vector<16x4096xf32>
    %neg3A_1813 = arith.subf %neg3A_1812, %log3A_1810 : vector<16x4096xf32>
    %log3A_1814 = math.log %neg3A_1813 : vector<16x4096xf32>
    %neg3A_1815 = arith.constant 0.000000e+00 : f32
    %neg3A_1816 = vector.broadcast %neg3A_1815 : f32 to vector<16x4096xf32>
    %neg3A_1817 = arith.subf %neg3A_1816, %log3A_1814 : vector<16x4096xf32>
    %add3A_1818 = arith.addf %neg3A_1817, %select_n3A_13 : vector<16x4096xf32>
    %reduce_max3A_1819 = arith.constant dense<0xFF800000> : vector<16xf32>
    %reduce_max3A_1820 = vector.multi_reduction <maximumf>, %add3A_1818, %reduce_max3A_1819 [1] : vector<16x4096xf32> to vector<16xf32>
    %broadcast_in_dim3A_1821 = vector.shape_cast %reduce_max3A_1820 : vector<16xf32> to vector<16x1xf32>
    %eq3A_1822 = vector.broadcast %broadcast_in_dim3A_1821 : vector<16x1xf32> to vector<16x4096xf32>
    %eq3A_1823 = arith.cmpf oeq, %add3A_1818, %eq3A_1822 : vector<16x4096xf32>
    %jit3A_1824 = arith.constant 4096 : i32
    %broadcast_in_dim3A_1825 = vector.broadcast %jit3A_1824 : i32 to vector<16x4096xi32>
    %select_n3A_1826 = arith.select %eq3A_1823, %iota3A, %broadcast_in_dim3A_1825 : vector<16x4096xi1>, vector<16x4096xi32>
    %reduce_min3A_1827 = arith.constant dense<2147483647> : vector<16xi32>
    %reduce_min3A_1828 = vector.multi_reduction <minsi>, %select_n3A_1826, %reduce_min3A_1827 [1] : vector<16x4096xi32> to vector<16xi32>
    %broadcast_in_dim3A_1829 = vector.shape_cast %reduce_min3A_1828 : vector<16xi32> to vector<16x1xi32>
    %eq3A_1830 = vector.broadcast %broadcast_in_dim3A_1829 : vector<16x1xi32> to vector<16x4096xi32>
    %eq3A_1831 = arith.cmpi eq, %iota3A, %eq3A_1830 : vector<16x4096xi32>
    %jit3A_1832 = arith.constant 0.000000e+00 : f32
    %broadcast_in_dim3A_1833 = vector.broadcast %jit3A_1832 : f32 to vector<16x4096xf32>
    %select_n3A_1834 = arith.select %eq3A_1831, %select_n3A, %broadcast_in_dim3A_1833 : vector<16x4096xi1>, vector<16x4096xf32>
    %reduce_sum3A_1835 = arith.constant dense<0.000000e+00> : vector<16xf32>
    %reduce_sum3A_1836 = vector.multi_reduction <add>, %select_n3A_1834, %reduce_sum3A_1835 [1] : vector<16x4096xf32> to vector<16xf32>
    %broadcast_in_dim3A_1837 = vector.shape_cast %reduce_sum3A_1836 : vector<16xf32> to vector<16x1xf32>
    %jit3A_1838 = arith.constant 64 : i32
    %div3A_1839 = vector.broadcast %jit3A_1838 : i32 to vector<16x1xi32>
    %div3A_1840 = arith.divsi %broadcast_in_dim3A_1829, %div3A_1839 : vector<16x1xi32>
    %sign3A_1841 = arith.constant 0 : i32
    %sign3A_1842 = vector.broadcast %sign3A_1841 : i32 to vector<16x1xi32>
    %sign3A_1843 = arith.cmpi sgt, %broadcast_in_dim3A_1829, %sign3A_1842 : vector<16x1xi32>
    %sign3A_1844 = arith.extui %sign3A_1843 : vector<16x1xi1> to vector<16x1xi32>
    %sign3A_1845 = arith.constant 0 : i32
    %sign3A_1846 = vector.broadcast %sign3A_1845 : i32 to vector<16x1xi32>
    %sign3A_1847 = arith.cmpi slt, %broadcast_in_dim3A_1829, %sign3A_1846 : vector<16x1xi32>
    %sign3A_1848 = arith.extui %sign3A_1847 : vector<16x1xi1> to vector<16x1xi32>
    %sign3A_1849 = arith.subi %sign3A_1844, %sign3A_1848 : vector<16x1xi32>
    %sign3A_1850 = arith.constant 0 : i32
    %sign3A_1851 = arith.cmpi sgt, %jit3A_1838, %sign3A_1850 : i32
    %sign3A_1852 = arith.extui %sign3A_1851 : i1 to i32
    %sign3A_1853 = arith.constant 0 : i32
    %sign3A_1854 = arith.cmpi slt, %jit3A_1838, %sign3A_1853 : i32
    %sign3A_1855 = arith.extui %sign3A_1854 : i1 to i32
    %sign3A_1856 = arith.subi %sign3A_1852, %sign3A_1855 : i32
    %ne3A_1857 = vector.broadcast %sign3A_1856 : i32 to vector<16x1xi32>
    %ne3A_1858 = arith.cmpi ne, %sign3A_1849, %ne3A_1857 : vector<16x1xi32>
    %rem3A_1859 = vector.broadcast %jit3A_1838 : i32 to vector<16x1xi32>
    %rem3A_1860 = arith.remsi %broadcast_in_dim3A_1829, %rem3A_1859 : vector<16x1xi32>
    %ne3A_1861 = arith.constant 0 : i32
    %ne3A_1862 = vector.broadcast %ne3A_1861 : i32 to vector<16x1xi32>
    %ne3A_1863 = arith.cmpi ne, %rem3A_1860, %ne3A_1862 : vector<16x1xi32>
    %and3A_1864 = arith.andi %ne3A_1858, %ne3A_1863 : vector<16x1xi1>
    %sub3A_1865 = arith.constant 1 : i32
    %sub3A_1866 = vector.broadcast %sub3A_1865 : i32 to vector<16x1xi32>
    %sub3A_1867 = arith.subi %div3A_1840, %sub3A_1866 : vector<16x1xi32>
    %select_n3A_1868 = arith.select %and3A_1864, %sub3A_1867, %div3A_1840 : vector<16x1xi1>, vector<16x1xi32>
    %mul3A_1869 = arith.constant 64 : i32
    %mul3A_1870 = vector.broadcast %mul3A_1869 : i32 to vector<16x1xi32>
    %mul3A_1871 = arith.muli %select_n3A_1868, %mul3A_1870 : vector<16x1xi32>
    %sub3A_1872 = arith.subi %broadcast_in_dim3A_1829, %mul3A_1871 : vector<16x1xi32>
    %convert_element_type3A_1873 = arith.sitofp %sub3A_1872 : vector<16x1xi32> to vector<16x1xf32>
    %convert_element_type3A_1874 = arith.sitofp %select_n3A_1868 : vector<16x1xi32> to vector<16x1xf32>
    %add3A_1875 = arith.constant 100663296 : i32
    %add3A_1876 = vector.broadcast %add3A_1875 : i32 to vector<16x4096xi32>
    %add3A_1877 = arith.addi %add3A_20, %add3A_1876 : vector<16x4096xi32>
    %broadcast_in_dim3A_1878 = arith.constant 0 : i32
    %broadcast_in_dim3A_1879 = vector.broadcast %broadcast_in_dim3A_1878 : i32 to vector<16x4096xi32>
    %add3A_1880 = arith.constant 42 : i32
    %add3A_1881 = vector.broadcast %add3A_1880 : i32 to vector<16x4096xi32>
    %add3A_1882 = arith.addi %add3A_1877, %add3A_1881 : vector<16x4096xi32>
    %add3A_1883 = arith.addi %broadcast_in_dim3A_1879, %add3A_1882 : vector<16x4096xi32>
    %shift_left3A_1884 = arith.constant 13 : i32
    %shift_left3A_1885 = vector.broadcast %shift_left3A_1884 : i32 to vector<16x4096xi32>
    %shift_left3A_1886 = arith.shli %add3A_1882, %shift_left3A_1885 : vector<16x4096xi32>
    %shift_right_logical3A_1887 = arith.constant 19 : i32
    %shift_right_logical3A_1888 = vector.broadcast %shift_right_logical3A_1887 : i32 to vector<16x4096xi32>
    %shift_right_logical3A_1889 = arith.shrui %add3A_1882, %shift_right_logical3A_1888 : vector<16x4096xi32>
    %or3A_1890 = arith.ori %shift_left3A_1886, %shift_right_logical3A_1889 : vector<16x4096xi32>
    %xor3A_1891 = arith.xori %add3A_1883, %or3A_1890 : vector<16x4096xi32>
    %add3A_1892 = arith.addi %add3A_1883, %xor3A_1891 : vector<16x4096xi32>
    %shift_left3A_1893 = arith.constant 15 : i32
    %shift_left3A_1894 = vector.broadcast %shift_left3A_1893 : i32 to vector<16x4096xi32>
    %shift_left3A_1895 = arith.shli %xor3A_1891, %shift_left3A_1894 : vector<16x4096xi32>
    %shift_right_logical3A_1896 = arith.constant 17 : i32
    %shift_right_logical3A_1897 = vector.broadcast %shift_right_logical3A_1896 : i32 to vector<16x4096xi32>
    %shift_right_logical3A_1898 = arith.shrui %xor3A_1891, %shift_right_logical3A_1897 : vector<16x4096xi32>
    %or3A_1899 = arith.ori %shift_left3A_1895, %shift_right_logical3A_1898 : vector<16x4096xi32>
    %xor3A_1900 = arith.xori %add3A_1892, %or3A_1899 : vector<16x4096xi32>
    %add3A_1901 = arith.addi %add3A_1892, %xor3A_1900 : vector<16x4096xi32>
    %shift_left3A_1902 = arith.constant 26 : i32
    %shift_left3A_1903 = vector.broadcast %shift_left3A_1902 : i32 to vector<16x4096xi32>
    %shift_left3A_1904 = arith.shli %xor3A_1900, %shift_left3A_1903 : vector<16x4096xi32>
    %shift_right_logical3A_1905 = arith.constant 6 : i32
    %shift_right_logical3A_1906 = vector.broadcast %shift_right_logical3A_1905 : i32 to vector<16x4096xi32>
    %shift_right_logical3A_1907 = arith.shrui %xor3A_1900, %shift_right_logical3A_1906 : vector<16x4096xi32>
    %or3A_1908 = arith.ori %shift_left3A_1904, %shift_right_logical3A_1907 : vector<16x4096xi32>
    %xor3A_1909 = arith.xori %add3A_1901, %or3A_1908 : vector<16x4096xi32>
    %add3A_1910 = arith.addi %add3A_1901, %xor3A_1909 : vector<16x4096xi32>
    %shift_left3A_1911 = arith.constant 6 : i32
    %shift_left3A_1912 = vector.broadcast %shift_left3A_1911 : i32 to vector<16x4096xi32>
    %shift_left3A_1913 = arith.shli %xor3A_1909, %shift_left3A_1912 : vector<16x4096xi32>
    %shift_right_logical3A_1914 = arith.constant 26 : i32
    %shift_right_logical3A_1915 = vector.broadcast %shift_right_logical3A_1914 : i32 to vector<16x4096xi32>
    %shift_right_logical3A_1916 = arith.shrui %xor3A_1909, %shift_right_logical3A_1915 : vector<16x4096xi32>
    %or3A_1917 = arith.ori %shift_left3A_1913, %shift_right_logical3A_1916 : vector<16x4096xi32>
    %xor3A_1918 = arith.xori %add3A_1910, %or3A_1917 : vector<16x4096xi32>
    %add3A_1919 = arith.constant 42 : i32
    %add3A_1920 = vector.broadcast %add3A_1919 : i32 to vector<16x4096xi32>
    %add3A_1921 = arith.addi %add3A_1910, %add3A_1920 : vector<16x4096xi32>
    %add3A_1922 = arith.constant 466689008 : i32
    %add3A_1923 = vector.broadcast %add3A_1922 : i32 to vector<16x4096xi32>
    %add3A_1924 = arith.addi %xor3A_1918, %add3A_1923 : vector<16x4096xi32>
    %add3A_1925 = arith.constant 1 : i32
    %add3A_1926 = vector.broadcast %add3A_1925 : i32 to vector<16x4096xi32>
    %add3A_1927 = arith.addi %add3A_1924, %add3A_1926 : vector<16x4096xi32>
    %add3A_1928 = arith.addi %add3A_1921, %add3A_1927 : vector<16x4096xi32>
    %shift_left3A_1929 = arith.constant 17 : i32
    %shift_left3A_1930 = vector.broadcast %shift_left3A_1929 : i32 to vector<16x4096xi32>
    %shift_left3A_1931 = arith.shli %add3A_1927, %shift_left3A_1930 : vector<16x4096xi32>
    %shift_right_logical3A_1932 = arith.constant 15 : i32
    %shift_right_logical3A_1933 = vector.broadcast %shift_right_logical3A_1932 : i32 to vector<16x4096xi32>
    %shift_right_logical3A_1934 = arith.shrui %add3A_1927, %shift_right_logical3A_1933 : vector<16x4096xi32>
    %or3A_1935 = arith.ori %shift_left3A_1931, %shift_right_logical3A_1934 : vector<16x4096xi32>
    %xor3A_1936 = arith.xori %add3A_1928, %or3A_1935 : vector<16x4096xi32>
    %add3A_1937 = arith.addi %add3A_1928, %xor3A_1936 : vector<16x4096xi32>
    %shift_left3A_1938 = arith.constant 29 : i32
    %shift_left3A_1939 = vector.broadcast %shift_left3A_1938 : i32 to vector<16x4096xi32>
    %shift_left3A_1940 = arith.shli %xor3A_1936, %shift_left3A_1939 : vector<16x4096xi32>
    %shift_right_logical3A_1941 = arith.constant 3 : i32
    %shift_right_logical3A_1942 = vector.broadcast %shift_right_logical3A_1941 : i32 to vector<16x4096xi32>
    %shift_right_logical3A_1943 = arith.shrui %xor3A_1936, %shift_right_logical3A_1942 : vector<16x4096xi32>
    %or3A_1944 = arith.ori %shift_left3A_1940, %shift_right_logical3A_1943 : vector<16x4096xi32>
    %xor3A_1945 = arith.xori %add3A_1937, %or3A_1944 : vector<16x4096xi32>
    %add3A_1946 = arith.addi %add3A_1937, %xor3A_1945 : vector<16x4096xi32>
    %shift_left3A_1947 = arith.constant 16 : i32
    %shift_left3A_1948 = vector.broadcast %shift_left3A_1947 : i32 to vector<16x4096xi32>
    %shift_left3A_1949 = arith.shli %xor3A_1945, %shift_left3A_1948 : vector<16x4096xi32>
    %shift_right_logical3A_1950 = arith.constant 16 : i32
    %shift_right_logical3A_1951 = vector.broadcast %shift_right_logical3A_1950 : i32 to vector<16x4096xi32>
    %shift_right_logical3A_1952 = arith.shrui %xor3A_1945, %shift_right_logical3A_1951 : vector<16x4096xi32>
    %or3A_1953 = arith.ori %shift_left3A_1949, %shift_right_logical3A_1952 : vector<16x4096xi32>
    %xor3A_1954 = arith.xori %add3A_1946, %or3A_1953 : vector<16x4096xi32>
    %add3A_1955 = arith.addi %add3A_1946, %xor3A_1954 : vector<16x4096xi32>
    %shift_left3A_1956 = arith.constant 24 : i32
    %shift_left3A_1957 = vector.broadcast %shift_left3A_1956 : i32 to vector<16x4096xi32>
    %shift_left3A_1958 = arith.shli %xor3A_1954, %shift_left3A_1957 : vector<16x4096xi32>
    %shift_right_logical3A_1959 = arith.constant 8 : i32
    %shift_right_logical3A_1960 = vector.broadcast %shift_right_logical3A_1959 : i32 to vector<16x4096xi32>
    %shift_right_logical3A_1961 = arith.shrui %xor3A_1954, %shift_right_logical3A_1960 : vector<16x4096xi32>
    %or3A_1962 = arith.ori %shift_left3A_1958, %shift_right_logical3A_1961 : vector<16x4096xi32>
    %xor3A_1963 = arith.xori %add3A_1955, %or3A_1962 : vector<16x4096xi32>
    %add3A_1964 = arith.constant 466689008 : i32
    %add3A_1965 = vector.broadcast %add3A_1964 : i32 to vector<16x4096xi32>
    %add3A_1966 = arith.addi %add3A_1955, %add3A_1965 : vector<16x4096xi32>
    %add3A_1967 = arith.constant 0 : i32
    %add3A_1968 = vector.broadcast %add3A_1967 : i32 to vector<16x4096xi32>
    %add3A_1969 = arith.addi %xor3A_1963, %add3A_1968 : vector<16x4096xi32>
    %add3A_1970 = arith.constant 2 : i32
    %add3A_1971 = vector.broadcast %add3A_1970 : i32 to vector<16x4096xi32>
    %add3A_1972 = arith.addi %add3A_1969, %add3A_1971 : vector<16x4096xi32>
    %add3A_1973 = arith.addi %add3A_1966, %add3A_1972 : vector<16x4096xi32>
    %shift_left3A_1974 = arith.constant 13 : i32
    %shift_left3A_1975 = vector.broadcast %shift_left3A_1974 : i32 to vector<16x4096xi32>
    %shift_left3A_1976 = arith.shli %add3A_1972, %shift_left3A_1975 : vector<16x4096xi32>
    %shift_right_logical3A_1977 = arith.constant 19 : i32
    %shift_right_logical3A_1978 = vector.broadcast %shift_right_logical3A_1977 : i32 to vector<16x4096xi32>
    %shift_right_logical3A_1979 = arith.shrui %add3A_1972, %shift_right_logical3A_1978 : vector<16x4096xi32>
    %or3A_1980 = arith.ori %shift_left3A_1976, %shift_right_logical3A_1979 : vector<16x4096xi32>
    %xor3A_1981 = arith.xori %add3A_1973, %or3A_1980 : vector<16x4096xi32>
    %add3A_1982 = arith.addi %add3A_1973, %xor3A_1981 : vector<16x4096xi32>
    %shift_left3A_1983 = arith.constant 15 : i32
    %shift_left3A_1984 = vector.broadcast %shift_left3A_1983 : i32 to vector<16x4096xi32>
    %shift_left3A_1985 = arith.shli %xor3A_1981, %shift_left3A_1984 : vector<16x4096xi32>
    %shift_right_logical3A_1986 = arith.constant 17 : i32
    %shift_right_logical3A_1987 = vector.broadcast %shift_right_logical3A_1986 : i32 to vector<16x4096xi32>
    %shift_right_logical3A_1988 = arith.shrui %xor3A_1981, %shift_right_logical3A_1987 : vector<16x4096xi32>
    %or3A_1989 = arith.ori %shift_left3A_1985, %shift_right_logical3A_1988 : vector<16x4096xi32>
    %xor3A_1990 = arith.xori %add3A_1982, %or3A_1989 : vector<16x4096xi32>
    %add3A_1991 = arith.addi %add3A_1982, %xor3A_1990 : vector<16x4096xi32>
    %shift_left3A_1992 = arith.constant 26 : i32
    %shift_left3A_1993 = vector.broadcast %shift_left3A_1992 : i32 to vector<16x4096xi32>
    %shift_left3A_1994 = arith.shli %xor3A_1990, %shift_left3A_1993 : vector<16x4096xi32>
    %shift_right_logical3A_1995 = arith.constant 6 : i32
    %shift_right_logical3A_1996 = vector.broadcast %shift_right_logical3A_1995 : i32 to vector<16x4096xi32>
    %shift_right_logical3A_1997 = arith.shrui %xor3A_1990, %shift_right_logical3A_1996 : vector<16x4096xi32>
    %or3A_1998 = arith.ori %shift_left3A_1994, %shift_right_logical3A_1997 : vector<16x4096xi32>
    %xor3A_1999 = arith.xori %add3A_1991, %or3A_1998 : vector<16x4096xi32>
    %add3A_2000 = arith.addi %add3A_1991, %xor3A_1999 : vector<16x4096xi32>
    %shift_left3A_2001 = arith.constant 6 : i32
    %shift_left3A_2002 = vector.broadcast %shift_left3A_2001 : i32 to vector<16x4096xi32>
    %shift_left3A_2003 = arith.shli %xor3A_1999, %shift_left3A_2002 : vector<16x4096xi32>
    %shift_right_logical3A_2004 = arith.constant 26 : i32
    %shift_right_logical3A_2005 = vector.broadcast %shift_right_logical3A_2004 : i32 to vector<16x4096xi32>
    %shift_right_logical3A_2006 = arith.shrui %xor3A_1999, %shift_right_logical3A_2005 : vector<16x4096xi32>
    %or3A_2007 = arith.ori %shift_left3A_2003, %shift_right_logical3A_2006 : vector<16x4096xi32>
    %xor3A_2008 = arith.xori %add3A_2000, %or3A_2007 : vector<16x4096xi32>
    %add3A_2009 = arith.constant 0 : i32
    %add3A_2010 = vector.broadcast %add3A_2009 : i32 to vector<16x4096xi32>
    %add3A_2011 = arith.addi %add3A_2000, %add3A_2010 : vector<16x4096xi32>
    %add3A_2012 = arith.constant 42 : i32
    %add3A_2013 = vector.broadcast %add3A_2012 : i32 to vector<16x4096xi32>
    %add3A_2014 = arith.addi %xor3A_2008, %add3A_2013 : vector<16x4096xi32>
    %add3A_2015 = arith.constant 3 : i32
    %add3A_2016 = vector.broadcast %add3A_2015 : i32 to vector<16x4096xi32>
    %add3A_2017 = arith.addi %add3A_2014, %add3A_2016 : vector<16x4096xi32>
    %add3A_2018 = arith.addi %add3A_2011, %add3A_2017 : vector<16x4096xi32>
    %shift_left3A_2019 = arith.constant 17 : i32
    %shift_left3A_2020 = vector.broadcast %shift_left3A_2019 : i32 to vector<16x4096xi32>
    %shift_left3A_2021 = arith.shli %add3A_2017, %shift_left3A_2020 : vector<16x4096xi32>
    %shift_right_logical3A_2022 = arith.constant 15 : i32
    %shift_right_logical3A_2023 = vector.broadcast %shift_right_logical3A_2022 : i32 to vector<16x4096xi32>
    %shift_right_logical3A_2024 = arith.shrui %add3A_2017, %shift_right_logical3A_2023 : vector<16x4096xi32>
    %or3A_2025 = arith.ori %shift_left3A_2021, %shift_right_logical3A_2024 : vector<16x4096xi32>
    %xor3A_2026 = arith.xori %add3A_2018, %or3A_2025 : vector<16x4096xi32>
    %add3A_2027 = arith.addi %add3A_2018, %xor3A_2026 : vector<16x4096xi32>
    %shift_left3A_2028 = arith.constant 29 : i32
    %shift_left3A_2029 = vector.broadcast %shift_left3A_2028 : i32 to vector<16x4096xi32>
    %shift_left3A_2030 = arith.shli %xor3A_2026, %shift_left3A_2029 : vector<16x4096xi32>
    %shift_right_logical3A_2031 = arith.constant 3 : i32
    %shift_right_logical3A_2032 = vector.broadcast %shift_right_logical3A_2031 : i32 to vector<16x4096xi32>
    %shift_right_logical3A_2033 = arith.shrui %xor3A_2026, %shift_right_logical3A_2032 : vector<16x4096xi32>
    %or3A_2034 = arith.ori %shift_left3A_2030, %shift_right_logical3A_2033 : vector<16x4096xi32>
    %xor3A_2035 = arith.xori %add3A_2027, %or3A_2034 : vector<16x4096xi32>
    %add3A_2036 = arith.addi %add3A_2027, %xor3A_2035 : vector<16x4096xi32>
    %shift_left3A_2037 = arith.constant 16 : i32
    %shift_left3A_2038 = vector.broadcast %shift_left3A_2037 : i32 to vector<16x4096xi32>
    %shift_left3A_2039 = arith.shli %xor3A_2035, %shift_left3A_2038 : vector<16x4096xi32>
    %shift_right_logical3A_2040 = arith.constant 16 : i32
    %shift_right_logical3A_2041 = vector.broadcast %shift_right_logical3A_2040 : i32 to vector<16x4096xi32>
    %shift_right_logical3A_2042 = arith.shrui %xor3A_2035, %shift_right_logical3A_2041 : vector<16x4096xi32>
    %or3A_2043 = arith.ori %shift_left3A_2039, %shift_right_logical3A_2042 : vector<16x4096xi32>
    %xor3A_2044 = arith.xori %add3A_2036, %or3A_2043 : vector<16x4096xi32>
    %add3A_2045 = arith.addi %add3A_2036, %xor3A_2044 : vector<16x4096xi32>
    %shift_left3A_2046 = arith.constant 24 : i32
    %shift_left3A_2047 = vector.broadcast %shift_left3A_2046 : i32 to vector<16x4096xi32>
    %shift_left3A_2048 = arith.shli %xor3A_2044, %shift_left3A_2047 : vector<16x4096xi32>
    %shift_right_logical3A_2049 = arith.constant 8 : i32
    %shift_right_logical3A_2050 = vector.broadcast %shift_right_logical3A_2049 : i32 to vector<16x4096xi32>
    %shift_right_logical3A_2051 = arith.shrui %xor3A_2044, %shift_right_logical3A_2050 : vector<16x4096xi32>
    %or3A_2052 = arith.ori %shift_left3A_2048, %shift_right_logical3A_2051 : vector<16x4096xi32>
    %xor3A_2053 = arith.xori %add3A_2045, %or3A_2052 : vector<16x4096xi32>
    %add3A_2054 = arith.constant 42 : i32
    %add3A_2055 = vector.broadcast %add3A_2054 : i32 to vector<16x4096xi32>
    %add3A_2056 = arith.addi %add3A_2045, %add3A_2055 : vector<16x4096xi32>
    %add3A_2057 = arith.constant 466689008 : i32
    %add3A_2058 = vector.broadcast %add3A_2057 : i32 to vector<16x4096xi32>
    %add3A_2059 = arith.addi %xor3A_2053, %add3A_2058 : vector<16x4096xi32>
    %add3A_2060 = arith.constant 4 : i32
    %add3A_2061 = vector.broadcast %add3A_2060 : i32 to vector<16x4096xi32>
    %add3A_2062 = arith.addi %add3A_2059, %add3A_2061 : vector<16x4096xi32>
    %add3A_2063 = arith.addi %add3A_2056, %add3A_2062 : vector<16x4096xi32>
    %shift_left3A_2064 = arith.constant 13 : i32
    %shift_left3A_2065 = vector.broadcast %shift_left3A_2064 : i32 to vector<16x4096xi32>
    %shift_left3A_2066 = arith.shli %add3A_2062, %shift_left3A_2065 : vector<16x4096xi32>
    %shift_right_logical3A_2067 = arith.constant 19 : i32
    %shift_right_logical3A_2068 = vector.broadcast %shift_right_logical3A_2067 : i32 to vector<16x4096xi32>
    %shift_right_logical3A_2069 = arith.shrui %add3A_2062, %shift_right_logical3A_2068 : vector<16x4096xi32>
    %or3A_2070 = arith.ori %shift_left3A_2066, %shift_right_logical3A_2069 : vector<16x4096xi32>
    %xor3A_2071 = arith.xori %add3A_2063, %or3A_2070 : vector<16x4096xi32>
    %add3A_2072 = arith.addi %add3A_2063, %xor3A_2071 : vector<16x4096xi32>
    %shift_left3A_2073 = arith.constant 15 : i32
    %shift_left3A_2074 = vector.broadcast %shift_left3A_2073 : i32 to vector<16x4096xi32>
    %shift_left3A_2075 = arith.shli %xor3A_2071, %shift_left3A_2074 : vector<16x4096xi32>
    %shift_right_logical3A_2076 = arith.constant 17 : i32
    %shift_right_logical3A_2077 = vector.broadcast %shift_right_logical3A_2076 : i32 to vector<16x4096xi32>
    %shift_right_logical3A_2078 = arith.shrui %xor3A_2071, %shift_right_logical3A_2077 : vector<16x4096xi32>
    %or3A_2079 = arith.ori %shift_left3A_2075, %shift_right_logical3A_2078 : vector<16x4096xi32>
    %xor3A_2080 = arith.xori %add3A_2072, %or3A_2079 : vector<16x4096xi32>
    %add3A_2081 = arith.addi %add3A_2072, %xor3A_2080 : vector<16x4096xi32>
    %shift_left3A_2082 = arith.constant 26 : i32
    %shift_left3A_2083 = vector.broadcast %shift_left3A_2082 : i32 to vector<16x4096xi32>
    %shift_left3A_2084 = arith.shli %xor3A_2080, %shift_left3A_2083 : vector<16x4096xi32>
    %shift_right_logical3A_2085 = arith.constant 6 : i32
    %shift_right_logical3A_2086 = vector.broadcast %shift_right_logical3A_2085 : i32 to vector<16x4096xi32>
    %shift_right_logical3A_2087 = arith.shrui %xor3A_2080, %shift_right_logical3A_2086 : vector<16x4096xi32>
    %or3A_2088 = arith.ori %shift_left3A_2084, %shift_right_logical3A_2087 : vector<16x4096xi32>
    %xor3A_2089 = arith.xori %add3A_2081, %or3A_2088 : vector<16x4096xi32>
    %add3A_2090 = arith.addi %add3A_2081, %xor3A_2089 : vector<16x4096xi32>
    %shift_left3A_2091 = arith.constant 6 : i32
    %shift_left3A_2092 = vector.broadcast %shift_left3A_2091 : i32 to vector<16x4096xi32>
    %shift_left3A_2093 = arith.shli %xor3A_2089, %shift_left3A_2092 : vector<16x4096xi32>
    %shift_right_logical3A_2094 = arith.constant 26 : i32
    %shift_right_logical3A_2095 = vector.broadcast %shift_right_logical3A_2094 : i32 to vector<16x4096xi32>
    %shift_right_logical3A_2096 = arith.shrui %xor3A_2089, %shift_right_logical3A_2095 : vector<16x4096xi32>
    %or3A_2097 = arith.ori %shift_left3A_2093, %shift_right_logical3A_2096 : vector<16x4096xi32>
    %xor3A_2098 = arith.xori %add3A_2090, %or3A_2097 : vector<16x4096xi32>
    %add3A_2099 = arith.constant 466689008 : i32
    %add3A_2100 = vector.broadcast %add3A_2099 : i32 to vector<16x4096xi32>
    %add3A_2101 = arith.addi %add3A_2090, %add3A_2100 : vector<16x4096xi32>
    %add3A_2102 = arith.constant 0 : i32
    %add3A_2103 = vector.broadcast %add3A_2102 : i32 to vector<16x4096xi32>
    %add3A_2104 = arith.addi %xor3A_2098, %add3A_2103 : vector<16x4096xi32>
    %add3A_2105 = arith.constant 5 : i32
    %add3A_2106 = vector.broadcast %add3A_2105 : i32 to vector<16x4096xi32>
    %add3A_2107 = arith.addi %add3A_2104, %add3A_2106 : vector<16x4096xi32>
    %xor3A_2108 = arith.xori %add3A_2101, %add3A_2107 : vector<16x4096xi32>
    %shift_right_logical3A_2109 = arith.constant 9 : i32
    %shift_right_logical3A_2110 = vector.broadcast %shift_right_logical3A_2109 : i32 to vector<16x4096xi32>
    %shift_right_logical3A_2111 = arith.shrui %xor3A_2108, %shift_right_logical3A_2110 : vector<16x4096xi32>
    %or3A_2112 = arith.constant 1065353216 : i32
    %or3A_2113 = vector.broadcast %or3A_2112 : i32 to vector<16x4096xi32>
    %or3A_2114 = arith.ori %shift_right_logical3A_2111, %or3A_2113 : vector<16x4096xi32>
    %bitcast_convert_type3A_2115 = tpu.bitcast %or3A_2114 : vector<16x4096xi32> -> vector<16x4096xf32>
    %sub3A_2116 = arith.constant 1.000000e+00 : f32
    %sub3A_2117 = vector.broadcast %sub3A_2116 : f32 to vector<16x4096xf32>
    %sub3A_2118 = arith.subf %bitcast_convert_type3A_2115, %sub3A_2117 : vector<16x4096xf32>
    %max3A_2119 = arith.constant 1.17549435E-38 : f32
    %max3A_2120 = vector.broadcast %max3A_2119 : f32 to vector<16x4096xf32>
    %max3A_2121 = arith.maximumf %sub3A_2118, %max3A_2120 : vector<16x4096xf32>
    %log3A_2122 = math.log %max3A_2121 : vector<16x4096xf32>
    %neg3A_2123 = arith.constant 0.000000e+00 : f32
    %neg3A_2124 = vector.broadcast %neg3A_2123 : f32 to vector<16x4096xf32>
    %neg3A_2125 = arith.subf %neg3A_2124, %log3A_2122 : vector<16x4096xf32>
    %log3A_2126 = math.log %neg3A_2125 : vector<16x4096xf32>
    %neg3A_2127 = arith.constant 0.000000e+00 : f32
    %neg3A_2128 = vector.broadcast %neg3A_2127 : f32 to vector<16x4096xf32>
    %neg3A_2129 = arith.subf %neg3A_2128, %log3A_2126 : vector<16x4096xf32>
    %add3A_2130 = arith.addf %neg3A_2129, %select_n3A_13 : vector<16x4096xf32>
    %reduce_max3A_2131 = arith.constant dense<0xFF800000> : vector<16xf32>
    %reduce_max3A_2132 = vector.multi_reduction <maximumf>, %add3A_2130, %reduce_max3A_2131 [1] : vector<16x4096xf32> to vector<16xf32>
    %broadcast_in_dim3A_2133 = vector.shape_cast %reduce_max3A_2132 : vector<16xf32> to vector<16x1xf32>
    %eq3A_2134 = vector.broadcast %broadcast_in_dim3A_2133 : vector<16x1xf32> to vector<16x4096xf32>
    %eq3A_2135 = arith.cmpf oeq, %add3A_2130, %eq3A_2134 : vector<16x4096xf32>
    %jit3A_2136 = arith.constant 4096 : i32
    %broadcast_in_dim3A_2137 = vector.broadcast %jit3A_2136 : i32 to vector<16x4096xi32>
    %select_n3A_2138 = arith.select %eq3A_2135, %iota3A, %broadcast_in_dim3A_2137 : vector<16x4096xi1>, vector<16x4096xi32>
    %reduce_min3A_2139 = arith.constant dense<2147483647> : vector<16xi32>
    %reduce_min3A_2140 = vector.multi_reduction <minsi>, %select_n3A_2138, %reduce_min3A_2139 [1] : vector<16x4096xi32> to vector<16xi32>
    %broadcast_in_dim3A_2141 = vector.shape_cast %reduce_min3A_2140 : vector<16xi32> to vector<16x1xi32>
    %eq3A_2142 = vector.broadcast %broadcast_in_dim3A_2141 : vector<16x1xi32> to vector<16x4096xi32>
    %eq3A_2143 = arith.cmpi eq, %iota3A, %eq3A_2142 : vector<16x4096xi32>
    %jit3A_2144 = arith.constant 0.000000e+00 : f32
    %broadcast_in_dim3A_2145 = vector.broadcast %jit3A_2144 : f32 to vector<16x4096xf32>
    %select_n3A_2146 = arith.select %eq3A_2143, %select_n3A, %broadcast_in_dim3A_2145 : vector<16x4096xi1>, vector<16x4096xf32>
    %reduce_sum3A_2147 = arith.constant dense<0.000000e+00> : vector<16xf32>
    %reduce_sum3A_2148 = vector.multi_reduction <add>, %select_n3A_2146, %reduce_sum3A_2147 [1] : vector<16x4096xf32> to vector<16xf32>
    %broadcast_in_dim3A_2149 = vector.shape_cast %reduce_sum3A_2148 : vector<16xf32> to vector<16x1xf32>
    %jit3A_2150 = arith.constant 64 : i32
    %div3A_2151 = vector.broadcast %jit3A_2150 : i32 to vector<16x1xi32>
    %div3A_2152 = arith.divsi %broadcast_in_dim3A_2141, %div3A_2151 : vector<16x1xi32>
    %sign3A_2153 = arith.constant 0 : i32
    %sign3A_2154 = vector.broadcast %sign3A_2153 : i32 to vector<16x1xi32>
    %sign3A_2155 = arith.cmpi sgt, %broadcast_in_dim3A_2141, %sign3A_2154 : vector<16x1xi32>
    %sign3A_2156 = arith.extui %sign3A_2155 : vector<16x1xi1> to vector<16x1xi32>
    %sign3A_2157 = arith.constant 0 : i32
    %sign3A_2158 = vector.broadcast %sign3A_2157 : i32 to vector<16x1xi32>
    %sign3A_2159 = arith.cmpi slt, %broadcast_in_dim3A_2141, %sign3A_2158 : vector<16x1xi32>
    %sign3A_2160 = arith.extui %sign3A_2159 : vector<16x1xi1> to vector<16x1xi32>
    %sign3A_2161 = arith.subi %sign3A_2156, %sign3A_2160 : vector<16x1xi32>
    %sign3A_2162 = arith.constant 0 : i32
    %sign3A_2163 = arith.cmpi sgt, %jit3A_2150, %sign3A_2162 : i32
    %sign3A_2164 = arith.extui %sign3A_2163 : i1 to i32
    %sign3A_2165 = arith.constant 0 : i32
    %sign3A_2166 = arith.cmpi slt, %jit3A_2150, %sign3A_2165 : i32
    %sign3A_2167 = arith.extui %sign3A_2166 : i1 to i32
    %sign3A_2168 = arith.subi %sign3A_2164, %sign3A_2167 : i32
    %ne3A_2169 = vector.broadcast %sign3A_2168 : i32 to vector<16x1xi32>
    %ne3A_2170 = arith.cmpi ne, %sign3A_2161, %ne3A_2169 : vector<16x1xi32>
    %rem3A_2171 = vector.broadcast %jit3A_2150 : i32 to vector<16x1xi32>
    %rem3A_2172 = arith.remsi %broadcast_in_dim3A_2141, %rem3A_2171 : vector<16x1xi32>
    %ne3A_2173 = arith.constant 0 : i32
    %ne3A_2174 = vector.broadcast %ne3A_2173 : i32 to vector<16x1xi32>
    %ne3A_2175 = arith.cmpi ne, %rem3A_2172, %ne3A_2174 : vector<16x1xi32>
    %and3A_2176 = arith.andi %ne3A_2170, %ne3A_2175 : vector<16x1xi1>
    %sub3A_2177 = arith.constant 1 : i32
    %sub3A_2178 = vector.broadcast %sub3A_2177 : i32 to vector<16x1xi32>
    %sub3A_2179 = arith.subi %div3A_2152, %sub3A_2178 : vector<16x1xi32>
    %select_n3A_2180 = arith.select %and3A_2176, %sub3A_2179, %div3A_2152 : vector<16x1xi1>, vector<16x1xi32>
    %mul3A_2181 = arith.constant 64 : i32
    %mul3A_2182 = vector.broadcast %mul3A_2181 : i32 to vector<16x1xi32>
    %mul3A_2183 = arith.muli %select_n3A_2180, %mul3A_2182 : vector<16x1xi32>
    %sub3A_2184 = arith.subi %broadcast_in_dim3A_2141, %mul3A_2183 : vector<16x1xi32>
    %convert_element_type3A_2185 = arith.sitofp %sub3A_2184 : vector<16x1xi32> to vector<16x1xf32>
    %convert_element_type3A_2186 = arith.sitofp %select_n3A_2180 : vector<16x1xi32> to vector<16x1xf32>
    %add3A_2187 = arith.constant 117440512 : i32
    %add3A_2188 = vector.broadcast %add3A_2187 : i32 to vector<16x4096xi32>
    %add3A_2189 = arith.addi %add3A_20, %add3A_2188 : vector<16x4096xi32>
    %broadcast_in_dim3A_2190 = arith.constant 0 : i32
    %broadcast_in_dim3A_2191 = vector.broadcast %broadcast_in_dim3A_2190 : i32 to vector<16x4096xi32>
    %add3A_2192 = arith.constant 42 : i32
    %add3A_2193 = vector.broadcast %add3A_2192 : i32 to vector<16x4096xi32>
    %add3A_2194 = arith.addi %add3A_2189, %add3A_2193 : vector<16x4096xi32>
    %add3A_2195 = arith.addi %broadcast_in_dim3A_2191, %add3A_2194 : vector<16x4096xi32>
    %shift_left3A_2196 = arith.constant 13 : i32
    %shift_left3A_2197 = vector.broadcast %shift_left3A_2196 : i32 to vector<16x4096xi32>
    %shift_left3A_2198 = arith.shli %add3A_2194, %shift_left3A_2197 : vector<16x4096xi32>
    %shift_right_logical3A_2199 = arith.constant 19 : i32
    %shift_right_logical3A_2200 = vector.broadcast %shift_right_logical3A_2199 : i32 to vector<16x4096xi32>
    %shift_right_logical3A_2201 = arith.shrui %add3A_2194, %shift_right_logical3A_2200 : vector<16x4096xi32>
    %or3A_2202 = arith.ori %shift_left3A_2198, %shift_right_logical3A_2201 : vector<16x4096xi32>
    %xor3A_2203 = arith.xori %add3A_2195, %or3A_2202 : vector<16x4096xi32>
    %add3A_2204 = arith.addi %add3A_2195, %xor3A_2203 : vector<16x4096xi32>
    %shift_left3A_2205 = arith.constant 15 : i32
    %shift_left3A_2206 = vector.broadcast %shift_left3A_2205 : i32 to vector<16x4096xi32>
    %shift_left3A_2207 = arith.shli %xor3A_2203, %shift_left3A_2206 : vector<16x4096xi32>
    %shift_right_logical3A_2208 = arith.constant 17 : i32
    %shift_right_logical3A_2209 = vector.broadcast %shift_right_logical3A_2208 : i32 to vector<16x4096xi32>
    %shift_right_logical3A_2210 = arith.shrui %xor3A_2203, %shift_right_logical3A_2209 : vector<16x4096xi32>
    %or3A_2211 = arith.ori %shift_left3A_2207, %shift_right_logical3A_2210 : vector<16x4096xi32>
    %xor3A_2212 = arith.xori %add3A_2204, %or3A_2211 : vector<16x4096xi32>
    %add3A_2213 = arith.addi %add3A_2204, %xor3A_2212 : vector<16x4096xi32>
    %shift_left3A_2214 = arith.constant 26 : i32
    %shift_left3A_2215 = vector.broadcast %shift_left3A_2214 : i32 to vector<16x4096xi32>
    %shift_left3A_2216 = arith.shli %xor3A_2212, %shift_left3A_2215 : vector<16x4096xi32>
    %shift_right_logical3A_2217 = arith.constant 6 : i32
    %shift_right_logical3A_2218 = vector.broadcast %shift_right_logical3A_2217 : i32 to vector<16x4096xi32>
    %shift_right_logical3A_2219 = arith.shrui %xor3A_2212, %shift_right_logical3A_2218 : vector<16x4096xi32>
    %or3A_2220 = arith.ori %shift_left3A_2216, %shift_right_logical3A_2219 : vector<16x4096xi32>
    %xor3A_2221 = arith.xori %add3A_2213, %or3A_2220 : vector<16x4096xi32>
    %add3A_2222 = arith.addi %add3A_2213, %xor3A_2221 : vector<16x4096xi32>
    %shift_left3A_2223 = arith.constant 6 : i32
    %shift_left3A_2224 = vector.broadcast %shift_left3A_2223 : i32 to vector<16x4096xi32>
    %shift_left3A_2225 = arith.shli %xor3A_2221, %shift_left3A_2224 : vector<16x4096xi32>
    %shift_right_logical3A_2226 = arith.constant 26 : i32
    %shift_right_logical3A_2227 = vector.broadcast %shift_right_logical3A_2226 : i32 to vector<16x4096xi32>
    %shift_right_logical3A_2228 = arith.shrui %xor3A_2221, %shift_right_logical3A_2227 : vector<16x4096xi32>
    %or3A_2229 = arith.ori %shift_left3A_2225, %shift_right_logical3A_2228 : vector<16x4096xi32>
    %xor3A_2230 = arith.xori %add3A_2222, %or3A_2229 : vector<16x4096xi32>
    %add3A_2231 = arith.constant 42 : i32
    %add3A_2232 = vector.broadcast %add3A_2231 : i32 to vector<16x4096xi32>
    %add3A_2233 = arith.addi %add3A_2222, %add3A_2232 : vector<16x4096xi32>
    %add3A_2234 = arith.constant 466689008 : i32
    %add3A_2235 = vector.broadcast %add3A_2234 : i32 to vector<16x4096xi32>
    %add3A_2236 = arith.addi %xor3A_2230, %add3A_2235 : vector<16x4096xi32>
    %add3A_2237 = arith.constant 1 : i32
    %add3A_2238 = vector.broadcast %add3A_2237 : i32 to vector<16x4096xi32>
    %add3A_2239 = arith.addi %add3A_2236, %add3A_2238 : vector<16x4096xi32>
    %add3A_2240 = arith.addi %add3A_2233, %add3A_2239 : vector<16x4096xi32>
    %shift_left3A_2241 = arith.constant 17 : i32
    %shift_left3A_2242 = vector.broadcast %shift_left3A_2241 : i32 to vector<16x4096xi32>
    %shift_left3A_2243 = arith.shli %add3A_2239, %shift_left3A_2242 : vector<16x4096xi32>
    %shift_right_logical3A_2244 = arith.constant 15 : i32
    %shift_right_logical3A_2245 = vector.broadcast %shift_right_logical3A_2244 : i32 to vector<16x4096xi32>
    %shift_right_logical3A_2246 = arith.shrui %add3A_2239, %shift_right_logical3A_2245 : vector<16x4096xi32>
    %or3A_2247 = arith.ori %shift_left3A_2243, %shift_right_logical3A_2246 : vector<16x4096xi32>
    %xor3A_2248 = arith.xori %add3A_2240, %or3A_2247 : vector<16x4096xi32>
    %add3A_2249 = arith.addi %add3A_2240, %xor3A_2248 : vector<16x4096xi32>
    %shift_left3A_2250 = arith.constant 29 : i32
    %shift_left3A_2251 = vector.broadcast %shift_left3A_2250 : i32 to vector<16x4096xi32>
    %shift_left3A_2252 = arith.shli %xor3A_2248, %shift_left3A_2251 : vector<16x4096xi32>
    %shift_right_logical3A_2253 = arith.constant 3 : i32
    %shift_right_logical3A_2254 = vector.broadcast %shift_right_logical3A_2253 : i32 to vector<16x4096xi32>
    %shift_right_logical3A_2255 = arith.shrui %xor3A_2248, %shift_right_logical3A_2254 : vector<16x4096xi32>
    %or3A_2256 = arith.ori %shift_left3A_2252, %shift_right_logical3A_2255 : vector<16x4096xi32>
    %xor3A_2257 = arith.xori %add3A_2249, %or3A_2256 : vector<16x4096xi32>
    %add3A_2258 = arith.addi %add3A_2249, %xor3A_2257 : vector<16x4096xi32>
    %shift_left3A_2259 = arith.constant 16 : i32
    %shift_left3A_2260 = vector.broadcast %shift_left3A_2259 : i32 to vector<16x4096xi32>
    %shift_left3A_2261 = arith.shli %xor3A_2257, %shift_left3A_2260 : vector<16x4096xi32>
    %shift_right_logical3A_2262 = arith.constant 16 : i32
    %shift_right_logical3A_2263 = vector.broadcast %shift_right_logical3A_2262 : i32 to vector<16x4096xi32>
    %shift_right_logical3A_2264 = arith.shrui %xor3A_2257, %shift_right_logical3A_2263 : vector<16x4096xi32>
    %or3A_2265 = arith.ori %shift_left3A_2261, %shift_right_logical3A_2264 : vector<16x4096xi32>
    %xor3A_2266 = arith.xori %add3A_2258, %or3A_2265 : vector<16x4096xi32>
    %add3A_2267 = arith.addi %add3A_2258, %xor3A_2266 : vector<16x4096xi32>
    %shift_left3A_2268 = arith.constant 24 : i32
    %shift_left3A_2269 = vector.broadcast %shift_left3A_2268 : i32 to vector<16x4096xi32>
    %shift_left3A_2270 = arith.shli %xor3A_2266, %shift_left3A_2269 : vector<16x4096xi32>
    %shift_right_logical3A_2271 = arith.constant 8 : i32
    %shift_right_logical3A_2272 = vector.broadcast %shift_right_logical3A_2271 : i32 to vector<16x4096xi32>
    %shift_right_logical3A_2273 = arith.shrui %xor3A_2266, %shift_right_logical3A_2272 : vector<16x4096xi32>
    %or3A_2274 = arith.ori %shift_left3A_2270, %shift_right_logical3A_2273 : vector<16x4096xi32>
    %xor3A_2275 = arith.xori %add3A_2267, %or3A_2274 : vector<16x4096xi32>
    %add3A_2276 = arith.constant 466689008 : i32
    %add3A_2277 = vector.broadcast %add3A_2276 : i32 to vector<16x4096xi32>
    %add3A_2278 = arith.addi %add3A_2267, %add3A_2277 : vector<16x4096xi32>
    %add3A_2279 = arith.constant 0 : i32
    %add3A_2280 = vector.broadcast %add3A_2279 : i32 to vector<16x4096xi32>
    %add3A_2281 = arith.addi %xor3A_2275, %add3A_2280 : vector<16x4096xi32>
    %add3A_2282 = arith.constant 2 : i32
    %add3A_2283 = vector.broadcast %add3A_2282 : i32 to vector<16x4096xi32>
    %add3A_2284 = arith.addi %add3A_2281, %add3A_2283 : vector<16x4096xi32>
    %add3A_2285 = arith.addi %add3A_2278, %add3A_2284 : vector<16x4096xi32>
    %shift_left3A_2286 = arith.constant 13 : i32
    %shift_left3A_2287 = vector.broadcast %shift_left3A_2286 : i32 to vector<16x4096xi32>
    %shift_left3A_2288 = arith.shli %add3A_2284, %shift_left3A_2287 : vector<16x4096xi32>
    %shift_right_logical3A_2289 = arith.constant 19 : i32
    %shift_right_logical3A_2290 = vector.broadcast %shift_right_logical3A_2289 : i32 to vector<16x4096xi32>
    %shift_right_logical3A_2291 = arith.shrui %add3A_2284, %shift_right_logical3A_2290 : vector<16x4096xi32>
    %or3A_2292 = arith.ori %shift_left3A_2288, %shift_right_logical3A_2291 : vector<16x4096xi32>
    %xor3A_2293 = arith.xori %add3A_2285, %or3A_2292 : vector<16x4096xi32>
    %add3A_2294 = arith.addi %add3A_2285, %xor3A_2293 : vector<16x4096xi32>
    %shift_left3A_2295 = arith.constant 15 : i32
    %shift_left3A_2296 = vector.broadcast %shift_left3A_2295 : i32 to vector<16x4096xi32>
    %shift_left3A_2297 = arith.shli %xor3A_2293, %shift_left3A_2296 : vector<16x4096xi32>
    %shift_right_logical3A_2298 = arith.constant 17 : i32
    %shift_right_logical3A_2299 = vector.broadcast %shift_right_logical3A_2298 : i32 to vector<16x4096xi32>
    %shift_right_logical3A_2300 = arith.shrui %xor3A_2293, %shift_right_logical3A_2299 : vector<16x4096xi32>
    %or3A_2301 = arith.ori %shift_left3A_2297, %shift_right_logical3A_2300 : vector<16x4096xi32>
    %xor3A_2302 = arith.xori %add3A_2294, %or3A_2301 : vector<16x4096xi32>
    %add3A_2303 = arith.addi %add3A_2294, %xor3A_2302 : vector<16x4096xi32>
    %shift_left3A_2304 = arith.constant 26 : i32
    %shift_left3A_2305 = vector.broadcast %shift_left3A_2304 : i32 to vector<16x4096xi32>
    %shift_left3A_2306 = arith.shli %xor3A_2302, %shift_left3A_2305 : vector<16x4096xi32>
    %shift_right_logical3A_2307 = arith.constant 6 : i32
    %shift_right_logical3A_2308 = vector.broadcast %shift_right_logical3A_2307 : i32 to vector<16x4096xi32>
    %shift_right_logical3A_2309 = arith.shrui %xor3A_2302, %shift_right_logical3A_2308 : vector<16x4096xi32>
    %or3A_2310 = arith.ori %shift_left3A_2306, %shift_right_logical3A_2309 : vector<16x4096xi32>
    %xor3A_2311 = arith.xori %add3A_2303, %or3A_2310 : vector<16x4096xi32>
    %add3A_2312 = arith.addi %add3A_2303, %xor3A_2311 : vector<16x4096xi32>
    %shift_left3A_2313 = arith.constant 6 : i32
    %shift_left3A_2314 = vector.broadcast %shift_left3A_2313 : i32 to vector<16x4096xi32>
    %shift_left3A_2315 = arith.shli %xor3A_2311, %shift_left3A_2314 : vector<16x4096xi32>
    %shift_right_logical3A_2316 = arith.constant 26 : i32
    %shift_right_logical3A_2317 = vector.broadcast %shift_right_logical3A_2316 : i32 to vector<16x4096xi32>
    %shift_right_logical3A_2318 = arith.shrui %xor3A_2311, %shift_right_logical3A_2317 : vector<16x4096xi32>
    %or3A_2319 = arith.ori %shift_left3A_2315, %shift_right_logical3A_2318 : vector<16x4096xi32>
    %xor3A_2320 = arith.xori %add3A_2312, %or3A_2319 : vector<16x4096xi32>
    %add3A_2321 = arith.constant 0 : i32
    %add3A_2322 = vector.broadcast %add3A_2321 : i32 to vector<16x4096xi32>
    %add3A_2323 = arith.addi %add3A_2312, %add3A_2322 : vector<16x4096xi32>
    %add3A_2324 = arith.constant 42 : i32
    %add3A_2325 = vector.broadcast %add3A_2324 : i32 to vector<16x4096xi32>
    %add3A_2326 = arith.addi %xor3A_2320, %add3A_2325 : vector<16x4096xi32>
    %add3A_2327 = arith.constant 3 : i32
    %add3A_2328 = vector.broadcast %add3A_2327 : i32 to vector<16x4096xi32>
    %add3A_2329 = arith.addi %add3A_2326, %add3A_2328 : vector<16x4096xi32>
    %add3A_2330 = arith.addi %add3A_2323, %add3A_2329 : vector<16x4096xi32>
    %shift_left3A_2331 = arith.constant 17 : i32
    %shift_left3A_2332 = vector.broadcast %shift_left3A_2331 : i32 to vector<16x4096xi32>
    %shift_left3A_2333 = arith.shli %add3A_2329, %shift_left3A_2332 : vector<16x4096xi32>
    %shift_right_logical3A_2334 = arith.constant 15 : i32
    %shift_right_logical3A_2335 = vector.broadcast %shift_right_logical3A_2334 : i32 to vector<16x4096xi32>
    %shift_right_logical3A_2336 = arith.shrui %add3A_2329, %shift_right_logical3A_2335 : vector<16x4096xi32>
    %or3A_2337 = arith.ori %shift_left3A_2333, %shift_right_logical3A_2336 : vector<16x4096xi32>
    %xor3A_2338 = arith.xori %add3A_2330, %or3A_2337 : vector<16x4096xi32>
    %add3A_2339 = arith.addi %add3A_2330, %xor3A_2338 : vector<16x4096xi32>
    %shift_left3A_2340 = arith.constant 29 : i32
    %shift_left3A_2341 = vector.broadcast %shift_left3A_2340 : i32 to vector<16x4096xi32>
    %shift_left3A_2342 = arith.shli %xor3A_2338, %shift_left3A_2341 : vector<16x4096xi32>
    %shift_right_logical3A_2343 = arith.constant 3 : i32
    %shift_right_logical3A_2344 = vector.broadcast %shift_right_logical3A_2343 : i32 to vector<16x4096xi32>
    %shift_right_logical3A_2345 = arith.shrui %xor3A_2338, %shift_right_logical3A_2344 : vector<16x4096xi32>
    %or3A_2346 = arith.ori %shift_left3A_2342, %shift_right_logical3A_2345 : vector<16x4096xi32>
    %xor3A_2347 = arith.xori %add3A_2339, %or3A_2346 : vector<16x4096xi32>
    %add3A_2348 = arith.addi %add3A_2339, %xor3A_2347 : vector<16x4096xi32>
    %shift_left3A_2349 = arith.constant 16 : i32
    %shift_left3A_2350 = vector.broadcast %shift_left3A_2349 : i32 to vector<16x4096xi32>
    %shift_left3A_2351 = arith.shli %xor3A_2347, %shift_left3A_2350 : vector<16x4096xi32>
    %shift_right_logical3A_2352 = arith.constant 16 : i32
    %shift_right_logical3A_2353 = vector.broadcast %shift_right_logical3A_2352 : i32 to vector<16x4096xi32>
    %shift_right_logical3A_2354 = arith.shrui %xor3A_2347, %shift_right_logical3A_2353 : vector<16x4096xi32>
    %or3A_2355 = arith.ori %shift_left3A_2351, %shift_right_logical3A_2354 : vector<16x4096xi32>
    %xor3A_2356 = arith.xori %add3A_2348, %or3A_2355 : vector<16x4096xi32>
    %add3A_2357 = arith.addi %add3A_2348, %xor3A_2356 : vector<16x4096xi32>
    %shift_left3A_2358 = arith.constant 24 : i32
    %shift_left3A_2359 = vector.broadcast %shift_left3A_2358 : i32 to vector<16x4096xi32>
    %shift_left3A_2360 = arith.shli %xor3A_2356, %shift_left3A_2359 : vector<16x4096xi32>
    %shift_right_logical3A_2361 = arith.constant 8 : i32
    %shift_right_logical3A_2362 = vector.broadcast %shift_right_logical3A_2361 : i32 to vector<16x4096xi32>
    %shift_right_logical3A_2363 = arith.shrui %xor3A_2356, %shift_right_logical3A_2362 : vector<16x4096xi32>
    %or3A_2364 = arith.ori %shift_left3A_2360, %shift_right_logical3A_2363 : vector<16x4096xi32>
    %xor3A_2365 = arith.xori %add3A_2357, %or3A_2364 : vector<16x4096xi32>
    %add3A_2366 = arith.constant 42 : i32
    %add3A_2367 = vector.broadcast %add3A_2366 : i32 to vector<16x4096xi32>
    %add3A_2368 = arith.addi %add3A_2357, %add3A_2367 : vector<16x4096xi32>
    %add3A_2369 = arith.constant 466689008 : i32
    %add3A_2370 = vector.broadcast %add3A_2369 : i32 to vector<16x4096xi32>
    %add3A_2371 = arith.addi %xor3A_2365, %add3A_2370 : vector<16x4096xi32>
    %add3A_2372 = arith.constant 4 : i32
    %add3A_2373 = vector.broadcast %add3A_2372 : i32 to vector<16x4096xi32>
    %add3A_2374 = arith.addi %add3A_2371, %add3A_2373 : vector<16x4096xi32>
    %add3A_2375 = arith.addi %add3A_2368, %add3A_2374 : vector<16x4096xi32>
    %shift_left3A_2376 = arith.constant 13 : i32
    %shift_left3A_2377 = vector.broadcast %shift_left3A_2376 : i32 to vector<16x4096xi32>
    %shift_left3A_2378 = arith.shli %add3A_2374, %shift_left3A_2377 : vector<16x4096xi32>
    %shift_right_logical3A_2379 = arith.constant 19 : i32
    %shift_right_logical3A_2380 = vector.broadcast %shift_right_logical3A_2379 : i32 to vector<16x4096xi32>
    %shift_right_logical3A_2381 = arith.shrui %add3A_2374, %shift_right_logical3A_2380 : vector<16x4096xi32>
    %or3A_2382 = arith.ori %shift_left3A_2378, %shift_right_logical3A_2381 : vector<16x4096xi32>
    %xor3A_2383 = arith.xori %add3A_2375, %or3A_2382 : vector<16x4096xi32>
    %add3A_2384 = arith.addi %add3A_2375, %xor3A_2383 : vector<16x4096xi32>
    %shift_left3A_2385 = arith.constant 15 : i32
    %shift_left3A_2386 = vector.broadcast %shift_left3A_2385 : i32 to vector<16x4096xi32>
    %shift_left3A_2387 = arith.shli %xor3A_2383, %shift_left3A_2386 : vector<16x4096xi32>
    %shift_right_logical3A_2388 = arith.constant 17 : i32
    %shift_right_logical3A_2389 = vector.broadcast %shift_right_logical3A_2388 : i32 to vector<16x4096xi32>
    %shift_right_logical3A_2390 = arith.shrui %xor3A_2383, %shift_right_logical3A_2389 : vector<16x4096xi32>
    %or3A_2391 = arith.ori %shift_left3A_2387, %shift_right_logical3A_2390 : vector<16x4096xi32>
    %xor3A_2392 = arith.xori %add3A_2384, %or3A_2391 : vector<16x4096xi32>
    %add3A_2393 = arith.addi %add3A_2384, %xor3A_2392 : vector<16x4096xi32>
    %shift_left3A_2394 = arith.constant 26 : i32
    %shift_left3A_2395 = vector.broadcast %shift_left3A_2394 : i32 to vector<16x4096xi32>
    %shift_left3A_2396 = arith.shli %xor3A_2392, %shift_left3A_2395 : vector<16x4096xi32>
    %shift_right_logical3A_2397 = arith.constant 6 : i32
    %shift_right_logical3A_2398 = vector.broadcast %shift_right_logical3A_2397 : i32 to vector<16x4096xi32>
    %shift_right_logical3A_2399 = arith.shrui %xor3A_2392, %shift_right_logical3A_2398 : vector<16x4096xi32>
    %or3A_2400 = arith.ori %shift_left3A_2396, %shift_right_logical3A_2399 : vector<16x4096xi32>
    %xor3A_2401 = arith.xori %add3A_2393, %or3A_2400 : vector<16x4096xi32>
    %add3A_2402 = arith.addi %add3A_2393, %xor3A_2401 : vector<16x4096xi32>
    %shift_left3A_2403 = arith.constant 6 : i32
    %shift_left3A_2404 = vector.broadcast %shift_left3A_2403 : i32 to vector<16x4096xi32>
    %shift_left3A_2405 = arith.shli %xor3A_2401, %shift_left3A_2404 : vector<16x4096xi32>
    %shift_right_logical3A_2406 = arith.constant 26 : i32
    %shift_right_logical3A_2407 = vector.broadcast %shift_right_logical3A_2406 : i32 to vector<16x4096xi32>
    %shift_right_logical3A_2408 = arith.shrui %xor3A_2401, %shift_right_logical3A_2407 : vector<16x4096xi32>
    %or3A_2409 = arith.ori %shift_left3A_2405, %shift_right_logical3A_2408 : vector<16x4096xi32>
    %xor3A_2410 = arith.xori %add3A_2402, %or3A_2409 : vector<16x4096xi32>
    %add3A_2411 = arith.constant 466689008 : i32
    %add3A_2412 = vector.broadcast %add3A_2411 : i32 to vector<16x4096xi32>
    %add3A_2413 = arith.addi %add3A_2402, %add3A_2412 : vector<16x4096xi32>
    %add3A_2414 = arith.constant 0 : i32
    %add3A_2415 = vector.broadcast %add3A_2414 : i32 to vector<16x4096xi32>
    %add3A_2416 = arith.addi %xor3A_2410, %add3A_2415 : vector<16x4096xi32>
    %add3A_2417 = arith.constant 5 : i32
    %add3A_2418 = vector.broadcast %add3A_2417 : i32 to vector<16x4096xi32>
    %add3A_2419 = arith.addi %add3A_2416, %add3A_2418 : vector<16x4096xi32>
    %xor3A_2420 = arith.xori %add3A_2413, %add3A_2419 : vector<16x4096xi32>
    %shift_right_logical3A_2421 = arith.constant 9 : i32
    %shift_right_logical3A_2422 = vector.broadcast %shift_right_logical3A_2421 : i32 to vector<16x4096xi32>
    %shift_right_logical3A_2423 = arith.shrui %xor3A_2420, %shift_right_logical3A_2422 : vector<16x4096xi32>
    %or3A_2424 = arith.constant 1065353216 : i32
    %or3A_2425 = vector.broadcast %or3A_2424 : i32 to vector<16x4096xi32>
    %or3A_2426 = arith.ori %shift_right_logical3A_2423, %or3A_2425 : vector<16x4096xi32>
    %bitcast_convert_type3A_2427 = tpu.bitcast %or3A_2426 : vector<16x4096xi32> -> vector<16x4096xf32>
    %sub3A_2428 = arith.constant 1.000000e+00 : f32
    %sub3A_2429 = vector.broadcast %sub3A_2428 : f32 to vector<16x4096xf32>
    %sub3A_2430 = arith.subf %bitcast_convert_type3A_2427, %sub3A_2429 : vector<16x4096xf32>
    %max3A_2431 = arith.constant 1.17549435E-38 : f32
    %max3A_2432 = vector.broadcast %max3A_2431 : f32 to vector<16x4096xf32>
    %max3A_2433 = arith.maximumf %sub3A_2430, %max3A_2432 : vector<16x4096xf32>
    %log3A_2434 = math.log %max3A_2433 : vector<16x4096xf32>
    %neg3A_2435 = arith.constant 0.000000e+00 : f32
    %neg3A_2436 = vector.broadcast %neg3A_2435 : f32 to vector<16x4096xf32>
    %neg3A_2437 = arith.subf %neg3A_2436, %log3A_2434 : vector<16x4096xf32>
    %log3A_2438 = math.log %neg3A_2437 : vector<16x4096xf32>
    %neg3A_2439 = arith.constant 0.000000e+00 : f32
    %neg3A_2440 = vector.broadcast %neg3A_2439 : f32 to vector<16x4096xf32>
    %neg3A_2441 = arith.subf %neg3A_2440, %log3A_2438 : vector<16x4096xf32>
    %add3A_2442 = arith.addf %neg3A_2441, %select_n3A_13 : vector<16x4096xf32>
    %reduce_max3A_2443 = arith.constant dense<0xFF800000> : vector<16xf32>
    %reduce_max3A_2444 = vector.multi_reduction <maximumf>, %add3A_2442, %reduce_max3A_2443 [1] : vector<16x4096xf32> to vector<16xf32>
    %broadcast_in_dim3A_2445 = vector.shape_cast %reduce_max3A_2444 : vector<16xf32> to vector<16x1xf32>
    %eq3A_2446 = vector.broadcast %broadcast_in_dim3A_2445 : vector<16x1xf32> to vector<16x4096xf32>
    %eq3A_2447 = arith.cmpf oeq, %add3A_2442, %eq3A_2446 : vector<16x4096xf32>
    %jit3A_2448 = arith.constant 4096 : i32
    %broadcast_in_dim3A_2449 = vector.broadcast %jit3A_2448 : i32 to vector<16x4096xi32>
    %select_n3A_2450 = arith.select %eq3A_2447, %iota3A, %broadcast_in_dim3A_2449 : vector<16x4096xi1>, vector<16x4096xi32>
    %reduce_min3A_2451 = arith.constant dense<2147483647> : vector<16xi32>
    %reduce_min3A_2452 = vector.multi_reduction <minsi>, %select_n3A_2450, %reduce_min3A_2451 [1] : vector<16x4096xi32> to vector<16xi32>
    %broadcast_in_dim3A_2453 = vector.shape_cast %reduce_min3A_2452 : vector<16xi32> to vector<16x1xi32>
    %eq3A_2454 = vector.broadcast %broadcast_in_dim3A_2453 : vector<16x1xi32> to vector<16x4096xi32>
    %eq3A_2455 = arith.cmpi eq, %iota3A, %eq3A_2454 : vector<16x4096xi32>
    %jit3A_2456 = arith.constant 0.000000e+00 : f32
    %broadcast_in_dim3A_2457 = vector.broadcast %jit3A_2456 : f32 to vector<16x4096xf32>
    %select_n3A_2458 = arith.select %eq3A_2455, %select_n3A, %broadcast_in_dim3A_2457 : vector<16x4096xi1>, vector<16x4096xf32>
    %reduce_sum3A_2459 = arith.constant dense<0.000000e+00> : vector<16xf32>
    %reduce_sum3A_2460 = vector.multi_reduction <add>, %select_n3A_2458, %reduce_sum3A_2459 [1] : vector<16x4096xf32> to vector<16xf32>
    %broadcast_in_dim3A_2461 = vector.shape_cast %reduce_sum3A_2460 : vector<16xf32> to vector<16x1xf32>
    %jit3A_2462 = arith.constant 64 : i32
    %div3A_2463 = vector.broadcast %jit3A_2462 : i32 to vector<16x1xi32>
    %div3A_2464 = arith.divsi %broadcast_in_dim3A_2453, %div3A_2463 : vector<16x1xi32>
    %sign3A_2465 = arith.constant 0 : i32
    %sign3A_2466 = vector.broadcast %sign3A_2465 : i32 to vector<16x1xi32>
    %sign3A_2467 = arith.cmpi sgt, %broadcast_in_dim3A_2453, %sign3A_2466 : vector<16x1xi32>
    %sign3A_2468 = arith.extui %sign3A_2467 : vector<16x1xi1> to vector<16x1xi32>
    %sign3A_2469 = arith.constant 0 : i32
    %sign3A_2470 = vector.broadcast %sign3A_2469 : i32 to vector<16x1xi32>
    %sign3A_2471 = arith.cmpi slt, %broadcast_in_dim3A_2453, %sign3A_2470 : vector<16x1xi32>
    %sign3A_2472 = arith.extui %sign3A_2471 : vector<16x1xi1> to vector<16x1xi32>
    %sign3A_2473 = arith.subi %sign3A_2468, %sign3A_2472 : vector<16x1xi32>
    %sign3A_2474 = arith.constant 0 : i32
    %sign3A_2475 = arith.cmpi sgt, %jit3A_2462, %sign3A_2474 : i32
    %sign3A_2476 = arith.extui %sign3A_2475 : i1 to i32
    %sign3A_2477 = arith.constant 0 : i32
    %sign3A_2478 = arith.cmpi slt, %jit3A_2462, %sign3A_2477 : i32
    %sign3A_2479 = arith.extui %sign3A_2478 : i1 to i32
    %sign3A_2480 = arith.subi %sign3A_2476, %sign3A_2479 : i32
    %ne3A_2481 = vector.broadcast %sign3A_2480 : i32 to vector<16x1xi32>
    %ne3A_2482 = arith.cmpi ne, %sign3A_2473, %ne3A_2481 : vector<16x1xi32>
    %rem3A_2483 = vector.broadcast %jit3A_2462 : i32 to vector<16x1xi32>
    %rem3A_2484 = arith.remsi %broadcast_in_dim3A_2453, %rem3A_2483 : vector<16x1xi32>
    %ne3A_2485 = arith.constant 0 : i32
    %ne3A_2486 = vector.broadcast %ne3A_2485 : i32 to vector<16x1xi32>
    %ne3A_2487 = arith.cmpi ne, %rem3A_2484, %ne3A_2486 : vector<16x1xi32>
    %and3A_2488 = arith.andi %ne3A_2482, %ne3A_2487 : vector<16x1xi1>
    %sub3A_2489 = arith.constant 1 : i32
    %sub3A_2490 = vector.broadcast %sub3A_2489 : i32 to vector<16x1xi32>
    %sub3A_2491 = arith.subi %div3A_2464, %sub3A_2490 : vector<16x1xi32>
    %select_n3A_2492 = arith.select %and3A_2488, %sub3A_2491, %div3A_2464 : vector<16x1xi1>, vector<16x1xi32>
    %mul3A_2493 = arith.constant 64 : i32
    %mul3A_2494 = vector.broadcast %mul3A_2493 : i32 to vector<16x1xi32>
    %mul3A_2495 = arith.muli %select_n3A_2492, %mul3A_2494 : vector<16x1xi32>
    %sub3A_2496 = arith.subi %broadcast_in_dim3A_2453, %mul3A_2495 : vector<16x1xi32>
    %convert_element_type3A_2497 = arith.sitofp %sub3A_2496 : vector<16x1xi32> to vector<16x1xf32>
    %convert_element_type3A_2498 = arith.sitofp %select_n3A_2492 : vector<16x1xi32> to vector<16x1xf32>
    %add3A_2499 = arith.constant 134217728 : i32
    %add3A_2500 = vector.broadcast %add3A_2499 : i32 to vector<16x4096xi32>
    %add3A_2501 = arith.addi %add3A_20, %add3A_2500 : vector<16x4096xi32>
    %broadcast_in_dim3A_2502 = arith.constant 0 : i32
    %broadcast_in_dim3A_2503 = vector.broadcast %broadcast_in_dim3A_2502 : i32 to vector<16x4096xi32>
    %add3A_2504 = arith.constant 42 : i32
    %add3A_2505 = vector.broadcast %add3A_2504 : i32 to vector<16x4096xi32>
    %add3A_2506 = arith.addi %add3A_2501, %add3A_2505 : vector<16x4096xi32>
    %add3A_2507 = arith.addi %broadcast_in_dim3A_2503, %add3A_2506 : vector<16x4096xi32>
    %shift_left3A_2508 = arith.constant 13 : i32
    %shift_left3A_2509 = vector.broadcast %shift_left3A_2508 : i32 to vector<16x4096xi32>
    %shift_left3A_2510 = arith.shli %add3A_2506, %shift_left3A_2509 : vector<16x4096xi32>
    %shift_right_logical3A_2511 = arith.constant 19 : i32
    %shift_right_logical3A_2512 = vector.broadcast %shift_right_logical3A_2511 : i32 to vector<16x4096xi32>
    %shift_right_logical3A_2513 = arith.shrui %add3A_2506, %shift_right_logical3A_2512 : vector<16x4096xi32>
    %or3A_2514 = arith.ori %shift_left3A_2510, %shift_right_logical3A_2513 : vector<16x4096xi32>
    %xor3A_2515 = arith.xori %add3A_2507, %or3A_2514 : vector<16x4096xi32>
    %add3A_2516 = arith.addi %add3A_2507, %xor3A_2515 : vector<16x4096xi32>
    %shift_left3A_2517 = arith.constant 15 : i32
    %shift_left3A_2518 = vector.broadcast %shift_left3A_2517 : i32 to vector<16x4096xi32>
    %shift_left3A_2519 = arith.shli %xor3A_2515, %shift_left3A_2518 : vector<16x4096xi32>
    %shift_right_logical3A_2520 = arith.constant 17 : i32
    %shift_right_logical3A_2521 = vector.broadcast %shift_right_logical3A_2520 : i32 to vector<16x4096xi32>
    %shift_right_logical3A_2522 = arith.shrui %xor3A_2515, %shift_right_logical3A_2521 : vector<16x4096xi32>
    %or3A_2523 = arith.ori %shift_left3A_2519, %shift_right_logical3A_2522 : vector<16x4096xi32>
    %xor3A_2524 = arith.xori %add3A_2516, %or3A_2523 : vector<16x4096xi32>
    %add3A_2525 = arith.addi %add3A_2516, %xor3A_2524 : vector<16x4096xi32>
    %shift_left3A_2526 = arith.constant 26 : i32
    %shift_left3A_2527 = vector.broadcast %shift_left3A_2526 : i32 to vector<16x4096xi32>
    %shift_left3A_2528 = arith.shli %xor3A_2524, %shift_left3A_2527 : vector<16x4096xi32>
    %shift_right_logical3A_2529 = arith.constant 6 : i32
    %shift_right_logical3A_2530 = vector.broadcast %shift_right_logical3A_2529 : i32 to vector<16x4096xi32>
    %shift_right_logical3A_2531 = arith.shrui %xor3A_2524, %shift_right_logical3A_2530 : vector<16x4096xi32>
    %or3A_2532 = arith.ori %shift_left3A_2528, %shift_right_logical3A_2531 : vector<16x4096xi32>
    %xor3A_2533 = arith.xori %add3A_2525, %or3A_2532 : vector<16x4096xi32>
    %add3A_2534 = arith.addi %add3A_2525, %xor3A_2533 : vector<16x4096xi32>
    %shift_left3A_2535 = arith.constant 6 : i32
    %shift_left3A_2536 = vector.broadcast %shift_left3A_2535 : i32 to vector<16x4096xi32>
    %shift_left3A_2537 = arith.shli %xor3A_2533, %shift_left3A_2536 : vector<16x4096xi32>
    %shift_right_logical3A_2538 = arith.constant 26 : i32
    %shift_right_logical3A_2539 = vector.broadcast %shift_right_logical3A_2538 : i32 to vector<16x4096xi32>
    %shift_right_logical3A_2540 = arith.shrui %xor3A_2533, %shift_right_logical3A_2539 : vector<16x4096xi32>
    %or3A_2541 = arith.ori %shift_left3A_2537, %shift_right_logical3A_2540 : vector<16x4096xi32>
    %xor3A_2542 = arith.xori %add3A_2534, %or3A_2541 : vector<16x4096xi32>
    %add3A_2543 = arith.constant 42 : i32
    %add3A_2544 = vector.broadcast %add3A_2543 : i32 to vector<16x4096xi32>
    %add3A_2545 = arith.addi %add3A_2534, %add3A_2544 : vector<16x4096xi32>
    %add3A_2546 = arith.constant 466689008 : i32
    %add3A_2547 = vector.broadcast %add3A_2546 : i32 to vector<16x4096xi32>
    %add3A_2548 = arith.addi %xor3A_2542, %add3A_2547 : vector<16x4096xi32>
    %add3A_2549 = arith.constant 1 : i32
    %add3A_2550 = vector.broadcast %add3A_2549 : i32 to vector<16x4096xi32>
    %add3A_2551 = arith.addi %add3A_2548, %add3A_2550 : vector<16x4096xi32>
    %add3A_2552 = arith.addi %add3A_2545, %add3A_2551 : vector<16x4096xi32>
    %shift_left3A_2553 = arith.constant 17 : i32
    %shift_left3A_2554 = vector.broadcast %shift_left3A_2553 : i32 to vector<16x4096xi32>
    %shift_left3A_2555 = arith.shli %add3A_2551, %shift_left3A_2554 : vector<16x4096xi32>
    %shift_right_logical3A_2556 = arith.constant 15 : i32
    %shift_right_logical3A_2557 = vector.broadcast %shift_right_logical3A_2556 : i32 to vector<16x4096xi32>
    %shift_right_logical3A_2558 = arith.shrui %add3A_2551, %shift_right_logical3A_2557 : vector<16x4096xi32>
    %or3A_2559 = arith.ori %shift_left3A_2555, %shift_right_logical3A_2558 : vector<16x4096xi32>
    %xor3A_2560 = arith.xori %add3A_2552, %or3A_2559 : vector<16x4096xi32>
    %add3A_2561 = arith.addi %add3A_2552, %xor3A_2560 : vector<16x4096xi32>
    %shift_left3A_2562 = arith.constant 29 : i32
    %shift_left3A_2563 = vector.broadcast %shift_left3A_2562 : i32 to vector<16x4096xi32>
    %shift_left3A_2564 = arith.shli %xor3A_2560, %shift_left3A_2563 : vector<16x4096xi32>
    %shift_right_logical3A_2565 = arith.constant 3 : i32
    %shift_right_logical3A_2566 = vector.broadcast %shift_right_logical3A_2565 : i32 to vector<16x4096xi32>
    %shift_right_logical3A_2567 = arith.shrui %xor3A_2560, %shift_right_logical3A_2566 : vector<16x4096xi32>
    %or3A_2568 = arith.ori %shift_left3A_2564, %shift_right_logical3A_2567 : vector<16x4096xi32>
    %xor3A_2569 = arith.xori %add3A_2561, %or3A_2568 : vector<16x4096xi32>
    %add3A_2570 = arith.addi %add3A_2561, %xor3A_2569 : vector<16x4096xi32>
    %shift_left3A_2571 = arith.constant 16 : i32
    %shift_left3A_2572 = vector.broadcast %shift_left3A_2571 : i32 to vector<16x4096xi32>
    %shift_left3A_2573 = arith.shli %xor3A_2569, %shift_left3A_2572 : vector<16x4096xi32>
    %shift_right_logical3A_2574 = arith.constant 16 : i32
    %shift_right_logical3A_2575 = vector.broadcast %shift_right_logical3A_2574 : i32 to vector<16x4096xi32>
    %shift_right_logical3A_2576 = arith.shrui %xor3A_2569, %shift_right_logical3A_2575 : vector<16x4096xi32>
    %or3A_2577 = arith.ori %shift_left3A_2573, %shift_right_logical3A_2576 : vector<16x4096xi32>
    %xor3A_2578 = arith.xori %add3A_2570, %or3A_2577 : vector<16x4096xi32>
    %add3A_2579 = arith.addi %add3A_2570, %xor3A_2578 : vector<16x4096xi32>
    %shift_left3A_2580 = arith.constant 24 : i32
    %shift_left3A_2581 = vector.broadcast %shift_left3A_2580 : i32 to vector<16x4096xi32>
    %shift_left3A_2582 = arith.shli %xor3A_2578, %shift_left3A_2581 : vector<16x4096xi32>
    %shift_right_logical3A_2583 = arith.constant 8 : i32
    %shift_right_logical3A_2584 = vector.broadcast %shift_right_logical3A_2583 : i32 to vector<16x4096xi32>
    %shift_right_logical3A_2585 = arith.shrui %xor3A_2578, %shift_right_logical3A_2584 : vector<16x4096xi32>
    %or3A_2586 = arith.ori %shift_left3A_2582, %shift_right_logical3A_2585 : vector<16x4096xi32>
    %xor3A_2587 = arith.xori %add3A_2579, %or3A_2586 : vector<16x4096xi32>
    %add3A_2588 = arith.constant 466689008 : i32
    %add3A_2589 = vector.broadcast %add3A_2588 : i32 to vector<16x4096xi32>
    %add3A_2590 = arith.addi %add3A_2579, %add3A_2589 : vector<16x4096xi32>
    %add3A_2591 = arith.constant 0 : i32
    %add3A_2592 = vector.broadcast %add3A_2591 : i32 to vector<16x4096xi32>
    %add3A_2593 = arith.addi %xor3A_2587, %add3A_2592 : vector<16x4096xi32>
    %add3A_2594 = arith.constant 2 : i32
    %add3A_2595 = vector.broadcast %add3A_2594 : i32 to vector<16x4096xi32>
    %add3A_2596 = arith.addi %add3A_2593, %add3A_2595 : vector<16x4096xi32>
    %add3A_2597 = arith.addi %add3A_2590, %add3A_2596 : vector<16x4096xi32>
    %shift_left3A_2598 = arith.constant 13 : i32
    %shift_left3A_2599 = vector.broadcast %shift_left3A_2598 : i32 to vector<16x4096xi32>
    %shift_left3A_2600 = arith.shli %add3A_2596, %shift_left3A_2599 : vector<16x4096xi32>
    %shift_right_logical3A_2601 = arith.constant 19 : i32
    %shift_right_logical3A_2602 = vector.broadcast %shift_right_logical3A_2601 : i32 to vector<16x4096xi32>
    %shift_right_logical3A_2603 = arith.shrui %add3A_2596, %shift_right_logical3A_2602 : vector<16x4096xi32>
    %or3A_2604 = arith.ori %shift_left3A_2600, %shift_right_logical3A_2603 : vector<16x4096xi32>
    %xor3A_2605 = arith.xori %add3A_2597, %or3A_2604 : vector<16x4096xi32>
    %add3A_2606 = arith.addi %add3A_2597, %xor3A_2605 : vector<16x4096xi32>
    %shift_left3A_2607 = arith.constant 15 : i32
    %shift_left3A_2608 = vector.broadcast %shift_left3A_2607 : i32 to vector<16x4096xi32>
    %shift_left3A_2609 = arith.shli %xor3A_2605, %shift_left3A_2608 : vector<16x4096xi32>
    %shift_right_logical3A_2610 = arith.constant 17 : i32
    %shift_right_logical3A_2611 = vector.broadcast %shift_right_logical3A_2610 : i32 to vector<16x4096xi32>
    %shift_right_logical3A_2612 = arith.shrui %xor3A_2605, %shift_right_logical3A_2611 : vector<16x4096xi32>
    %or3A_2613 = arith.ori %shift_left3A_2609, %shift_right_logical3A_2612 : vector<16x4096xi32>
    %xor3A_2614 = arith.xori %add3A_2606, %or3A_2613 : vector<16x4096xi32>
    %add3A_2615 = arith.addi %add3A_2606, %xor3A_2614 : vector<16x4096xi32>
    %shift_left3A_2616 = arith.constant 26 : i32
    %shift_left3A_2617 = vector.broadcast %shift_left3A_2616 : i32 to vector<16x4096xi32>
    %shift_left3A_2618 = arith.shli %xor3A_2614, %shift_left3A_2617 : vector<16x4096xi32>
    %shift_right_logical3A_2619 = arith.constant 6 : i32
    %shift_right_logical3A_2620 = vector.broadcast %shift_right_logical3A_2619 : i32 to vector<16x4096xi32>
    %shift_right_logical3A_2621 = arith.shrui %xor3A_2614, %shift_right_logical3A_2620 : vector<16x4096xi32>
    %or3A_2622 = arith.ori %shift_left3A_2618, %shift_right_logical3A_2621 : vector<16x4096xi32>
    %xor3A_2623 = arith.xori %add3A_2615, %or3A_2622 : vector<16x4096xi32>
    %add3A_2624 = arith.addi %add3A_2615, %xor3A_2623 : vector<16x4096xi32>
    %shift_left3A_2625 = arith.constant 6 : i32
    %shift_left3A_2626 = vector.broadcast %shift_left3A_2625 : i32 to vector<16x4096xi32>
    %shift_left3A_2627 = arith.shli %xor3A_2623, %shift_left3A_2626 : vector<16x4096xi32>
    %shift_right_logical3A_2628 = arith.constant 26 : i32
    %shift_right_logical3A_2629 = vector.broadcast %shift_right_logical3A_2628 : i32 to vector<16x4096xi32>
    %shift_right_logical3A_2630 = arith.shrui %xor3A_2623, %shift_right_logical3A_2629 : vector<16x4096xi32>
    %or3A_2631 = arith.ori %shift_left3A_2627, %shift_right_logical3A_2630 : vector<16x4096xi32>
    %xor3A_2632 = arith.xori %add3A_2624, %or3A_2631 : vector<16x4096xi32>
    %add3A_2633 = arith.constant 0 : i32
    %add3A_2634 = vector.broadcast %add3A_2633 : i32 to vector<16x4096xi32>
    %add3A_2635 = arith.addi %add3A_2624, %add3A_2634 : vector<16x4096xi32>
    %add3A_2636 = arith.constant 42 : i32
    %add3A_2637 = vector.broadcast %add3A_2636 : i32 to vector<16x4096xi32>
    %add3A_2638 = arith.addi %xor3A_2632, %add3A_2637 : vector<16x4096xi32>
    %add3A_2639 = arith.constant 3 : i32
    %add3A_2640 = vector.broadcast %add3A_2639 : i32 to vector<16x4096xi32>
    %add3A_2641 = arith.addi %add3A_2638, %add3A_2640 : vector<16x4096xi32>
    %add3A_2642 = arith.addi %add3A_2635, %add3A_2641 : vector<16x4096xi32>
    %shift_left3A_2643 = arith.constant 17 : i32
    %shift_left3A_2644 = vector.broadcast %shift_left3A_2643 : i32 to vector<16x4096xi32>
    %shift_left3A_2645 = arith.shli %add3A_2641, %shift_left3A_2644 : vector<16x4096xi32>
    %shift_right_logical3A_2646 = arith.constant 15 : i32
    %shift_right_logical3A_2647 = vector.broadcast %shift_right_logical3A_2646 : i32 to vector<16x4096xi32>
    %shift_right_logical3A_2648 = arith.shrui %add3A_2641, %shift_right_logical3A_2647 : vector<16x4096xi32>
    %or3A_2649 = arith.ori %shift_left3A_2645, %shift_right_logical3A_2648 : vector<16x4096xi32>
    %xor3A_2650 = arith.xori %add3A_2642, %or3A_2649 : vector<16x4096xi32>
    %add3A_2651 = arith.addi %add3A_2642, %xor3A_2650 : vector<16x4096xi32>
    %shift_left3A_2652 = arith.constant 29 : i32
    %shift_left3A_2653 = vector.broadcast %shift_left3A_2652 : i32 to vector<16x4096xi32>
    %shift_left3A_2654 = arith.shli %xor3A_2650, %shift_left3A_2653 : vector<16x4096xi32>
    %shift_right_logical3A_2655 = arith.constant 3 : i32
    %shift_right_logical3A_2656 = vector.broadcast %shift_right_logical3A_2655 : i32 to vector<16x4096xi32>
    %shift_right_logical3A_2657 = arith.shrui %xor3A_2650, %shift_right_logical3A_2656 : vector<16x4096xi32>
    %or3A_2658 = arith.ori %shift_left3A_2654, %shift_right_logical3A_2657 : vector<16x4096xi32>
    %xor3A_2659 = arith.xori %add3A_2651, %or3A_2658 : vector<16x4096xi32>
    %add3A_2660 = arith.addi %add3A_2651, %xor3A_2659 : vector<16x4096xi32>
    %shift_left3A_2661 = arith.constant 16 : i32
    %shift_left3A_2662 = vector.broadcast %shift_left3A_2661 : i32 to vector<16x4096xi32>
    %shift_left3A_2663 = arith.shli %xor3A_2659, %shift_left3A_2662 : vector<16x4096xi32>
    %shift_right_logical3A_2664 = arith.constant 16 : i32
    %shift_right_logical3A_2665 = vector.broadcast %shift_right_logical3A_2664 : i32 to vector<16x4096xi32>
    %shift_right_logical3A_2666 = arith.shrui %xor3A_2659, %shift_right_logical3A_2665 : vector<16x4096xi32>
    %or3A_2667 = arith.ori %shift_left3A_2663, %shift_right_logical3A_2666 : vector<16x4096xi32>
    %xor3A_2668 = arith.xori %add3A_2660, %or3A_2667 : vector<16x4096xi32>
    %add3A_2669 = arith.addi %add3A_2660, %xor3A_2668 : vector<16x4096xi32>
    %shift_left3A_2670 = arith.constant 24 : i32
    %shift_left3A_2671 = vector.broadcast %shift_left3A_2670 : i32 to vector<16x4096xi32>
    %shift_left3A_2672 = arith.shli %xor3A_2668, %shift_left3A_2671 : vector<16x4096xi32>
    %shift_right_logical3A_2673 = arith.constant 8 : i32
    %shift_right_logical3A_2674 = vector.broadcast %shift_right_logical3A_2673 : i32 to vector<16x4096xi32>
    %shift_right_logical3A_2675 = arith.shrui %xor3A_2668, %shift_right_logical3A_2674 : vector<16x4096xi32>
    %or3A_2676 = arith.ori %shift_left3A_2672, %shift_right_logical3A_2675 : vector<16x4096xi32>
    %xor3A_2677 = arith.xori %add3A_2669, %or3A_2676 : vector<16x4096xi32>
    %add3A_2678 = arith.constant 42 : i32
    %add3A_2679 = vector.broadcast %add3A_2678 : i32 to vector<16x4096xi32>
    %add3A_2680 = arith.addi %add3A_2669, %add3A_2679 : vector<16x4096xi32>
    %add3A_2681 = arith.constant 466689008 : i32
    %add3A_2682 = vector.broadcast %add3A_2681 : i32 to vector<16x4096xi32>
    %add3A_2683 = arith.addi %xor3A_2677, %add3A_2682 : vector<16x4096xi32>
    %add3A_2684 = arith.constant 4 : i32
    %add3A_2685 = vector.broadcast %add3A_2684 : i32 to vector<16x4096xi32>
    %add3A_2686 = arith.addi %add3A_2683, %add3A_2685 : vector<16x4096xi32>
    %add3A_2687 = arith.addi %add3A_2680, %add3A_2686 : vector<16x4096xi32>
    %shift_left3A_2688 = arith.constant 13 : i32
    %shift_left3A_2689 = vector.broadcast %shift_left3A_2688 : i32 to vector<16x4096xi32>
    %shift_left3A_2690 = arith.shli %add3A_2686, %shift_left3A_2689 : vector<16x4096xi32>
    %shift_right_logical3A_2691 = arith.constant 19 : i32
    %shift_right_logical3A_2692 = vector.broadcast %shift_right_logical3A_2691 : i32 to vector<16x4096xi32>
    %shift_right_logical3A_2693 = arith.shrui %add3A_2686, %shift_right_logical3A_2692 : vector<16x4096xi32>
    %or3A_2694 = arith.ori %shift_left3A_2690, %shift_right_logical3A_2693 : vector<16x4096xi32>
    %xor3A_2695 = arith.xori %add3A_2687, %or3A_2694 : vector<16x4096xi32>
    %add3A_2696 = arith.addi %add3A_2687, %xor3A_2695 : vector<16x4096xi32>
    %shift_left3A_2697 = arith.constant 15 : i32
    %shift_left3A_2698 = vector.broadcast %shift_left3A_2697 : i32 to vector<16x4096xi32>
    %shift_left3A_2699 = arith.shli %xor3A_2695, %shift_left3A_2698 : vector<16x4096xi32>
    %shift_right_logical3A_2700 = arith.constant 17 : i32
    %shift_right_logical3A_2701 = vector.broadcast %shift_right_logical3A_2700 : i32 to vector<16x4096xi32>
    %shift_right_logical3A_2702 = arith.shrui %xor3A_2695, %shift_right_logical3A_2701 : vector<16x4096xi32>
    %or3A_2703 = arith.ori %shift_left3A_2699, %shift_right_logical3A_2702 : vector<16x4096xi32>
    %xor3A_2704 = arith.xori %add3A_2696, %or3A_2703 : vector<16x4096xi32>
    %add3A_2705 = arith.addi %add3A_2696, %xor3A_2704 : vector<16x4096xi32>
    %shift_left3A_2706 = arith.constant 26 : i32
    %shift_left3A_2707 = vector.broadcast %shift_left3A_2706 : i32 to vector<16x4096xi32>
    %shift_left3A_2708 = arith.shli %xor3A_2704, %shift_left3A_2707 : vector<16x4096xi32>
    %shift_right_logical3A_2709 = arith.constant 6 : i32
    %shift_right_logical3A_2710 = vector.broadcast %shift_right_logical3A_2709 : i32 to vector<16x4096xi32>
    %shift_right_logical3A_2711 = arith.shrui %xor3A_2704, %shift_right_logical3A_2710 : vector<16x4096xi32>
    %or3A_2712 = arith.ori %shift_left3A_2708, %shift_right_logical3A_2711 : vector<16x4096xi32>
    %xor3A_2713 = arith.xori %add3A_2705, %or3A_2712 : vector<16x4096xi32>
    %add3A_2714 = arith.addi %add3A_2705, %xor3A_2713 : vector<16x4096xi32>
    %shift_left3A_2715 = arith.constant 6 : i32
    %shift_left3A_2716 = vector.broadcast %shift_left3A_2715 : i32 to vector<16x4096xi32>
    %shift_left3A_2717 = arith.shli %xor3A_2713, %shift_left3A_2716 : vector<16x4096xi32>
    %shift_right_logical3A_2718 = arith.constant 26 : i32
    %shift_right_logical3A_2719 = vector.broadcast %shift_right_logical3A_2718 : i32 to vector<16x4096xi32>
    %shift_right_logical3A_2720 = arith.shrui %xor3A_2713, %shift_right_logical3A_2719 : vector<16x4096xi32>
    %or3A_2721 = arith.ori %shift_left3A_2717, %shift_right_logical3A_2720 : vector<16x4096xi32>
    %xor3A_2722 = arith.xori %add3A_2714, %or3A_2721 : vector<16x4096xi32>
    %add3A_2723 = arith.constant 466689008 : i32
    %add3A_2724 = vector.broadcast %add3A_2723 : i32 to vector<16x4096xi32>
    %add3A_2725 = arith.addi %add3A_2714, %add3A_2724 : vector<16x4096xi32>
    %add3A_2726 = arith.constant 0 : i32
    %add3A_2727 = vector.broadcast %add3A_2726 : i32 to vector<16x4096xi32>
    %add3A_2728 = arith.addi %xor3A_2722, %add3A_2727 : vector<16x4096xi32>
    %add3A_2729 = arith.constant 5 : i32
    %add3A_2730 = vector.broadcast %add3A_2729 : i32 to vector<16x4096xi32>
    %add3A_2731 = arith.addi %add3A_2728, %add3A_2730 : vector<16x4096xi32>
    %xor3A_2732 = arith.xori %add3A_2725, %add3A_2731 : vector<16x4096xi32>
    %shift_right_logical3A_2733 = arith.constant 9 : i32
    %shift_right_logical3A_2734 = vector.broadcast %shift_right_logical3A_2733 : i32 to vector<16x4096xi32>
    %shift_right_logical3A_2735 = arith.shrui %xor3A_2732, %shift_right_logical3A_2734 : vector<16x4096xi32>
    %or3A_2736 = arith.constant 1065353216 : i32
    %or3A_2737 = vector.broadcast %or3A_2736 : i32 to vector<16x4096xi32>
    %or3A_2738 = arith.ori %shift_right_logical3A_2735, %or3A_2737 : vector<16x4096xi32>
    %bitcast_convert_type3A_2739 = tpu.bitcast %or3A_2738 : vector<16x4096xi32> -> vector<16x4096xf32>
    %sub3A_2740 = arith.constant 1.000000e+00 : f32
    %sub3A_2741 = vector.broadcast %sub3A_2740 : f32 to vector<16x4096xf32>
    %sub3A_2742 = arith.subf %bitcast_convert_type3A_2739, %sub3A_2741 : vector<16x4096xf32>
    %max3A_2743 = arith.constant 1.17549435E-38 : f32
    %max3A_2744 = vector.broadcast %max3A_2743 : f32 to vector<16x4096xf32>
    %max3A_2745 = arith.maximumf %sub3A_2742, %max3A_2744 : vector<16x4096xf32>
    %log3A_2746 = math.log %max3A_2745 : vector<16x4096xf32>
    %neg3A_2747 = arith.constant 0.000000e+00 : f32
    %neg3A_2748 = vector.broadcast %neg3A_2747 : f32 to vector<16x4096xf32>
    %neg3A_2749 = arith.subf %neg3A_2748, %log3A_2746 : vector<16x4096xf32>
    %log3A_2750 = math.log %neg3A_2749 : vector<16x4096xf32>
    %neg3A_2751 = arith.constant 0.000000e+00 : f32
    %neg3A_2752 = vector.broadcast %neg3A_2751 : f32 to vector<16x4096xf32>
    %neg3A_2753 = arith.subf %neg3A_2752, %log3A_2750 : vector<16x4096xf32>
    %add3A_2754 = arith.addf %neg3A_2753, %select_n3A_13 : vector<16x4096xf32>
    %reduce_max3A_2755 = arith.constant dense<0xFF800000> : vector<16xf32>
    %reduce_max3A_2756 = vector.multi_reduction <maximumf>, %add3A_2754, %reduce_max3A_2755 [1] : vector<16x4096xf32> to vector<16xf32>
    %broadcast_in_dim3A_2757 = vector.shape_cast %reduce_max3A_2756 : vector<16xf32> to vector<16x1xf32>
    %eq3A_2758 = vector.broadcast %broadcast_in_dim3A_2757 : vector<16x1xf32> to vector<16x4096xf32>
    %eq3A_2759 = arith.cmpf oeq, %add3A_2754, %eq3A_2758 : vector<16x4096xf32>
    %jit3A_2760 = arith.constant 4096 : i32
    %broadcast_in_dim3A_2761 = vector.broadcast %jit3A_2760 : i32 to vector<16x4096xi32>
    %select_n3A_2762 = arith.select %eq3A_2759, %iota3A, %broadcast_in_dim3A_2761 : vector<16x4096xi1>, vector<16x4096xi32>
    %reduce_min3A_2763 = arith.constant dense<2147483647> : vector<16xi32>
    %reduce_min3A_2764 = vector.multi_reduction <minsi>, %select_n3A_2762, %reduce_min3A_2763 [1] : vector<16x4096xi32> to vector<16xi32>
    %broadcast_in_dim3A_2765 = vector.shape_cast %reduce_min3A_2764 : vector<16xi32> to vector<16x1xi32>
    %eq3A_2766 = vector.broadcast %broadcast_in_dim3A_2765 : vector<16x1xi32> to vector<16x4096xi32>
    %eq3A_2767 = arith.cmpi eq, %iota3A, %eq3A_2766 : vector<16x4096xi32>
    %jit3A_2768 = arith.constant 0.000000e+00 : f32
    %broadcast_in_dim3A_2769 = vector.broadcast %jit3A_2768 : f32 to vector<16x4096xf32>
    %select_n3A_2770 = arith.select %eq3A_2767, %select_n3A, %broadcast_in_dim3A_2769 : vector<16x4096xi1>, vector<16x4096xf32>
    %reduce_sum3A_2771 = arith.constant dense<0.000000e+00> : vector<16xf32>
    %reduce_sum3A_2772 = vector.multi_reduction <add>, %select_n3A_2770, %reduce_sum3A_2771 [1] : vector<16x4096xf32> to vector<16xf32>
    %broadcast_in_dim3A_2773 = vector.shape_cast %reduce_sum3A_2772 : vector<16xf32> to vector<16x1xf32>
    %jit3A_2774 = arith.constant 64 : i32
    %div3A_2775 = vector.broadcast %jit3A_2774 : i32 to vector<16x1xi32>
    %div3A_2776 = arith.divsi %broadcast_in_dim3A_2765, %div3A_2775 : vector<16x1xi32>
    %sign3A_2777 = arith.constant 0 : i32
    %sign3A_2778 = vector.broadcast %sign3A_2777 : i32 to vector<16x1xi32>
    %sign3A_2779 = arith.cmpi sgt, %broadcast_in_dim3A_2765, %sign3A_2778 : vector<16x1xi32>
    %sign3A_2780 = arith.extui %sign3A_2779 : vector<16x1xi1> to vector<16x1xi32>
    %sign3A_2781 = arith.constant 0 : i32
    %sign3A_2782 = vector.broadcast %sign3A_2781 : i32 to vector<16x1xi32>
    %sign3A_2783 = arith.cmpi slt, %broadcast_in_dim3A_2765, %sign3A_2782 : vector<16x1xi32>
    %sign3A_2784 = arith.extui %sign3A_2783 : vector<16x1xi1> to vector<16x1xi32>
    %sign3A_2785 = arith.subi %sign3A_2780, %sign3A_2784 : vector<16x1xi32>
    %sign3A_2786 = arith.constant 0 : i32
    %sign3A_2787 = arith.cmpi sgt, %jit3A_2774, %sign3A_2786 : i32
    %sign3A_2788 = arith.extui %sign3A_2787 : i1 to i32
    %sign3A_2789 = arith.constant 0 : i32
    %sign3A_2790 = arith.cmpi slt, %jit3A_2774, %sign3A_2789 : i32
    %sign3A_2791 = arith.extui %sign3A_2790 : i1 to i32
    %sign3A_2792 = arith.subi %sign3A_2788, %sign3A_2791 : i32
    %ne3A_2793 = vector.broadcast %sign3A_2792 : i32 to vector<16x1xi32>
    %ne3A_2794 = arith.cmpi ne, %sign3A_2785, %ne3A_2793 : vector<16x1xi32>
    %rem3A_2795 = vector.broadcast %jit3A_2774 : i32 to vector<16x1xi32>
    %rem3A_2796 = arith.remsi %broadcast_in_dim3A_2765, %rem3A_2795 : vector<16x1xi32>
    %ne3A_2797 = arith.constant 0 : i32
    %ne3A_2798 = vector.broadcast %ne3A_2797 : i32 to vector<16x1xi32>
    %ne3A_2799 = arith.cmpi ne, %rem3A_2796, %ne3A_2798 : vector<16x1xi32>
    %and3A_2800 = arith.andi %ne3A_2794, %ne3A_2799 : vector<16x1xi1>
    %sub3A_2801 = arith.constant 1 : i32
    %sub3A_2802 = vector.broadcast %sub3A_2801 : i32 to vector<16x1xi32>
    %sub3A_2803 = arith.subi %div3A_2776, %sub3A_2802 : vector<16x1xi32>
    %select_n3A_2804 = arith.select %and3A_2800, %sub3A_2803, %div3A_2776 : vector<16x1xi1>, vector<16x1xi32>
    %mul3A_2805 = arith.constant 64 : i32
    %mul3A_2806 = vector.broadcast %mul3A_2805 : i32 to vector<16x1xi32>
    %mul3A_2807 = arith.muli %select_n3A_2804, %mul3A_2806 : vector<16x1xi32>
    %sub3A_2808 = arith.subi %broadcast_in_dim3A_2765, %mul3A_2807 : vector<16x1xi32>
    %convert_element_type3A_2809 = arith.sitofp %sub3A_2808 : vector<16x1xi32> to vector<16x1xf32>
    %convert_element_type3A_2810 = arith.sitofp %select_n3A_2804 : vector<16x1xi32> to vector<16x1xf32>
    %add3A_2811 = arith.constant 150994944 : i32
    %add3A_2812 = vector.broadcast %add3A_2811 : i32 to vector<16x4096xi32>
    %add3A_2813 = arith.addi %add3A_20, %add3A_2812 : vector<16x4096xi32>
    %broadcast_in_dim3A_2814 = arith.constant 0 : i32
    %broadcast_in_dim3A_2815 = vector.broadcast %broadcast_in_dim3A_2814 : i32 to vector<16x4096xi32>
    %add3A_2816 = arith.constant 42 : i32
    %add3A_2817 = vector.broadcast %add3A_2816 : i32 to vector<16x4096xi32>
    %add3A_2818 = arith.addi %add3A_2813, %add3A_2817 : vector<16x4096xi32>
    %add3A_2819 = arith.addi %broadcast_in_dim3A_2815, %add3A_2818 : vector<16x4096xi32>
    %shift_left3A_2820 = arith.constant 13 : i32
    %shift_left3A_2821 = vector.broadcast %shift_left3A_2820 : i32 to vector<16x4096xi32>
    %shift_left3A_2822 = arith.shli %add3A_2818, %shift_left3A_2821 : vector<16x4096xi32>
    %shift_right_logical3A_2823 = arith.constant 19 : i32
    %shift_right_logical3A_2824 = vector.broadcast %shift_right_logical3A_2823 : i32 to vector<16x4096xi32>
    %shift_right_logical3A_2825 = arith.shrui %add3A_2818, %shift_right_logical3A_2824 : vector<16x4096xi32>
    %or3A_2826 = arith.ori %shift_left3A_2822, %shift_right_logical3A_2825 : vector<16x4096xi32>
    %xor3A_2827 = arith.xori %add3A_2819, %or3A_2826 : vector<16x4096xi32>
    %add3A_2828 = arith.addi %add3A_2819, %xor3A_2827 : vector<16x4096xi32>
    %shift_left3A_2829 = arith.constant 15 : i32
    %shift_left3A_2830 = vector.broadcast %shift_left3A_2829 : i32 to vector<16x4096xi32>
    %shift_left3A_2831 = arith.shli %xor3A_2827, %shift_left3A_2830 : vector<16x4096xi32>
    %shift_right_logical3A_2832 = arith.constant 17 : i32
    %shift_right_logical3A_2833 = vector.broadcast %shift_right_logical3A_2832 : i32 to vector<16x4096xi32>
    %shift_right_logical3A_2834 = arith.shrui %xor3A_2827, %shift_right_logical3A_2833 : vector<16x4096xi32>
    %or3A_2835 = arith.ori %shift_left3A_2831, %shift_right_logical3A_2834 : vector<16x4096xi32>
    %xor3A_2836 = arith.xori %add3A_2828, %or3A_2835 : vector<16x4096xi32>
    %add3A_2837 = arith.addi %add3A_2828, %xor3A_2836 : vector<16x4096xi32>
    %shift_left3A_2838 = arith.constant 26 : i32
    %shift_left3A_2839 = vector.broadcast %shift_left3A_2838 : i32 to vector<16x4096xi32>
    %shift_left3A_2840 = arith.shli %xor3A_2836, %shift_left3A_2839 : vector<16x4096xi32>
    %shift_right_logical3A_2841 = arith.constant 6 : i32
    %shift_right_logical3A_2842 = vector.broadcast %shift_right_logical3A_2841 : i32 to vector<16x4096xi32>
    %shift_right_logical3A_2843 = arith.shrui %xor3A_2836, %shift_right_logical3A_2842 : vector<16x4096xi32>
    %or3A_2844 = arith.ori %shift_left3A_2840, %shift_right_logical3A_2843 : vector<16x4096xi32>
    %xor3A_2845 = arith.xori %add3A_2837, %or3A_2844 : vector<16x4096xi32>
    %add3A_2846 = arith.addi %add3A_2837, %xor3A_2845 : vector<16x4096xi32>
    %shift_left3A_2847 = arith.constant 6 : i32
    %shift_left3A_2848 = vector.broadcast %shift_left3A_2847 : i32 to vector<16x4096xi32>
    %shift_left3A_2849 = arith.shli %xor3A_2845, %shift_left3A_2848 : vector<16x4096xi32>
    %shift_right_logical3A_2850 = arith.constant 26 : i32
    %shift_right_logical3A_2851 = vector.broadcast %shift_right_logical3A_2850 : i32 to vector<16x4096xi32>
    %shift_right_logical3A_2852 = arith.shrui %xor3A_2845, %shift_right_logical3A_2851 : vector<16x4096xi32>
    %or3A_2853 = arith.ori %shift_left3A_2849, %shift_right_logical3A_2852 : vector<16x4096xi32>
    %xor3A_2854 = arith.xori %add3A_2846, %or3A_2853 : vector<16x4096xi32>
    %add3A_2855 = arith.constant 42 : i32
    %add3A_2856 = vector.broadcast %add3A_2855 : i32 to vector<16x4096xi32>
    %add3A_2857 = arith.addi %add3A_2846, %add3A_2856 : vector<16x4096xi32>
    %add3A_2858 = arith.constant 466689008 : i32
    %add3A_2859 = vector.broadcast %add3A_2858 : i32 to vector<16x4096xi32>
    %add3A_2860 = arith.addi %xor3A_2854, %add3A_2859 : vector<16x4096xi32>
    %add3A_2861 = arith.constant 1 : i32
    %add3A_2862 = vector.broadcast %add3A_2861 : i32 to vector<16x4096xi32>
    %add3A_2863 = arith.addi %add3A_2860, %add3A_2862 : vector<16x4096xi32>
    %add3A_2864 = arith.addi %add3A_2857, %add3A_2863 : vector<16x4096xi32>
    %shift_left3A_2865 = arith.constant 17 : i32
    %shift_left3A_2866 = vector.broadcast %shift_left3A_2865 : i32 to vector<16x4096xi32>
    %shift_left3A_2867 = arith.shli %add3A_2863, %shift_left3A_2866 : vector<16x4096xi32>
    %shift_right_logical3A_2868 = arith.constant 15 : i32
    %shift_right_logical3A_2869 = vector.broadcast %shift_right_logical3A_2868 : i32 to vector<16x4096xi32>
    %shift_right_logical3A_2870 = arith.shrui %add3A_2863, %shift_right_logical3A_2869 : vector<16x4096xi32>
    %or3A_2871 = arith.ori %shift_left3A_2867, %shift_right_logical3A_2870 : vector<16x4096xi32>
    %xor3A_2872 = arith.xori %add3A_2864, %or3A_2871 : vector<16x4096xi32>
    %add3A_2873 = arith.addi %add3A_2864, %xor3A_2872 : vector<16x4096xi32>
    %shift_left3A_2874 = arith.constant 29 : i32
    %shift_left3A_2875 = vector.broadcast %shift_left3A_2874 : i32 to vector<16x4096xi32>
    %shift_left3A_2876 = arith.shli %xor3A_2872, %shift_left3A_2875 : vector<16x4096xi32>
    %shift_right_logical3A_2877 = arith.constant 3 : i32
    %shift_right_logical3A_2878 = vector.broadcast %shift_right_logical3A_2877 : i32 to vector<16x4096xi32>
    %shift_right_logical3A_2879 = arith.shrui %xor3A_2872, %shift_right_logical3A_2878 : vector<16x4096xi32>
    %or3A_2880 = arith.ori %shift_left3A_2876, %shift_right_logical3A_2879 : vector<16x4096xi32>
    %xor3A_2881 = arith.xori %add3A_2873, %or3A_2880 : vector<16x4096xi32>
    %add3A_2882 = arith.addi %add3A_2873, %xor3A_2881 : vector<16x4096xi32>
    %shift_left3A_2883 = arith.constant 16 : i32
    %shift_left3A_2884 = vector.broadcast %shift_left3A_2883 : i32 to vector<16x4096xi32>
    %shift_left3A_2885 = arith.shli %xor3A_2881, %shift_left3A_2884 : vector<16x4096xi32>
    %shift_right_logical3A_2886 = arith.constant 16 : i32
    %shift_right_logical3A_2887 = vector.broadcast %shift_right_logical3A_2886 : i32 to vector<16x4096xi32>
    %shift_right_logical3A_2888 = arith.shrui %xor3A_2881, %shift_right_logical3A_2887 : vector<16x4096xi32>
    %or3A_2889 = arith.ori %shift_left3A_2885, %shift_right_logical3A_2888 : vector<16x4096xi32>
    %xor3A_2890 = arith.xori %add3A_2882, %or3A_2889 : vector<16x4096xi32>
    %add3A_2891 = arith.addi %add3A_2882, %xor3A_2890 : vector<16x4096xi32>
    %shift_left3A_2892 = arith.constant 24 : i32
    %shift_left3A_2893 = vector.broadcast %shift_left3A_2892 : i32 to vector<16x4096xi32>
    %shift_left3A_2894 = arith.shli %xor3A_2890, %shift_left3A_2893 : vector<16x4096xi32>
    %shift_right_logical3A_2895 = arith.constant 8 : i32
    %shift_right_logical3A_2896 = vector.broadcast %shift_right_logical3A_2895 : i32 to vector<16x4096xi32>
    %shift_right_logical3A_2897 = arith.shrui %xor3A_2890, %shift_right_logical3A_2896 : vector<16x4096xi32>
    %or3A_2898 = arith.ori %shift_left3A_2894, %shift_right_logical3A_2897 : vector<16x4096xi32>
    %xor3A_2899 = arith.xori %add3A_2891, %or3A_2898 : vector<16x4096xi32>
    %add3A_2900 = arith.constant 466689008 : i32
    %add3A_2901 = vector.broadcast %add3A_2900 : i32 to vector<16x4096xi32>
    %add3A_2902 = arith.addi %add3A_2891, %add3A_2901 : vector<16x4096xi32>
    %add3A_2903 = arith.constant 0 : i32
    %add3A_2904 = vector.broadcast %add3A_2903 : i32 to vector<16x4096xi32>
    %add3A_2905 = arith.addi %xor3A_2899, %add3A_2904 : vector<16x4096xi32>
    %add3A_2906 = arith.constant 2 : i32
    %add3A_2907 = vector.broadcast %add3A_2906 : i32 to vector<16x4096xi32>
    %add3A_2908 = arith.addi %add3A_2905, %add3A_2907 : vector<16x4096xi32>
    %add3A_2909 = arith.addi %add3A_2902, %add3A_2908 : vector<16x4096xi32>
    %shift_left3A_2910 = arith.constant 13 : i32
    %shift_left3A_2911 = vector.broadcast %shift_left3A_2910 : i32 to vector<16x4096xi32>
    %shift_left3A_2912 = arith.shli %add3A_2908, %shift_left3A_2911 : vector<16x4096xi32>
    %shift_right_logical3A_2913 = arith.constant 19 : i32
    %shift_right_logical3A_2914 = vector.broadcast %shift_right_logical3A_2913 : i32 to vector<16x4096xi32>
    %shift_right_logical3A_2915 = arith.shrui %add3A_2908, %shift_right_logical3A_2914 : vector<16x4096xi32>
    %or3A_2916 = arith.ori %shift_left3A_2912, %shift_right_logical3A_2915 : vector<16x4096xi32>
    %xor3A_2917 = arith.xori %add3A_2909, %or3A_2916 : vector<16x4096xi32>
    %add3A_2918 = arith.addi %add3A_2909, %xor3A_2917 : vector<16x4096xi32>
    %shift_left3A_2919 = arith.constant 15 : i32
    %shift_left3A_2920 = vector.broadcast %shift_left3A_2919 : i32 to vector<16x4096xi32>
    %shift_left3A_2921 = arith.shli %xor3A_2917, %shift_left3A_2920 : vector<16x4096xi32>
    %shift_right_logical3A_2922 = arith.constant 17 : i32
    %shift_right_logical3A_2923 = vector.broadcast %shift_right_logical3A_2922 : i32 to vector<16x4096xi32>
    %shift_right_logical3A_2924 = arith.shrui %xor3A_2917, %shift_right_logical3A_2923 : vector<16x4096xi32>
    %or3A_2925 = arith.ori %shift_left3A_2921, %shift_right_logical3A_2924 : vector<16x4096xi32>
    %xor3A_2926 = arith.xori %add3A_2918, %or3A_2925 : vector<16x4096xi32>
    %add3A_2927 = arith.addi %add3A_2918, %xor3A_2926 : vector<16x4096xi32>
    %shift_left3A_2928 = arith.constant 26 : i32
    %shift_left3A_2929 = vector.broadcast %shift_left3A_2928 : i32 to vector<16x4096xi32>
    %shift_left3A_2930 = arith.shli %xor3A_2926, %shift_left3A_2929 : vector<16x4096xi32>
    %shift_right_logical3A_2931 = arith.constant 6 : i32
    %shift_right_logical3A_2932 = vector.broadcast %shift_right_logical3A_2931 : i32 to vector<16x4096xi32>
    %shift_right_logical3A_2933 = arith.shrui %xor3A_2926, %shift_right_logical3A_2932 : vector<16x4096xi32>
    %or3A_2934 = arith.ori %shift_left3A_2930, %shift_right_logical3A_2933 : vector<16x4096xi32>
    %xor3A_2935 = arith.xori %add3A_2927, %or3A_2934 : vector<16x4096xi32>
    %add3A_2936 = arith.addi %add3A_2927, %xor3A_2935 : vector<16x4096xi32>
    %shift_left3A_2937 = arith.constant 6 : i32
    %shift_left3A_2938 = vector.broadcast %shift_left3A_2937 : i32 to vector<16x4096xi32>
    %shift_left3A_2939 = arith.shli %xor3A_2935, %shift_left3A_2938 : vector<16x4096xi32>
    %shift_right_logical3A_2940 = arith.constant 26 : i32
    %shift_right_logical3A_2941 = vector.broadcast %shift_right_logical3A_2940 : i32 to vector<16x4096xi32>
    %shift_right_logical3A_2942 = arith.shrui %xor3A_2935, %shift_right_logical3A_2941 : vector<16x4096xi32>
    %or3A_2943 = arith.ori %shift_left3A_2939, %shift_right_logical3A_2942 : vector<16x4096xi32>
    %xor3A_2944 = arith.xori %add3A_2936, %or3A_2943 : vector<16x4096xi32>
    %add3A_2945 = arith.constant 0 : i32
    %add3A_2946 = vector.broadcast %add3A_2945 : i32 to vector<16x4096xi32>
    %add3A_2947 = arith.addi %add3A_2936, %add3A_2946 : vector<16x4096xi32>
    %add3A_2948 = arith.constant 42 : i32
    %add3A_2949 = vector.broadcast %add3A_2948 : i32 to vector<16x4096xi32>
    %add3A_2950 = arith.addi %xor3A_2944, %add3A_2949 : vector<16x4096xi32>
    %add3A_2951 = arith.constant 3 : i32
    %add3A_2952 = vector.broadcast %add3A_2951 : i32 to vector<16x4096xi32>
    %add3A_2953 = arith.addi %add3A_2950, %add3A_2952 : vector<16x4096xi32>
    %add3A_2954 = arith.addi %add3A_2947, %add3A_2953 : vector<16x4096xi32>
    %shift_left3A_2955 = arith.constant 17 : i32
    %shift_left3A_2956 = vector.broadcast %shift_left3A_2955 : i32 to vector<16x4096xi32>
    %shift_left3A_2957 = arith.shli %add3A_2953, %shift_left3A_2956 : vector<16x4096xi32>
    %shift_right_logical3A_2958 = arith.constant 15 : i32
    %shift_right_logical3A_2959 = vector.broadcast %shift_right_logical3A_2958 : i32 to vector<16x4096xi32>
    %shift_right_logical3A_2960 = arith.shrui %add3A_2953, %shift_right_logical3A_2959 : vector<16x4096xi32>
    %or3A_2961 = arith.ori %shift_left3A_2957, %shift_right_logical3A_2960 : vector<16x4096xi32>
    %xor3A_2962 = arith.xori %add3A_2954, %or3A_2961 : vector<16x4096xi32>
    %add3A_2963 = arith.addi %add3A_2954, %xor3A_2962 : vector<16x4096xi32>
    %shift_left3A_2964 = arith.constant 29 : i32
    %shift_left3A_2965 = vector.broadcast %shift_left3A_2964 : i32 to vector<16x4096xi32>
    %shift_left3A_2966 = arith.shli %xor3A_2962, %shift_left3A_2965 : vector<16x4096xi32>
    %shift_right_logical3A_2967 = arith.constant 3 : i32
    %shift_right_logical3A_2968 = vector.broadcast %shift_right_logical3A_2967 : i32 to vector<16x4096xi32>
    %shift_right_logical3A_2969 = arith.shrui %xor3A_2962, %shift_right_logical3A_2968 : vector<16x4096xi32>
    %or3A_2970 = arith.ori %shift_left3A_2966, %shift_right_logical3A_2969 : vector<16x4096xi32>
    %xor3A_2971 = arith.xori %add3A_2963, %or3A_2970 : vector<16x4096xi32>
    %add3A_2972 = arith.addi %add3A_2963, %xor3A_2971 : vector<16x4096xi32>
    %shift_left3A_2973 = arith.constant 16 : i32
    %shift_left3A_2974 = vector.broadcast %shift_left3A_2973 : i32 to vector<16x4096xi32>
    %shift_left3A_2975 = arith.shli %xor3A_2971, %shift_left3A_2974 : vector<16x4096xi32>
    %shift_right_logical3A_2976 = arith.constant 16 : i32
    %shift_right_logical3A_2977 = vector.broadcast %shift_right_logical3A_2976 : i32 to vector<16x4096xi32>
    %shift_right_logical3A_2978 = arith.shrui %xor3A_2971, %shift_right_logical3A_2977 : vector<16x4096xi32>
    %or3A_2979 = arith.ori %shift_left3A_2975, %shift_right_logical3A_2978 : vector<16x4096xi32>
    %xor3A_2980 = arith.xori %add3A_2972, %or3A_2979 : vector<16x4096xi32>
    %add3A_2981 = arith.addi %add3A_2972, %xor3A_2980 : vector<16x4096xi32>
    %shift_left3A_2982 = arith.constant 24 : i32
    %shift_left3A_2983 = vector.broadcast %shift_left3A_2982 : i32 to vector<16x4096xi32>
    %shift_left3A_2984 = arith.shli %xor3A_2980, %shift_left3A_2983 : vector<16x4096xi32>
    %shift_right_logical3A_2985 = arith.constant 8 : i32
    %shift_right_logical3A_2986 = vector.broadcast %shift_right_logical3A_2985 : i32 to vector<16x4096xi32>
    %shift_right_logical3A_2987 = arith.shrui %xor3A_2980, %shift_right_logical3A_2986 : vector<16x4096xi32>
    %or3A_2988 = arith.ori %shift_left3A_2984, %shift_right_logical3A_2987 : vector<16x4096xi32>
    %xor3A_2989 = arith.xori %add3A_2981, %or3A_2988 : vector<16x4096xi32>
    %add3A_2990 = arith.constant 42 : i32
    %add3A_2991 = vector.broadcast %add3A_2990 : i32 to vector<16x4096xi32>
    %add3A_2992 = arith.addi %add3A_2981, %add3A_2991 : vector<16x4096xi32>
    %add3A_2993 = arith.constant 466689008 : i32
    %add3A_2994 = vector.broadcast %add3A_2993 : i32 to vector<16x4096xi32>
    %add3A_2995 = arith.addi %xor3A_2989, %add3A_2994 : vector<16x4096xi32>
    %add3A_2996 = arith.constant 4 : i32
    %add3A_2997 = vector.broadcast %add3A_2996 : i32 to vector<16x4096xi32>
    %add3A_2998 = arith.addi %add3A_2995, %add3A_2997 : vector<16x4096xi32>
    %add3A_2999 = arith.addi %add3A_2992, %add3A_2998 : vector<16x4096xi32>
    %shift_left3A_3000 = arith.constant 13 : i32
    %shift_left3A_3001 = vector.broadcast %shift_left3A_3000 : i32 to vector<16x4096xi32>
    %shift_left3A_3002 = arith.shli %add3A_2998, %shift_left3A_3001 : vector<16x4096xi32>
    %shift_right_logical3A_3003 = arith.constant 19 : i32
    %shift_right_logical3A_3004 = vector.broadcast %shift_right_logical3A_3003 : i32 to vector<16x4096xi32>
    %shift_right_logical3A_3005 = arith.shrui %add3A_2998, %shift_right_logical3A_3004 : vector<16x4096xi32>
    %or3A_3006 = arith.ori %shift_left3A_3002, %shift_right_logical3A_3005 : vector<16x4096xi32>
    %xor3A_3007 = arith.xori %add3A_2999, %or3A_3006 : vector<16x4096xi32>
    %add3A_3008 = arith.addi %add3A_2999, %xor3A_3007 : vector<16x4096xi32>
    %shift_left3A_3009 = arith.constant 15 : i32
    %shift_left3A_3010 = vector.broadcast %shift_left3A_3009 : i32 to vector<16x4096xi32>
    %shift_left3A_3011 = arith.shli %xor3A_3007, %shift_left3A_3010 : vector<16x4096xi32>
    %shift_right_logical3A_3012 = arith.constant 17 : i32
    %shift_right_logical3A_3013 = vector.broadcast %shift_right_logical3A_3012 : i32 to vector<16x4096xi32>
    %shift_right_logical3A_3014 = arith.shrui %xor3A_3007, %shift_right_logical3A_3013 : vector<16x4096xi32>
    %or3A_3015 = arith.ori %shift_left3A_3011, %shift_right_logical3A_3014 : vector<16x4096xi32>
    %xor3A_3016 = arith.xori %add3A_3008, %or3A_3015 : vector<16x4096xi32>
    %add3A_3017 = arith.addi %add3A_3008, %xor3A_3016 : vector<16x4096xi32>
    %shift_left3A_3018 = arith.constant 26 : i32
    %shift_left3A_3019 = vector.broadcast %shift_left3A_3018 : i32 to vector<16x4096xi32>
    %shift_left3A_3020 = arith.shli %xor3A_3016, %shift_left3A_3019 : vector<16x4096xi32>
    %shift_right_logical3A_3021 = arith.constant 6 : i32
    %shift_right_logical3A_3022 = vector.broadcast %shift_right_logical3A_3021 : i32 to vector<16x4096xi32>
    %shift_right_logical3A_3023 = arith.shrui %xor3A_3016, %shift_right_logical3A_3022 : vector<16x4096xi32>
    %or3A_3024 = arith.ori %shift_left3A_3020, %shift_right_logical3A_3023 : vector<16x4096xi32>
    %xor3A_3025 = arith.xori %add3A_3017, %or3A_3024 : vector<16x4096xi32>
    %add3A_3026 = arith.addi %add3A_3017, %xor3A_3025 : vector<16x4096xi32>
    %shift_left3A_3027 = arith.constant 6 : i32
    %shift_left3A_3028 = vector.broadcast %shift_left3A_3027 : i32 to vector<16x4096xi32>
    %shift_left3A_3029 = arith.shli %xor3A_3025, %shift_left3A_3028 : vector<16x4096xi32>
    %shift_right_logical3A_3030 = arith.constant 26 : i32
    %shift_right_logical3A_3031 = vector.broadcast %shift_right_logical3A_3030 : i32 to vector<16x4096xi32>
    %shift_right_logical3A_3032 = arith.shrui %xor3A_3025, %shift_right_logical3A_3031 : vector<16x4096xi32>
    %or3A_3033 = arith.ori %shift_left3A_3029, %shift_right_logical3A_3032 : vector<16x4096xi32>
    %xor3A_3034 = arith.xori %add3A_3026, %or3A_3033 : vector<16x4096xi32>
    %add3A_3035 = arith.constant 466689008 : i32
    %add3A_3036 = vector.broadcast %add3A_3035 : i32 to vector<16x4096xi32>
    %add3A_3037 = arith.addi %add3A_3026, %add3A_3036 : vector<16x4096xi32>
    %add3A_3038 = arith.constant 0 : i32
    %add3A_3039 = vector.broadcast %add3A_3038 : i32 to vector<16x4096xi32>
    %add3A_3040 = arith.addi %xor3A_3034, %add3A_3039 : vector<16x4096xi32>
    %add3A_3041 = arith.constant 5 : i32
    %add3A_3042 = vector.broadcast %add3A_3041 : i32 to vector<16x4096xi32>
    %add3A_3043 = arith.addi %add3A_3040, %add3A_3042 : vector<16x4096xi32>
    %xor3A_3044 = arith.xori %add3A_3037, %add3A_3043 : vector<16x4096xi32>
    %shift_right_logical3A_3045 = arith.constant 9 : i32
    %shift_right_logical3A_3046 = vector.broadcast %shift_right_logical3A_3045 : i32 to vector<16x4096xi32>
    %shift_right_logical3A_3047 = arith.shrui %xor3A_3044, %shift_right_logical3A_3046 : vector<16x4096xi32>
    %or3A_3048 = arith.constant 1065353216 : i32
    %or3A_3049 = vector.broadcast %or3A_3048 : i32 to vector<16x4096xi32>
    %or3A_3050 = arith.ori %shift_right_logical3A_3047, %or3A_3049 : vector<16x4096xi32>
    %bitcast_convert_type3A_3051 = tpu.bitcast %or3A_3050 : vector<16x4096xi32> -> vector<16x4096xf32>
    %sub3A_3052 = arith.constant 1.000000e+00 : f32
    %sub3A_3053 = vector.broadcast %sub3A_3052 : f32 to vector<16x4096xf32>
    %sub3A_3054 = arith.subf %bitcast_convert_type3A_3051, %sub3A_3053 : vector<16x4096xf32>
    %max3A_3055 = arith.constant 1.17549435E-38 : f32
    %max3A_3056 = vector.broadcast %max3A_3055 : f32 to vector<16x4096xf32>
    %max3A_3057 = arith.maximumf %sub3A_3054, %max3A_3056 : vector<16x4096xf32>
    %log3A_3058 = math.log %max3A_3057 : vector<16x4096xf32>
    %neg3A_3059 = arith.constant 0.000000e+00 : f32
    %neg3A_3060 = vector.broadcast %neg3A_3059 : f32 to vector<16x4096xf32>
    %neg3A_3061 = arith.subf %neg3A_3060, %log3A_3058 : vector<16x4096xf32>
    %log3A_3062 = math.log %neg3A_3061 : vector<16x4096xf32>
    %neg3A_3063 = arith.constant 0.000000e+00 : f32
    %neg3A_3064 = vector.broadcast %neg3A_3063 : f32 to vector<16x4096xf32>
    %neg3A_3065 = arith.subf %neg3A_3064, %log3A_3062 : vector<16x4096xf32>
    %add3A_3066 = arith.addf %neg3A_3065, %select_n3A_13 : vector<16x4096xf32>
    %reduce_max3A_3067 = arith.constant dense<0xFF800000> : vector<16xf32>
    %reduce_max3A_3068 = vector.multi_reduction <maximumf>, %add3A_3066, %reduce_max3A_3067 [1] : vector<16x4096xf32> to vector<16xf32>
    %broadcast_in_dim3A_3069 = vector.shape_cast %reduce_max3A_3068 : vector<16xf32> to vector<16x1xf32>
    %eq3A_3070 = vector.broadcast %broadcast_in_dim3A_3069 : vector<16x1xf32> to vector<16x4096xf32>
    %eq3A_3071 = arith.cmpf oeq, %add3A_3066, %eq3A_3070 : vector<16x4096xf32>
    %jit3A_3072 = arith.constant 4096 : i32
    %broadcast_in_dim3A_3073 = vector.broadcast %jit3A_3072 : i32 to vector<16x4096xi32>
    %select_n3A_3074 = arith.select %eq3A_3071, %iota3A, %broadcast_in_dim3A_3073 : vector<16x4096xi1>, vector<16x4096xi32>
    %reduce_min3A_3075 = arith.constant dense<2147483647> : vector<16xi32>
    %reduce_min3A_3076 = vector.multi_reduction <minsi>, %select_n3A_3074, %reduce_min3A_3075 [1] : vector<16x4096xi32> to vector<16xi32>
    %broadcast_in_dim3A_3077 = vector.shape_cast %reduce_min3A_3076 : vector<16xi32> to vector<16x1xi32>
    %eq3A_3078 = vector.broadcast %broadcast_in_dim3A_3077 : vector<16x1xi32> to vector<16x4096xi32>
    %eq3A_3079 = arith.cmpi eq, %iota3A, %eq3A_3078 : vector<16x4096xi32>
    %jit3A_3080 = arith.constant 0.000000e+00 : f32
    %broadcast_in_dim3A_3081 = vector.broadcast %jit3A_3080 : f32 to vector<16x4096xf32>
    %select_n3A_3082 = arith.select %eq3A_3079, %select_n3A, %broadcast_in_dim3A_3081 : vector<16x4096xi1>, vector<16x4096xf32>
    %reduce_sum3A_3083 = arith.constant dense<0.000000e+00> : vector<16xf32>
    %reduce_sum3A_3084 = vector.multi_reduction <add>, %select_n3A_3082, %reduce_sum3A_3083 [1] : vector<16x4096xf32> to vector<16xf32>
    %broadcast_in_dim3A_3085 = vector.shape_cast %reduce_sum3A_3084 : vector<16xf32> to vector<16x1xf32>
    %jit3A_3086 = arith.constant 64 : i32
    %div3A_3087 = vector.broadcast %jit3A_3086 : i32 to vector<16x1xi32>
    %div3A_3088 = arith.divsi %broadcast_in_dim3A_3077, %div3A_3087 : vector<16x1xi32>
    %sign3A_3089 = arith.constant 0 : i32
    %sign3A_3090 = vector.broadcast %sign3A_3089 : i32 to vector<16x1xi32>
    %sign3A_3091 = arith.cmpi sgt, %broadcast_in_dim3A_3077, %sign3A_3090 : vector<16x1xi32>
    %sign3A_3092 = arith.extui %sign3A_3091 : vector<16x1xi1> to vector<16x1xi32>
    %sign3A_3093 = arith.constant 0 : i32
    %sign3A_3094 = vector.broadcast %sign3A_3093 : i32 to vector<16x1xi32>
    %sign3A_3095 = arith.cmpi slt, %broadcast_in_dim3A_3077, %sign3A_3094 : vector<16x1xi32>
    %sign3A_3096 = arith.extui %sign3A_3095 : vector<16x1xi1> to vector<16x1xi32>
    %sign3A_3097 = arith.subi %sign3A_3092, %sign3A_3096 : vector<16x1xi32>
    %sign3A_3098 = arith.constant 0 : i32
    %sign3A_3099 = arith.cmpi sgt, %jit3A_3086, %sign3A_3098 : i32
    %sign3A_3100 = arith.extui %sign3A_3099 : i1 to i32
    %sign3A_3101 = arith.constant 0 : i32
    %sign3A_3102 = arith.cmpi slt, %jit3A_3086, %sign3A_3101 : i32
    %sign3A_3103 = arith.extui %sign3A_3102 : i1 to i32
    %sign3A_3104 = arith.subi %sign3A_3100, %sign3A_3103 : i32
    %ne3A_3105 = vector.broadcast %sign3A_3104 : i32 to vector<16x1xi32>
    %ne3A_3106 = arith.cmpi ne, %sign3A_3097, %ne3A_3105 : vector<16x1xi32>
    %rem3A_3107 = vector.broadcast %jit3A_3086 : i32 to vector<16x1xi32>
    %rem3A_3108 = arith.remsi %broadcast_in_dim3A_3077, %rem3A_3107 : vector<16x1xi32>
    %ne3A_3109 = arith.constant 0 : i32
    %ne3A_3110 = vector.broadcast %ne3A_3109 : i32 to vector<16x1xi32>
    %ne3A_3111 = arith.cmpi ne, %rem3A_3108, %ne3A_3110 : vector<16x1xi32>
    %and3A_3112 = arith.andi %ne3A_3106, %ne3A_3111 : vector<16x1xi1>
    %sub3A_3113 = arith.constant 1 : i32
    %sub3A_3114 = vector.broadcast %sub3A_3113 : i32 to vector<16x1xi32>
    %sub3A_3115 = arith.subi %div3A_3088, %sub3A_3114 : vector<16x1xi32>
    %select_n3A_3116 = arith.select %and3A_3112, %sub3A_3115, %div3A_3088 : vector<16x1xi1>, vector<16x1xi32>
    %mul3A_3117 = arith.constant 64 : i32
    %mul3A_3118 = vector.broadcast %mul3A_3117 : i32 to vector<16x1xi32>
    %mul3A_3119 = arith.muli %select_n3A_3116, %mul3A_3118 : vector<16x1xi32>
    %sub3A_3120 = arith.subi %broadcast_in_dim3A_3077, %mul3A_3119 : vector<16x1xi32>
    %convert_element_type3A_3121 = arith.sitofp %sub3A_3120 : vector<16x1xi32> to vector<16x1xf32>
    %convert_element_type3A_3122 = arith.sitofp %select_n3A_3116 : vector<16x1xi32> to vector<16x1xf32>
    %add3A_3123 = arith.constant 167772160 : i32
    %add3A_3124 = vector.broadcast %add3A_3123 : i32 to vector<16x4096xi32>
    %add3A_3125 = arith.addi %add3A_20, %add3A_3124 : vector<16x4096xi32>
    %broadcast_in_dim3A_3126 = arith.constant 0 : i32
    %broadcast_in_dim3A_3127 = vector.broadcast %broadcast_in_dim3A_3126 : i32 to vector<16x4096xi32>
    %add3A_3128 = arith.constant 42 : i32
    %add3A_3129 = vector.broadcast %add3A_3128 : i32 to vector<16x4096xi32>
    %add3A_3130 = arith.addi %add3A_3125, %add3A_3129 : vector<16x4096xi32>
    %add3A_3131 = arith.addi %broadcast_in_dim3A_3127, %add3A_3130 : vector<16x4096xi32>
    %shift_left3A_3132 = arith.constant 13 : i32
    %shift_left3A_3133 = vector.broadcast %shift_left3A_3132 : i32 to vector<16x4096xi32>
    %shift_left3A_3134 = arith.shli %add3A_3130, %shift_left3A_3133 : vector<16x4096xi32>
    %shift_right_logical3A_3135 = arith.constant 19 : i32
    %shift_right_logical3A_3136 = vector.broadcast %shift_right_logical3A_3135 : i32 to vector<16x4096xi32>
    %shift_right_logical3A_3137 = arith.shrui %add3A_3130, %shift_right_logical3A_3136 : vector<16x4096xi32>
    %or3A_3138 = arith.ori %shift_left3A_3134, %shift_right_logical3A_3137 : vector<16x4096xi32>
    %xor3A_3139 = arith.xori %add3A_3131, %or3A_3138 : vector<16x4096xi32>
    %add3A_3140 = arith.addi %add3A_3131, %xor3A_3139 : vector<16x4096xi32>
    %shift_left3A_3141 = arith.constant 15 : i32
    %shift_left3A_3142 = vector.broadcast %shift_left3A_3141 : i32 to vector<16x4096xi32>
    %shift_left3A_3143 = arith.shli %xor3A_3139, %shift_left3A_3142 : vector<16x4096xi32>
    %shift_right_logical3A_3144 = arith.constant 17 : i32
    %shift_right_logical3A_3145 = vector.broadcast %shift_right_logical3A_3144 : i32 to vector<16x4096xi32>
    %shift_right_logical3A_3146 = arith.shrui %xor3A_3139, %shift_right_logical3A_3145 : vector<16x4096xi32>
    %or3A_3147 = arith.ori %shift_left3A_3143, %shift_right_logical3A_3146 : vector<16x4096xi32>
    %xor3A_3148 = arith.xori %add3A_3140, %or3A_3147 : vector<16x4096xi32>
    %add3A_3149 = arith.addi %add3A_3140, %xor3A_3148 : vector<16x4096xi32>
    %shift_left3A_3150 = arith.constant 26 : i32
    %shift_left3A_3151 = vector.broadcast %shift_left3A_3150 : i32 to vector<16x4096xi32>
    %shift_left3A_3152 = arith.shli %xor3A_3148, %shift_left3A_3151 : vector<16x4096xi32>
    %shift_right_logical3A_3153 = arith.constant 6 : i32
    %shift_right_logical3A_3154 = vector.broadcast %shift_right_logical3A_3153 : i32 to vector<16x4096xi32>
    %shift_right_logical3A_3155 = arith.shrui %xor3A_3148, %shift_right_logical3A_3154 : vector<16x4096xi32>
    %or3A_3156 = arith.ori %shift_left3A_3152, %shift_right_logical3A_3155 : vector<16x4096xi32>
    %xor3A_3157 = arith.xori %add3A_3149, %or3A_3156 : vector<16x4096xi32>
    %add3A_3158 = arith.addi %add3A_3149, %xor3A_3157 : vector<16x4096xi32>
    %shift_left3A_3159 = arith.constant 6 : i32
    %shift_left3A_3160 = vector.broadcast %shift_left3A_3159 : i32 to vector<16x4096xi32>
    %shift_left3A_3161 = arith.shli %xor3A_3157, %shift_left3A_3160 : vector<16x4096xi32>
    %shift_right_logical3A_3162 = arith.constant 26 : i32
    %shift_right_logical3A_3163 = vector.broadcast %shift_right_logical3A_3162 : i32 to vector<16x4096xi32>
    %shift_right_logical3A_3164 = arith.shrui %xor3A_3157, %shift_right_logical3A_3163 : vector<16x4096xi32>
    %or3A_3165 = arith.ori %shift_left3A_3161, %shift_right_logical3A_3164 : vector<16x4096xi32>
    %xor3A_3166 = arith.xori %add3A_3158, %or3A_3165 : vector<16x4096xi32>
    %add3A_3167 = arith.constant 42 : i32
    %add3A_3168 = vector.broadcast %add3A_3167 : i32 to vector<16x4096xi32>
    %add3A_3169 = arith.addi %add3A_3158, %add3A_3168 : vector<16x4096xi32>
    %add3A_3170 = arith.constant 466689008 : i32
    %add3A_3171 = vector.broadcast %add3A_3170 : i32 to vector<16x4096xi32>
    %add3A_3172 = arith.addi %xor3A_3166, %add3A_3171 : vector<16x4096xi32>
    %add3A_3173 = arith.constant 1 : i32
    %add3A_3174 = vector.broadcast %add3A_3173 : i32 to vector<16x4096xi32>
    %add3A_3175 = arith.addi %add3A_3172, %add3A_3174 : vector<16x4096xi32>
    %add3A_3176 = arith.addi %add3A_3169, %add3A_3175 : vector<16x4096xi32>
    %shift_left3A_3177 = arith.constant 17 : i32
    %shift_left3A_3178 = vector.broadcast %shift_left3A_3177 : i32 to vector<16x4096xi32>
    %shift_left3A_3179 = arith.shli %add3A_3175, %shift_left3A_3178 : vector<16x4096xi32>
    %shift_right_logical3A_3180 = arith.constant 15 : i32
    %shift_right_logical3A_3181 = vector.broadcast %shift_right_logical3A_3180 : i32 to vector<16x4096xi32>
    %shift_right_logical3A_3182 = arith.shrui %add3A_3175, %shift_right_logical3A_3181 : vector<16x4096xi32>
    %or3A_3183 = arith.ori %shift_left3A_3179, %shift_right_logical3A_3182 : vector<16x4096xi32>
    %xor3A_3184 = arith.xori %add3A_3176, %or3A_3183 : vector<16x4096xi32>
    %add3A_3185 = arith.addi %add3A_3176, %xor3A_3184 : vector<16x4096xi32>
    %shift_left3A_3186 = arith.constant 29 : i32
    %shift_left3A_3187 = vector.broadcast %shift_left3A_3186 : i32 to vector<16x4096xi32>
    %shift_left3A_3188 = arith.shli %xor3A_3184, %shift_left3A_3187 : vector<16x4096xi32>
    %shift_right_logical3A_3189 = arith.constant 3 : i32
    %shift_right_logical3A_3190 = vector.broadcast %shift_right_logical3A_3189 : i32 to vector<16x4096xi32>
    %shift_right_logical3A_3191 = arith.shrui %xor3A_3184, %shift_right_logical3A_3190 : vector<16x4096xi32>
    %or3A_3192 = arith.ori %shift_left3A_3188, %shift_right_logical3A_3191 : vector<16x4096xi32>
    %xor3A_3193 = arith.xori %add3A_3185, %or3A_3192 : vector<16x4096xi32>
    %add3A_3194 = arith.addi %add3A_3185, %xor3A_3193 : vector<16x4096xi32>
    %shift_left3A_3195 = arith.constant 16 : i32
    %shift_left3A_3196 = vector.broadcast %shift_left3A_3195 : i32 to vector<16x4096xi32>
    %shift_left3A_3197 = arith.shli %xor3A_3193, %shift_left3A_3196 : vector<16x4096xi32>
    %shift_right_logical3A_3198 = arith.constant 16 : i32
    %shift_right_logical3A_3199 = vector.broadcast %shift_right_logical3A_3198 : i32 to vector<16x4096xi32>
    %shift_right_logical3A_3200 = arith.shrui %xor3A_3193, %shift_right_logical3A_3199 : vector<16x4096xi32>
    %or3A_3201 = arith.ori %shift_left3A_3197, %shift_right_logical3A_3200 : vector<16x4096xi32>
    %xor3A_3202 = arith.xori %add3A_3194, %or3A_3201 : vector<16x4096xi32>
    %add3A_3203 = arith.addi %add3A_3194, %xor3A_3202 : vector<16x4096xi32>
    %shift_left3A_3204 = arith.constant 24 : i32
    %shift_left3A_3205 = vector.broadcast %shift_left3A_3204 : i32 to vector<16x4096xi32>
    %shift_left3A_3206 = arith.shli %xor3A_3202, %shift_left3A_3205 : vector<16x4096xi32>
    %shift_right_logical3A_3207 = arith.constant 8 : i32
    %shift_right_logical3A_3208 = vector.broadcast %shift_right_logical3A_3207 : i32 to vector<16x4096xi32>
    %shift_right_logical3A_3209 = arith.shrui %xor3A_3202, %shift_right_logical3A_3208 : vector<16x4096xi32>
    %or3A_3210 = arith.ori %shift_left3A_3206, %shift_right_logical3A_3209 : vector<16x4096xi32>
    %xor3A_3211 = arith.xori %add3A_3203, %or3A_3210 : vector<16x4096xi32>
    %add3A_3212 = arith.constant 466689008 : i32
    %add3A_3213 = vector.broadcast %add3A_3212 : i32 to vector<16x4096xi32>
    %add3A_3214 = arith.addi %add3A_3203, %add3A_3213 : vector<16x4096xi32>
    %add3A_3215 = arith.constant 0 : i32
    %add3A_3216 = vector.broadcast %add3A_3215 : i32 to vector<16x4096xi32>
    %add3A_3217 = arith.addi %xor3A_3211, %add3A_3216 : vector<16x4096xi32>
    %add3A_3218 = arith.constant 2 : i32
    %add3A_3219 = vector.broadcast %add3A_3218 : i32 to vector<16x4096xi32>
    %add3A_3220 = arith.addi %add3A_3217, %add3A_3219 : vector<16x4096xi32>
    %add3A_3221 = arith.addi %add3A_3214, %add3A_3220 : vector<16x4096xi32>
    %shift_left3A_3222 = arith.constant 13 : i32
    %shift_left3A_3223 = vector.broadcast %shift_left3A_3222 : i32 to vector<16x4096xi32>
    %shift_left3A_3224 = arith.shli %add3A_3220, %shift_left3A_3223 : vector<16x4096xi32>
    %shift_right_logical3A_3225 = arith.constant 19 : i32
    %shift_right_logical3A_3226 = vector.broadcast %shift_right_logical3A_3225 : i32 to vector<16x4096xi32>
    %shift_right_logical3A_3227 = arith.shrui %add3A_3220, %shift_right_logical3A_3226 : vector<16x4096xi32>
    %or3A_3228 = arith.ori %shift_left3A_3224, %shift_right_logical3A_3227 : vector<16x4096xi32>
    %xor3A_3229 = arith.xori %add3A_3221, %or3A_3228 : vector<16x4096xi32>
    %add3A_3230 = arith.addi %add3A_3221, %xor3A_3229 : vector<16x4096xi32>
    %shift_left3A_3231 = arith.constant 15 : i32
    %shift_left3A_3232 = vector.broadcast %shift_left3A_3231 : i32 to vector<16x4096xi32>
    %shift_left3A_3233 = arith.shli %xor3A_3229, %shift_left3A_3232 : vector<16x4096xi32>
    %shift_right_logical3A_3234 = arith.constant 17 : i32
    %shift_right_logical3A_3235 = vector.broadcast %shift_right_logical3A_3234 : i32 to vector<16x4096xi32>
    %shift_right_logical3A_3236 = arith.shrui %xor3A_3229, %shift_right_logical3A_3235 : vector<16x4096xi32>
    %or3A_3237 = arith.ori %shift_left3A_3233, %shift_right_logical3A_3236 : vector<16x4096xi32>
    %xor3A_3238 = arith.xori %add3A_3230, %or3A_3237 : vector<16x4096xi32>
    %add3A_3239 = arith.addi %add3A_3230, %xor3A_3238 : vector<16x4096xi32>
    %shift_left3A_3240 = arith.constant 26 : i32
    %shift_left3A_3241 = vector.broadcast %shift_left3A_3240 : i32 to vector<16x4096xi32>
    %shift_left3A_3242 = arith.shli %xor3A_3238, %shift_left3A_3241 : vector<16x4096xi32>
    %shift_right_logical3A_3243 = arith.constant 6 : i32
    %shift_right_logical3A_3244 = vector.broadcast %shift_right_logical3A_3243 : i32 to vector<16x4096xi32>
    %shift_right_logical3A_3245 = arith.shrui %xor3A_3238, %shift_right_logical3A_3244 : vector<16x4096xi32>
    %or3A_3246 = arith.ori %shift_left3A_3242, %shift_right_logical3A_3245 : vector<16x4096xi32>
    %xor3A_3247 = arith.xori %add3A_3239, %or3A_3246 : vector<16x4096xi32>
    %add3A_3248 = arith.addi %add3A_3239, %xor3A_3247 : vector<16x4096xi32>
    %shift_left3A_3249 = arith.constant 6 : i32
    %shift_left3A_3250 = vector.broadcast %shift_left3A_3249 : i32 to vector<16x4096xi32>
    %shift_left3A_3251 = arith.shli %xor3A_3247, %shift_left3A_3250 : vector<16x4096xi32>
    %shift_right_logical3A_3252 = arith.constant 26 : i32
    %shift_right_logical3A_3253 = vector.broadcast %shift_right_logical3A_3252 : i32 to vector<16x4096xi32>
    %shift_right_logical3A_3254 = arith.shrui %xor3A_3247, %shift_right_logical3A_3253 : vector<16x4096xi32>
    %or3A_3255 = arith.ori %shift_left3A_3251, %shift_right_logical3A_3254 : vector<16x4096xi32>
    %xor3A_3256 = arith.xori %add3A_3248, %or3A_3255 : vector<16x4096xi32>
    %add3A_3257 = arith.constant 0 : i32
    %add3A_3258 = vector.broadcast %add3A_3257 : i32 to vector<16x4096xi32>
    %add3A_3259 = arith.addi %add3A_3248, %add3A_3258 : vector<16x4096xi32>
    %add3A_3260 = arith.constant 42 : i32
    %add3A_3261 = vector.broadcast %add3A_3260 : i32 to vector<16x4096xi32>
    %add3A_3262 = arith.addi %xor3A_3256, %add3A_3261 : vector<16x4096xi32>
    %add3A_3263 = arith.constant 3 : i32
    %add3A_3264 = vector.broadcast %add3A_3263 : i32 to vector<16x4096xi32>
    %add3A_3265 = arith.addi %add3A_3262, %add3A_3264 : vector<16x4096xi32>
    %add3A_3266 = arith.addi %add3A_3259, %add3A_3265 : vector<16x4096xi32>
    %shift_left3A_3267 = arith.constant 17 : i32
    %shift_left3A_3268 = vector.broadcast %shift_left3A_3267 : i32 to vector<16x4096xi32>
    %shift_left3A_3269 = arith.shli %add3A_3265, %shift_left3A_3268 : vector<16x4096xi32>
    %shift_right_logical3A_3270 = arith.constant 15 : i32
    %shift_right_logical3A_3271 = vector.broadcast %shift_right_logical3A_3270 : i32 to vector<16x4096xi32>
    %shift_right_logical3A_3272 = arith.shrui %add3A_3265, %shift_right_logical3A_3271 : vector<16x4096xi32>
    %or3A_3273 = arith.ori %shift_left3A_3269, %shift_right_logical3A_3272 : vector<16x4096xi32>
    %xor3A_3274 = arith.xori %add3A_3266, %or3A_3273 : vector<16x4096xi32>
    %add3A_3275 = arith.addi %add3A_3266, %xor3A_3274 : vector<16x4096xi32>
    %shift_left3A_3276 = arith.constant 29 : i32
    %shift_left3A_3277 = vector.broadcast %shift_left3A_3276 : i32 to vector<16x4096xi32>
    %shift_left3A_3278 = arith.shli %xor3A_3274, %shift_left3A_3277 : vector<16x4096xi32>
    %shift_right_logical3A_3279 = arith.constant 3 : i32
    %shift_right_logical3A_3280 = vector.broadcast %shift_right_logical3A_3279 : i32 to vector<16x4096xi32>
    %shift_right_logical3A_3281 = arith.shrui %xor3A_3274, %shift_right_logical3A_3280 : vector<16x4096xi32>
    %or3A_3282 = arith.ori %shift_left3A_3278, %shift_right_logical3A_3281 : vector<16x4096xi32>
    %xor3A_3283 = arith.xori %add3A_3275, %or3A_3282 : vector<16x4096xi32>
    %add3A_3284 = arith.addi %add3A_3275, %xor3A_3283 : vector<16x4096xi32>
    %shift_left3A_3285 = arith.constant 16 : i32
    %shift_left3A_3286 = vector.broadcast %shift_left3A_3285 : i32 to vector<16x4096xi32>
    %shift_left3A_3287 = arith.shli %xor3A_3283, %shift_left3A_3286 : vector<16x4096xi32>
    %shift_right_logical3A_3288 = arith.constant 16 : i32
    %shift_right_logical3A_3289 = vector.broadcast %shift_right_logical3A_3288 : i32 to vector<16x4096xi32>
    %shift_right_logical3A_3290 = arith.shrui %xor3A_3283, %shift_right_logical3A_3289 : vector<16x4096xi32>
    %or3A_3291 = arith.ori %shift_left3A_3287, %shift_right_logical3A_3290 : vector<16x4096xi32>
    %xor3A_3292 = arith.xori %add3A_3284, %or3A_3291 : vector<16x4096xi32>
    %add3A_3293 = arith.addi %add3A_3284, %xor3A_3292 : vector<16x4096xi32>
    %shift_left3A_3294 = arith.constant 24 : i32
    %shift_left3A_3295 = vector.broadcast %shift_left3A_3294 : i32 to vector<16x4096xi32>
    %shift_left3A_3296 = arith.shli %xor3A_3292, %shift_left3A_3295 : vector<16x4096xi32>
    %shift_right_logical3A_3297 = arith.constant 8 : i32
    %shift_right_logical3A_3298 = vector.broadcast %shift_right_logical3A_3297 : i32 to vector<16x4096xi32>
    %shift_right_logical3A_3299 = arith.shrui %xor3A_3292, %shift_right_logical3A_3298 : vector<16x4096xi32>
    %or3A_3300 = arith.ori %shift_left3A_3296, %shift_right_logical3A_3299 : vector<16x4096xi32>
    %xor3A_3301 = arith.xori %add3A_3293, %or3A_3300 : vector<16x4096xi32>
    %add3A_3302 = arith.constant 42 : i32
    %add3A_3303 = vector.broadcast %add3A_3302 : i32 to vector<16x4096xi32>
    %add3A_3304 = arith.addi %add3A_3293, %add3A_3303 : vector<16x4096xi32>
    %add3A_3305 = arith.constant 466689008 : i32
    %add3A_3306 = vector.broadcast %add3A_3305 : i32 to vector<16x4096xi32>
    %add3A_3307 = arith.addi %xor3A_3301, %add3A_3306 : vector<16x4096xi32>
    %add3A_3308 = arith.constant 4 : i32
    %add3A_3309 = vector.broadcast %add3A_3308 : i32 to vector<16x4096xi32>
    %add3A_3310 = arith.addi %add3A_3307, %add3A_3309 : vector<16x4096xi32>
    %add3A_3311 = arith.addi %add3A_3304, %add3A_3310 : vector<16x4096xi32>
    %shift_left3A_3312 = arith.constant 13 : i32
    %shift_left3A_3313 = vector.broadcast %shift_left3A_3312 : i32 to vector<16x4096xi32>
    %shift_left3A_3314 = arith.shli %add3A_3310, %shift_left3A_3313 : vector<16x4096xi32>
    %shift_right_logical3A_3315 = arith.constant 19 : i32
    %shift_right_logical3A_3316 = vector.broadcast %shift_right_logical3A_3315 : i32 to vector<16x4096xi32>
    %shift_right_logical3A_3317 = arith.shrui %add3A_3310, %shift_right_logical3A_3316 : vector<16x4096xi32>
    %or3A_3318 = arith.ori %shift_left3A_3314, %shift_right_logical3A_3317 : vector<16x4096xi32>
    %xor3A_3319 = arith.xori %add3A_3311, %or3A_3318 : vector<16x4096xi32>
    %add3A_3320 = arith.addi %add3A_3311, %xor3A_3319 : vector<16x4096xi32>
    %shift_left3A_3321 = arith.constant 15 : i32
    %shift_left3A_3322 = vector.broadcast %shift_left3A_3321 : i32 to vector<16x4096xi32>
    %shift_left3A_3323 = arith.shli %xor3A_3319, %shift_left3A_3322 : vector<16x4096xi32>
    %shift_right_logical3A_3324 = arith.constant 17 : i32
    %shift_right_logical3A_3325 = vector.broadcast %shift_right_logical3A_3324 : i32 to vector<16x4096xi32>
    %shift_right_logical3A_3326 = arith.shrui %xor3A_3319, %shift_right_logical3A_3325 : vector<16x4096xi32>
    %or3A_3327 = arith.ori %shift_left3A_3323, %shift_right_logical3A_3326 : vector<16x4096xi32>
    %xor3A_3328 = arith.xori %add3A_3320, %or3A_3327 : vector<16x4096xi32>
    %add3A_3329 = arith.addi %add3A_3320, %xor3A_3328 : vector<16x4096xi32>
    %shift_left3A_3330 = arith.constant 26 : i32
    %shift_left3A_3331 = vector.broadcast %shift_left3A_3330 : i32 to vector<16x4096xi32>
    %shift_left3A_3332 = arith.shli %xor3A_3328, %shift_left3A_3331 : vector<16x4096xi32>
    %shift_right_logical3A_3333 = arith.constant 6 : i32
    %shift_right_logical3A_3334 = vector.broadcast %shift_right_logical3A_3333 : i32 to vector<16x4096xi32>
    %shift_right_logical3A_3335 = arith.shrui %xor3A_3328, %shift_right_logical3A_3334 : vector<16x4096xi32>
    %or3A_3336 = arith.ori %shift_left3A_3332, %shift_right_logical3A_3335 : vector<16x4096xi32>
    %xor3A_3337 = arith.xori %add3A_3329, %or3A_3336 : vector<16x4096xi32>
    %add3A_3338 = arith.addi %add3A_3329, %xor3A_3337 : vector<16x4096xi32>
    %shift_left3A_3339 = arith.constant 6 : i32
    %shift_left3A_3340 = vector.broadcast %shift_left3A_3339 : i32 to vector<16x4096xi32>
    %shift_left3A_3341 = arith.shli %xor3A_3337, %shift_left3A_3340 : vector<16x4096xi32>
    %shift_right_logical3A_3342 = arith.constant 26 : i32
    %shift_right_logical3A_3343 = vector.broadcast %shift_right_logical3A_3342 : i32 to vector<16x4096xi32>
    %shift_right_logical3A_3344 = arith.shrui %xor3A_3337, %shift_right_logical3A_3343 : vector<16x4096xi32>
    %or3A_3345 = arith.ori %shift_left3A_3341, %shift_right_logical3A_3344 : vector<16x4096xi32>
    %xor3A_3346 = arith.xori %add3A_3338, %or3A_3345 : vector<16x4096xi32>
    %add3A_3347 = arith.constant 466689008 : i32
    %add3A_3348 = vector.broadcast %add3A_3347 : i32 to vector<16x4096xi32>
    %add3A_3349 = arith.addi %add3A_3338, %add3A_3348 : vector<16x4096xi32>
    %add3A_3350 = arith.constant 0 : i32
    %add3A_3351 = vector.broadcast %add3A_3350 : i32 to vector<16x4096xi32>
    %add3A_3352 = arith.addi %xor3A_3346, %add3A_3351 : vector<16x4096xi32>
    %add3A_3353 = arith.constant 5 : i32
    %add3A_3354 = vector.broadcast %add3A_3353 : i32 to vector<16x4096xi32>
    %add3A_3355 = arith.addi %add3A_3352, %add3A_3354 : vector<16x4096xi32>
    %xor3A_3356 = arith.xori %add3A_3349, %add3A_3355 : vector<16x4096xi32>
    %shift_right_logical3A_3357 = arith.constant 9 : i32
    %shift_right_logical3A_3358 = vector.broadcast %shift_right_logical3A_3357 : i32 to vector<16x4096xi32>
    %shift_right_logical3A_3359 = arith.shrui %xor3A_3356, %shift_right_logical3A_3358 : vector<16x4096xi32>
    %or3A_3360 = arith.constant 1065353216 : i32
    %or3A_3361 = vector.broadcast %or3A_3360 : i32 to vector<16x4096xi32>
    %or3A_3362 = arith.ori %shift_right_logical3A_3359, %or3A_3361 : vector<16x4096xi32>
    %bitcast_convert_type3A_3363 = tpu.bitcast %or3A_3362 : vector<16x4096xi32> -> vector<16x4096xf32>
    %sub3A_3364 = arith.constant 1.000000e+00 : f32
    %sub3A_3365 = vector.broadcast %sub3A_3364 : f32 to vector<16x4096xf32>
    %sub3A_3366 = arith.subf %bitcast_convert_type3A_3363, %sub3A_3365 : vector<16x4096xf32>
    %max3A_3367 = arith.constant 1.17549435E-38 : f32
    %max3A_3368 = vector.broadcast %max3A_3367 : f32 to vector<16x4096xf32>
    %max3A_3369 = arith.maximumf %sub3A_3366, %max3A_3368 : vector<16x4096xf32>
    %log3A_3370 = math.log %max3A_3369 : vector<16x4096xf32>
    %neg3A_3371 = arith.constant 0.000000e+00 : f32
    %neg3A_3372 = vector.broadcast %neg3A_3371 : f32 to vector<16x4096xf32>
    %neg3A_3373 = arith.subf %neg3A_3372, %log3A_3370 : vector<16x4096xf32>
    %log3A_3374 = math.log %neg3A_3373 : vector<16x4096xf32>
    %neg3A_3375 = arith.constant 0.000000e+00 : f32
    %neg3A_3376 = vector.broadcast %neg3A_3375 : f32 to vector<16x4096xf32>
    %neg3A_3377 = arith.subf %neg3A_3376, %log3A_3374 : vector<16x4096xf32>
    %add3A_3378 = arith.addf %neg3A_3377, %select_n3A_13 : vector<16x4096xf32>
    %reduce_max3A_3379 = arith.constant dense<0xFF800000> : vector<16xf32>
    %reduce_max3A_3380 = vector.multi_reduction <maximumf>, %add3A_3378, %reduce_max3A_3379 [1] : vector<16x4096xf32> to vector<16xf32>
    %broadcast_in_dim3A_3381 = vector.shape_cast %reduce_max3A_3380 : vector<16xf32> to vector<16x1xf32>
    %eq3A_3382 = vector.broadcast %broadcast_in_dim3A_3381 : vector<16x1xf32> to vector<16x4096xf32>
    %eq3A_3383 = arith.cmpf oeq, %add3A_3378, %eq3A_3382 : vector<16x4096xf32>
    %jit3A_3384 = arith.constant 4096 : i32
    %broadcast_in_dim3A_3385 = vector.broadcast %jit3A_3384 : i32 to vector<16x4096xi32>
    %select_n3A_3386 = arith.select %eq3A_3383, %iota3A, %broadcast_in_dim3A_3385 : vector<16x4096xi1>, vector<16x4096xi32>
    %reduce_min3A_3387 = arith.constant dense<2147483647> : vector<16xi32>
    %reduce_min3A_3388 = vector.multi_reduction <minsi>, %select_n3A_3386, %reduce_min3A_3387 [1] : vector<16x4096xi32> to vector<16xi32>
    %broadcast_in_dim3A_3389 = vector.shape_cast %reduce_min3A_3388 : vector<16xi32> to vector<16x1xi32>
    %eq3A_3390 = vector.broadcast %broadcast_in_dim3A_3389 : vector<16x1xi32> to vector<16x4096xi32>
    %eq3A_3391 = arith.cmpi eq, %iota3A, %eq3A_3390 : vector<16x4096xi32>
    %jit3A_3392 = arith.constant 0.000000e+00 : f32
    %broadcast_in_dim3A_3393 = vector.broadcast %jit3A_3392 : f32 to vector<16x4096xf32>
    %select_n3A_3394 = arith.select %eq3A_3391, %select_n3A, %broadcast_in_dim3A_3393 : vector<16x4096xi1>, vector<16x4096xf32>
    %reduce_sum3A_3395 = arith.constant dense<0.000000e+00> : vector<16xf32>
    %reduce_sum3A_3396 = vector.multi_reduction <add>, %select_n3A_3394, %reduce_sum3A_3395 [1] : vector<16x4096xf32> to vector<16xf32>
    %broadcast_in_dim3A_3397 = vector.shape_cast %reduce_sum3A_3396 : vector<16xf32> to vector<16x1xf32>
    %jit3A_3398 = arith.constant 64 : i32
    %div3A_3399 = vector.broadcast %jit3A_3398 : i32 to vector<16x1xi32>
    %div3A_3400 = arith.divsi %broadcast_in_dim3A_3389, %div3A_3399 : vector<16x1xi32>
    %sign3A_3401 = arith.constant 0 : i32
    %sign3A_3402 = vector.broadcast %sign3A_3401 : i32 to vector<16x1xi32>
    %sign3A_3403 = arith.cmpi sgt, %broadcast_in_dim3A_3389, %sign3A_3402 : vector<16x1xi32>
    %sign3A_3404 = arith.extui %sign3A_3403 : vector<16x1xi1> to vector<16x1xi32>
    %sign3A_3405 = arith.constant 0 : i32
    %sign3A_3406 = vector.broadcast %sign3A_3405 : i32 to vector<16x1xi32>
    %sign3A_3407 = arith.cmpi slt, %broadcast_in_dim3A_3389, %sign3A_3406 : vector<16x1xi32>
    %sign3A_3408 = arith.extui %sign3A_3407 : vector<16x1xi1> to vector<16x1xi32>
    %sign3A_3409 = arith.subi %sign3A_3404, %sign3A_3408 : vector<16x1xi32>
    %sign3A_3410 = arith.constant 0 : i32
    %sign3A_3411 = arith.cmpi sgt, %jit3A_3398, %sign3A_3410 : i32
    %sign3A_3412 = arith.extui %sign3A_3411 : i1 to i32
    %sign3A_3413 = arith.constant 0 : i32
    %sign3A_3414 = arith.cmpi slt, %jit3A_3398, %sign3A_3413 : i32
    %sign3A_3415 = arith.extui %sign3A_3414 : i1 to i32
    %sign3A_3416 = arith.subi %sign3A_3412, %sign3A_3415 : i32
    %ne3A_3417 = vector.broadcast %sign3A_3416 : i32 to vector<16x1xi32>
    %ne3A_3418 = arith.cmpi ne, %sign3A_3409, %ne3A_3417 : vector<16x1xi32>
    %rem3A_3419 = vector.broadcast %jit3A_3398 : i32 to vector<16x1xi32>
    %rem3A_3420 = arith.remsi %broadcast_in_dim3A_3389, %rem3A_3419 : vector<16x1xi32>
    %ne3A_3421 = arith.constant 0 : i32
    %ne3A_3422 = vector.broadcast %ne3A_3421 : i32 to vector<16x1xi32>
    %ne3A_3423 = arith.cmpi ne, %rem3A_3420, %ne3A_3422 : vector<16x1xi32>
    %and3A_3424 = arith.andi %ne3A_3418, %ne3A_3423 : vector<16x1xi1>
    %sub3A_3425 = arith.constant 1 : i32
    %sub3A_3426 = vector.broadcast %sub3A_3425 : i32 to vector<16x1xi32>
    %sub3A_3427 = arith.subi %div3A_3400, %sub3A_3426 : vector<16x1xi32>
    %select_n3A_3428 = arith.select %and3A_3424, %sub3A_3427, %div3A_3400 : vector<16x1xi1>, vector<16x1xi32>
    %mul3A_3429 = arith.constant 64 : i32
    %mul3A_3430 = vector.broadcast %mul3A_3429 : i32 to vector<16x1xi32>
    %mul3A_3431 = arith.muli %select_n3A_3428, %mul3A_3430 : vector<16x1xi32>
    %sub3A_3432 = arith.subi %broadcast_in_dim3A_3389, %mul3A_3431 : vector<16x1xi32>
    %convert_element_type3A_3433 = arith.sitofp %sub3A_3432 : vector<16x1xi32> to vector<16x1xf32>
    %convert_element_type3A_3434 = arith.sitofp %select_n3A_3428 : vector<16x1xi32> to vector<16x1xf32>
    %add3A_3435 = arith.constant 184549376 : i32
    %add3A_3436 = vector.broadcast %add3A_3435 : i32 to vector<16x4096xi32>
    %add3A_3437 = arith.addi %add3A_20, %add3A_3436 : vector<16x4096xi32>
    %broadcast_in_dim3A_3438 = arith.constant 0 : i32
    %broadcast_in_dim3A_3439 = vector.broadcast %broadcast_in_dim3A_3438 : i32 to vector<16x4096xi32>
    %add3A_3440 = arith.constant 42 : i32
    %add3A_3441 = vector.broadcast %add3A_3440 : i32 to vector<16x4096xi32>
    %add3A_3442 = arith.addi %add3A_3437, %add3A_3441 : vector<16x4096xi32>
    %add3A_3443 = arith.addi %broadcast_in_dim3A_3439, %add3A_3442 : vector<16x4096xi32>
    %shift_left3A_3444 = arith.constant 13 : i32
    %shift_left3A_3445 = vector.broadcast %shift_left3A_3444 : i32 to vector<16x4096xi32>
    %shift_left3A_3446 = arith.shli %add3A_3442, %shift_left3A_3445 : vector<16x4096xi32>
    %shift_right_logical3A_3447 = arith.constant 19 : i32
    %shift_right_logical3A_3448 = vector.broadcast %shift_right_logical3A_3447 : i32 to vector<16x4096xi32>
    %shift_right_logical3A_3449 = arith.shrui %add3A_3442, %shift_right_logical3A_3448 : vector<16x4096xi32>
    %or3A_3450 = arith.ori %shift_left3A_3446, %shift_right_logical3A_3449 : vector<16x4096xi32>
    %xor3A_3451 = arith.xori %add3A_3443, %or3A_3450 : vector<16x4096xi32>
    %add3A_3452 = arith.addi %add3A_3443, %xor3A_3451 : vector<16x4096xi32>
    %shift_left3A_3453 = arith.constant 15 : i32
    %shift_left3A_3454 = vector.broadcast %shift_left3A_3453 : i32 to vector<16x4096xi32>
    %shift_left3A_3455 = arith.shli %xor3A_3451, %shift_left3A_3454 : vector<16x4096xi32>
    %shift_right_logical3A_3456 = arith.constant 17 : i32
    %shift_right_logical3A_3457 = vector.broadcast %shift_right_logical3A_3456 : i32 to vector<16x4096xi32>
    %shift_right_logical3A_3458 = arith.shrui %xor3A_3451, %shift_right_logical3A_3457 : vector<16x4096xi32>
    %or3A_3459 = arith.ori %shift_left3A_3455, %shift_right_logical3A_3458 : vector<16x4096xi32>
    %xor3A_3460 = arith.xori %add3A_3452, %or3A_3459 : vector<16x4096xi32>
    %add3A_3461 = arith.addi %add3A_3452, %xor3A_3460 : vector<16x4096xi32>
    %shift_left3A_3462 = arith.constant 26 : i32
    %shift_left3A_3463 = vector.broadcast %shift_left3A_3462 : i32 to vector<16x4096xi32>
    %shift_left3A_3464 = arith.shli %xor3A_3460, %shift_left3A_3463 : vector<16x4096xi32>
    %shift_right_logical3A_3465 = arith.constant 6 : i32
    %shift_right_logical3A_3466 = vector.broadcast %shift_right_logical3A_3465 : i32 to vector<16x4096xi32>
    %shift_right_logical3A_3467 = arith.shrui %xor3A_3460, %shift_right_logical3A_3466 : vector<16x4096xi32>
    %or3A_3468 = arith.ori %shift_left3A_3464, %shift_right_logical3A_3467 : vector<16x4096xi32>
    %xor3A_3469 = arith.xori %add3A_3461, %or3A_3468 : vector<16x4096xi32>
    %add3A_3470 = arith.addi %add3A_3461, %xor3A_3469 : vector<16x4096xi32>
    %shift_left3A_3471 = arith.constant 6 : i32
    %shift_left3A_3472 = vector.broadcast %shift_left3A_3471 : i32 to vector<16x4096xi32>
    %shift_left3A_3473 = arith.shli %xor3A_3469, %shift_left3A_3472 : vector<16x4096xi32>
    %shift_right_logical3A_3474 = arith.constant 26 : i32
    %shift_right_logical3A_3475 = vector.broadcast %shift_right_logical3A_3474 : i32 to vector<16x4096xi32>
    %shift_right_logical3A_3476 = arith.shrui %xor3A_3469, %shift_right_logical3A_3475 : vector<16x4096xi32>
    %or3A_3477 = arith.ori %shift_left3A_3473, %shift_right_logical3A_3476 : vector<16x4096xi32>
    %xor3A_3478 = arith.xori %add3A_3470, %or3A_3477 : vector<16x4096xi32>
    %add3A_3479 = arith.constant 42 : i32
    %add3A_3480 = vector.broadcast %add3A_3479 : i32 to vector<16x4096xi32>
    %add3A_3481 = arith.addi %add3A_3470, %add3A_3480 : vector<16x4096xi32>
    %add3A_3482 = arith.constant 466689008 : i32
    %add3A_3483 = vector.broadcast %add3A_3482 : i32 to vector<16x4096xi32>
    %add3A_3484 = arith.addi %xor3A_3478, %add3A_3483 : vector<16x4096xi32>
    %add3A_3485 = arith.constant 1 : i32
    %add3A_3486 = vector.broadcast %add3A_3485 : i32 to vector<16x4096xi32>
    %add3A_3487 = arith.addi %add3A_3484, %add3A_3486 : vector<16x4096xi32>
    %add3A_3488 = arith.addi %add3A_3481, %add3A_3487 : vector<16x4096xi32>
    %shift_left3A_3489 = arith.constant 17 : i32
    %shift_left3A_3490 = vector.broadcast %shift_left3A_3489 : i32 to vector<16x4096xi32>
    %shift_left3A_3491 = arith.shli %add3A_3487, %shift_left3A_3490 : vector<16x4096xi32>
    %shift_right_logical3A_3492 = arith.constant 15 : i32
    %shift_right_logical3A_3493 = vector.broadcast %shift_right_logical3A_3492 : i32 to vector<16x4096xi32>
    %shift_right_logical3A_3494 = arith.shrui %add3A_3487, %shift_right_logical3A_3493 : vector<16x4096xi32>
    %or3A_3495 = arith.ori %shift_left3A_3491, %shift_right_logical3A_3494 : vector<16x4096xi32>
    %xor3A_3496 = arith.xori %add3A_3488, %or3A_3495 : vector<16x4096xi32>
    %add3A_3497 = arith.addi %add3A_3488, %xor3A_3496 : vector<16x4096xi32>
    %shift_left3A_3498 = arith.constant 29 : i32
    %shift_left3A_3499 = vector.broadcast %shift_left3A_3498 : i32 to vector<16x4096xi32>
    %shift_left3A_3500 = arith.shli %xor3A_3496, %shift_left3A_3499 : vector<16x4096xi32>
    %shift_right_logical3A_3501 = arith.constant 3 : i32
    %shift_right_logical3A_3502 = vector.broadcast %shift_right_logical3A_3501 : i32 to vector<16x4096xi32>
    %shift_right_logical3A_3503 = arith.shrui %xor3A_3496, %shift_right_logical3A_3502 : vector<16x4096xi32>
    %or3A_3504 = arith.ori %shift_left3A_3500, %shift_right_logical3A_3503 : vector<16x4096xi32>
    %xor3A_3505 = arith.xori %add3A_3497, %or3A_3504 : vector<16x4096xi32>
    %add3A_3506 = arith.addi %add3A_3497, %xor3A_3505 : vector<16x4096xi32>
    %shift_left3A_3507 = arith.constant 16 : i32
    %shift_left3A_3508 = vector.broadcast %shift_left3A_3507 : i32 to vector<16x4096xi32>
    %shift_left3A_3509 = arith.shli %xor3A_3505, %shift_left3A_3508 : vector<16x4096xi32>
    %shift_right_logical3A_3510 = arith.constant 16 : i32
    %shift_right_logical3A_3511 = vector.broadcast %shift_right_logical3A_3510 : i32 to vector<16x4096xi32>
    %shift_right_logical3A_3512 = arith.shrui %xor3A_3505, %shift_right_logical3A_3511 : vector<16x4096xi32>
    %or3A_3513 = arith.ori %shift_left3A_3509, %shift_right_logical3A_3512 : vector<16x4096xi32>
    %xor3A_3514 = arith.xori %add3A_3506, %or3A_3513 : vector<16x4096xi32>
    %add3A_3515 = arith.addi %add3A_3506, %xor3A_3514 : vector<16x4096xi32>
    %shift_left3A_3516 = arith.constant 24 : i32
    %shift_left3A_3517 = vector.broadcast %shift_left3A_3516 : i32 to vector<16x4096xi32>
    %shift_left3A_3518 = arith.shli %xor3A_3514, %shift_left3A_3517 : vector<16x4096xi32>
    %shift_right_logical3A_3519 = arith.constant 8 : i32
    %shift_right_logical3A_3520 = vector.broadcast %shift_right_logical3A_3519 : i32 to vector<16x4096xi32>
    %shift_right_logical3A_3521 = arith.shrui %xor3A_3514, %shift_right_logical3A_3520 : vector<16x4096xi32>
    %or3A_3522 = arith.ori %shift_left3A_3518, %shift_right_logical3A_3521 : vector<16x4096xi32>
    %xor3A_3523 = arith.xori %add3A_3515, %or3A_3522 : vector<16x4096xi32>
    %add3A_3524 = arith.constant 466689008 : i32
    %add3A_3525 = vector.broadcast %add3A_3524 : i32 to vector<16x4096xi32>
    %add3A_3526 = arith.addi %add3A_3515, %add3A_3525 : vector<16x4096xi32>
    %add3A_3527 = arith.constant 0 : i32
    %add3A_3528 = vector.broadcast %add3A_3527 : i32 to vector<16x4096xi32>
    %add3A_3529 = arith.addi %xor3A_3523, %add3A_3528 : vector<16x4096xi32>
    %add3A_3530 = arith.constant 2 : i32
    %add3A_3531 = vector.broadcast %add3A_3530 : i32 to vector<16x4096xi32>
    %add3A_3532 = arith.addi %add3A_3529, %add3A_3531 : vector<16x4096xi32>
    %add3A_3533 = arith.addi %add3A_3526, %add3A_3532 : vector<16x4096xi32>
    %shift_left3A_3534 = arith.constant 13 : i32
    %shift_left3A_3535 = vector.broadcast %shift_left3A_3534 : i32 to vector<16x4096xi32>
    %shift_left3A_3536 = arith.shli %add3A_3532, %shift_left3A_3535 : vector<16x4096xi32>
    %shift_right_logical3A_3537 = arith.constant 19 : i32
    %shift_right_logical3A_3538 = vector.broadcast %shift_right_logical3A_3537 : i32 to vector<16x4096xi32>
    %shift_right_logical3A_3539 = arith.shrui %add3A_3532, %shift_right_logical3A_3538 : vector<16x4096xi32>
    %or3A_3540 = arith.ori %shift_left3A_3536, %shift_right_logical3A_3539 : vector<16x4096xi32>
    %xor3A_3541 = arith.xori %add3A_3533, %or3A_3540 : vector<16x4096xi32>
    %add3A_3542 = arith.addi %add3A_3533, %xor3A_3541 : vector<16x4096xi32>
    %shift_left3A_3543 = arith.constant 15 : i32
    %shift_left3A_3544 = vector.broadcast %shift_left3A_3543 : i32 to vector<16x4096xi32>
    %shift_left3A_3545 = arith.shli %xor3A_3541, %shift_left3A_3544 : vector<16x4096xi32>
    %shift_right_logical3A_3546 = arith.constant 17 : i32
    %shift_right_logical3A_3547 = vector.broadcast %shift_right_logical3A_3546 : i32 to vector<16x4096xi32>
    %shift_right_logical3A_3548 = arith.shrui %xor3A_3541, %shift_right_logical3A_3547 : vector<16x4096xi32>
    %or3A_3549 = arith.ori %shift_left3A_3545, %shift_right_logical3A_3548 : vector<16x4096xi32>
    %xor3A_3550 = arith.xori %add3A_3542, %or3A_3549 : vector<16x4096xi32>
    %add3A_3551 = arith.addi %add3A_3542, %xor3A_3550 : vector<16x4096xi32>
    %shift_left3A_3552 = arith.constant 26 : i32
    %shift_left3A_3553 = vector.broadcast %shift_left3A_3552 : i32 to vector<16x4096xi32>
    %shift_left3A_3554 = arith.shli %xor3A_3550, %shift_left3A_3553 : vector<16x4096xi32>
    %shift_right_logical3A_3555 = arith.constant 6 : i32
    %shift_right_logical3A_3556 = vector.broadcast %shift_right_logical3A_3555 : i32 to vector<16x4096xi32>
    %shift_right_logical3A_3557 = arith.shrui %xor3A_3550, %shift_right_logical3A_3556 : vector<16x4096xi32>
    %or3A_3558 = arith.ori %shift_left3A_3554, %shift_right_logical3A_3557 : vector<16x4096xi32>
    %xor3A_3559 = arith.xori %add3A_3551, %or3A_3558 : vector<16x4096xi32>
    %add3A_3560 = arith.addi %add3A_3551, %xor3A_3559 : vector<16x4096xi32>
    %shift_left3A_3561 = arith.constant 6 : i32
    %shift_left3A_3562 = vector.broadcast %shift_left3A_3561 : i32 to vector<16x4096xi32>
    %shift_left3A_3563 = arith.shli %xor3A_3559, %shift_left3A_3562 : vector<16x4096xi32>
    %shift_right_logical3A_3564 = arith.constant 26 : i32
    %shift_right_logical3A_3565 = vector.broadcast %shift_right_logical3A_3564 : i32 to vector<16x4096xi32>
    %shift_right_logical3A_3566 = arith.shrui %xor3A_3559, %shift_right_logical3A_3565 : vector<16x4096xi32>
    %or3A_3567 = arith.ori %shift_left3A_3563, %shift_right_logical3A_3566 : vector<16x4096xi32>
    %xor3A_3568 = arith.xori %add3A_3560, %or3A_3567 : vector<16x4096xi32>
    %add3A_3569 = arith.constant 0 : i32
    %add3A_3570 = vector.broadcast %add3A_3569 : i32 to vector<16x4096xi32>
    %add3A_3571 = arith.addi %add3A_3560, %add3A_3570 : vector<16x4096xi32>
    %add3A_3572 = arith.constant 42 : i32
    %add3A_3573 = vector.broadcast %add3A_3572 : i32 to vector<16x4096xi32>
    %add3A_3574 = arith.addi %xor3A_3568, %add3A_3573 : vector<16x4096xi32>
    %add3A_3575 = arith.constant 3 : i32
    %add3A_3576 = vector.broadcast %add3A_3575 : i32 to vector<16x4096xi32>
    %add3A_3577 = arith.addi %add3A_3574, %add3A_3576 : vector<16x4096xi32>
    %add3A_3578 = arith.addi %add3A_3571, %add3A_3577 : vector<16x4096xi32>
    %shift_left3A_3579 = arith.constant 17 : i32
    %shift_left3A_3580 = vector.broadcast %shift_left3A_3579 : i32 to vector<16x4096xi32>
    %shift_left3A_3581 = arith.shli %add3A_3577, %shift_left3A_3580 : vector<16x4096xi32>
    %shift_right_logical3A_3582 = arith.constant 15 : i32
    %shift_right_logical3A_3583 = vector.broadcast %shift_right_logical3A_3582 : i32 to vector<16x4096xi32>
    %shift_right_logical3A_3584 = arith.shrui %add3A_3577, %shift_right_logical3A_3583 : vector<16x4096xi32>
    %or3A_3585 = arith.ori %shift_left3A_3581, %shift_right_logical3A_3584 : vector<16x4096xi32>
    %xor3A_3586 = arith.xori %add3A_3578, %or3A_3585 : vector<16x4096xi32>
    %add3A_3587 = arith.addi %add3A_3578, %xor3A_3586 : vector<16x4096xi32>
    %shift_left3A_3588 = arith.constant 29 : i32
    %shift_left3A_3589 = vector.broadcast %shift_left3A_3588 : i32 to vector<16x4096xi32>
    %shift_left3A_3590 = arith.shli %xor3A_3586, %shift_left3A_3589 : vector<16x4096xi32>
    %shift_right_logical3A_3591 = arith.constant 3 : i32
    %shift_right_logical3A_3592 = vector.broadcast %shift_right_logical3A_3591 : i32 to vector<16x4096xi32>
    %shift_right_logical3A_3593 = arith.shrui %xor3A_3586, %shift_right_logical3A_3592 : vector<16x4096xi32>
    %or3A_3594 = arith.ori %shift_left3A_3590, %shift_right_logical3A_3593 : vector<16x4096xi32>
    %xor3A_3595 = arith.xori %add3A_3587, %or3A_3594 : vector<16x4096xi32>
    %add3A_3596 = arith.addi %add3A_3587, %xor3A_3595 : vector<16x4096xi32>
    %shift_left3A_3597 = arith.constant 16 : i32
    %shift_left3A_3598 = vector.broadcast %shift_left3A_3597 : i32 to vector<16x4096xi32>
    %shift_left3A_3599 = arith.shli %xor3A_3595, %shift_left3A_3598 : vector<16x4096xi32>
    %shift_right_logical3A_3600 = arith.constant 16 : i32
    %shift_right_logical3A_3601 = vector.broadcast %shift_right_logical3A_3600 : i32 to vector<16x4096xi32>
    %shift_right_logical3A_3602 = arith.shrui %xor3A_3595, %shift_right_logical3A_3601 : vector<16x4096xi32>
    %or3A_3603 = arith.ori %shift_left3A_3599, %shift_right_logical3A_3602 : vector<16x4096xi32>
    %xor3A_3604 = arith.xori %add3A_3596, %or3A_3603 : vector<16x4096xi32>
    %add3A_3605 = arith.addi %add3A_3596, %xor3A_3604 : vector<16x4096xi32>
    %shift_left3A_3606 = arith.constant 24 : i32
    %shift_left3A_3607 = vector.broadcast %shift_left3A_3606 : i32 to vector<16x4096xi32>
    %shift_left3A_3608 = arith.shli %xor3A_3604, %shift_left3A_3607 : vector<16x4096xi32>
    %shift_right_logical3A_3609 = arith.constant 8 : i32
    %shift_right_logical3A_3610 = vector.broadcast %shift_right_logical3A_3609 : i32 to vector<16x4096xi32>
    %shift_right_logical3A_3611 = arith.shrui %xor3A_3604, %shift_right_logical3A_3610 : vector<16x4096xi32>
    %or3A_3612 = arith.ori %shift_left3A_3608, %shift_right_logical3A_3611 : vector<16x4096xi32>
    %xor3A_3613 = arith.xori %add3A_3605, %or3A_3612 : vector<16x4096xi32>
    %add3A_3614 = arith.constant 42 : i32
    %add3A_3615 = vector.broadcast %add3A_3614 : i32 to vector<16x4096xi32>
    %add3A_3616 = arith.addi %add3A_3605, %add3A_3615 : vector<16x4096xi32>
    %add3A_3617 = arith.constant 466689008 : i32
    %add3A_3618 = vector.broadcast %add3A_3617 : i32 to vector<16x4096xi32>
    %add3A_3619 = arith.addi %xor3A_3613, %add3A_3618 : vector<16x4096xi32>
    %add3A_3620 = arith.constant 4 : i32
    %add3A_3621 = vector.broadcast %add3A_3620 : i32 to vector<16x4096xi32>
    %add3A_3622 = arith.addi %add3A_3619, %add3A_3621 : vector<16x4096xi32>
    %add3A_3623 = arith.addi %add3A_3616, %add3A_3622 : vector<16x4096xi32>
    %shift_left3A_3624 = arith.constant 13 : i32
    %shift_left3A_3625 = vector.broadcast %shift_left3A_3624 : i32 to vector<16x4096xi32>
    %shift_left3A_3626 = arith.shli %add3A_3622, %shift_left3A_3625 : vector<16x4096xi32>
    %shift_right_logical3A_3627 = arith.constant 19 : i32
    %shift_right_logical3A_3628 = vector.broadcast %shift_right_logical3A_3627 : i32 to vector<16x4096xi32>
    %shift_right_logical3A_3629 = arith.shrui %add3A_3622, %shift_right_logical3A_3628 : vector<16x4096xi32>
    %or3A_3630 = arith.ori %shift_left3A_3626, %shift_right_logical3A_3629 : vector<16x4096xi32>
    %xor3A_3631 = arith.xori %add3A_3623, %or3A_3630 : vector<16x4096xi32>
    %add3A_3632 = arith.addi %add3A_3623, %xor3A_3631 : vector<16x4096xi32>
    %shift_left3A_3633 = arith.constant 15 : i32
    %shift_left3A_3634 = vector.broadcast %shift_left3A_3633 : i32 to vector<16x4096xi32>
    %shift_left3A_3635 = arith.shli %xor3A_3631, %shift_left3A_3634 : vector<16x4096xi32>
    %shift_right_logical3A_3636 = arith.constant 17 : i32
    %shift_right_logical3A_3637 = vector.broadcast %shift_right_logical3A_3636 : i32 to vector<16x4096xi32>
    %shift_right_logical3A_3638 = arith.shrui %xor3A_3631, %shift_right_logical3A_3637 : vector<16x4096xi32>
    %or3A_3639 = arith.ori %shift_left3A_3635, %shift_right_logical3A_3638 : vector<16x4096xi32>
    %xor3A_3640 = arith.xori %add3A_3632, %or3A_3639 : vector<16x4096xi32>
    %add3A_3641 = arith.addi %add3A_3632, %xor3A_3640 : vector<16x4096xi32>
    %shift_left3A_3642 = arith.constant 26 : i32
    %shift_left3A_3643 = vector.broadcast %shift_left3A_3642 : i32 to vector<16x4096xi32>
    %shift_left3A_3644 = arith.shli %xor3A_3640, %shift_left3A_3643 : vector<16x4096xi32>
    %shift_right_logical3A_3645 = arith.constant 6 : i32
    %shift_right_logical3A_3646 = vector.broadcast %shift_right_logical3A_3645 : i32 to vector<16x4096xi32>
    %shift_right_logical3A_3647 = arith.shrui %xor3A_3640, %shift_right_logical3A_3646 : vector<16x4096xi32>
    %or3A_3648 = arith.ori %shift_left3A_3644, %shift_right_logical3A_3647 : vector<16x4096xi32>
    %xor3A_3649 = arith.xori %add3A_3641, %or3A_3648 : vector<16x4096xi32>
    %add3A_3650 = arith.addi %add3A_3641, %xor3A_3649 : vector<16x4096xi32>
    %shift_left3A_3651 = arith.constant 6 : i32
    %shift_left3A_3652 = vector.broadcast %shift_left3A_3651 : i32 to vector<16x4096xi32>
    %shift_left3A_3653 = arith.shli %xor3A_3649, %shift_left3A_3652 : vector<16x4096xi32>
    %shift_right_logical3A_3654 = arith.constant 26 : i32
    %shift_right_logical3A_3655 = vector.broadcast %shift_right_logical3A_3654 : i32 to vector<16x4096xi32>
    %shift_right_logical3A_3656 = arith.shrui %xor3A_3649, %shift_right_logical3A_3655 : vector<16x4096xi32>
    %or3A_3657 = arith.ori %shift_left3A_3653, %shift_right_logical3A_3656 : vector<16x4096xi32>
    %xor3A_3658 = arith.xori %add3A_3650, %or3A_3657 : vector<16x4096xi32>
    %add3A_3659 = arith.constant 466689008 : i32
    %add3A_3660 = vector.broadcast %add3A_3659 : i32 to vector<16x4096xi32>
    %add3A_3661 = arith.addi %add3A_3650, %add3A_3660 : vector<16x4096xi32>
    %add3A_3662 = arith.constant 0 : i32
    %add3A_3663 = vector.broadcast %add3A_3662 : i32 to vector<16x4096xi32>
    %add3A_3664 = arith.addi %xor3A_3658, %add3A_3663 : vector<16x4096xi32>
    %add3A_3665 = arith.constant 5 : i32
    %add3A_3666 = vector.broadcast %add3A_3665 : i32 to vector<16x4096xi32>
    %add3A_3667 = arith.addi %add3A_3664, %add3A_3666 : vector<16x4096xi32>
    %xor3A_3668 = arith.xori %add3A_3661, %add3A_3667 : vector<16x4096xi32>
    %shift_right_logical3A_3669 = arith.constant 9 : i32
    %shift_right_logical3A_3670 = vector.broadcast %shift_right_logical3A_3669 : i32 to vector<16x4096xi32>
    %shift_right_logical3A_3671 = arith.shrui %xor3A_3668, %shift_right_logical3A_3670 : vector<16x4096xi32>
    %or3A_3672 = arith.constant 1065353216 : i32
    %or3A_3673 = vector.broadcast %or3A_3672 : i32 to vector<16x4096xi32>
    %or3A_3674 = arith.ori %shift_right_logical3A_3671, %or3A_3673 : vector<16x4096xi32>
    %bitcast_convert_type3A_3675 = tpu.bitcast %or3A_3674 : vector<16x4096xi32> -> vector<16x4096xf32>
    %sub3A_3676 = arith.constant 1.000000e+00 : f32
    %sub3A_3677 = vector.broadcast %sub3A_3676 : f32 to vector<16x4096xf32>
    %sub3A_3678 = arith.subf %bitcast_convert_type3A_3675, %sub3A_3677 : vector<16x4096xf32>
    %max3A_3679 = arith.constant 1.17549435E-38 : f32
    %max3A_3680 = vector.broadcast %max3A_3679 : f32 to vector<16x4096xf32>
    %max3A_3681 = arith.maximumf %sub3A_3678, %max3A_3680 : vector<16x4096xf32>
    %log3A_3682 = math.log %max3A_3681 : vector<16x4096xf32>
    %neg3A_3683 = arith.constant 0.000000e+00 : f32
    %neg3A_3684 = vector.broadcast %neg3A_3683 : f32 to vector<16x4096xf32>
    %neg3A_3685 = arith.subf %neg3A_3684, %log3A_3682 : vector<16x4096xf32>
    %log3A_3686 = math.log %neg3A_3685 : vector<16x4096xf32>
    %neg3A_3687 = arith.constant 0.000000e+00 : f32
    %neg3A_3688 = vector.broadcast %neg3A_3687 : f32 to vector<16x4096xf32>
    %neg3A_3689 = arith.subf %neg3A_3688, %log3A_3686 : vector<16x4096xf32>
    %add3A_3690 = arith.addf %neg3A_3689, %select_n3A_13 : vector<16x4096xf32>
    %reduce_max3A_3691 = arith.constant dense<0xFF800000> : vector<16xf32>
    %reduce_max3A_3692 = vector.multi_reduction <maximumf>, %add3A_3690, %reduce_max3A_3691 [1] : vector<16x4096xf32> to vector<16xf32>
    %broadcast_in_dim3A_3693 = vector.shape_cast %reduce_max3A_3692 : vector<16xf32> to vector<16x1xf32>
    %eq3A_3694 = vector.broadcast %broadcast_in_dim3A_3693 : vector<16x1xf32> to vector<16x4096xf32>
    %eq3A_3695 = arith.cmpf oeq, %add3A_3690, %eq3A_3694 : vector<16x4096xf32>
    %jit3A_3696 = arith.constant 4096 : i32
    %broadcast_in_dim3A_3697 = vector.broadcast %jit3A_3696 : i32 to vector<16x4096xi32>
    %select_n3A_3698 = arith.select %eq3A_3695, %iota3A, %broadcast_in_dim3A_3697 : vector<16x4096xi1>, vector<16x4096xi32>
    %reduce_min3A_3699 = arith.constant dense<2147483647> : vector<16xi32>
    %reduce_min3A_3700 = vector.multi_reduction <minsi>, %select_n3A_3698, %reduce_min3A_3699 [1] : vector<16x4096xi32> to vector<16xi32>
    %broadcast_in_dim3A_3701 = vector.shape_cast %reduce_min3A_3700 : vector<16xi32> to vector<16x1xi32>
    %eq3A_3702 = vector.broadcast %broadcast_in_dim3A_3701 : vector<16x1xi32> to vector<16x4096xi32>
    %eq3A_3703 = arith.cmpi eq, %iota3A, %eq3A_3702 : vector<16x4096xi32>
    %jit3A_3704 = arith.constant 0.000000e+00 : f32
    %broadcast_in_dim3A_3705 = vector.broadcast %jit3A_3704 : f32 to vector<16x4096xf32>
    %select_n3A_3706 = arith.select %eq3A_3703, %select_n3A, %broadcast_in_dim3A_3705 : vector<16x4096xi1>, vector<16x4096xf32>
    %reduce_sum3A_3707 = arith.constant dense<0.000000e+00> : vector<16xf32>
    %reduce_sum3A_3708 = vector.multi_reduction <add>, %select_n3A_3706, %reduce_sum3A_3707 [1] : vector<16x4096xf32> to vector<16xf32>
    %broadcast_in_dim3A_3709 = vector.shape_cast %reduce_sum3A_3708 : vector<16xf32> to vector<16x1xf32>
    %jit3A_3710 = arith.constant 64 : i32
    %div3A_3711 = vector.broadcast %jit3A_3710 : i32 to vector<16x1xi32>
    %div3A_3712 = arith.divsi %broadcast_in_dim3A_3701, %div3A_3711 : vector<16x1xi32>
    %sign3A_3713 = arith.constant 0 : i32
    %sign3A_3714 = vector.broadcast %sign3A_3713 : i32 to vector<16x1xi32>
    %sign3A_3715 = arith.cmpi sgt, %broadcast_in_dim3A_3701, %sign3A_3714 : vector<16x1xi32>
    %sign3A_3716 = arith.extui %sign3A_3715 : vector<16x1xi1> to vector<16x1xi32>
    %sign3A_3717 = arith.constant 0 : i32
    %sign3A_3718 = vector.broadcast %sign3A_3717 : i32 to vector<16x1xi32>
    %sign3A_3719 = arith.cmpi slt, %broadcast_in_dim3A_3701, %sign3A_3718 : vector<16x1xi32>
    %sign3A_3720 = arith.extui %sign3A_3719 : vector<16x1xi1> to vector<16x1xi32>
    %sign3A_3721 = arith.subi %sign3A_3716, %sign3A_3720 : vector<16x1xi32>
    %sign3A_3722 = arith.constant 0 : i32
    %sign3A_3723 = arith.cmpi sgt, %jit3A_3710, %sign3A_3722 : i32
    %sign3A_3724 = arith.extui %sign3A_3723 : i1 to i32
    %sign3A_3725 = arith.constant 0 : i32
    %sign3A_3726 = arith.cmpi slt, %jit3A_3710, %sign3A_3725 : i32
    %sign3A_3727 = arith.extui %sign3A_3726 : i1 to i32
    %sign3A_3728 = arith.subi %sign3A_3724, %sign3A_3727 : i32
    %ne3A_3729 = vector.broadcast %sign3A_3728 : i32 to vector<16x1xi32>
    %ne3A_3730 = arith.cmpi ne, %sign3A_3721, %ne3A_3729 : vector<16x1xi32>
    %rem3A_3731 = vector.broadcast %jit3A_3710 : i32 to vector<16x1xi32>
    %rem3A_3732 = arith.remsi %broadcast_in_dim3A_3701, %rem3A_3731 : vector<16x1xi32>
    %ne3A_3733 = arith.constant 0 : i32
    %ne3A_3734 = vector.broadcast %ne3A_3733 : i32 to vector<16x1xi32>
    %ne3A_3735 = arith.cmpi ne, %rem3A_3732, %ne3A_3734 : vector<16x1xi32>
    %and3A_3736 = arith.andi %ne3A_3730, %ne3A_3735 : vector<16x1xi1>
    %sub3A_3737 = arith.constant 1 : i32
    %sub3A_3738 = vector.broadcast %sub3A_3737 : i32 to vector<16x1xi32>
    %sub3A_3739 = arith.subi %div3A_3712, %sub3A_3738 : vector<16x1xi32>
    %select_n3A_3740 = arith.select %and3A_3736, %sub3A_3739, %div3A_3712 : vector<16x1xi1>, vector<16x1xi32>
    %mul3A_3741 = arith.constant 64 : i32
    %mul3A_3742 = vector.broadcast %mul3A_3741 : i32 to vector<16x1xi32>
    %mul3A_3743 = arith.muli %select_n3A_3740, %mul3A_3742 : vector<16x1xi32>
    %sub3A_3744 = arith.subi %broadcast_in_dim3A_3701, %mul3A_3743 : vector<16x1xi32>
    %convert_element_type3A_3745 = arith.sitofp %sub3A_3744 : vector<16x1xi32> to vector<16x1xf32>
    %convert_element_type3A_3746 = arith.sitofp %select_n3A_3740 : vector<16x1xi32> to vector<16x1xf32>
    %add3A_3747 = arith.constant 201326592 : i32
    %add3A_3748 = vector.broadcast %add3A_3747 : i32 to vector<16x4096xi32>
    %add3A_3749 = arith.addi %add3A_20, %add3A_3748 : vector<16x4096xi32>
    %broadcast_in_dim3A_3750 = arith.constant 0 : i32
    %broadcast_in_dim3A_3751 = vector.broadcast %broadcast_in_dim3A_3750 : i32 to vector<16x4096xi32>
    %add3A_3752 = arith.constant 42 : i32
    %add3A_3753 = vector.broadcast %add3A_3752 : i32 to vector<16x4096xi32>
    %add3A_3754 = arith.addi %add3A_3749, %add3A_3753 : vector<16x4096xi32>
    %add3A_3755 = arith.addi %broadcast_in_dim3A_3751, %add3A_3754 : vector<16x4096xi32>
    %shift_left3A_3756 = arith.constant 13 : i32
    %shift_left3A_3757 = vector.broadcast %shift_left3A_3756 : i32 to vector<16x4096xi32>
    %shift_left3A_3758 = arith.shli %add3A_3754, %shift_left3A_3757 : vector<16x4096xi32>
    %shift_right_logical3A_3759 = arith.constant 19 : i32
    %shift_right_logical3A_3760 = vector.broadcast %shift_right_logical3A_3759 : i32 to vector<16x4096xi32>
    %shift_right_logical3A_3761 = arith.shrui %add3A_3754, %shift_right_logical3A_3760 : vector<16x4096xi32>
    %or3A_3762 = arith.ori %shift_left3A_3758, %shift_right_logical3A_3761 : vector<16x4096xi32>
    %xor3A_3763 = arith.xori %add3A_3755, %or3A_3762 : vector<16x4096xi32>
    %add3A_3764 = arith.addi %add3A_3755, %xor3A_3763 : vector<16x4096xi32>
    %shift_left3A_3765 = arith.constant 15 : i32
    %shift_left3A_3766 = vector.broadcast %shift_left3A_3765 : i32 to vector<16x4096xi32>
    %shift_left3A_3767 = arith.shli %xor3A_3763, %shift_left3A_3766 : vector<16x4096xi32>
    %shift_right_logical3A_3768 = arith.constant 17 : i32
    %shift_right_logical3A_3769 = vector.broadcast %shift_right_logical3A_3768 : i32 to vector<16x4096xi32>
    %shift_right_logical3A_3770 = arith.shrui %xor3A_3763, %shift_right_logical3A_3769 : vector<16x4096xi32>
    %or3A_3771 = arith.ori %shift_left3A_3767, %shift_right_logical3A_3770 : vector<16x4096xi32>
    %xor3A_3772 = arith.xori %add3A_3764, %or3A_3771 : vector<16x4096xi32>
    %add3A_3773 = arith.addi %add3A_3764, %xor3A_3772 : vector<16x4096xi32>
    %shift_left3A_3774 = arith.constant 26 : i32
    %shift_left3A_3775 = vector.broadcast %shift_left3A_3774 : i32 to vector<16x4096xi32>
    %shift_left3A_3776 = arith.shli %xor3A_3772, %shift_left3A_3775 : vector<16x4096xi32>
    %shift_right_logical3A_3777 = arith.constant 6 : i32
    %shift_right_logical3A_3778 = vector.broadcast %shift_right_logical3A_3777 : i32 to vector<16x4096xi32>
    %shift_right_logical3A_3779 = arith.shrui %xor3A_3772, %shift_right_logical3A_3778 : vector<16x4096xi32>
    %or3A_3780 = arith.ori %shift_left3A_3776, %shift_right_logical3A_3779 : vector<16x4096xi32>
    %xor3A_3781 = arith.xori %add3A_3773, %or3A_3780 : vector<16x4096xi32>
    %add3A_3782 = arith.addi %add3A_3773, %xor3A_3781 : vector<16x4096xi32>
    %shift_left3A_3783 = arith.constant 6 : i32
    %shift_left3A_3784 = vector.broadcast %shift_left3A_3783 : i32 to vector<16x4096xi32>
    %shift_left3A_3785 = arith.shli %xor3A_3781, %shift_left3A_3784 : vector<16x4096xi32>
    %shift_right_logical3A_3786 = arith.constant 26 : i32
    %shift_right_logical3A_3787 = vector.broadcast %shift_right_logical3A_3786 : i32 to vector<16x4096xi32>
    %shift_right_logical3A_3788 = arith.shrui %xor3A_3781, %shift_right_logical3A_3787 : vector<16x4096xi32>
    %or3A_3789 = arith.ori %shift_left3A_3785, %shift_right_logical3A_3788 : vector<16x4096xi32>
    %xor3A_3790 = arith.xori %add3A_3782, %or3A_3789 : vector<16x4096xi32>
    %add3A_3791 = arith.constant 42 : i32
    %add3A_3792 = vector.broadcast %add3A_3791 : i32 to vector<16x4096xi32>
    %add3A_3793 = arith.addi %add3A_3782, %add3A_3792 : vector<16x4096xi32>
    %add3A_3794 = arith.constant 466689008 : i32
    %add3A_3795 = vector.broadcast %add3A_3794 : i32 to vector<16x4096xi32>
    %add3A_3796 = arith.addi %xor3A_3790, %add3A_3795 : vector<16x4096xi32>
    %add3A_3797 = arith.constant 1 : i32
    %add3A_3798 = vector.broadcast %add3A_3797 : i32 to vector<16x4096xi32>
    %add3A_3799 = arith.addi %add3A_3796, %add3A_3798 : vector<16x4096xi32>
    %add3A_3800 = arith.addi %add3A_3793, %add3A_3799 : vector<16x4096xi32>
    %shift_left3A_3801 = arith.constant 17 : i32
    %shift_left3A_3802 = vector.broadcast %shift_left3A_3801 : i32 to vector<16x4096xi32>
    %shift_left3A_3803 = arith.shli %add3A_3799, %shift_left3A_3802 : vector<16x4096xi32>
    %shift_right_logical3A_3804 = arith.constant 15 : i32
    %shift_right_logical3A_3805 = vector.broadcast %shift_right_logical3A_3804 : i32 to vector<16x4096xi32>
    %shift_right_logical3A_3806 = arith.shrui %add3A_3799, %shift_right_logical3A_3805 : vector<16x4096xi32>
    %or3A_3807 = arith.ori %shift_left3A_3803, %shift_right_logical3A_3806 : vector<16x4096xi32>
    %xor3A_3808 = arith.xori %add3A_3800, %or3A_3807 : vector<16x4096xi32>
    %add3A_3809 = arith.addi %add3A_3800, %xor3A_3808 : vector<16x4096xi32>
    %shift_left3A_3810 = arith.constant 29 : i32
    %shift_left3A_3811 = vector.broadcast %shift_left3A_3810 : i32 to vector<16x4096xi32>
    %shift_left3A_3812 = arith.shli %xor3A_3808, %shift_left3A_3811 : vector<16x4096xi32>
    %shift_right_logical3A_3813 = arith.constant 3 : i32
    %shift_right_logical3A_3814 = vector.broadcast %shift_right_logical3A_3813 : i32 to vector<16x4096xi32>
    %shift_right_logical3A_3815 = arith.shrui %xor3A_3808, %shift_right_logical3A_3814 : vector<16x4096xi32>
    %or3A_3816 = arith.ori %shift_left3A_3812, %shift_right_logical3A_3815 : vector<16x4096xi32>
    %xor3A_3817 = arith.xori %add3A_3809, %or3A_3816 : vector<16x4096xi32>
    %add3A_3818 = arith.addi %add3A_3809, %xor3A_3817 : vector<16x4096xi32>
    %shift_left3A_3819 = arith.constant 16 : i32
    %shift_left3A_3820 = vector.broadcast %shift_left3A_3819 : i32 to vector<16x4096xi32>
    %shift_left3A_3821 = arith.shli %xor3A_3817, %shift_left3A_3820 : vector<16x4096xi32>
    %shift_right_logical3A_3822 = arith.constant 16 : i32
    %shift_right_logical3A_3823 = vector.broadcast %shift_right_logical3A_3822 : i32 to vector<16x4096xi32>
    %shift_right_logical3A_3824 = arith.shrui %xor3A_3817, %shift_right_logical3A_3823 : vector<16x4096xi32>
    %or3A_3825 = arith.ori %shift_left3A_3821, %shift_right_logical3A_3824 : vector<16x4096xi32>
    %xor3A_3826 = arith.xori %add3A_3818, %or3A_3825 : vector<16x4096xi32>
    %add3A_3827 = arith.addi %add3A_3818, %xor3A_3826 : vector<16x4096xi32>
    %shift_left3A_3828 = arith.constant 24 : i32
    %shift_left3A_3829 = vector.broadcast %shift_left3A_3828 : i32 to vector<16x4096xi32>
    %shift_left3A_3830 = arith.shli %xor3A_3826, %shift_left3A_3829 : vector<16x4096xi32>
    %shift_right_logical3A_3831 = arith.constant 8 : i32
    %shift_right_logical3A_3832 = vector.broadcast %shift_right_logical3A_3831 : i32 to vector<16x4096xi32>
    %shift_right_logical3A_3833 = arith.shrui %xor3A_3826, %shift_right_logical3A_3832 : vector<16x4096xi32>
    %or3A_3834 = arith.ori %shift_left3A_3830, %shift_right_logical3A_3833 : vector<16x4096xi32>
    %xor3A_3835 = arith.xori %add3A_3827, %or3A_3834 : vector<16x4096xi32>
    %add3A_3836 = arith.constant 466689008 : i32
    %add3A_3837 = vector.broadcast %add3A_3836 : i32 to vector<16x4096xi32>
    %add3A_3838 = arith.addi %add3A_3827, %add3A_3837 : vector<16x4096xi32>
    %add3A_3839 = arith.constant 0 : i32
    %add3A_3840 = vector.broadcast %add3A_3839 : i32 to vector<16x4096xi32>
    %add3A_3841 = arith.addi %xor3A_3835, %add3A_3840 : vector<16x4096xi32>
    %add3A_3842 = arith.constant 2 : i32
    %add3A_3843 = vector.broadcast %add3A_3842 : i32 to vector<16x4096xi32>
    %add3A_3844 = arith.addi %add3A_3841, %add3A_3843 : vector<16x4096xi32>
    %add3A_3845 = arith.addi %add3A_3838, %add3A_3844 : vector<16x4096xi32>
    %shift_left3A_3846 = arith.constant 13 : i32
    %shift_left3A_3847 = vector.broadcast %shift_left3A_3846 : i32 to vector<16x4096xi32>
    %shift_left3A_3848 = arith.shli %add3A_3844, %shift_left3A_3847 : vector<16x4096xi32>
    %shift_right_logical3A_3849 = arith.constant 19 : i32
    %shift_right_logical3A_3850 = vector.broadcast %shift_right_logical3A_3849 : i32 to vector<16x4096xi32>
    %shift_right_logical3A_3851 = arith.shrui %add3A_3844, %shift_right_logical3A_3850 : vector<16x4096xi32>
    %or3A_3852 = arith.ori %shift_left3A_3848, %shift_right_logical3A_3851 : vector<16x4096xi32>
    %xor3A_3853 = arith.xori %add3A_3845, %or3A_3852 : vector<16x4096xi32>
    %add3A_3854 = arith.addi %add3A_3845, %xor3A_3853 : vector<16x4096xi32>
    %shift_left3A_3855 = arith.constant 15 : i32
    %shift_left3A_3856 = vector.broadcast %shift_left3A_3855 : i32 to vector<16x4096xi32>
    %shift_left3A_3857 = arith.shli %xor3A_3853, %shift_left3A_3856 : vector<16x4096xi32>
    %shift_right_logical3A_3858 = arith.constant 17 : i32
    %shift_right_logical3A_3859 = vector.broadcast %shift_right_logical3A_3858 : i32 to vector<16x4096xi32>
    %shift_right_logical3A_3860 = arith.shrui %xor3A_3853, %shift_right_logical3A_3859 : vector<16x4096xi32>
    %or3A_3861 = arith.ori %shift_left3A_3857, %shift_right_logical3A_3860 : vector<16x4096xi32>
    %xor3A_3862 = arith.xori %add3A_3854, %or3A_3861 : vector<16x4096xi32>
    %add3A_3863 = arith.addi %add3A_3854, %xor3A_3862 : vector<16x4096xi32>
    %shift_left3A_3864 = arith.constant 26 : i32
    %shift_left3A_3865 = vector.broadcast %shift_left3A_3864 : i32 to vector<16x4096xi32>
    %shift_left3A_3866 = arith.shli %xor3A_3862, %shift_left3A_3865 : vector<16x4096xi32>
    %shift_right_logical3A_3867 = arith.constant 6 : i32
    %shift_right_logical3A_3868 = vector.broadcast %shift_right_logical3A_3867 : i32 to vector<16x4096xi32>
    %shift_right_logical3A_3869 = arith.shrui %xor3A_3862, %shift_right_logical3A_3868 : vector<16x4096xi32>
    %or3A_3870 = arith.ori %shift_left3A_3866, %shift_right_logical3A_3869 : vector<16x4096xi32>
    %xor3A_3871 = arith.xori %add3A_3863, %or3A_3870 : vector<16x4096xi32>
    %add3A_3872 = arith.addi %add3A_3863, %xor3A_3871 : vector<16x4096xi32>
    %shift_left3A_3873 = arith.constant 6 : i32
    %shift_left3A_3874 = vector.broadcast %shift_left3A_3873 : i32 to vector<16x4096xi32>
    %shift_left3A_3875 = arith.shli %xor3A_3871, %shift_left3A_3874 : vector<16x4096xi32>
    %shift_right_logical3A_3876 = arith.constant 26 : i32
    %shift_right_logical3A_3877 = vector.broadcast %shift_right_logical3A_3876 : i32 to vector<16x4096xi32>
    %shift_right_logical3A_3878 = arith.shrui %xor3A_3871, %shift_right_logical3A_3877 : vector<16x4096xi32>
    %or3A_3879 = arith.ori %shift_left3A_3875, %shift_right_logical3A_3878 : vector<16x4096xi32>
    %xor3A_3880 = arith.xori %add3A_3872, %or3A_3879 : vector<16x4096xi32>
    %add3A_3881 = arith.constant 0 : i32
    %add3A_3882 = vector.broadcast %add3A_3881 : i32 to vector<16x4096xi32>
    %add3A_3883 = arith.addi %add3A_3872, %add3A_3882 : vector<16x4096xi32>
    %add3A_3884 = arith.constant 42 : i32
    %add3A_3885 = vector.broadcast %add3A_3884 : i32 to vector<16x4096xi32>
    %add3A_3886 = arith.addi %xor3A_3880, %add3A_3885 : vector<16x4096xi32>
    %add3A_3887 = arith.constant 3 : i32
    %add3A_3888 = vector.broadcast %add3A_3887 : i32 to vector<16x4096xi32>
    %add3A_3889 = arith.addi %add3A_3886, %add3A_3888 : vector<16x4096xi32>
    %add3A_3890 = arith.addi %add3A_3883, %add3A_3889 : vector<16x4096xi32>
    %shift_left3A_3891 = arith.constant 17 : i32
    %shift_left3A_3892 = vector.broadcast %shift_left3A_3891 : i32 to vector<16x4096xi32>
    %shift_left3A_3893 = arith.shli %add3A_3889, %shift_left3A_3892 : vector<16x4096xi32>
    %shift_right_logical3A_3894 = arith.constant 15 : i32
    %shift_right_logical3A_3895 = vector.broadcast %shift_right_logical3A_3894 : i32 to vector<16x4096xi32>
    %shift_right_logical3A_3896 = arith.shrui %add3A_3889, %shift_right_logical3A_3895 : vector<16x4096xi32>
    %or3A_3897 = arith.ori %shift_left3A_3893, %shift_right_logical3A_3896 : vector<16x4096xi32>
    %xor3A_3898 = arith.xori %add3A_3890, %or3A_3897 : vector<16x4096xi32>
    %add3A_3899 = arith.addi %add3A_3890, %xor3A_3898 : vector<16x4096xi32>
    %shift_left3A_3900 = arith.constant 29 : i32
    %shift_left3A_3901 = vector.broadcast %shift_left3A_3900 : i32 to vector<16x4096xi32>
    %shift_left3A_3902 = arith.shli %xor3A_3898, %shift_left3A_3901 : vector<16x4096xi32>
    %shift_right_logical3A_3903 = arith.constant 3 : i32
    %shift_right_logical3A_3904 = vector.broadcast %shift_right_logical3A_3903 : i32 to vector<16x4096xi32>
    %shift_right_logical3A_3905 = arith.shrui %xor3A_3898, %shift_right_logical3A_3904 : vector<16x4096xi32>
    %or3A_3906 = arith.ori %shift_left3A_3902, %shift_right_logical3A_3905 : vector<16x4096xi32>
    %xor3A_3907 = arith.xori %add3A_3899, %or3A_3906 : vector<16x4096xi32>
    %add3A_3908 = arith.addi %add3A_3899, %xor3A_3907 : vector<16x4096xi32>
    %shift_left3A_3909 = arith.constant 16 : i32
    %shift_left3A_3910 = vector.broadcast %shift_left3A_3909 : i32 to vector<16x4096xi32>
    %shift_left3A_3911 = arith.shli %xor3A_3907, %shift_left3A_3910 : vector<16x4096xi32>
    %shift_right_logical3A_3912 = arith.constant 16 : i32
    %shift_right_logical3A_3913 = vector.broadcast %shift_right_logical3A_3912 : i32 to vector<16x4096xi32>
    %shift_right_logical3A_3914 = arith.shrui %xor3A_3907, %shift_right_logical3A_3913 : vector<16x4096xi32>
    %or3A_3915 = arith.ori %shift_left3A_3911, %shift_right_logical3A_3914 : vector<16x4096xi32>
    %xor3A_3916 = arith.xori %add3A_3908, %or3A_3915 : vector<16x4096xi32>
    %add3A_3917 = arith.addi %add3A_3908, %xor3A_3916 : vector<16x4096xi32>
    %shift_left3A_3918 = arith.constant 24 : i32
    %shift_left3A_3919 = vector.broadcast %shift_left3A_3918 : i32 to vector<16x4096xi32>
    %shift_left3A_3920 = arith.shli %xor3A_3916, %shift_left3A_3919 : vector<16x4096xi32>
    %shift_right_logical3A_3921 = arith.constant 8 : i32
    %shift_right_logical3A_3922 = vector.broadcast %shift_right_logical3A_3921 : i32 to vector<16x4096xi32>
    %shift_right_logical3A_3923 = arith.shrui %xor3A_3916, %shift_right_logical3A_3922 : vector<16x4096xi32>
    %or3A_3924 = arith.ori %shift_left3A_3920, %shift_right_logical3A_3923 : vector<16x4096xi32>
    %xor3A_3925 = arith.xori %add3A_3917, %or3A_3924 : vector<16x4096xi32>
    %add3A_3926 = arith.constant 42 : i32
    %add3A_3927 = vector.broadcast %add3A_3926 : i32 to vector<16x4096xi32>
    %add3A_3928 = arith.addi %add3A_3917, %add3A_3927 : vector<16x4096xi32>
    %add3A_3929 = arith.constant 466689008 : i32
    %add3A_3930 = vector.broadcast %add3A_3929 : i32 to vector<16x4096xi32>
    %add3A_3931 = arith.addi %xor3A_3925, %add3A_3930 : vector<16x4096xi32>
    %add3A_3932 = arith.constant 4 : i32
    %add3A_3933 = vector.broadcast %add3A_3932 : i32 to vector<16x4096xi32>
    %add3A_3934 = arith.addi %add3A_3931, %add3A_3933 : vector<16x4096xi32>
    %add3A_3935 = arith.addi %add3A_3928, %add3A_3934 : vector<16x4096xi32>
    %shift_left3A_3936 = arith.constant 13 : i32
    %shift_left3A_3937 = vector.broadcast %shift_left3A_3936 : i32 to vector<16x4096xi32>
    %shift_left3A_3938 = arith.shli %add3A_3934, %shift_left3A_3937 : vector<16x4096xi32>
    %shift_right_logical3A_3939 = arith.constant 19 : i32
    %shift_right_logical3A_3940 = vector.broadcast %shift_right_logical3A_3939 : i32 to vector<16x4096xi32>
    %shift_right_logical3A_3941 = arith.shrui %add3A_3934, %shift_right_logical3A_3940 : vector<16x4096xi32>
    %or3A_3942 = arith.ori %shift_left3A_3938, %shift_right_logical3A_3941 : vector<16x4096xi32>
    %xor3A_3943 = arith.xori %add3A_3935, %or3A_3942 : vector<16x4096xi32>
    %add3A_3944 = arith.addi %add3A_3935, %xor3A_3943 : vector<16x4096xi32>
    %shift_left3A_3945 = arith.constant 15 : i32
    %shift_left3A_3946 = vector.broadcast %shift_left3A_3945 : i32 to vector<16x4096xi32>
    %shift_left3A_3947 = arith.shli %xor3A_3943, %shift_left3A_3946 : vector<16x4096xi32>
    %shift_right_logical3A_3948 = arith.constant 17 : i32
    %shift_right_logical3A_3949 = vector.broadcast %shift_right_logical3A_3948 : i32 to vector<16x4096xi32>
    %shift_right_logical3A_3950 = arith.shrui %xor3A_3943, %shift_right_logical3A_3949 : vector<16x4096xi32>
    %or3A_3951 = arith.ori %shift_left3A_3947, %shift_right_logical3A_3950 : vector<16x4096xi32>
    %xor3A_3952 = arith.xori %add3A_3944, %or3A_3951 : vector<16x4096xi32>
    %add3A_3953 = arith.addi %add3A_3944, %xor3A_3952 : vector<16x4096xi32>
    %shift_left3A_3954 = arith.constant 26 : i32
    %shift_left3A_3955 = vector.broadcast %shift_left3A_3954 : i32 to vector<16x4096xi32>
    %shift_left3A_3956 = arith.shli %xor3A_3952, %shift_left3A_3955 : vector<16x4096xi32>
    %shift_right_logical3A_3957 = arith.constant 6 : i32
    %shift_right_logical3A_3958 = vector.broadcast %shift_right_logical3A_3957 : i32 to vector<16x4096xi32>
    %shift_right_logical3A_3959 = arith.shrui %xor3A_3952, %shift_right_logical3A_3958 : vector<16x4096xi32>
    %or3A_3960 = arith.ori %shift_left3A_3956, %shift_right_logical3A_3959 : vector<16x4096xi32>
    %xor3A_3961 = arith.xori %add3A_3953, %or3A_3960 : vector<16x4096xi32>
    %add3A_3962 = arith.addi %add3A_3953, %xor3A_3961 : vector<16x4096xi32>
    %shift_left3A_3963 = arith.constant 6 : i32
    %shift_left3A_3964 = vector.broadcast %shift_left3A_3963 : i32 to vector<16x4096xi32>
    %shift_left3A_3965 = arith.shli %xor3A_3961, %shift_left3A_3964 : vector<16x4096xi32>
    %shift_right_logical3A_3966 = arith.constant 26 : i32
    %shift_right_logical3A_3967 = vector.broadcast %shift_right_logical3A_3966 : i32 to vector<16x4096xi32>
    %shift_right_logical3A_3968 = arith.shrui %xor3A_3961, %shift_right_logical3A_3967 : vector<16x4096xi32>
    %or3A_3969 = arith.ori %shift_left3A_3965, %shift_right_logical3A_3968 : vector<16x4096xi32>
    %xor3A_3970 = arith.xori %add3A_3962, %or3A_3969 : vector<16x4096xi32>
    %add3A_3971 = arith.constant 466689008 : i32
    %add3A_3972 = vector.broadcast %add3A_3971 : i32 to vector<16x4096xi32>
    %add3A_3973 = arith.addi %add3A_3962, %add3A_3972 : vector<16x4096xi32>
    %add3A_3974 = arith.constant 0 : i32
    %add3A_3975 = vector.broadcast %add3A_3974 : i32 to vector<16x4096xi32>
    %add3A_3976 = arith.addi %xor3A_3970, %add3A_3975 : vector<16x4096xi32>
    %add3A_3977 = arith.constant 5 : i32
    %add3A_3978 = vector.broadcast %add3A_3977 : i32 to vector<16x4096xi32>
    %add3A_3979 = arith.addi %add3A_3976, %add3A_3978 : vector<16x4096xi32>
    %xor3A_3980 = arith.xori %add3A_3973, %add3A_3979 : vector<16x4096xi32>
    %shift_right_logical3A_3981 = arith.constant 9 : i32
    %shift_right_logical3A_3982 = vector.broadcast %shift_right_logical3A_3981 : i32 to vector<16x4096xi32>
    %shift_right_logical3A_3983 = arith.shrui %xor3A_3980, %shift_right_logical3A_3982 : vector<16x4096xi32>
    %or3A_3984 = arith.constant 1065353216 : i32
    %or3A_3985 = vector.broadcast %or3A_3984 : i32 to vector<16x4096xi32>
    %or3A_3986 = arith.ori %shift_right_logical3A_3983, %or3A_3985 : vector<16x4096xi32>
    %bitcast_convert_type3A_3987 = tpu.bitcast %or3A_3986 : vector<16x4096xi32> -> vector<16x4096xf32>
    %sub3A_3988 = arith.constant 1.000000e+00 : f32
    %sub3A_3989 = vector.broadcast %sub3A_3988 : f32 to vector<16x4096xf32>
    %sub3A_3990 = arith.subf %bitcast_convert_type3A_3987, %sub3A_3989 : vector<16x4096xf32>
    %max3A_3991 = arith.constant 1.17549435E-38 : f32
    %max3A_3992 = vector.broadcast %max3A_3991 : f32 to vector<16x4096xf32>
    %max3A_3993 = arith.maximumf %sub3A_3990, %max3A_3992 : vector<16x4096xf32>
    %log3A_3994 = math.log %max3A_3993 : vector<16x4096xf32>
    %neg3A_3995 = arith.constant 0.000000e+00 : f32
    %neg3A_3996 = vector.broadcast %neg3A_3995 : f32 to vector<16x4096xf32>
    %neg3A_3997 = arith.subf %neg3A_3996, %log3A_3994 : vector<16x4096xf32>
    %log3A_3998 = math.log %neg3A_3997 : vector<16x4096xf32>
    %neg3A_3999 = arith.constant 0.000000e+00 : f32
    %neg3A_4000 = vector.broadcast %neg3A_3999 : f32 to vector<16x4096xf32>
    %neg3A_4001 = arith.subf %neg3A_4000, %log3A_3998 : vector<16x4096xf32>
    %add3A_4002 = arith.addf %neg3A_4001, %select_n3A_13 : vector<16x4096xf32>
    %reduce_max3A_4003 = arith.constant dense<0xFF800000> : vector<16xf32>
    %reduce_max3A_4004 = vector.multi_reduction <maximumf>, %add3A_4002, %reduce_max3A_4003 [1] : vector<16x4096xf32> to vector<16xf32>
    %broadcast_in_dim3A_4005 = vector.shape_cast %reduce_max3A_4004 : vector<16xf32> to vector<16x1xf32>
    %eq3A_4006 = vector.broadcast %broadcast_in_dim3A_4005 : vector<16x1xf32> to vector<16x4096xf32>
    %eq3A_4007 = arith.cmpf oeq, %add3A_4002, %eq3A_4006 : vector<16x4096xf32>
    %jit3A_4008 = arith.constant 4096 : i32
    %broadcast_in_dim3A_4009 = vector.broadcast %jit3A_4008 : i32 to vector<16x4096xi32>
    %select_n3A_4010 = arith.select %eq3A_4007, %iota3A, %broadcast_in_dim3A_4009 : vector<16x4096xi1>, vector<16x4096xi32>
    %reduce_min3A_4011 = arith.constant dense<2147483647> : vector<16xi32>
    %reduce_min3A_4012 = vector.multi_reduction <minsi>, %select_n3A_4010, %reduce_min3A_4011 [1] : vector<16x4096xi32> to vector<16xi32>
    %broadcast_in_dim3A_4013 = vector.shape_cast %reduce_min3A_4012 : vector<16xi32> to vector<16x1xi32>
    %eq3A_4014 = vector.broadcast %broadcast_in_dim3A_4013 : vector<16x1xi32> to vector<16x4096xi32>
    %eq3A_4015 = arith.cmpi eq, %iota3A, %eq3A_4014 : vector<16x4096xi32>
    %jit3A_4016 = arith.constant 0.000000e+00 : f32
    %broadcast_in_dim3A_4017 = vector.broadcast %jit3A_4016 : f32 to vector<16x4096xf32>
    %select_n3A_4018 = arith.select %eq3A_4015, %select_n3A, %broadcast_in_dim3A_4017 : vector<16x4096xi1>, vector<16x4096xf32>
    %reduce_sum3A_4019 = arith.constant dense<0.000000e+00> : vector<16xf32>
    %reduce_sum3A_4020 = vector.multi_reduction <add>, %select_n3A_4018, %reduce_sum3A_4019 [1] : vector<16x4096xf32> to vector<16xf32>
    %broadcast_in_dim3A_4021 = vector.shape_cast %reduce_sum3A_4020 : vector<16xf32> to vector<16x1xf32>
    %jit3A_4022 = arith.constant 64 : i32
    %div3A_4023 = vector.broadcast %jit3A_4022 : i32 to vector<16x1xi32>
    %div3A_4024 = arith.divsi %broadcast_in_dim3A_4013, %div3A_4023 : vector<16x1xi32>
    %sign3A_4025 = arith.constant 0 : i32
    %sign3A_4026 = vector.broadcast %sign3A_4025 : i32 to vector<16x1xi32>
    %sign3A_4027 = arith.cmpi sgt, %broadcast_in_dim3A_4013, %sign3A_4026 : vector<16x1xi32>
    %sign3A_4028 = arith.extui %sign3A_4027 : vector<16x1xi1> to vector<16x1xi32>
    %sign3A_4029 = arith.constant 0 : i32
    %sign3A_4030 = vector.broadcast %sign3A_4029 : i32 to vector<16x1xi32>
    %sign3A_4031 = arith.cmpi slt, %broadcast_in_dim3A_4013, %sign3A_4030 : vector<16x1xi32>
    %sign3A_4032 = arith.extui %sign3A_4031 : vector<16x1xi1> to vector<16x1xi32>
    %sign3A_4033 = arith.subi %sign3A_4028, %sign3A_4032 : vector<16x1xi32>
    %sign3A_4034 = arith.constant 0 : i32
    %sign3A_4035 = arith.cmpi sgt, %jit3A_4022, %sign3A_4034 : i32
    %sign3A_4036 = arith.extui %sign3A_4035 : i1 to i32
    %sign3A_4037 = arith.constant 0 : i32
    %sign3A_4038 = arith.cmpi slt, %jit3A_4022, %sign3A_4037 : i32
    %sign3A_4039 = arith.extui %sign3A_4038 : i1 to i32
    %sign3A_4040 = arith.subi %sign3A_4036, %sign3A_4039 : i32
    %ne3A_4041 = vector.broadcast %sign3A_4040 : i32 to vector<16x1xi32>
    %ne3A_4042 = arith.cmpi ne, %sign3A_4033, %ne3A_4041 : vector<16x1xi32>
    %rem3A_4043 = vector.broadcast %jit3A_4022 : i32 to vector<16x1xi32>
    %rem3A_4044 = arith.remsi %broadcast_in_dim3A_4013, %rem3A_4043 : vector<16x1xi32>
    %ne3A_4045 = arith.constant 0 : i32
    %ne3A_4046 = vector.broadcast %ne3A_4045 : i32 to vector<16x1xi32>
    %ne3A_4047 = arith.cmpi ne, %rem3A_4044, %ne3A_4046 : vector<16x1xi32>
    %and3A_4048 = arith.andi %ne3A_4042, %ne3A_4047 : vector<16x1xi1>
    %sub3A_4049 = arith.constant 1 : i32
    %sub3A_4050 = vector.broadcast %sub3A_4049 : i32 to vector<16x1xi32>
    %sub3A_4051 = arith.subi %div3A_4024, %sub3A_4050 : vector<16x1xi32>
    %select_n3A_4052 = arith.select %and3A_4048, %sub3A_4051, %div3A_4024 : vector<16x1xi1>, vector<16x1xi32>
    %mul3A_4053 = arith.constant 64 : i32
    %mul3A_4054 = vector.broadcast %mul3A_4053 : i32 to vector<16x1xi32>
    %mul3A_4055 = arith.muli %select_n3A_4052, %mul3A_4054 : vector<16x1xi32>
    %sub3A_4056 = arith.subi %broadcast_in_dim3A_4013, %mul3A_4055 : vector<16x1xi32>
    %convert_element_type3A_4057 = arith.sitofp %sub3A_4056 : vector<16x1xi32> to vector<16x1xf32>
    %convert_element_type3A_4058 = arith.sitofp %select_n3A_4052 : vector<16x1xi32> to vector<16x1xf32>
    %add3A_4059 = arith.constant 218103808 : i32
    %add3A_4060 = vector.broadcast %add3A_4059 : i32 to vector<16x4096xi32>
    %add3A_4061 = arith.addi %add3A_20, %add3A_4060 : vector<16x4096xi32>
    %broadcast_in_dim3A_4062 = arith.constant 0 : i32
    %broadcast_in_dim3A_4063 = vector.broadcast %broadcast_in_dim3A_4062 : i32 to vector<16x4096xi32>
    %add3A_4064 = arith.constant 42 : i32
    %add3A_4065 = vector.broadcast %add3A_4064 : i32 to vector<16x4096xi32>
    %add3A_4066 = arith.addi %add3A_4061, %add3A_4065 : vector<16x4096xi32>
    %add3A_4067 = arith.addi %broadcast_in_dim3A_4063, %add3A_4066 : vector<16x4096xi32>
    %shift_left3A_4068 = arith.constant 13 : i32
    %shift_left3A_4069 = vector.broadcast %shift_left3A_4068 : i32 to vector<16x4096xi32>
    %shift_left3A_4070 = arith.shli %add3A_4066, %shift_left3A_4069 : vector<16x4096xi32>
    %shift_right_logical3A_4071 = arith.constant 19 : i32
    %shift_right_logical3A_4072 = vector.broadcast %shift_right_logical3A_4071 : i32 to vector<16x4096xi32>
    %shift_right_logical3A_4073 = arith.shrui %add3A_4066, %shift_right_logical3A_4072 : vector<16x4096xi32>
    %or3A_4074 = arith.ori %shift_left3A_4070, %shift_right_logical3A_4073 : vector<16x4096xi32>
    %xor3A_4075 = arith.xori %add3A_4067, %or3A_4074 : vector<16x4096xi32>
    %add3A_4076 = arith.addi %add3A_4067, %xor3A_4075 : vector<16x4096xi32>
    %shift_left3A_4077 = arith.constant 15 : i32
    %shift_left3A_4078 = vector.broadcast %shift_left3A_4077 : i32 to vector<16x4096xi32>
    %shift_left3A_4079 = arith.shli %xor3A_4075, %shift_left3A_4078 : vector<16x4096xi32>
    %shift_right_logical3A_4080 = arith.constant 17 : i32
    %shift_right_logical3A_4081 = vector.broadcast %shift_right_logical3A_4080 : i32 to vector<16x4096xi32>
    %shift_right_logical3A_4082 = arith.shrui %xor3A_4075, %shift_right_logical3A_4081 : vector<16x4096xi32>
    %or3A_4083 = arith.ori %shift_left3A_4079, %shift_right_logical3A_4082 : vector<16x4096xi32>
    %xor3A_4084 = arith.xori %add3A_4076, %or3A_4083 : vector<16x4096xi32>
    %add3A_4085 = arith.addi %add3A_4076, %xor3A_4084 : vector<16x4096xi32>
    %shift_left3A_4086 = arith.constant 26 : i32
    %shift_left3A_4087 = vector.broadcast %shift_left3A_4086 : i32 to vector<16x4096xi32>
    %shift_left3A_4088 = arith.shli %xor3A_4084, %shift_left3A_4087 : vector<16x4096xi32>
    %shift_right_logical3A_4089 = arith.constant 6 : i32
    %shift_right_logical3A_4090 = vector.broadcast %shift_right_logical3A_4089 : i32 to vector<16x4096xi32>
    %shift_right_logical3A_4091 = arith.shrui %xor3A_4084, %shift_right_logical3A_4090 : vector<16x4096xi32>
    %or3A_4092 = arith.ori %shift_left3A_4088, %shift_right_logical3A_4091 : vector<16x4096xi32>
    %xor3A_4093 = arith.xori %add3A_4085, %or3A_4092 : vector<16x4096xi32>
    %add3A_4094 = arith.addi %add3A_4085, %xor3A_4093 : vector<16x4096xi32>
    %shift_left3A_4095 = arith.constant 6 : i32
    %shift_left3A_4096 = vector.broadcast %shift_left3A_4095 : i32 to vector<16x4096xi32>
    %shift_left3A_4097 = arith.shli %xor3A_4093, %shift_left3A_4096 : vector<16x4096xi32>
    %shift_right_logical3A_4098 = arith.constant 26 : i32
    %shift_right_logical3A_4099 = vector.broadcast %shift_right_logical3A_4098 : i32 to vector<16x4096xi32>
    %shift_right_logical3A_4100 = arith.shrui %xor3A_4093, %shift_right_logical3A_4099 : vector<16x4096xi32>
    %or3A_4101 = arith.ori %shift_left3A_4097, %shift_right_logical3A_4100 : vector<16x4096xi32>
    %xor3A_4102 = arith.xori %add3A_4094, %or3A_4101 : vector<16x4096xi32>
    %add3A_4103 = arith.constant 42 : i32
    %add3A_4104 = vector.broadcast %add3A_4103 : i32 to vector<16x4096xi32>
    %add3A_4105 = arith.addi %add3A_4094, %add3A_4104 : vector<16x4096xi32>
    %add3A_4106 = arith.constant 466689008 : i32
    %add3A_4107 = vector.broadcast %add3A_4106 : i32 to vector<16x4096xi32>
    %add3A_4108 = arith.addi %xor3A_4102, %add3A_4107 : vector<16x4096xi32>
    %add3A_4109 = arith.constant 1 : i32
    %add3A_4110 = vector.broadcast %add3A_4109 : i32 to vector<16x4096xi32>
    %add3A_4111 = arith.addi %add3A_4108, %add3A_4110 : vector<16x4096xi32>
    %add3A_4112 = arith.addi %add3A_4105, %add3A_4111 : vector<16x4096xi32>
    %shift_left3A_4113 = arith.constant 17 : i32
    %shift_left3A_4114 = vector.broadcast %shift_left3A_4113 : i32 to vector<16x4096xi32>
    %shift_left3A_4115 = arith.shli %add3A_4111, %shift_left3A_4114 : vector<16x4096xi32>
    %shift_right_logical3A_4116 = arith.constant 15 : i32
    %shift_right_logical3A_4117 = vector.broadcast %shift_right_logical3A_4116 : i32 to vector<16x4096xi32>
    %shift_right_logical3A_4118 = arith.shrui %add3A_4111, %shift_right_logical3A_4117 : vector<16x4096xi32>
    %or3A_4119 = arith.ori %shift_left3A_4115, %shift_right_logical3A_4118 : vector<16x4096xi32>
    %xor3A_4120 = arith.xori %add3A_4112, %or3A_4119 : vector<16x4096xi32>
    %add3A_4121 = arith.addi %add3A_4112, %xor3A_4120 : vector<16x4096xi32>
    %shift_left3A_4122 = arith.constant 29 : i32
    %shift_left3A_4123 = vector.broadcast %shift_left3A_4122 : i32 to vector<16x4096xi32>
    %shift_left3A_4124 = arith.shli %xor3A_4120, %shift_left3A_4123 : vector<16x4096xi32>
    %shift_right_logical3A_4125 = arith.constant 3 : i32
    %shift_right_logical3A_4126 = vector.broadcast %shift_right_logical3A_4125 : i32 to vector<16x4096xi32>
    %shift_right_logical3A_4127 = arith.shrui %xor3A_4120, %shift_right_logical3A_4126 : vector<16x4096xi32>
    %or3A_4128 = arith.ori %shift_left3A_4124, %shift_right_logical3A_4127 : vector<16x4096xi32>
    %xor3A_4129 = arith.xori %add3A_4121, %or3A_4128 : vector<16x4096xi32>
    %add3A_4130 = arith.addi %add3A_4121, %xor3A_4129 : vector<16x4096xi32>
    %shift_left3A_4131 = arith.constant 16 : i32
    %shift_left3A_4132 = vector.broadcast %shift_left3A_4131 : i32 to vector<16x4096xi32>
    %shift_left3A_4133 = arith.shli %xor3A_4129, %shift_left3A_4132 : vector<16x4096xi32>
    %shift_right_logical3A_4134 = arith.constant 16 : i32
    %shift_right_logical3A_4135 = vector.broadcast %shift_right_logical3A_4134 : i32 to vector<16x4096xi32>
    %shift_right_logical3A_4136 = arith.shrui %xor3A_4129, %shift_right_logical3A_4135 : vector<16x4096xi32>
    %or3A_4137 = arith.ori %shift_left3A_4133, %shift_right_logical3A_4136 : vector<16x4096xi32>
    %xor3A_4138 = arith.xori %add3A_4130, %or3A_4137 : vector<16x4096xi32>
    %add3A_4139 = arith.addi %add3A_4130, %xor3A_4138 : vector<16x4096xi32>
    %shift_left3A_4140 = arith.constant 24 : i32
    %shift_left3A_4141 = vector.broadcast %shift_left3A_4140 : i32 to vector<16x4096xi32>
    %shift_left3A_4142 = arith.shli %xor3A_4138, %shift_left3A_4141 : vector<16x4096xi32>
    %shift_right_logical3A_4143 = arith.constant 8 : i32
    %shift_right_logical3A_4144 = vector.broadcast %shift_right_logical3A_4143 : i32 to vector<16x4096xi32>
    %shift_right_logical3A_4145 = arith.shrui %xor3A_4138, %shift_right_logical3A_4144 : vector<16x4096xi32>
    %or3A_4146 = arith.ori %shift_left3A_4142, %shift_right_logical3A_4145 : vector<16x4096xi32>
    %xor3A_4147 = arith.xori %add3A_4139, %or3A_4146 : vector<16x4096xi32>
    %add3A_4148 = arith.constant 466689008 : i32
    %add3A_4149 = vector.broadcast %add3A_4148 : i32 to vector<16x4096xi32>
    %add3A_4150 = arith.addi %add3A_4139, %add3A_4149 : vector<16x4096xi32>
    %add3A_4151 = arith.constant 0 : i32
    %add3A_4152 = vector.broadcast %add3A_4151 : i32 to vector<16x4096xi32>
    %add3A_4153 = arith.addi %xor3A_4147, %add3A_4152 : vector<16x4096xi32>
    %add3A_4154 = arith.constant 2 : i32
    %add3A_4155 = vector.broadcast %add3A_4154 : i32 to vector<16x4096xi32>
    %add3A_4156 = arith.addi %add3A_4153, %add3A_4155 : vector<16x4096xi32>
    %add3A_4157 = arith.addi %add3A_4150, %add3A_4156 : vector<16x4096xi32>
    %shift_left3A_4158 = arith.constant 13 : i32
    %shift_left3A_4159 = vector.broadcast %shift_left3A_4158 : i32 to vector<16x4096xi32>
    %shift_left3A_4160 = arith.shli %add3A_4156, %shift_left3A_4159 : vector<16x4096xi32>
    %shift_right_logical3A_4161 = arith.constant 19 : i32
    %shift_right_logical3A_4162 = vector.broadcast %shift_right_logical3A_4161 : i32 to vector<16x4096xi32>
    %shift_right_logical3A_4163 = arith.shrui %add3A_4156, %shift_right_logical3A_4162 : vector<16x4096xi32>
    %or3A_4164 = arith.ori %shift_left3A_4160, %shift_right_logical3A_4163 : vector<16x4096xi32>
    %xor3A_4165 = arith.xori %add3A_4157, %or3A_4164 : vector<16x4096xi32>
    %add3A_4166 = arith.addi %add3A_4157, %xor3A_4165 : vector<16x4096xi32>
    %shift_left3A_4167 = arith.constant 15 : i32
    %shift_left3A_4168 = vector.broadcast %shift_left3A_4167 : i32 to vector<16x4096xi32>
    %shift_left3A_4169 = arith.shli %xor3A_4165, %shift_left3A_4168 : vector<16x4096xi32>
    %shift_right_logical3A_4170 = arith.constant 17 : i32
    %shift_right_logical3A_4171 = vector.broadcast %shift_right_logical3A_4170 : i32 to vector<16x4096xi32>
    %shift_right_logical3A_4172 = arith.shrui %xor3A_4165, %shift_right_logical3A_4171 : vector<16x4096xi32>
    %or3A_4173 = arith.ori %shift_left3A_4169, %shift_right_logical3A_4172 : vector<16x4096xi32>
    %xor3A_4174 = arith.xori %add3A_4166, %or3A_4173 : vector<16x4096xi32>
    %add3A_4175 = arith.addi %add3A_4166, %xor3A_4174 : vector<16x4096xi32>
    %shift_left3A_4176 = arith.constant 26 : i32
    %shift_left3A_4177 = vector.broadcast %shift_left3A_4176 : i32 to vector<16x4096xi32>
    %shift_left3A_4178 = arith.shli %xor3A_4174, %shift_left3A_4177 : vector<16x4096xi32>
    %shift_right_logical3A_4179 = arith.constant 6 : i32
    %shift_right_logical3A_4180 = vector.broadcast %shift_right_logical3A_4179 : i32 to vector<16x4096xi32>
    %shift_right_logical3A_4181 = arith.shrui %xor3A_4174, %shift_right_logical3A_4180 : vector<16x4096xi32>
    %or3A_4182 = arith.ori %shift_left3A_4178, %shift_right_logical3A_4181 : vector<16x4096xi32>
    %xor3A_4183 = arith.xori %add3A_4175, %or3A_4182 : vector<16x4096xi32>
    %add3A_4184 = arith.addi %add3A_4175, %xor3A_4183 : vector<16x4096xi32>
    %shift_left3A_4185 = arith.constant 6 : i32
    %shift_left3A_4186 = vector.broadcast %shift_left3A_4185 : i32 to vector<16x4096xi32>
    %shift_left3A_4187 = arith.shli %xor3A_4183, %shift_left3A_4186 : vector<16x4096xi32>
    %shift_right_logical3A_4188 = arith.constant 26 : i32
    %shift_right_logical3A_4189 = vector.broadcast %shift_right_logical3A_4188 : i32 to vector<16x4096xi32>
    %shift_right_logical3A_4190 = arith.shrui %xor3A_4183, %shift_right_logical3A_4189 : vector<16x4096xi32>
    %or3A_4191 = arith.ori %shift_left3A_4187, %shift_right_logical3A_4190 : vector<16x4096xi32>
    %xor3A_4192 = arith.xori %add3A_4184, %or3A_4191 : vector<16x4096xi32>
    %add3A_4193 = arith.constant 0 : i32
    %add3A_4194 = vector.broadcast %add3A_4193 : i32 to vector<16x4096xi32>
    %add3A_4195 = arith.addi %add3A_4184, %add3A_4194 : vector<16x4096xi32>
    %add3A_4196 = arith.constant 42 : i32
    %add3A_4197 = vector.broadcast %add3A_4196 : i32 to vector<16x4096xi32>
    %add3A_4198 = arith.addi %xor3A_4192, %add3A_4197 : vector<16x4096xi32>
    %add3A_4199 = arith.constant 3 : i32
    %add3A_4200 = vector.broadcast %add3A_4199 : i32 to vector<16x4096xi32>
    %add3A_4201 = arith.addi %add3A_4198, %add3A_4200 : vector<16x4096xi32>
    %add3A_4202 = arith.addi %add3A_4195, %add3A_4201 : vector<16x4096xi32>
    %shift_left3A_4203 = arith.constant 17 : i32
    %shift_left3A_4204 = vector.broadcast %shift_left3A_4203 : i32 to vector<16x4096xi32>
    %shift_left3A_4205 = arith.shli %add3A_4201, %shift_left3A_4204 : vector<16x4096xi32>
    %shift_right_logical3A_4206 = arith.constant 15 : i32
    %shift_right_logical3A_4207 = vector.broadcast %shift_right_logical3A_4206 : i32 to vector<16x4096xi32>
    %shift_right_logical3A_4208 = arith.shrui %add3A_4201, %shift_right_logical3A_4207 : vector<16x4096xi32>
    %or3A_4209 = arith.ori %shift_left3A_4205, %shift_right_logical3A_4208 : vector<16x4096xi32>
    %xor3A_4210 = arith.xori %add3A_4202, %or3A_4209 : vector<16x4096xi32>
    %add3A_4211 = arith.addi %add3A_4202, %xor3A_4210 : vector<16x4096xi32>
    %shift_left3A_4212 = arith.constant 29 : i32
    %shift_left3A_4213 = vector.broadcast %shift_left3A_4212 : i32 to vector<16x4096xi32>
    %shift_left3A_4214 = arith.shli %xor3A_4210, %shift_left3A_4213 : vector<16x4096xi32>
    %shift_right_logical3A_4215 = arith.constant 3 : i32
    %shift_right_logical3A_4216 = vector.broadcast %shift_right_logical3A_4215 : i32 to vector<16x4096xi32>
    %shift_right_logical3A_4217 = arith.shrui %xor3A_4210, %shift_right_logical3A_4216 : vector<16x4096xi32>
    %or3A_4218 = arith.ori %shift_left3A_4214, %shift_right_logical3A_4217 : vector<16x4096xi32>
    %xor3A_4219 = arith.xori %add3A_4211, %or3A_4218 : vector<16x4096xi32>
    %add3A_4220 = arith.addi %add3A_4211, %xor3A_4219 : vector<16x4096xi32>
    %shift_left3A_4221 = arith.constant 16 : i32
    %shift_left3A_4222 = vector.broadcast %shift_left3A_4221 : i32 to vector<16x4096xi32>
    %shift_left3A_4223 = arith.shli %xor3A_4219, %shift_left3A_4222 : vector<16x4096xi32>
    %shift_right_logical3A_4224 = arith.constant 16 : i32
    %shift_right_logical3A_4225 = vector.broadcast %shift_right_logical3A_4224 : i32 to vector<16x4096xi32>
    %shift_right_logical3A_4226 = arith.shrui %xor3A_4219, %shift_right_logical3A_4225 : vector<16x4096xi32>
    %or3A_4227 = arith.ori %shift_left3A_4223, %shift_right_logical3A_4226 : vector<16x4096xi32>
    %xor3A_4228 = arith.xori %add3A_4220, %or3A_4227 : vector<16x4096xi32>
    %add3A_4229 = arith.addi %add3A_4220, %xor3A_4228 : vector<16x4096xi32>
    %shift_left3A_4230 = arith.constant 24 : i32
    %shift_left3A_4231 = vector.broadcast %shift_left3A_4230 : i32 to vector<16x4096xi32>
    %shift_left3A_4232 = arith.shli %xor3A_4228, %shift_left3A_4231 : vector<16x4096xi32>
    %shift_right_logical3A_4233 = arith.constant 8 : i32
    %shift_right_logical3A_4234 = vector.broadcast %shift_right_logical3A_4233 : i32 to vector<16x4096xi32>
    %shift_right_logical3A_4235 = arith.shrui %xor3A_4228, %shift_right_logical3A_4234 : vector<16x4096xi32>
    %or3A_4236 = arith.ori %shift_left3A_4232, %shift_right_logical3A_4235 : vector<16x4096xi32>
    %xor3A_4237 = arith.xori %add3A_4229, %or3A_4236 : vector<16x4096xi32>
    %add3A_4238 = arith.constant 42 : i32
    %add3A_4239 = vector.broadcast %add3A_4238 : i32 to vector<16x4096xi32>
    %add3A_4240 = arith.addi %add3A_4229, %add3A_4239 : vector<16x4096xi32>
    %add3A_4241 = arith.constant 466689008 : i32
    %add3A_4242 = vector.broadcast %add3A_4241 : i32 to vector<16x4096xi32>
    %add3A_4243 = arith.addi %xor3A_4237, %add3A_4242 : vector<16x4096xi32>
    %add3A_4244 = arith.constant 4 : i32
    %add3A_4245 = vector.broadcast %add3A_4244 : i32 to vector<16x4096xi32>
    %add3A_4246 = arith.addi %add3A_4243, %add3A_4245 : vector<16x4096xi32>
    %add3A_4247 = arith.addi %add3A_4240, %add3A_4246 : vector<16x4096xi32>
    %shift_left3A_4248 = arith.constant 13 : i32
    %shift_left3A_4249 = vector.broadcast %shift_left3A_4248 : i32 to vector<16x4096xi32>
    %shift_left3A_4250 = arith.shli %add3A_4246, %shift_left3A_4249 : vector<16x4096xi32>
    %shift_right_logical3A_4251 = arith.constant 19 : i32
    %shift_right_logical3A_4252 = vector.broadcast %shift_right_logical3A_4251 : i32 to vector<16x4096xi32>
    %shift_right_logical3A_4253 = arith.shrui %add3A_4246, %shift_right_logical3A_4252 : vector<16x4096xi32>
    %or3A_4254 = arith.ori %shift_left3A_4250, %shift_right_logical3A_4253 : vector<16x4096xi32>
    %xor3A_4255 = arith.xori %add3A_4247, %or3A_4254 : vector<16x4096xi32>
    %add3A_4256 = arith.addi %add3A_4247, %xor3A_4255 : vector<16x4096xi32>
    %shift_left3A_4257 = arith.constant 15 : i32
    %shift_left3A_4258 = vector.broadcast %shift_left3A_4257 : i32 to vector<16x4096xi32>
    %shift_left3A_4259 = arith.shli %xor3A_4255, %shift_left3A_4258 : vector<16x4096xi32>
    %shift_right_logical3A_4260 = arith.constant 17 : i32
    %shift_right_logical3A_4261 = vector.broadcast %shift_right_logical3A_4260 : i32 to vector<16x4096xi32>
    %shift_right_logical3A_4262 = arith.shrui %xor3A_4255, %shift_right_logical3A_4261 : vector<16x4096xi32>
    %or3A_4263 = arith.ori %shift_left3A_4259, %shift_right_logical3A_4262 : vector<16x4096xi32>
    %xor3A_4264 = arith.xori %add3A_4256, %or3A_4263 : vector<16x4096xi32>
    %add3A_4265 = arith.addi %add3A_4256, %xor3A_4264 : vector<16x4096xi32>
    %shift_left3A_4266 = arith.constant 26 : i32
    %shift_left3A_4267 = vector.broadcast %shift_left3A_4266 : i32 to vector<16x4096xi32>
    %shift_left3A_4268 = arith.shli %xor3A_4264, %shift_left3A_4267 : vector<16x4096xi32>
    %shift_right_logical3A_4269 = arith.constant 6 : i32
    %shift_right_logical3A_4270 = vector.broadcast %shift_right_logical3A_4269 : i32 to vector<16x4096xi32>
    %shift_right_logical3A_4271 = arith.shrui %xor3A_4264, %shift_right_logical3A_4270 : vector<16x4096xi32>
    %or3A_4272 = arith.ori %shift_left3A_4268, %shift_right_logical3A_4271 : vector<16x4096xi32>
    %xor3A_4273 = arith.xori %add3A_4265, %or3A_4272 : vector<16x4096xi32>
    %add3A_4274 = arith.addi %add3A_4265, %xor3A_4273 : vector<16x4096xi32>
    %shift_left3A_4275 = arith.constant 6 : i32
    %shift_left3A_4276 = vector.broadcast %shift_left3A_4275 : i32 to vector<16x4096xi32>
    %shift_left3A_4277 = arith.shli %xor3A_4273, %shift_left3A_4276 : vector<16x4096xi32>
    %shift_right_logical3A_4278 = arith.constant 26 : i32
    %shift_right_logical3A_4279 = vector.broadcast %shift_right_logical3A_4278 : i32 to vector<16x4096xi32>
    %shift_right_logical3A_4280 = arith.shrui %xor3A_4273, %shift_right_logical3A_4279 : vector<16x4096xi32>
    %or3A_4281 = arith.ori %shift_left3A_4277, %shift_right_logical3A_4280 : vector<16x4096xi32>
    %xor3A_4282 = arith.xori %add3A_4274, %or3A_4281 : vector<16x4096xi32>
    %add3A_4283 = arith.constant 466689008 : i32
    %add3A_4284 = vector.broadcast %add3A_4283 : i32 to vector<16x4096xi32>
    %add3A_4285 = arith.addi %add3A_4274, %add3A_4284 : vector<16x4096xi32>
    %add3A_4286 = arith.constant 0 : i32
    %add3A_4287 = vector.broadcast %add3A_4286 : i32 to vector<16x4096xi32>
    %add3A_4288 = arith.addi %xor3A_4282, %add3A_4287 : vector<16x4096xi32>
    %add3A_4289 = arith.constant 5 : i32
    %add3A_4290 = vector.broadcast %add3A_4289 : i32 to vector<16x4096xi32>
    %add3A_4291 = arith.addi %add3A_4288, %add3A_4290 : vector<16x4096xi32>
    %xor3A_4292 = arith.xori %add3A_4285, %add3A_4291 : vector<16x4096xi32>
    %shift_right_logical3A_4293 = arith.constant 9 : i32
    %shift_right_logical3A_4294 = vector.broadcast %shift_right_logical3A_4293 : i32 to vector<16x4096xi32>
    %shift_right_logical3A_4295 = arith.shrui %xor3A_4292, %shift_right_logical3A_4294 : vector<16x4096xi32>
    %or3A_4296 = arith.constant 1065353216 : i32
    %or3A_4297 = vector.broadcast %or3A_4296 : i32 to vector<16x4096xi32>
    %or3A_4298 = arith.ori %shift_right_logical3A_4295, %or3A_4297 : vector<16x4096xi32>
    %bitcast_convert_type3A_4299 = tpu.bitcast %or3A_4298 : vector<16x4096xi32> -> vector<16x4096xf32>
    %sub3A_4300 = arith.constant 1.000000e+00 : f32
    %sub3A_4301 = vector.broadcast %sub3A_4300 : f32 to vector<16x4096xf32>
    %sub3A_4302 = arith.subf %bitcast_convert_type3A_4299, %sub3A_4301 : vector<16x4096xf32>
    %max3A_4303 = arith.constant 1.17549435E-38 : f32
    %max3A_4304 = vector.broadcast %max3A_4303 : f32 to vector<16x4096xf32>
    %max3A_4305 = arith.maximumf %sub3A_4302, %max3A_4304 : vector<16x4096xf32>
    %log3A_4306 = math.log %max3A_4305 : vector<16x4096xf32>
    %neg3A_4307 = arith.constant 0.000000e+00 : f32
    %neg3A_4308 = vector.broadcast %neg3A_4307 : f32 to vector<16x4096xf32>
    %neg3A_4309 = arith.subf %neg3A_4308, %log3A_4306 : vector<16x4096xf32>
    %log3A_4310 = math.log %neg3A_4309 : vector<16x4096xf32>
    %neg3A_4311 = arith.constant 0.000000e+00 : f32
    %neg3A_4312 = vector.broadcast %neg3A_4311 : f32 to vector<16x4096xf32>
    %neg3A_4313 = arith.subf %neg3A_4312, %log3A_4310 : vector<16x4096xf32>
    %add3A_4314 = arith.addf %neg3A_4313, %select_n3A_13 : vector<16x4096xf32>
    %reduce_max3A_4315 = arith.constant dense<0xFF800000> : vector<16xf32>
    %reduce_max3A_4316 = vector.multi_reduction <maximumf>, %add3A_4314, %reduce_max3A_4315 [1] : vector<16x4096xf32> to vector<16xf32>
    %broadcast_in_dim3A_4317 = vector.shape_cast %reduce_max3A_4316 : vector<16xf32> to vector<16x1xf32>
    %eq3A_4318 = vector.broadcast %broadcast_in_dim3A_4317 : vector<16x1xf32> to vector<16x4096xf32>
    %eq3A_4319 = arith.cmpf oeq, %add3A_4314, %eq3A_4318 : vector<16x4096xf32>
    %jit3A_4320 = arith.constant 4096 : i32
    %broadcast_in_dim3A_4321 = vector.broadcast %jit3A_4320 : i32 to vector<16x4096xi32>
    %select_n3A_4322 = arith.select %eq3A_4319, %iota3A, %broadcast_in_dim3A_4321 : vector<16x4096xi1>, vector<16x4096xi32>
    %reduce_min3A_4323 = arith.constant dense<2147483647> : vector<16xi32>
    %reduce_min3A_4324 = vector.multi_reduction <minsi>, %select_n3A_4322, %reduce_min3A_4323 [1] : vector<16x4096xi32> to vector<16xi32>
    %broadcast_in_dim3A_4325 = vector.shape_cast %reduce_min3A_4324 : vector<16xi32> to vector<16x1xi32>
    %eq3A_4326 = vector.broadcast %broadcast_in_dim3A_4325 : vector<16x1xi32> to vector<16x4096xi32>
    %eq3A_4327 = arith.cmpi eq, %iota3A, %eq3A_4326 : vector<16x4096xi32>
    %jit3A_4328 = arith.constant 0.000000e+00 : f32
    %broadcast_in_dim3A_4329 = vector.broadcast %jit3A_4328 : f32 to vector<16x4096xf32>
    %select_n3A_4330 = arith.select %eq3A_4327, %select_n3A, %broadcast_in_dim3A_4329 : vector<16x4096xi1>, vector<16x4096xf32>
    %reduce_sum3A_4331 = arith.constant dense<0.000000e+00> : vector<16xf32>
    %reduce_sum3A_4332 = vector.multi_reduction <add>, %select_n3A_4330, %reduce_sum3A_4331 [1] : vector<16x4096xf32> to vector<16xf32>
    %broadcast_in_dim3A_4333 = vector.shape_cast %reduce_sum3A_4332 : vector<16xf32> to vector<16x1xf32>
    %jit3A_4334 = arith.constant 64 : i32
    %div3A_4335 = vector.broadcast %jit3A_4334 : i32 to vector<16x1xi32>
    %div3A_4336 = arith.divsi %broadcast_in_dim3A_4325, %div3A_4335 : vector<16x1xi32>
    %sign3A_4337 = arith.constant 0 : i32
    %sign3A_4338 = vector.broadcast %sign3A_4337 : i32 to vector<16x1xi32>
    %sign3A_4339 = arith.cmpi sgt, %broadcast_in_dim3A_4325, %sign3A_4338 : vector<16x1xi32>
    %sign3A_4340 = arith.extui %sign3A_4339 : vector<16x1xi1> to vector<16x1xi32>
    %sign3A_4341 = arith.constant 0 : i32
    %sign3A_4342 = vector.broadcast %sign3A_4341 : i32 to vector<16x1xi32>
    %sign3A_4343 = arith.cmpi slt, %broadcast_in_dim3A_4325, %sign3A_4342 : vector<16x1xi32>
    %sign3A_4344 = arith.extui %sign3A_4343 : vector<16x1xi1> to vector<16x1xi32>
    %sign3A_4345 = arith.subi %sign3A_4340, %sign3A_4344 : vector<16x1xi32>
    %sign3A_4346 = arith.constant 0 : i32
    %sign3A_4347 = arith.cmpi sgt, %jit3A_4334, %sign3A_4346 : i32
    %sign3A_4348 = arith.extui %sign3A_4347 : i1 to i32
    %sign3A_4349 = arith.constant 0 : i32
    %sign3A_4350 = arith.cmpi slt, %jit3A_4334, %sign3A_4349 : i32
    %sign3A_4351 = arith.extui %sign3A_4350 : i1 to i32
    %sign3A_4352 = arith.subi %sign3A_4348, %sign3A_4351 : i32
    %ne3A_4353 = vector.broadcast %sign3A_4352 : i32 to vector<16x1xi32>
    %ne3A_4354 = arith.cmpi ne, %sign3A_4345, %ne3A_4353 : vector<16x1xi32>
    %rem3A_4355 = vector.broadcast %jit3A_4334 : i32 to vector<16x1xi32>
    %rem3A_4356 = arith.remsi %broadcast_in_dim3A_4325, %rem3A_4355 : vector<16x1xi32>
    %ne3A_4357 = arith.constant 0 : i32
    %ne3A_4358 = vector.broadcast %ne3A_4357 : i32 to vector<16x1xi32>
    %ne3A_4359 = arith.cmpi ne, %rem3A_4356, %ne3A_4358 : vector<16x1xi32>
    %and3A_4360 = arith.andi %ne3A_4354, %ne3A_4359 : vector<16x1xi1>
    %sub3A_4361 = arith.constant 1 : i32
    %sub3A_4362 = vector.broadcast %sub3A_4361 : i32 to vector<16x1xi32>
    %sub3A_4363 = arith.subi %div3A_4336, %sub3A_4362 : vector<16x1xi32>
    %select_n3A_4364 = arith.select %and3A_4360, %sub3A_4363, %div3A_4336 : vector<16x1xi1>, vector<16x1xi32>
    %mul3A_4365 = arith.constant 64 : i32
    %mul3A_4366 = vector.broadcast %mul3A_4365 : i32 to vector<16x1xi32>
    %mul3A_4367 = arith.muli %select_n3A_4364, %mul3A_4366 : vector<16x1xi32>
    %sub3A_4368 = arith.subi %broadcast_in_dim3A_4325, %mul3A_4367 : vector<16x1xi32>
    %convert_element_type3A_4369 = arith.sitofp %sub3A_4368 : vector<16x1xi32> to vector<16x1xf32>
    %convert_element_type3A_4370 = arith.sitofp %select_n3A_4364 : vector<16x1xi32> to vector<16x1xf32>
    %add3A_4371 = arith.constant 234881024 : i32
    %add3A_4372 = vector.broadcast %add3A_4371 : i32 to vector<16x4096xi32>
    %add3A_4373 = arith.addi %add3A_20, %add3A_4372 : vector<16x4096xi32>
    %broadcast_in_dim3A_4374 = arith.constant 0 : i32
    %broadcast_in_dim3A_4375 = vector.broadcast %broadcast_in_dim3A_4374 : i32 to vector<16x4096xi32>
    %add3A_4376 = arith.constant 42 : i32
    %add3A_4377 = vector.broadcast %add3A_4376 : i32 to vector<16x4096xi32>
    %add3A_4378 = arith.addi %add3A_4373, %add3A_4377 : vector<16x4096xi32>
    %add3A_4379 = arith.addi %broadcast_in_dim3A_4375, %add3A_4378 : vector<16x4096xi32>
    %shift_left3A_4380 = arith.constant 13 : i32
    %shift_left3A_4381 = vector.broadcast %shift_left3A_4380 : i32 to vector<16x4096xi32>
    %shift_left3A_4382 = arith.shli %add3A_4378, %shift_left3A_4381 : vector<16x4096xi32>
    %shift_right_logical3A_4383 = arith.constant 19 : i32
    %shift_right_logical3A_4384 = vector.broadcast %shift_right_logical3A_4383 : i32 to vector<16x4096xi32>
    %shift_right_logical3A_4385 = arith.shrui %add3A_4378, %shift_right_logical3A_4384 : vector<16x4096xi32>
    %or3A_4386 = arith.ori %shift_left3A_4382, %shift_right_logical3A_4385 : vector<16x4096xi32>
    %xor3A_4387 = arith.xori %add3A_4379, %or3A_4386 : vector<16x4096xi32>
    %add3A_4388 = arith.addi %add3A_4379, %xor3A_4387 : vector<16x4096xi32>
    %shift_left3A_4389 = arith.constant 15 : i32
    %shift_left3A_4390 = vector.broadcast %shift_left3A_4389 : i32 to vector<16x4096xi32>
    %shift_left3A_4391 = arith.shli %xor3A_4387, %shift_left3A_4390 : vector<16x4096xi32>
    %shift_right_logical3A_4392 = arith.constant 17 : i32
    %shift_right_logical3A_4393 = vector.broadcast %shift_right_logical3A_4392 : i32 to vector<16x4096xi32>
    %shift_right_logical3A_4394 = arith.shrui %xor3A_4387, %shift_right_logical3A_4393 : vector<16x4096xi32>
    %or3A_4395 = arith.ori %shift_left3A_4391, %shift_right_logical3A_4394 : vector<16x4096xi32>
    %xor3A_4396 = arith.xori %add3A_4388, %or3A_4395 : vector<16x4096xi32>
    %add3A_4397 = arith.addi %add3A_4388, %xor3A_4396 : vector<16x4096xi32>
    %shift_left3A_4398 = arith.constant 26 : i32
    %shift_left3A_4399 = vector.broadcast %shift_left3A_4398 : i32 to vector<16x4096xi32>
    %shift_left3A_4400 = arith.shli %xor3A_4396, %shift_left3A_4399 : vector<16x4096xi32>
    %shift_right_logical3A_4401 = arith.constant 6 : i32
    %shift_right_logical3A_4402 = vector.broadcast %shift_right_logical3A_4401 : i32 to vector<16x4096xi32>
    %shift_right_logical3A_4403 = arith.shrui %xor3A_4396, %shift_right_logical3A_4402 : vector<16x4096xi32>
    %or3A_4404 = arith.ori %shift_left3A_4400, %shift_right_logical3A_4403 : vector<16x4096xi32>
    %xor3A_4405 = arith.xori %add3A_4397, %or3A_4404 : vector<16x4096xi32>
    %add3A_4406 = arith.addi %add3A_4397, %xor3A_4405 : vector<16x4096xi32>
    %shift_left3A_4407 = arith.constant 6 : i32
    %shift_left3A_4408 = vector.broadcast %shift_left3A_4407 : i32 to vector<16x4096xi32>
    %shift_left3A_4409 = arith.shli %xor3A_4405, %shift_left3A_4408 : vector<16x4096xi32>
    %shift_right_logical3A_4410 = arith.constant 26 : i32
    %shift_right_logical3A_4411 = vector.broadcast %shift_right_logical3A_4410 : i32 to vector<16x4096xi32>
    %shift_right_logical3A_4412 = arith.shrui %xor3A_4405, %shift_right_logical3A_4411 : vector<16x4096xi32>
    %or3A_4413 = arith.ori %shift_left3A_4409, %shift_right_logical3A_4412 : vector<16x4096xi32>
    %xor3A_4414 = arith.xori %add3A_4406, %or3A_4413 : vector<16x4096xi32>
    %add3A_4415 = arith.constant 42 : i32
    %add3A_4416 = vector.broadcast %add3A_4415 : i32 to vector<16x4096xi32>
    %add3A_4417 = arith.addi %add3A_4406, %add3A_4416 : vector<16x4096xi32>
    %add3A_4418 = arith.constant 466689008 : i32
    %add3A_4419 = vector.broadcast %add3A_4418 : i32 to vector<16x4096xi32>
    %add3A_4420 = arith.addi %xor3A_4414, %add3A_4419 : vector<16x4096xi32>
    %add3A_4421 = arith.constant 1 : i32
    %add3A_4422 = vector.broadcast %add3A_4421 : i32 to vector<16x4096xi32>
    %add3A_4423 = arith.addi %add3A_4420, %add3A_4422 : vector<16x4096xi32>
    %add3A_4424 = arith.addi %add3A_4417, %add3A_4423 : vector<16x4096xi32>
    %shift_left3A_4425 = arith.constant 17 : i32
    %shift_left3A_4426 = vector.broadcast %shift_left3A_4425 : i32 to vector<16x4096xi32>
    %shift_left3A_4427 = arith.shli %add3A_4423, %shift_left3A_4426 : vector<16x4096xi32>
    %shift_right_logical3A_4428 = arith.constant 15 : i32
    %shift_right_logical3A_4429 = vector.broadcast %shift_right_logical3A_4428 : i32 to vector<16x4096xi32>
    %shift_right_logical3A_4430 = arith.shrui %add3A_4423, %shift_right_logical3A_4429 : vector<16x4096xi32>
    %or3A_4431 = arith.ori %shift_left3A_4427, %shift_right_logical3A_4430 : vector<16x4096xi32>
    %xor3A_4432 = arith.xori %add3A_4424, %or3A_4431 : vector<16x4096xi32>
    %add3A_4433 = arith.addi %add3A_4424, %xor3A_4432 : vector<16x4096xi32>
    %shift_left3A_4434 = arith.constant 29 : i32
    %shift_left3A_4435 = vector.broadcast %shift_left3A_4434 : i32 to vector<16x4096xi32>
    %shift_left3A_4436 = arith.shli %xor3A_4432, %shift_left3A_4435 : vector<16x4096xi32>
    %shift_right_logical3A_4437 = arith.constant 3 : i32
    %shift_right_logical3A_4438 = vector.broadcast %shift_right_logical3A_4437 : i32 to vector<16x4096xi32>
    %shift_right_logical3A_4439 = arith.shrui %xor3A_4432, %shift_right_logical3A_4438 : vector<16x4096xi32>
    %or3A_4440 = arith.ori %shift_left3A_4436, %shift_right_logical3A_4439 : vector<16x4096xi32>
    %xor3A_4441 = arith.xori %add3A_4433, %or3A_4440 : vector<16x4096xi32>
    %add3A_4442 = arith.addi %add3A_4433, %xor3A_4441 : vector<16x4096xi32>
    %shift_left3A_4443 = arith.constant 16 : i32
    %shift_left3A_4444 = vector.broadcast %shift_left3A_4443 : i32 to vector<16x4096xi32>
    %shift_left3A_4445 = arith.shli %xor3A_4441, %shift_left3A_4444 : vector<16x4096xi32>
    %shift_right_logical3A_4446 = arith.constant 16 : i32
    %shift_right_logical3A_4447 = vector.broadcast %shift_right_logical3A_4446 : i32 to vector<16x4096xi32>
    %shift_right_logical3A_4448 = arith.shrui %xor3A_4441, %shift_right_logical3A_4447 : vector<16x4096xi32>
    %or3A_4449 = arith.ori %shift_left3A_4445, %shift_right_logical3A_4448 : vector<16x4096xi32>
    %xor3A_4450 = arith.xori %add3A_4442, %or3A_4449 : vector<16x4096xi32>
    %add3A_4451 = arith.addi %add3A_4442, %xor3A_4450 : vector<16x4096xi32>
    %shift_left3A_4452 = arith.constant 24 : i32
    %shift_left3A_4453 = vector.broadcast %shift_left3A_4452 : i32 to vector<16x4096xi32>
    %shift_left3A_4454 = arith.shli %xor3A_4450, %shift_left3A_4453 : vector<16x4096xi32>
    %shift_right_logical3A_4455 = arith.constant 8 : i32
    %shift_right_logical3A_4456 = vector.broadcast %shift_right_logical3A_4455 : i32 to vector<16x4096xi32>
    %shift_right_logical3A_4457 = arith.shrui %xor3A_4450, %shift_right_logical3A_4456 : vector<16x4096xi32>
    %or3A_4458 = arith.ori %shift_left3A_4454, %shift_right_logical3A_4457 : vector<16x4096xi32>
    %xor3A_4459 = arith.xori %add3A_4451, %or3A_4458 : vector<16x4096xi32>
    %add3A_4460 = arith.constant 466689008 : i32
    %add3A_4461 = vector.broadcast %add3A_4460 : i32 to vector<16x4096xi32>
    %add3A_4462 = arith.addi %add3A_4451, %add3A_4461 : vector<16x4096xi32>
    %add3A_4463 = arith.constant 0 : i32
    %add3A_4464 = vector.broadcast %add3A_4463 : i32 to vector<16x4096xi32>
    %add3A_4465 = arith.addi %xor3A_4459, %add3A_4464 : vector<16x4096xi32>
    %add3A_4466 = arith.constant 2 : i32
    %add3A_4467 = vector.broadcast %add3A_4466 : i32 to vector<16x4096xi32>
    %add3A_4468 = arith.addi %add3A_4465, %add3A_4467 : vector<16x4096xi32>
    %add3A_4469 = arith.addi %add3A_4462, %add3A_4468 : vector<16x4096xi32>
    %shift_left3A_4470 = arith.constant 13 : i32
    %shift_left3A_4471 = vector.broadcast %shift_left3A_4470 : i32 to vector<16x4096xi32>
    %shift_left3A_4472 = arith.shli %add3A_4468, %shift_left3A_4471 : vector<16x4096xi32>
    %shift_right_logical3A_4473 = arith.constant 19 : i32
    %shift_right_logical3A_4474 = vector.broadcast %shift_right_logical3A_4473 : i32 to vector<16x4096xi32>
    %shift_right_logical3A_4475 = arith.shrui %add3A_4468, %shift_right_logical3A_4474 : vector<16x4096xi32>
    %or3A_4476 = arith.ori %shift_left3A_4472, %shift_right_logical3A_4475 : vector<16x4096xi32>
    %xor3A_4477 = arith.xori %add3A_4469, %or3A_4476 : vector<16x4096xi32>
    %add3A_4478 = arith.addi %add3A_4469, %xor3A_4477 : vector<16x4096xi32>
    %shift_left3A_4479 = arith.constant 15 : i32
    %shift_left3A_4480 = vector.broadcast %shift_left3A_4479 : i32 to vector<16x4096xi32>
    %shift_left3A_4481 = arith.shli %xor3A_4477, %shift_left3A_4480 : vector<16x4096xi32>
    %shift_right_logical3A_4482 = arith.constant 17 : i32
    %shift_right_logical3A_4483 = vector.broadcast %shift_right_logical3A_4482 : i32 to vector<16x4096xi32>
    %shift_right_logical3A_4484 = arith.shrui %xor3A_4477, %shift_right_logical3A_4483 : vector<16x4096xi32>
    %or3A_4485 = arith.ori %shift_left3A_4481, %shift_right_logical3A_4484 : vector<16x4096xi32>
    %xor3A_4486 = arith.xori %add3A_4478, %or3A_4485 : vector<16x4096xi32>
    %add3A_4487 = arith.addi %add3A_4478, %xor3A_4486 : vector<16x4096xi32>
    %shift_left3A_4488 = arith.constant 26 : i32
    %shift_left3A_4489 = vector.broadcast %shift_left3A_4488 : i32 to vector<16x4096xi32>
    %shift_left3A_4490 = arith.shli %xor3A_4486, %shift_left3A_4489 : vector<16x4096xi32>
    %shift_right_logical3A_4491 = arith.constant 6 : i32
    %shift_right_logical3A_4492 = vector.broadcast %shift_right_logical3A_4491 : i32 to vector<16x4096xi32>
    %shift_right_logical3A_4493 = arith.shrui %xor3A_4486, %shift_right_logical3A_4492 : vector<16x4096xi32>
    %or3A_4494 = arith.ori %shift_left3A_4490, %shift_right_logical3A_4493 : vector<16x4096xi32>
    %xor3A_4495 = arith.xori %add3A_4487, %or3A_4494 : vector<16x4096xi32>
    %add3A_4496 = arith.addi %add3A_4487, %xor3A_4495 : vector<16x4096xi32>
    %shift_left3A_4497 = arith.constant 6 : i32
    %shift_left3A_4498 = vector.broadcast %shift_left3A_4497 : i32 to vector<16x4096xi32>
    %shift_left3A_4499 = arith.shli %xor3A_4495, %shift_left3A_4498 : vector<16x4096xi32>
    %shift_right_logical3A_4500 = arith.constant 26 : i32
    %shift_right_logical3A_4501 = vector.broadcast %shift_right_logical3A_4500 : i32 to vector<16x4096xi32>
    %shift_right_logical3A_4502 = arith.shrui %xor3A_4495, %shift_right_logical3A_4501 : vector<16x4096xi32>
    %or3A_4503 = arith.ori %shift_left3A_4499, %shift_right_logical3A_4502 : vector<16x4096xi32>
    %xor3A_4504 = arith.xori %add3A_4496, %or3A_4503 : vector<16x4096xi32>
    %add3A_4505 = arith.constant 0 : i32
    %add3A_4506 = vector.broadcast %add3A_4505 : i32 to vector<16x4096xi32>
    %add3A_4507 = arith.addi %add3A_4496, %add3A_4506 : vector<16x4096xi32>
    %add3A_4508 = arith.constant 42 : i32
    %add3A_4509 = vector.broadcast %add3A_4508 : i32 to vector<16x4096xi32>
    %add3A_4510 = arith.addi %xor3A_4504, %add3A_4509 : vector<16x4096xi32>
    %add3A_4511 = arith.constant 3 : i32
    %add3A_4512 = vector.broadcast %add3A_4511 : i32 to vector<16x4096xi32>
    %add3A_4513 = arith.addi %add3A_4510, %add3A_4512 : vector<16x4096xi32>
    %add3A_4514 = arith.addi %add3A_4507, %add3A_4513 : vector<16x4096xi32>
    %shift_left3A_4515 = arith.constant 17 : i32
    %shift_left3A_4516 = vector.broadcast %shift_left3A_4515 : i32 to vector<16x4096xi32>
    %shift_left3A_4517 = arith.shli %add3A_4513, %shift_left3A_4516 : vector<16x4096xi32>
    %shift_right_logical3A_4518 = arith.constant 15 : i32
    %shift_right_logical3A_4519 = vector.broadcast %shift_right_logical3A_4518 : i32 to vector<16x4096xi32>
    %shift_right_logical3A_4520 = arith.shrui %add3A_4513, %shift_right_logical3A_4519 : vector<16x4096xi32>
    %or3A_4521 = arith.ori %shift_left3A_4517, %shift_right_logical3A_4520 : vector<16x4096xi32>
    %xor3A_4522 = arith.xori %add3A_4514, %or3A_4521 : vector<16x4096xi32>
    %add3A_4523 = arith.addi %add3A_4514, %xor3A_4522 : vector<16x4096xi32>
    %shift_left3A_4524 = arith.constant 29 : i32
    %shift_left3A_4525 = vector.broadcast %shift_left3A_4524 : i32 to vector<16x4096xi32>
    %shift_left3A_4526 = arith.shli %xor3A_4522, %shift_left3A_4525 : vector<16x4096xi32>
    %shift_right_logical3A_4527 = arith.constant 3 : i32
    %shift_right_logical3A_4528 = vector.broadcast %shift_right_logical3A_4527 : i32 to vector<16x4096xi32>
    %shift_right_logical3A_4529 = arith.shrui %xor3A_4522, %shift_right_logical3A_4528 : vector<16x4096xi32>
    %or3A_4530 = arith.ori %shift_left3A_4526, %shift_right_logical3A_4529 : vector<16x4096xi32>
    %xor3A_4531 = arith.xori %add3A_4523, %or3A_4530 : vector<16x4096xi32>
    %add3A_4532 = arith.addi %add3A_4523, %xor3A_4531 : vector<16x4096xi32>
    %shift_left3A_4533 = arith.constant 16 : i32
    %shift_left3A_4534 = vector.broadcast %shift_left3A_4533 : i32 to vector<16x4096xi32>
    %shift_left3A_4535 = arith.shli %xor3A_4531, %shift_left3A_4534 : vector<16x4096xi32>
    %shift_right_logical3A_4536 = arith.constant 16 : i32
    %shift_right_logical3A_4537 = vector.broadcast %shift_right_logical3A_4536 : i32 to vector<16x4096xi32>
    %shift_right_logical3A_4538 = arith.shrui %xor3A_4531, %shift_right_logical3A_4537 : vector<16x4096xi32>
    %or3A_4539 = arith.ori %shift_left3A_4535, %shift_right_logical3A_4538 : vector<16x4096xi32>
    %xor3A_4540 = arith.xori %add3A_4532, %or3A_4539 : vector<16x4096xi32>
    %add3A_4541 = arith.addi %add3A_4532, %xor3A_4540 : vector<16x4096xi32>
    %shift_left3A_4542 = arith.constant 24 : i32
    %shift_left3A_4543 = vector.broadcast %shift_left3A_4542 : i32 to vector<16x4096xi32>
    %shift_left3A_4544 = arith.shli %xor3A_4540, %shift_left3A_4543 : vector<16x4096xi32>
    %shift_right_logical3A_4545 = arith.constant 8 : i32
    %shift_right_logical3A_4546 = vector.broadcast %shift_right_logical3A_4545 : i32 to vector<16x4096xi32>
    %shift_right_logical3A_4547 = arith.shrui %xor3A_4540, %shift_right_logical3A_4546 : vector<16x4096xi32>
    %or3A_4548 = arith.ori %shift_left3A_4544, %shift_right_logical3A_4547 : vector<16x4096xi32>
    %xor3A_4549 = arith.xori %add3A_4541, %or3A_4548 : vector<16x4096xi32>
    %add3A_4550 = arith.constant 42 : i32
    %add3A_4551 = vector.broadcast %add3A_4550 : i32 to vector<16x4096xi32>
    %add3A_4552 = arith.addi %add3A_4541, %add3A_4551 : vector<16x4096xi32>
    %add3A_4553 = arith.constant 466689008 : i32
    %add3A_4554 = vector.broadcast %add3A_4553 : i32 to vector<16x4096xi32>
    %add3A_4555 = arith.addi %xor3A_4549, %add3A_4554 : vector<16x4096xi32>
    %add3A_4556 = arith.constant 4 : i32
    %add3A_4557 = vector.broadcast %add3A_4556 : i32 to vector<16x4096xi32>
    %add3A_4558 = arith.addi %add3A_4555, %add3A_4557 : vector<16x4096xi32>
    %add3A_4559 = arith.addi %add3A_4552, %add3A_4558 : vector<16x4096xi32>
    %shift_left3A_4560 = arith.constant 13 : i32
    %shift_left3A_4561 = vector.broadcast %shift_left3A_4560 : i32 to vector<16x4096xi32>
    %shift_left3A_4562 = arith.shli %add3A_4558, %shift_left3A_4561 : vector<16x4096xi32>
    %shift_right_logical3A_4563 = arith.constant 19 : i32
    %shift_right_logical3A_4564 = vector.broadcast %shift_right_logical3A_4563 : i32 to vector<16x4096xi32>
    %shift_right_logical3A_4565 = arith.shrui %add3A_4558, %shift_right_logical3A_4564 : vector<16x4096xi32>
    %or3A_4566 = arith.ori %shift_left3A_4562, %shift_right_logical3A_4565 : vector<16x4096xi32>
    %xor3A_4567 = arith.xori %add3A_4559, %or3A_4566 : vector<16x4096xi32>
    %add3A_4568 = arith.addi %add3A_4559, %xor3A_4567 : vector<16x4096xi32>
    %shift_left3A_4569 = arith.constant 15 : i32
    %shift_left3A_4570 = vector.broadcast %shift_left3A_4569 : i32 to vector<16x4096xi32>
    %shift_left3A_4571 = arith.shli %xor3A_4567, %shift_left3A_4570 : vector<16x4096xi32>
    %shift_right_logical3A_4572 = arith.constant 17 : i32
    %shift_right_logical3A_4573 = vector.broadcast %shift_right_logical3A_4572 : i32 to vector<16x4096xi32>
    %shift_right_logical3A_4574 = arith.shrui %xor3A_4567, %shift_right_logical3A_4573 : vector<16x4096xi32>
    %or3A_4575 = arith.ori %shift_left3A_4571, %shift_right_logical3A_4574 : vector<16x4096xi32>
    %xor3A_4576 = arith.xori %add3A_4568, %or3A_4575 : vector<16x4096xi32>
    %add3A_4577 = arith.addi %add3A_4568, %xor3A_4576 : vector<16x4096xi32>
    %shift_left3A_4578 = arith.constant 26 : i32
    %shift_left3A_4579 = vector.broadcast %shift_left3A_4578 : i32 to vector<16x4096xi32>
    %shift_left3A_4580 = arith.shli %xor3A_4576, %shift_left3A_4579 : vector<16x4096xi32>
    %shift_right_logical3A_4581 = arith.constant 6 : i32
    %shift_right_logical3A_4582 = vector.broadcast %shift_right_logical3A_4581 : i32 to vector<16x4096xi32>
    %shift_right_logical3A_4583 = arith.shrui %xor3A_4576, %shift_right_logical3A_4582 : vector<16x4096xi32>
    %or3A_4584 = arith.ori %shift_left3A_4580, %shift_right_logical3A_4583 : vector<16x4096xi32>
    %xor3A_4585 = arith.xori %add3A_4577, %or3A_4584 : vector<16x4096xi32>
    %add3A_4586 = arith.addi %add3A_4577, %xor3A_4585 : vector<16x4096xi32>
    %shift_left3A_4587 = arith.constant 6 : i32
    %shift_left3A_4588 = vector.broadcast %shift_left3A_4587 : i32 to vector<16x4096xi32>
    %shift_left3A_4589 = arith.shli %xor3A_4585, %shift_left3A_4588 : vector<16x4096xi32>
    %shift_right_logical3A_4590 = arith.constant 26 : i32
    %shift_right_logical3A_4591 = vector.broadcast %shift_right_logical3A_4590 : i32 to vector<16x4096xi32>
    %shift_right_logical3A_4592 = arith.shrui %xor3A_4585, %shift_right_logical3A_4591 : vector<16x4096xi32>
    %or3A_4593 = arith.ori %shift_left3A_4589, %shift_right_logical3A_4592 : vector<16x4096xi32>
    %xor3A_4594 = arith.xori %add3A_4586, %or3A_4593 : vector<16x4096xi32>
    %add3A_4595 = arith.constant 466689008 : i32
    %add3A_4596 = vector.broadcast %add3A_4595 : i32 to vector<16x4096xi32>
    %add3A_4597 = arith.addi %add3A_4586, %add3A_4596 : vector<16x4096xi32>
    %add3A_4598 = arith.constant 0 : i32
    %add3A_4599 = vector.broadcast %add3A_4598 : i32 to vector<16x4096xi32>
    %add3A_4600 = arith.addi %xor3A_4594, %add3A_4599 : vector<16x4096xi32>
    %add3A_4601 = arith.constant 5 : i32
    %add3A_4602 = vector.broadcast %add3A_4601 : i32 to vector<16x4096xi32>
    %add3A_4603 = arith.addi %add3A_4600, %add3A_4602 : vector<16x4096xi32>
    %xor3A_4604 = arith.xori %add3A_4597, %add3A_4603 : vector<16x4096xi32>
    %shift_right_logical3A_4605 = arith.constant 9 : i32
    %shift_right_logical3A_4606 = vector.broadcast %shift_right_logical3A_4605 : i32 to vector<16x4096xi32>
    %shift_right_logical3A_4607 = arith.shrui %xor3A_4604, %shift_right_logical3A_4606 : vector<16x4096xi32>
    %or3A_4608 = arith.constant 1065353216 : i32
    %or3A_4609 = vector.broadcast %or3A_4608 : i32 to vector<16x4096xi32>
    %or3A_4610 = arith.ori %shift_right_logical3A_4607, %or3A_4609 : vector<16x4096xi32>
    %bitcast_convert_type3A_4611 = tpu.bitcast %or3A_4610 : vector<16x4096xi32> -> vector<16x4096xf32>
    %sub3A_4612 = arith.constant 1.000000e+00 : f32
    %sub3A_4613 = vector.broadcast %sub3A_4612 : f32 to vector<16x4096xf32>
    %sub3A_4614 = arith.subf %bitcast_convert_type3A_4611, %sub3A_4613 : vector<16x4096xf32>
    %max3A_4615 = arith.constant 1.17549435E-38 : f32
    %max3A_4616 = vector.broadcast %max3A_4615 : f32 to vector<16x4096xf32>
    %max3A_4617 = arith.maximumf %sub3A_4614, %max3A_4616 : vector<16x4096xf32>
    %log3A_4618 = math.log %max3A_4617 : vector<16x4096xf32>
    %neg3A_4619 = arith.constant 0.000000e+00 : f32
    %neg3A_4620 = vector.broadcast %neg3A_4619 : f32 to vector<16x4096xf32>
    %neg3A_4621 = arith.subf %neg3A_4620, %log3A_4618 : vector<16x4096xf32>
    %log3A_4622 = math.log %neg3A_4621 : vector<16x4096xf32>
    %neg3A_4623 = arith.constant 0.000000e+00 : f32
    %neg3A_4624 = vector.broadcast %neg3A_4623 : f32 to vector<16x4096xf32>
    %neg3A_4625 = arith.subf %neg3A_4624, %log3A_4622 : vector<16x4096xf32>
    %add3A_4626 = arith.addf %neg3A_4625, %select_n3A_13 : vector<16x4096xf32>
    %reduce_max3A_4627 = arith.constant dense<0xFF800000> : vector<16xf32>
    %reduce_max3A_4628 = vector.multi_reduction <maximumf>, %add3A_4626, %reduce_max3A_4627 [1] : vector<16x4096xf32> to vector<16xf32>
    %broadcast_in_dim3A_4629 = vector.shape_cast %reduce_max3A_4628 : vector<16xf32> to vector<16x1xf32>
    %eq3A_4630 = vector.broadcast %broadcast_in_dim3A_4629 : vector<16x1xf32> to vector<16x4096xf32>
    %eq3A_4631 = arith.cmpf oeq, %add3A_4626, %eq3A_4630 : vector<16x4096xf32>
    %jit3A_4632 = arith.constant 4096 : i32
    %broadcast_in_dim3A_4633 = vector.broadcast %jit3A_4632 : i32 to vector<16x4096xi32>
    %select_n3A_4634 = arith.select %eq3A_4631, %iota3A, %broadcast_in_dim3A_4633 : vector<16x4096xi1>, vector<16x4096xi32>
    %reduce_min3A_4635 = arith.constant dense<2147483647> : vector<16xi32>
    %reduce_min3A_4636 = vector.multi_reduction <minsi>, %select_n3A_4634, %reduce_min3A_4635 [1] : vector<16x4096xi32> to vector<16xi32>
    %broadcast_in_dim3A_4637 = vector.shape_cast %reduce_min3A_4636 : vector<16xi32> to vector<16x1xi32>
    %eq3A_4638 = vector.broadcast %broadcast_in_dim3A_4637 : vector<16x1xi32> to vector<16x4096xi32>
    %eq3A_4639 = arith.cmpi eq, %iota3A, %eq3A_4638 : vector<16x4096xi32>
    %jit3A_4640 = arith.constant 0.000000e+00 : f32
    %broadcast_in_dim3A_4641 = vector.broadcast %jit3A_4640 : f32 to vector<16x4096xf32>
    %select_n3A_4642 = arith.select %eq3A_4639, %select_n3A, %broadcast_in_dim3A_4641 : vector<16x4096xi1>, vector<16x4096xf32>
    %reduce_sum3A_4643 = arith.constant dense<0.000000e+00> : vector<16xf32>
    %reduce_sum3A_4644 = vector.multi_reduction <add>, %select_n3A_4642, %reduce_sum3A_4643 [1] : vector<16x4096xf32> to vector<16xf32>
    %broadcast_in_dim3A_4645 = vector.shape_cast %reduce_sum3A_4644 : vector<16xf32> to vector<16x1xf32>
    %jit3A_4646 = arith.constant 64 : i32
    %div3A_4647 = vector.broadcast %jit3A_4646 : i32 to vector<16x1xi32>
    %div3A_4648 = arith.divsi %broadcast_in_dim3A_4637, %div3A_4647 : vector<16x1xi32>
    %sign3A_4649 = arith.constant 0 : i32
    %sign3A_4650 = vector.broadcast %sign3A_4649 : i32 to vector<16x1xi32>
    %sign3A_4651 = arith.cmpi sgt, %broadcast_in_dim3A_4637, %sign3A_4650 : vector<16x1xi32>
    %sign3A_4652 = arith.extui %sign3A_4651 : vector<16x1xi1> to vector<16x1xi32>
    %sign3A_4653 = arith.constant 0 : i32
    %sign3A_4654 = vector.broadcast %sign3A_4653 : i32 to vector<16x1xi32>
    %sign3A_4655 = arith.cmpi slt, %broadcast_in_dim3A_4637, %sign3A_4654 : vector<16x1xi32>
    %sign3A_4656 = arith.extui %sign3A_4655 : vector<16x1xi1> to vector<16x1xi32>
    %sign3A_4657 = arith.subi %sign3A_4652, %sign3A_4656 : vector<16x1xi32>
    %sign3A_4658 = arith.constant 0 : i32
    %sign3A_4659 = arith.cmpi sgt, %jit3A_4646, %sign3A_4658 : i32
    %sign3A_4660 = arith.extui %sign3A_4659 : i1 to i32
    %sign3A_4661 = arith.constant 0 : i32
    %sign3A_4662 = arith.cmpi slt, %jit3A_4646, %sign3A_4661 : i32
    %sign3A_4663 = arith.extui %sign3A_4662 : i1 to i32
    %sign3A_4664 = arith.subi %sign3A_4660, %sign3A_4663 : i32
    %ne3A_4665 = vector.broadcast %sign3A_4664 : i32 to vector<16x1xi32>
    %ne3A_4666 = arith.cmpi ne, %sign3A_4657, %ne3A_4665 : vector<16x1xi32>
    %rem3A_4667 = vector.broadcast %jit3A_4646 : i32 to vector<16x1xi32>
    %rem3A_4668 = arith.remsi %broadcast_in_dim3A_4637, %rem3A_4667 : vector<16x1xi32>
    %ne3A_4669 = arith.constant 0 : i32
    %ne3A_4670 = vector.broadcast %ne3A_4669 : i32 to vector<16x1xi32>
    %ne3A_4671 = arith.cmpi ne, %rem3A_4668, %ne3A_4670 : vector<16x1xi32>
    %and3A_4672 = arith.andi %ne3A_4666, %ne3A_4671 : vector<16x1xi1>
    %sub3A_4673 = arith.constant 1 : i32
    %sub3A_4674 = vector.broadcast %sub3A_4673 : i32 to vector<16x1xi32>
    %sub3A_4675 = arith.subi %div3A_4648, %sub3A_4674 : vector<16x1xi32>
    %select_n3A_4676 = arith.select %and3A_4672, %sub3A_4675, %div3A_4648 : vector<16x1xi1>, vector<16x1xi32>
    %mul3A_4677 = arith.constant 64 : i32
    %mul3A_4678 = vector.broadcast %mul3A_4677 : i32 to vector<16x1xi32>
    %mul3A_4679 = arith.muli %select_n3A_4676, %mul3A_4678 : vector<16x1xi32>
    %sub3A_4680 = arith.subi %broadcast_in_dim3A_4637, %mul3A_4679 : vector<16x1xi32>
    %convert_element_type3A_4681 = arith.sitofp %sub3A_4680 : vector<16x1xi32> to vector<16x1xf32>
    %convert_element_type3A_4682 = arith.sitofp %select_n3A_4676 : vector<16x1xi32> to vector<16x1xf32>
    %add3A_4683 = arith.constant 251658240 : i32
    %add3A_4684 = vector.broadcast %add3A_4683 : i32 to vector<16x4096xi32>
    %add3A_4685 = arith.addi %add3A_20, %add3A_4684 : vector<16x4096xi32>
    %broadcast_in_dim3A_4686 = arith.constant 0 : i32
    %broadcast_in_dim3A_4687 = vector.broadcast %broadcast_in_dim3A_4686 : i32 to vector<16x4096xi32>
    %add3A_4688 = arith.constant 42 : i32
    %add3A_4689 = vector.broadcast %add3A_4688 : i32 to vector<16x4096xi32>
    %add3A_4690 = arith.addi %add3A_4685, %add3A_4689 : vector<16x4096xi32>
    %add3A_4691 = arith.addi %broadcast_in_dim3A_4687, %add3A_4690 : vector<16x4096xi32>
    %shift_left3A_4692 = arith.constant 13 : i32
    %shift_left3A_4693 = vector.broadcast %shift_left3A_4692 : i32 to vector<16x4096xi32>
    %shift_left3A_4694 = arith.shli %add3A_4690, %shift_left3A_4693 : vector<16x4096xi32>
    %shift_right_logical3A_4695 = arith.constant 19 : i32
    %shift_right_logical3A_4696 = vector.broadcast %shift_right_logical3A_4695 : i32 to vector<16x4096xi32>
    %shift_right_logical3A_4697 = arith.shrui %add3A_4690, %shift_right_logical3A_4696 : vector<16x4096xi32>
    %or3A_4698 = arith.ori %shift_left3A_4694, %shift_right_logical3A_4697 : vector<16x4096xi32>
    %xor3A_4699 = arith.xori %add3A_4691, %or3A_4698 : vector<16x4096xi32>
    %add3A_4700 = arith.addi %add3A_4691, %xor3A_4699 : vector<16x4096xi32>
    %shift_left3A_4701 = arith.constant 15 : i32
    %shift_left3A_4702 = vector.broadcast %shift_left3A_4701 : i32 to vector<16x4096xi32>
    %shift_left3A_4703 = arith.shli %xor3A_4699, %shift_left3A_4702 : vector<16x4096xi32>
    %shift_right_logical3A_4704 = arith.constant 17 : i32
    %shift_right_logical3A_4705 = vector.broadcast %shift_right_logical3A_4704 : i32 to vector<16x4096xi32>
    %shift_right_logical3A_4706 = arith.shrui %xor3A_4699, %shift_right_logical3A_4705 : vector<16x4096xi32>
    %or3A_4707 = arith.ori %shift_left3A_4703, %shift_right_logical3A_4706 : vector<16x4096xi32>
    %xor3A_4708 = arith.xori %add3A_4700, %or3A_4707 : vector<16x4096xi32>
    %add3A_4709 = arith.addi %add3A_4700, %xor3A_4708 : vector<16x4096xi32>
    %shift_left3A_4710 = arith.constant 26 : i32
    %shift_left3A_4711 = vector.broadcast %shift_left3A_4710 : i32 to vector<16x4096xi32>
    %shift_left3A_4712 = arith.shli %xor3A_4708, %shift_left3A_4711 : vector<16x4096xi32>
    %shift_right_logical3A_4713 = arith.constant 6 : i32
    %shift_right_logical3A_4714 = vector.broadcast %shift_right_logical3A_4713 : i32 to vector<16x4096xi32>
    %shift_right_logical3A_4715 = arith.shrui %xor3A_4708, %shift_right_logical3A_4714 : vector<16x4096xi32>
    %or3A_4716 = arith.ori %shift_left3A_4712, %shift_right_logical3A_4715 : vector<16x4096xi32>
    %xor3A_4717 = arith.xori %add3A_4709, %or3A_4716 : vector<16x4096xi32>
    %add3A_4718 = arith.addi %add3A_4709, %xor3A_4717 : vector<16x4096xi32>
    %shift_left3A_4719 = arith.constant 6 : i32
    %shift_left3A_4720 = vector.broadcast %shift_left3A_4719 : i32 to vector<16x4096xi32>
    %shift_left3A_4721 = arith.shli %xor3A_4717, %shift_left3A_4720 : vector<16x4096xi32>
    %shift_right_logical3A_4722 = arith.constant 26 : i32
    %shift_right_logical3A_4723 = vector.broadcast %shift_right_logical3A_4722 : i32 to vector<16x4096xi32>
    %shift_right_logical3A_4724 = arith.shrui %xor3A_4717, %shift_right_logical3A_4723 : vector<16x4096xi32>
    %or3A_4725 = arith.ori %shift_left3A_4721, %shift_right_logical3A_4724 : vector<16x4096xi32>
    %xor3A_4726 = arith.xori %add3A_4718, %or3A_4725 : vector<16x4096xi32>
    %add3A_4727 = arith.constant 42 : i32
    %add3A_4728 = vector.broadcast %add3A_4727 : i32 to vector<16x4096xi32>
    %add3A_4729 = arith.addi %add3A_4718, %add3A_4728 : vector<16x4096xi32>
    %add3A_4730 = arith.constant 466689008 : i32
    %add3A_4731 = vector.broadcast %add3A_4730 : i32 to vector<16x4096xi32>
    %add3A_4732 = arith.addi %xor3A_4726, %add3A_4731 : vector<16x4096xi32>
    %add3A_4733 = arith.constant 1 : i32
    %add3A_4734 = vector.broadcast %add3A_4733 : i32 to vector<16x4096xi32>
    %add3A_4735 = arith.addi %add3A_4732, %add3A_4734 : vector<16x4096xi32>
    %add3A_4736 = arith.addi %add3A_4729, %add3A_4735 : vector<16x4096xi32>
    %shift_left3A_4737 = arith.constant 17 : i32
    %shift_left3A_4738 = vector.broadcast %shift_left3A_4737 : i32 to vector<16x4096xi32>
    %shift_left3A_4739 = arith.shli %add3A_4735, %shift_left3A_4738 : vector<16x4096xi32>
    %shift_right_logical3A_4740 = arith.constant 15 : i32
    %shift_right_logical3A_4741 = vector.broadcast %shift_right_logical3A_4740 : i32 to vector<16x4096xi32>
    %shift_right_logical3A_4742 = arith.shrui %add3A_4735, %shift_right_logical3A_4741 : vector<16x4096xi32>
    %or3A_4743 = arith.ori %shift_left3A_4739, %shift_right_logical3A_4742 : vector<16x4096xi32>
    %xor3A_4744 = arith.xori %add3A_4736, %or3A_4743 : vector<16x4096xi32>
    %add3A_4745 = arith.addi %add3A_4736, %xor3A_4744 : vector<16x4096xi32>
    %shift_left3A_4746 = arith.constant 29 : i32
    %shift_left3A_4747 = vector.broadcast %shift_left3A_4746 : i32 to vector<16x4096xi32>
    %shift_left3A_4748 = arith.shli %xor3A_4744, %shift_left3A_4747 : vector<16x4096xi32>
    %shift_right_logical3A_4749 = arith.constant 3 : i32
    %shift_right_logical3A_4750 = vector.broadcast %shift_right_logical3A_4749 : i32 to vector<16x4096xi32>
    %shift_right_logical3A_4751 = arith.shrui %xor3A_4744, %shift_right_logical3A_4750 : vector<16x4096xi32>
    %or3A_4752 = arith.ori %shift_left3A_4748, %shift_right_logical3A_4751 : vector<16x4096xi32>
    %xor3A_4753 = arith.xori %add3A_4745, %or3A_4752 : vector<16x4096xi32>
    %add3A_4754 = arith.addi %add3A_4745, %xor3A_4753 : vector<16x4096xi32>
    %shift_left3A_4755 = arith.constant 16 : i32
    %shift_left3A_4756 = vector.broadcast %shift_left3A_4755 : i32 to vector<16x4096xi32>
    %shift_left3A_4757 = arith.shli %xor3A_4753, %shift_left3A_4756 : vector<16x4096xi32>
    %shift_right_logical3A_4758 = arith.constant 16 : i32
    %shift_right_logical3A_4759 = vector.broadcast %shift_right_logical3A_4758 : i32 to vector<16x4096xi32>
    %shift_right_logical3A_4760 = arith.shrui %xor3A_4753, %shift_right_logical3A_4759 : vector<16x4096xi32>
    %or3A_4761 = arith.ori %shift_left3A_4757, %shift_right_logical3A_4760 : vector<16x4096xi32>
    %xor3A_4762 = arith.xori %add3A_4754, %or3A_4761 : vector<16x4096xi32>
    %add3A_4763 = arith.addi %add3A_4754, %xor3A_4762 : vector<16x4096xi32>
    %shift_left3A_4764 = arith.constant 24 : i32
    %shift_left3A_4765 = vector.broadcast %shift_left3A_4764 : i32 to vector<16x4096xi32>
    %shift_left3A_4766 = arith.shli %xor3A_4762, %shift_left3A_4765 : vector<16x4096xi32>
    %shift_right_logical3A_4767 = arith.constant 8 : i32
    %shift_right_logical3A_4768 = vector.broadcast %shift_right_logical3A_4767 : i32 to vector<16x4096xi32>
    %shift_right_logical3A_4769 = arith.shrui %xor3A_4762, %shift_right_logical3A_4768 : vector<16x4096xi32>
    %or3A_4770 = arith.ori %shift_left3A_4766, %shift_right_logical3A_4769 : vector<16x4096xi32>
    %xor3A_4771 = arith.xori %add3A_4763, %or3A_4770 : vector<16x4096xi32>
    %add3A_4772 = arith.constant 466689008 : i32
    %add3A_4773 = vector.broadcast %add3A_4772 : i32 to vector<16x4096xi32>
    %add3A_4774 = arith.addi %add3A_4763, %add3A_4773 : vector<16x4096xi32>
    %add3A_4775 = arith.constant 0 : i32
    %add3A_4776 = vector.broadcast %add3A_4775 : i32 to vector<16x4096xi32>
    %add3A_4777 = arith.addi %xor3A_4771, %add3A_4776 : vector<16x4096xi32>
    %add3A_4778 = arith.constant 2 : i32
    %add3A_4779 = vector.broadcast %add3A_4778 : i32 to vector<16x4096xi32>
    %add3A_4780 = arith.addi %add3A_4777, %add3A_4779 : vector<16x4096xi32>
    %add3A_4781 = arith.addi %add3A_4774, %add3A_4780 : vector<16x4096xi32>
    %shift_left3A_4782 = arith.constant 13 : i32
    %shift_left3A_4783 = vector.broadcast %shift_left3A_4782 : i32 to vector<16x4096xi32>
    %shift_left3A_4784 = arith.shli %add3A_4780, %shift_left3A_4783 : vector<16x4096xi32>
    %shift_right_logical3A_4785 = arith.constant 19 : i32
    %shift_right_logical3A_4786 = vector.broadcast %shift_right_logical3A_4785 : i32 to vector<16x4096xi32>
    %shift_right_logical3A_4787 = arith.shrui %add3A_4780, %shift_right_logical3A_4786 : vector<16x4096xi32>
    %or3A_4788 = arith.ori %shift_left3A_4784, %shift_right_logical3A_4787 : vector<16x4096xi32>
    %xor3A_4789 = arith.xori %add3A_4781, %or3A_4788 : vector<16x4096xi32>
    %add3A_4790 = arith.addi %add3A_4781, %xor3A_4789 : vector<16x4096xi32>
    %shift_left3A_4791 = arith.constant 15 : i32
    %shift_left3A_4792 = vector.broadcast %shift_left3A_4791 : i32 to vector<16x4096xi32>
    %shift_left3A_4793 = arith.shli %xor3A_4789, %shift_left3A_4792 : vector<16x4096xi32>
    %shift_right_logical3A_4794 = arith.constant 17 : i32
    %shift_right_logical3A_4795 = vector.broadcast %shift_right_logical3A_4794 : i32 to vector<16x4096xi32>
    %shift_right_logical3A_4796 = arith.shrui %xor3A_4789, %shift_right_logical3A_4795 : vector<16x4096xi32>
    %or3A_4797 = arith.ori %shift_left3A_4793, %shift_right_logical3A_4796 : vector<16x4096xi32>
    %xor3A_4798 = arith.xori %add3A_4790, %or3A_4797 : vector<16x4096xi32>
    %add3A_4799 = arith.addi %add3A_4790, %xor3A_4798 : vector<16x4096xi32>
    %shift_left3A_4800 = arith.constant 26 : i32
    %shift_left3A_4801 = vector.broadcast %shift_left3A_4800 : i32 to vector<16x4096xi32>
    %shift_left3A_4802 = arith.shli %xor3A_4798, %shift_left3A_4801 : vector<16x4096xi32>
    %shift_right_logical3A_4803 = arith.constant 6 : i32
    %shift_right_logical3A_4804 = vector.broadcast %shift_right_logical3A_4803 : i32 to vector<16x4096xi32>
    %shift_right_logical3A_4805 = arith.shrui %xor3A_4798, %shift_right_logical3A_4804 : vector<16x4096xi32>
    %or3A_4806 = arith.ori %shift_left3A_4802, %shift_right_logical3A_4805 : vector<16x4096xi32>
    %xor3A_4807 = arith.xori %add3A_4799, %or3A_4806 : vector<16x4096xi32>
    %add3A_4808 = arith.addi %add3A_4799, %xor3A_4807 : vector<16x4096xi32>
    %shift_left3A_4809 = arith.constant 6 : i32
    %shift_left3A_4810 = vector.broadcast %shift_left3A_4809 : i32 to vector<16x4096xi32>
    %shift_left3A_4811 = arith.shli %xor3A_4807, %shift_left3A_4810 : vector<16x4096xi32>
    %shift_right_logical3A_4812 = arith.constant 26 : i32
    %shift_right_logical3A_4813 = vector.broadcast %shift_right_logical3A_4812 : i32 to vector<16x4096xi32>
    %shift_right_logical3A_4814 = arith.shrui %xor3A_4807, %shift_right_logical3A_4813 : vector<16x4096xi32>
    %or3A_4815 = arith.ori %shift_left3A_4811, %shift_right_logical3A_4814 : vector<16x4096xi32>
    %xor3A_4816 = arith.xori %add3A_4808, %or3A_4815 : vector<16x4096xi32>
    %add3A_4817 = arith.constant 0 : i32
    %add3A_4818 = vector.broadcast %add3A_4817 : i32 to vector<16x4096xi32>
    %add3A_4819 = arith.addi %add3A_4808, %add3A_4818 : vector<16x4096xi32>
    %add3A_4820 = arith.constant 42 : i32
    %add3A_4821 = vector.broadcast %add3A_4820 : i32 to vector<16x4096xi32>
    %add3A_4822 = arith.addi %xor3A_4816, %add3A_4821 : vector<16x4096xi32>
    %add3A_4823 = arith.constant 3 : i32
    %add3A_4824 = vector.broadcast %add3A_4823 : i32 to vector<16x4096xi32>
    %add3A_4825 = arith.addi %add3A_4822, %add3A_4824 : vector<16x4096xi32>
    %add3A_4826 = arith.addi %add3A_4819, %add3A_4825 : vector<16x4096xi32>
    %shift_left3A_4827 = arith.constant 17 : i32
    %shift_left3A_4828 = vector.broadcast %shift_left3A_4827 : i32 to vector<16x4096xi32>
    %shift_left3A_4829 = arith.shli %add3A_4825, %shift_left3A_4828 : vector<16x4096xi32>
    %shift_right_logical3A_4830 = arith.constant 15 : i32
    %shift_right_logical3A_4831 = vector.broadcast %shift_right_logical3A_4830 : i32 to vector<16x4096xi32>
    %shift_right_logical3A_4832 = arith.shrui %add3A_4825, %shift_right_logical3A_4831 : vector<16x4096xi32>
    %or3A_4833 = arith.ori %shift_left3A_4829, %shift_right_logical3A_4832 : vector<16x4096xi32>
    %xor3A_4834 = arith.xori %add3A_4826, %or3A_4833 : vector<16x4096xi32>
    %add3A_4835 = arith.addi %add3A_4826, %xor3A_4834 : vector<16x4096xi32>
    %shift_left3A_4836 = arith.constant 29 : i32
    %shift_left3A_4837 = vector.broadcast %shift_left3A_4836 : i32 to vector<16x4096xi32>
    %shift_left3A_4838 = arith.shli %xor3A_4834, %shift_left3A_4837 : vector<16x4096xi32>
    %shift_right_logical3A_4839 = arith.constant 3 : i32
    %shift_right_logical3A_4840 = vector.broadcast %shift_right_logical3A_4839 : i32 to vector<16x4096xi32>
    %shift_right_logical3A_4841 = arith.shrui %xor3A_4834, %shift_right_logical3A_4840 : vector<16x4096xi32>
    %or3A_4842 = arith.ori %shift_left3A_4838, %shift_right_logical3A_4841 : vector<16x4096xi32>
    %xor3A_4843 = arith.xori %add3A_4835, %or3A_4842 : vector<16x4096xi32>
    %add3A_4844 = arith.addi %add3A_4835, %xor3A_4843 : vector<16x4096xi32>
    %shift_left3A_4845 = arith.constant 16 : i32
    %shift_left3A_4846 = vector.broadcast %shift_left3A_4845 : i32 to vector<16x4096xi32>
    %shift_left3A_4847 = arith.shli %xor3A_4843, %shift_left3A_4846 : vector<16x4096xi32>
    %shift_right_logical3A_4848 = arith.constant 16 : i32
    %shift_right_logical3A_4849 = vector.broadcast %shift_right_logical3A_4848 : i32 to vector<16x4096xi32>
    %shift_right_logical3A_4850 = arith.shrui %xor3A_4843, %shift_right_logical3A_4849 : vector<16x4096xi32>
    %or3A_4851 = arith.ori %shift_left3A_4847, %shift_right_logical3A_4850 : vector<16x4096xi32>
    %xor3A_4852 = arith.xori %add3A_4844, %or3A_4851 : vector<16x4096xi32>
    %add3A_4853 = arith.addi %add3A_4844, %xor3A_4852 : vector<16x4096xi32>
    %shift_left3A_4854 = arith.constant 24 : i32
    %shift_left3A_4855 = vector.broadcast %shift_left3A_4854 : i32 to vector<16x4096xi32>
    %shift_left3A_4856 = arith.shli %xor3A_4852, %shift_left3A_4855 : vector<16x4096xi32>
    %shift_right_logical3A_4857 = arith.constant 8 : i32
    %shift_right_logical3A_4858 = vector.broadcast %shift_right_logical3A_4857 : i32 to vector<16x4096xi32>
    %shift_right_logical3A_4859 = arith.shrui %xor3A_4852, %shift_right_logical3A_4858 : vector<16x4096xi32>
    %or3A_4860 = arith.ori %shift_left3A_4856, %shift_right_logical3A_4859 : vector<16x4096xi32>
    %xor3A_4861 = arith.xori %add3A_4853, %or3A_4860 : vector<16x4096xi32>
    %add3A_4862 = arith.constant 42 : i32
    %add3A_4863 = vector.broadcast %add3A_4862 : i32 to vector<16x4096xi32>
    %add3A_4864 = arith.addi %add3A_4853, %add3A_4863 : vector<16x4096xi32>
    %add3A_4865 = arith.constant 466689008 : i32
    %add3A_4866 = vector.broadcast %add3A_4865 : i32 to vector<16x4096xi32>
    %add3A_4867 = arith.addi %xor3A_4861, %add3A_4866 : vector<16x4096xi32>
    %add3A_4868 = arith.constant 4 : i32
    %add3A_4869 = vector.broadcast %add3A_4868 : i32 to vector<16x4096xi32>
    %add3A_4870 = arith.addi %add3A_4867, %add3A_4869 : vector<16x4096xi32>
    %add3A_4871 = arith.addi %add3A_4864, %add3A_4870 : vector<16x4096xi32>
    %shift_left3A_4872 = arith.constant 13 : i32
    %shift_left3A_4873 = vector.broadcast %shift_left3A_4872 : i32 to vector<16x4096xi32>
    %shift_left3A_4874 = arith.shli %add3A_4870, %shift_left3A_4873 : vector<16x4096xi32>
    %shift_right_logical3A_4875 = arith.constant 19 : i32
    %shift_right_logical3A_4876 = vector.broadcast %shift_right_logical3A_4875 : i32 to vector<16x4096xi32>
    %shift_right_logical3A_4877 = arith.shrui %add3A_4870, %shift_right_logical3A_4876 : vector<16x4096xi32>
    %or3A_4878 = arith.ori %shift_left3A_4874, %shift_right_logical3A_4877 : vector<16x4096xi32>
    %xor3A_4879 = arith.xori %add3A_4871, %or3A_4878 : vector<16x4096xi32>
    %add3A_4880 = arith.addi %add3A_4871, %xor3A_4879 : vector<16x4096xi32>
    %shift_left3A_4881 = arith.constant 15 : i32
    %shift_left3A_4882 = vector.broadcast %shift_left3A_4881 : i32 to vector<16x4096xi32>
    %shift_left3A_4883 = arith.shli %xor3A_4879, %shift_left3A_4882 : vector<16x4096xi32>
    %shift_right_logical3A_4884 = arith.constant 17 : i32
    %shift_right_logical3A_4885 = vector.broadcast %shift_right_logical3A_4884 : i32 to vector<16x4096xi32>
    %shift_right_logical3A_4886 = arith.shrui %xor3A_4879, %shift_right_logical3A_4885 : vector<16x4096xi32>
    %or3A_4887 = arith.ori %shift_left3A_4883, %shift_right_logical3A_4886 : vector<16x4096xi32>
    %xor3A_4888 = arith.xori %add3A_4880, %or3A_4887 : vector<16x4096xi32>
    %add3A_4889 = arith.addi %add3A_4880, %xor3A_4888 : vector<16x4096xi32>
    %shift_left3A_4890 = arith.constant 26 : i32
    %shift_left3A_4891 = vector.broadcast %shift_left3A_4890 : i32 to vector<16x4096xi32>
    %shift_left3A_4892 = arith.shli %xor3A_4888, %shift_left3A_4891 : vector<16x4096xi32>
    %shift_right_logical3A_4893 = arith.constant 6 : i32
    %shift_right_logical3A_4894 = vector.broadcast %shift_right_logical3A_4893 : i32 to vector<16x4096xi32>
    %shift_right_logical3A_4895 = arith.shrui %xor3A_4888, %shift_right_logical3A_4894 : vector<16x4096xi32>
    %or3A_4896 = arith.ori %shift_left3A_4892, %shift_right_logical3A_4895 : vector<16x4096xi32>
    %xor3A_4897 = arith.xori %add3A_4889, %or3A_4896 : vector<16x4096xi32>
    %add3A_4898 = arith.addi %add3A_4889, %xor3A_4897 : vector<16x4096xi32>
    %shift_left3A_4899 = arith.constant 6 : i32
    %shift_left3A_4900 = vector.broadcast %shift_left3A_4899 : i32 to vector<16x4096xi32>
    %shift_left3A_4901 = arith.shli %xor3A_4897, %shift_left3A_4900 : vector<16x4096xi32>
    %shift_right_logical3A_4902 = arith.constant 26 : i32
    %shift_right_logical3A_4903 = vector.broadcast %shift_right_logical3A_4902 : i32 to vector<16x4096xi32>
    %shift_right_logical3A_4904 = arith.shrui %xor3A_4897, %shift_right_logical3A_4903 : vector<16x4096xi32>
    %or3A_4905 = arith.ori %shift_left3A_4901, %shift_right_logical3A_4904 : vector<16x4096xi32>
    %xor3A_4906 = arith.xori %add3A_4898, %or3A_4905 : vector<16x4096xi32>
    %add3A_4907 = arith.constant 466689008 : i32
    %add3A_4908 = vector.broadcast %add3A_4907 : i32 to vector<16x4096xi32>
    %add3A_4909 = arith.addi %add3A_4898, %add3A_4908 : vector<16x4096xi32>
    %add3A_4910 = arith.constant 0 : i32
    %add3A_4911 = vector.broadcast %add3A_4910 : i32 to vector<16x4096xi32>
    %add3A_4912 = arith.addi %xor3A_4906, %add3A_4911 : vector<16x4096xi32>
    %add3A_4913 = arith.constant 5 : i32
    %add3A_4914 = vector.broadcast %add3A_4913 : i32 to vector<16x4096xi32>
    %add3A_4915 = arith.addi %add3A_4912, %add3A_4914 : vector<16x4096xi32>
    %xor3A_4916 = arith.xori %add3A_4909, %add3A_4915 : vector<16x4096xi32>
    %shift_right_logical3A_4917 = arith.constant 9 : i32
    %shift_right_logical3A_4918 = vector.broadcast %shift_right_logical3A_4917 : i32 to vector<16x4096xi32>
    %shift_right_logical3A_4919 = arith.shrui %xor3A_4916, %shift_right_logical3A_4918 : vector<16x4096xi32>
    %or3A_4920 = arith.constant 1065353216 : i32
    %or3A_4921 = vector.broadcast %or3A_4920 : i32 to vector<16x4096xi32>
    %or3A_4922 = arith.ori %shift_right_logical3A_4919, %or3A_4921 : vector<16x4096xi32>
    %bitcast_convert_type3A_4923 = tpu.bitcast %or3A_4922 : vector<16x4096xi32> -> vector<16x4096xf32>
    %sub3A_4924 = arith.constant 1.000000e+00 : f32
    %sub3A_4925 = vector.broadcast %sub3A_4924 : f32 to vector<16x4096xf32>
    %sub3A_4926 = arith.subf %bitcast_convert_type3A_4923, %sub3A_4925 : vector<16x4096xf32>
    %max3A_4927 = arith.constant 1.17549435E-38 : f32
    %max3A_4928 = vector.broadcast %max3A_4927 : f32 to vector<16x4096xf32>
    %max3A_4929 = arith.maximumf %sub3A_4926, %max3A_4928 : vector<16x4096xf32>
    %log3A_4930 = math.log %max3A_4929 : vector<16x4096xf32>
    %neg3A_4931 = arith.constant 0.000000e+00 : f32
    %neg3A_4932 = vector.broadcast %neg3A_4931 : f32 to vector<16x4096xf32>
    %neg3A_4933 = arith.subf %neg3A_4932, %log3A_4930 : vector<16x4096xf32>
    %log3A_4934 = math.log %neg3A_4933 : vector<16x4096xf32>
    %neg3A_4935 = arith.constant 0.000000e+00 : f32
    %neg3A_4936 = vector.broadcast %neg3A_4935 : f32 to vector<16x4096xf32>
    %neg3A_4937 = arith.subf %neg3A_4936, %log3A_4934 : vector<16x4096xf32>
    %add3A_4938 = arith.addf %neg3A_4937, %select_n3A_13 : vector<16x4096xf32>
    %reduce_max3A_4939 = arith.constant dense<0xFF800000> : vector<16xf32>
    %reduce_max3A_4940 = vector.multi_reduction <maximumf>, %add3A_4938, %reduce_max3A_4939 [1] : vector<16x4096xf32> to vector<16xf32>
    %broadcast_in_dim3A_4941 = vector.shape_cast %reduce_max3A_4940 : vector<16xf32> to vector<16x1xf32>
    %eq3A_4942 = vector.broadcast %broadcast_in_dim3A_4941 : vector<16x1xf32> to vector<16x4096xf32>
    %eq3A_4943 = arith.cmpf oeq, %add3A_4938, %eq3A_4942 : vector<16x4096xf32>
    %jit3A_4944 = arith.constant 4096 : i32
    %broadcast_in_dim3A_4945 = vector.broadcast %jit3A_4944 : i32 to vector<16x4096xi32>
    %select_n3A_4946 = arith.select %eq3A_4943, %iota3A, %broadcast_in_dim3A_4945 : vector<16x4096xi1>, vector<16x4096xi32>
    %reduce_min3A_4947 = arith.constant dense<2147483647> : vector<16xi32>
    %reduce_min3A_4948 = vector.multi_reduction <minsi>, %select_n3A_4946, %reduce_min3A_4947 [1] : vector<16x4096xi32> to vector<16xi32>
    %broadcast_in_dim3A_4949 = vector.shape_cast %reduce_min3A_4948 : vector<16xi32> to vector<16x1xi32>
    %eq3A_4950 = vector.broadcast %broadcast_in_dim3A_4949 : vector<16x1xi32> to vector<16x4096xi32>
    %eq3A_4951 = arith.cmpi eq, %iota3A, %eq3A_4950 : vector<16x4096xi32>
    %jit3A_4952 = arith.constant 0.000000e+00 : f32
    %broadcast_in_dim3A_4953 = vector.broadcast %jit3A_4952 : f32 to vector<16x4096xf32>
    %select_n3A_4954 = arith.select %eq3A_4951, %select_n3A, %broadcast_in_dim3A_4953 : vector<16x4096xi1>, vector<16x4096xf32>
    %reduce_sum3A_4955 = arith.constant dense<0.000000e+00> : vector<16xf32>
    %reduce_sum3A_4956 = vector.multi_reduction <add>, %select_n3A_4954, %reduce_sum3A_4955 [1] : vector<16x4096xf32> to vector<16xf32>
    %broadcast_in_dim3A_4957 = vector.shape_cast %reduce_sum3A_4956 : vector<16xf32> to vector<16x1xf32>
    %jit3A_4958 = arith.constant 64 : i32
    %div3A_4959 = vector.broadcast %jit3A_4958 : i32 to vector<16x1xi32>
    %div3A_4960 = arith.divsi %broadcast_in_dim3A_4949, %div3A_4959 : vector<16x1xi32>
    %sign3A_4961 = arith.constant 0 : i32
    %sign3A_4962 = vector.broadcast %sign3A_4961 : i32 to vector<16x1xi32>
    %sign3A_4963 = arith.cmpi sgt, %broadcast_in_dim3A_4949, %sign3A_4962 : vector<16x1xi32>
    %sign3A_4964 = arith.extui %sign3A_4963 : vector<16x1xi1> to vector<16x1xi32>
    %sign3A_4965 = arith.constant 0 : i32
    %sign3A_4966 = vector.broadcast %sign3A_4965 : i32 to vector<16x1xi32>
    %sign3A_4967 = arith.cmpi slt, %broadcast_in_dim3A_4949, %sign3A_4966 : vector<16x1xi32>
    %sign3A_4968 = arith.extui %sign3A_4967 : vector<16x1xi1> to vector<16x1xi32>
    %sign3A_4969 = arith.subi %sign3A_4964, %sign3A_4968 : vector<16x1xi32>
    %sign3A_4970 = arith.constant 0 : i32
    %sign3A_4971 = arith.cmpi sgt, %jit3A_4958, %sign3A_4970 : i32
    %sign3A_4972 = arith.extui %sign3A_4971 : i1 to i32
    %sign3A_4973 = arith.constant 0 : i32
    %sign3A_4974 = arith.cmpi slt, %jit3A_4958, %sign3A_4973 : i32
    %sign3A_4975 = arith.extui %sign3A_4974 : i1 to i32
    %sign3A_4976 = arith.subi %sign3A_4972, %sign3A_4975 : i32
    %ne3A_4977 = vector.broadcast %sign3A_4976 : i32 to vector<16x1xi32>
    %ne3A_4978 = arith.cmpi ne, %sign3A_4969, %ne3A_4977 : vector<16x1xi32>
    %rem3A_4979 = vector.broadcast %jit3A_4958 : i32 to vector<16x1xi32>
    %rem3A_4980 = arith.remsi %broadcast_in_dim3A_4949, %rem3A_4979 : vector<16x1xi32>
    %ne3A_4981 = arith.constant 0 : i32
    %ne3A_4982 = vector.broadcast %ne3A_4981 : i32 to vector<16x1xi32>
    %ne3A_4983 = arith.cmpi ne, %rem3A_4980, %ne3A_4982 : vector<16x1xi32>
    %and3A_4984 = arith.andi %ne3A_4978, %ne3A_4983 : vector<16x1xi1>
    %sub3A_4985 = arith.constant 1 : i32
    %sub3A_4986 = vector.broadcast %sub3A_4985 : i32 to vector<16x1xi32>
    %sub3A_4987 = arith.subi %div3A_4960, %sub3A_4986 : vector<16x1xi32>
    %select_n3A_4988 = arith.select %and3A_4984, %sub3A_4987, %div3A_4960 : vector<16x1xi1>, vector<16x1xi32>
    %mul3A_4989 = arith.constant 64 : i32
    %mul3A_4990 = vector.broadcast %mul3A_4989 : i32 to vector<16x1xi32>
    %mul3A_4991 = arith.muli %select_n3A_4988, %mul3A_4990 : vector<16x1xi32>
    %sub3A_4992 = arith.subi %broadcast_in_dim3A_4949, %mul3A_4991 : vector<16x1xi32>
    %convert_element_type3A_4993 = arith.sitofp %sub3A_4992 : vector<16x1xi32> to vector<16x1xf32>
    %convert_element_type3A_4994 = arith.sitofp %select_n3A_4988 : vector<16x1xi32> to vector<16x1xf32>
    %concatenate3A = tpu.concatenate %convert_element_type3A, %convert_element_type3A_625, %convert_element_type3A_937, %convert_element_type3A_1249, %convert_element_type3A_1561, %convert_element_type3A_1873, %convert_element_type3A_2185, %convert_element_type3A_2497, %convert_element_type3A_2809, %convert_element_type3A_3121, %convert_element_type3A_3433, %convert_element_type3A_3745, %convert_element_type3A_4057, %convert_element_type3A_4369, %convert_element_type3A_4681, %convert_element_type3A_4993 in 1 : vector<16x1xf32>, vector<16x1xf32>, vector<16x1xf32>, vector<16x1xf32>, vector<16x1xf32>, vector<16x1xf32>, vector<16x1xf32>, vector<16x1xf32>, vector<16x1xf32>, vector<16x1xf32>, vector<16x1xf32>, vector<16x1xf32>, vector<16x1xf32>, vector<16x1xf32>, vector<16x1xf32>, vector<16x1xf32> -> vector<16x16xf32>
    %concatenate3A_4995 = tpu.concatenate %convert_element_type3A_314, %convert_element_type3A_626, %convert_element_type3A_938, %convert_element_type3A_1250, %convert_element_type3A_1562, %convert_element_type3A_1874, %convert_element_type3A_2186, %convert_element_type3A_2498, %convert_element_type3A_2810, %convert_element_type3A_3122, %convert_element_type3A_3434, %convert_element_type3A_3746, %convert_element_type3A_4058, %convert_element_type3A_4370, %convert_element_type3A_4682, %convert_element_type3A_4994 in 1 : vector<16x1xf32>, vector<16x1xf32>, vector<16x1xf32>, vector<16x1xf32>, vector<16x1xf32>, vector<16x1xf32>, vector<16x1xf32>, vector<16x1xf32>, vector<16x1xf32>, vector<16x1xf32>, vector<16x1xf32>, vector<16x1xf32>, vector<16x1xf32>, vector<16x1xf32>, vector<16x1xf32>, vector<16x1xf32> -> vector<16x16xf32>
    %concatenate3A_4996 = tpu.concatenate %broadcast_in_dim3A_283, %broadcast_in_dim3A_589, %broadcast_in_dim3A_901, %broadcast_in_dim3A_1213, %broadcast_in_dim3A_1525, %broadcast_in_dim3A_1837, %broadcast_in_dim3A_2149, %broadcast_in_dim3A_2461, %broadcast_in_dim3A_2773, %broadcast_in_dim3A_3085, %broadcast_in_dim3A_3397, %broadcast_in_dim3A_3709, %broadcast_in_dim3A_4021, %broadcast_in_dim3A_4333, %broadcast_in_dim3A_4645, %broadcast_in_dim3A_4957 in 1 : vector<16x1xf32>, vector<16x1xf32>, vector<16x1xf32>, vector<16x1xf32>, vector<16x1xf32>, vector<16x1xf32>, vector<16x1xf32>, vector<16x1xf32>, vector<16x1xf32>, vector<16x1xf32>, vector<16x1xf32>, vector<16x1xf32>, vector<16x1xf32>, vector<16x1xf32>, vector<16x1xf32>, vector<16x1xf32> -> vector<16x16xf32>
    %reduce_sum3A_4997 = vector.shape_cast %concatenate3A : vector<16x16xf32> to vector<1x16x16xf32>
    %reduce_sum3A_4998 = arith.constant dense<0.000000e+00> : vector<1xf32>
    %reduce_sum3A_4999 = vector.multi_reduction <add>, %reduce_sum3A_4997, %reduce_sum3A_4998 [1, 2] : vector<1x16x16xf32> to vector<1xf32>
    %reduce_sum3A_5000 = vector.shape_cast %reduce_sum3A_4999 : vector<1xf32> to vector<1x1x1xf32>
    %reduce_sum3A_5001 = vector.extract %reduce_sum3A_5000[0, 0, 0] : f32 from vector<1x1x1xf32>
    %div3A_5002 = arith.constant 2.560000e+02 : f32
    %div3A_5003 = arith.divf %reduce_sum3A_5001, %div3A_5002 : f32
    %sub3A_5004 = vector.broadcast %div3A_5003 : f32 to vector<16x16xf32>
    %sub3A_5005 = arith.subf %concatenate3A, %sub3A_5004 : vector<16x16xf32>
    %reduce_sum3A_5006 = vector.shape_cast %concatenate3A_4995 : vector<16x16xf32> to vector<1x16x16xf32>
    %reduce_sum3A_5007 = arith.constant dense<0.000000e+00> : vector<1xf32>
    %reduce_sum3A_5008 = vector.multi_reduction <add>, %reduce_sum3A_5006, %reduce_sum3A_5007 [1, 2] : vector<1x16x16xf32> to vector<1xf32>
    %reduce_sum3A_5009 = vector.shape_cast %reduce_sum3A_5008 : vector<1xf32> to vector<1x1x1xf32>
    %reduce_sum3A_5010 = vector.extract %reduce_sum3A_5009[0, 0, 0] : f32 from vector<1x1x1xf32>
    %div3A_5011 = arith.constant 2.560000e+02 : f32
    %div3A_5012 = arith.divf %reduce_sum3A_5010, %div3A_5011 : f32
    %sub3A_5013 = vector.broadcast %div3A_5012 : f32 to vector<16x16xf32>
    %sub3A_5014 = arith.subf %concatenate3A_4995, %sub3A_5013 : vector<16x16xf32>
    %reduce_sum3A_5015 = vector.shape_cast %sub3A_5005 : vector<16x16xf32> to vector<1x16x16xf32>
    %reduce_sum3A_5016 = arith.constant dense<0.000000e+00> : vector<1xf32>
    %reduce_sum3A_5017 = vector.multi_reduction <add>, %reduce_sum3A_5015, %reduce_sum3A_5016 [1, 2] : vector<1x16x16xf32> to vector<1xf32>
    %reduce_sum3A_5018 = vector.shape_cast %reduce_sum3A_5017 : vector<1xf32> to vector<1x1x1xf32>
    %reduce_sum3A_5019 = vector.extract %reduce_sum3A_5018[0, 0, 0] : f32 from vector<1x1x1xf32>
    %reduce_sum3A_5020 = vector.shape_cast %sub3A_5014 : vector<16x16xf32> to vector<1x16x16xf32>
    %reduce_sum3A_5021 = arith.constant dense<0.000000e+00> : vector<1xf32>
    %reduce_sum3A_5022 = vector.multi_reduction <add>, %reduce_sum3A_5020, %reduce_sum3A_5021 [1, 2] : vector<1x16x16xf32> to vector<1xf32>
    %reduce_sum3A_5023 = vector.shape_cast %reduce_sum3A_5022 : vector<1xf32> to vector<1x1x1xf32>
    %reduce_sum3A_5024 = vector.extract %reduce_sum3A_5023[0, 0, 0] : f32 from vector<1x1x1xf32>
    %add3A_5025 = arith.addf %reduce_sum3A_5019, %reduce_sum3A_5024 : f32
    %div3A_5026 = arith.constant 5.120000e+02 : f32
    %div3A_5027 = arith.divf %add3A_5025, %div3A_5026 : f32
    %sub3A_5028 = vector.broadcast %div3A_5027 : f32 to vector<16x16xf32>
    %sub3A_5029 = arith.subf %sub3A_5005, %sub3A_5028 : vector<16x16xf32>
    %integer_pow3A = arith.mulf %sub3A_5029, %sub3A_5029 : vector<16x16xf32>
    %reduce_sum3A_5030 = vector.shape_cast %integer_pow3A : vector<16x16xf32> to vector<1x16x16xf32>
    %reduce_sum3A_5031 = arith.constant dense<0.000000e+00> : vector<1xf32>
    %reduce_sum3A_5032 = vector.multi_reduction <add>, %reduce_sum3A_5030, %reduce_sum3A_5031 [1, 2] : vector<1x16x16xf32> to vector<1xf32>
    %reduce_sum3A_5033 = vector.shape_cast %reduce_sum3A_5032 : vector<1xf32> to vector<1x1x1xf32>
    %reduce_sum3A_5034 = vector.extract %reduce_sum3A_5033[0, 0, 0] : f32 from vector<1x1x1xf32>
    %sub3A_5035 = vector.broadcast %div3A_5027 : f32 to vector<16x16xf32>
    %sub3A_5036 = arith.subf %sub3A_5014, %sub3A_5035 : vector<16x16xf32>
    %integer_pow3A_5037 = arith.mulf %sub3A_5036, %sub3A_5036 : vector<16x16xf32>
    %reduce_sum3A_5038 = vector.shape_cast %integer_pow3A_5037 : vector<16x16xf32> to vector<1x16x16xf32>
    %reduce_sum3A_5039 = arith.constant dense<0.000000e+00> : vector<1xf32>
    %reduce_sum3A_5040 = vector.multi_reduction <add>, %reduce_sum3A_5038, %reduce_sum3A_5039 [1, 2] : vector<1x16x16xf32> to vector<1xf32>
    %reduce_sum3A_5041 = vector.shape_cast %reduce_sum3A_5040 : vector<1xf32> to vector<1x1x1xf32>
    %reduce_sum3A_5042 = vector.extract %reduce_sum3A_5041[0, 0, 0] : f32 from vector<1x1x1xf32>
    %add3A_5043 = arith.addf %reduce_sum3A_5034, %reduce_sum3A_5042 : f32
    %div3A_5044 = arith.constant 5.110000e+02 : f32
    %div3A_5045 = arith.divf %add3A_5043, %div3A_5044 : f32
    %sqrt3A = math.sqrt %div3A_5045 : f32
    %div3A_5046 = vector.broadcast %sqrt3A : f32 to vector<16x16xf32>
    %div3A_5047 = arith.divf %sub3A_5005, %div3A_5046 : vector<16x16xf32>
    %div3A_5048 = vector.broadcast %sqrt3A : f32 to vector<16x16xf32>
    %div3A_5049 = arith.divf %sub3A_5014, %div3A_5048 : vector<16x16xf32>
    %iota3A_5050 = tpu.iota {dimensions = array<i32: 2>} : vector<16x16x128xi32>
    %lt3A_5051 = arith.constant 64 : i32
    %lt3A_5052 = vector.broadcast %lt3A_5051 : i32 to vector<16x16x128xi32>
    %lt3A_5053 = arith.cmpi slt, %iota3A_5050, %lt3A_5052 : vector<16x16x128xi32>
    %broadcast_in_dim3A_5054 = vector.shape_cast %div3A_5047 : vector<16x16xf32> to vector<16x16x1xf32>
    %broadcast_in_dim3A_5055 = vector.shape_cast %div3A_5049 : vector<16x16xf32> to vector<16x16x1xf32>
    %broadcast_in_dim3A_5056 = vector.shape_cast %broadcast_in_dim3A_5054 : vector<16x16x1xf32> to vector<16x16x1xf32>
    %broadcast_in_dim3A_5057 = vector.broadcast %broadcast_in_dim3A_5056 : vector<16x16x1xf32> to vector<16x16x128xf32>
    %broadcast_in_dim3A_5058 = vector.shape_cast %broadcast_in_dim3A_5055 : vector<16x16x1xf32> to vector<16x16x1xf32>
    %broadcast_in_dim3A_5059 = vector.broadcast %broadcast_in_dim3A_5058 : vector<16x16x1xf32> to vector<16x16x128xf32>
    %select_n3A_5060 = arith.select %lt3A_5053, %broadcast_in_dim3A_5057, %broadcast_in_dim3A_5059 : vector<16x16x128xi1>, vector<16x16x128xf32>
    %get3A_5061 = arith.constant 0 : index
    %get3A_5062 = arith.constant 0 : index
    %get3A_5063 = vector.load %arg3[%get3A_5061, %get3A_5062] : memref<1x128xf32, #tpu.memory_space<vmem>>, vector<1x128xf32>
    %broadcast_in_dim3A_5064 = vector.shape_cast %get3A_5063 : vector<1x128xf32> to vector<1x1x128xf32>
    %mul3A_5065 = vector.broadcast %broadcast_in_dim3A_5064 : vector<1x1x128xf32> to vector<16x16x128xf32>
    %mul3A_5066 = arith.mulf %select_n3A_5060, %mul3A_5065 : vector<16x16x128xf32>
    %jit3A_5067 = arith.constant 64 : i32
    %eq3A_5068 = arith.constant 0 : i32
    %eq3A_5069 = arith.cmpi eq, %jit3A_5067, %eq3A_5068 : i32
    %jit3A_5070 = arith.constant 1 : i32
    %select_n3A_5071 = arith.select %eq3A_5069, %jit3A_5070, %jit3A_5067 : i32
    %rem3A_5072 = vector.broadcast %select_n3A_5071 : i32 to vector<16x16x128xi32>
    %rem3A_5073 = arith.remsi %iota3A_5050, %rem3A_5072 : vector<16x16x128xi32>
    %ne3A_5074 = arith.constant 0 : i32
    %ne3A_5075 = vector.broadcast %ne3A_5074 : i32 to vector<16x16x128xi32>
    %ne3A_5076 = arith.cmpi ne, %rem3A_5073, %ne3A_5075 : vector<16x16x128xi32>
    %lt3A_5077 = arith.constant 0 : i32
    %lt3A_5078 = vector.broadcast %lt3A_5077 : i32 to vector<16x16x128xi32>
    %lt3A_5079 = arith.cmpi slt, %rem3A_5073, %lt3A_5078 : vector<16x16x128xi32>
    %lt3A_5080 = arith.constant 0 : i32
    %lt3A_5081 = arith.cmpi slt, %select_n3A_5071, %lt3A_5080 : i32
    %ne3A_5082 = vector.broadcast %lt3A_5081 : i1 to vector<16x16x128xi1>
    %ne3A_5083 = vector.broadcast %ne3A_5082 : vector<16x16x128xi1> to vector<16x16x128xi1>
    %ne3A_5084 = arith.xori %lt3A_5079, %ne3A_5083 : vector<16x16x128xi1>
    %and3A_5085 = arith.andi %ne3A_5084, %ne3A_5076 : vector<16x16x128xi1>
    %add3A_5086 = vector.broadcast %select_n3A_5071 : i32 to vector<16x16x128xi32>
    %add3A_5087 = arith.addi %rem3A_5073, %add3A_5086 : vector<16x16x128xi32>
    %select_n3A_5088 = arith.select %and3A_5085, %add3A_5087, %rem3A_5073 : vector<16x16x128xi1>, vector<16x16x128xi32>
    %lt3A_5089 = arith.constant 32 : i32
    %lt3A_5090 = vector.broadcast %lt3A_5089 : i32 to vector<16x16x128xi32>
    %lt3A_5091 = arith.cmpi slt, %select_n3A_5088, %lt3A_5090 : vector<16x16x128xi32>
    %sin3A = math.sin %mul3A_5066 : vector<16x16x128xf32>
    %cos3A = math.cos %mul3A_5066 : vector<16x16x128xf32>
    %select_n3A_5092 = arith.select %lt3A_5091, %sin3A, %cos3A : vector<16x16x128xi1>, vector<16x16x128xf32>
    %broadcast_in_dim3A_5093 = vector.shape_cast %concatenate3A_4996 : vector<16x16xf32> to vector<16x16x1xf32>
    %mul3A_5094 = vector.broadcast %broadcast_in_dim3A_5093 : vector<16x16x1xf32> to vector<16x16x128xf32>
    %mul3A_5095 = arith.mulf %select_n3A_5092, %mul3A_5094 : vector<16x16x128xf32>
    %get3A_5096 = arith.constant 0 : index
    %get3A_5097 = arith.constant 0 : index
    %get3A_5098 = vector.load %arg2[%get3A_5096, %get3A_5097] : memref<16x128xf32, #tpu.memory_space<vmem>>, vector<16x128xf32>
    %broadcast_in_dim3A_5099 = vector.shape_cast %get3A_5098 : vector<16x128xf32> to vector<16x1x128xf32>
    %add3A_5100 = vector.broadcast %broadcast_in_dim3A_5099 : vector<16x1x128xf32> to vector<16x16x128xf32>
    %add3A_5101 = arith.addf %mul3A_5095, %add3A_5100 : vector<16x16x128xf32>
    %swap3A = arith.constant 0 : index
    %swap3A_5102 = arith.constant 0 : index
    %swap3A_5103 = arith.constant 0 : index
    %swap3A_5104 = arith.constant 0 : index
    %swap3A_5105 = vector.load %arg4[%swap3A, %swap3A_5102, %swap3A_5103, %swap3A_5104] : memref<1x16x16x128xf32, #tpu.memory_space<vmem>>, vector<1x16x16x128xf32>
    %swap3A_5106 = vector.shape_cast %swap3A_5105 : vector<1x16x16x128xf32> to vector<16x16x128xf32>
    %swap3A_5107 = vector.shape_cast %add3A_5101 : vector<16x16x128xf32> to vector<1x16x16x128xf32>
    tpu.vector_store %arg4[%swap3A, %swap3A_5102, %swap3A_5103, %swap3A_5104], %swap3A_5107 {strides = array<i32>} : memref<1x16x16x128xf32, #tpu.memory_space<vmem>>, vector<1x16x16x128xf32>,
    return
  }
  func.func @transform_0(%arg0: i32) -> (i32, i32, i32) {
    %c0_i32 = arith.constant 0 : i32
    %c0_i32_0 = arith.constant 0 : i32
    %c0_i32_1 = arith.constant 0 : i32
    return %arg0, %c0_i32, %c0_i32_0 : i32, i32, i32
  }
  func.func @transform_1(%arg0: i32) -> (i32, i32) {
    %c0_i32 = arith.constant 0 : i32
    %c0_i32_0 = arith.constant 0 : i32
    %c0_i32_1 = arith.constant 0 : i32
    return %c0_i32, %c0_i32_0 : i32, i32
  }
  func.func @transform_2(%arg0: i32) -> (i32, i32) {
    %c0_i32 = arith.constant 0 : i32
    %c0_i32_0 = arith.constant 0 : i32
    %c0_i32_1 = arith.constant 0 : i32
    return %c0_i32, %c0_i32_0 : i32, i32
  }
  func.func @transform_3(%arg0: i32) -> (i32, i32, i32, i32) {
    %c0_i32 = arith.constant 0 : i32
    %c0_i32_0 = arith.constant 0 : i32
    %c0_i32_1 = arith.constant 0 : i32
    %c0_i32_2 = arith.constant 0 : i32
    return %arg0, %c0_i32, %c0_i32_0, %c0_i32_1 : i32, i32, i32, i32
  }
}

</mosaic_0001>

<sc_bundles>
// kernel: sparse-core-data-format-call.cloned.1.call-start
scs
called_computation_lowered:
.L_overlay_start_0:
0x0: {  	s2 =	sld [smem:$0x3FD9]  }
0x1: {  	s3 =	sld [smem:$0x3FFE];
	_ =	sdelay $0x1  }
0x2: {  	s1 =	srdreg.scid  }
0x3: {  	s0 =	sand.u32 $0x1, s1  }
0x4: {  	s18 =	sshll.u32 s0, $0xA;
	s2 =	sadd.s32 s3, s2  }
0x5: {  	s2 =	sadd.s32 s2, s18  }
0x6: {  	[smem:$0x3FC6] =	sst s2  }
0x7: {  	_ = 	snop  }
0x8: {  	s2 =	sld [smem:$0x3FD0];
	(tm) =	ssettm $0x1  }
0x9: {  	s19 =	sld [smem:$0x3FFB];
	_ =	sdelay $0x3  }
0xa: {  	_ =	strace s19  }
0xb: {  	s3 =	sld [smem:$0x3FFC];
	_ =	sdelay $0x3  }
0xc: {  	_ =	strace s3  }
0xd: {  	s3 =	sld [smem:$0x3FFD];
	_ =	sdelay $0x3  }
0xe: {  	_ =	strace s3  }
0xf: {  	_ =	strace $0x8FFFFFFF  }
0x10: {  	s20 =	sld [smem:$0x3FDB];
	_ =	sdelay $0x1  }
0x11: {  	s4 =	simm.s32 $_scs_section_size  }
0x12: {  	s5 =	simm.s32 $_size__tile_overlayer_lowered;
	s6 =	simm.s32 $_tile_overlayer_lowered  }
0x13: {  	s23 =	simm.s32 $0x1BFF;
	s22 =	sshll.u32 s6, $0x1;
	s3 =	sadd.s32 s4, s20  }
0x14: {  	s7 =	simm.s32 $0x0;
	s21 =	sshll.u32 s5, $0x1;
	s5 =	sadd.s32 s22, s3  }
0x15: {  	[timem:s7], [sflag:s23] =	dma.local [hbm:s5], s21  }
0x16: {  	_ =	swait.ge [sflag:s23], s21  }
0x17: {  	s4 =	ssub.s32 $0x0, s21;
	[sflag:s23] =	ssyncset.done $0x0  }
0x18: {  	[sflag:s23] =	ssyncadd.s32 s4;
	_ =	sdelay $0x1  }
0x19: {  	s24 =	simm.s32 $0x1B8B  }
0x1a: {  	_ =	swait.ge [sflag:s24], $0x1  }
0x1b: {  	[sflag:s24] =	ssyncset.done $0x0  }
0x1c: {  	s26 =	simm.s32 $0x1B8E;
	s25 =	sld [smem:$0x3FFE];
	[sflag:s24] =	ssyncadd.s32 $0xFFFFFFFF  }
0x1d: {  	s27 =	simm.s32 $execute0_lowered;
	[smem:$0x3FD2] =	sst s26  }
0x1e: {  	s5 =	sshll.u32 s27, $0x1;
	_ =	strace $0x80000046;
	[dreg:$0x1] =	wrdreg $0xFFFFFFFF  }
0x1f: {  	s28 =	simm.s32 $_size_execute0_lowered;
	s3 =	sadd.s32 s3, s5;
	[dreg:$0x0] =	wrdreg $0x0  }
0x20: {  	s5 =	sshll.u32 s28, $0x1;
	[dreg:$0x2] =	wrdreg s3  }
0x21: {  	[dreg:$0x3] =	wrdreg s5  }
0x22: {  	[dreg:$0x4] =	wrdreg $0xC0  }
0x23: {  	_ =	task [dreg:s7], $0x5FFFF  }
0x24: {  	[dreg:$0x1] =	wrdreg $0xFFFFFFFF  }
0x25: {  	[dreg:$0x0] =	wrdreg $0x60  }
0x26: {  	[dreg:$0x2] =	wrdreg s25  }
0x27: {  	[dreg:$0x3] =	wrdreg s2  }
0x28: {  	[dreg:$0x4] =	wrdreg $0x9  }
0x29: {  	_ =	task.clear_ibuf [dreg:s7], $0x5FFFF;
	_ =	strace $0x90000046  }
0x2a: {  	s29 =	simm.s32 $0x9;
	_ =	strace $0x80000048  }
0x2b: {  	_ =	swait.ge [sflag:s29], $0x1  }
0x2c: {  	[sflag:s29] =	ssyncadd.s32 $0xFFFFFFFF  }
0x2d: {  	_ =	strace $0x90000048  }
0x2e: {  	_ =	sfence  }
0x2f: {  	s30 =	sld [smem:$0x0];
	_ =	sdelay $0x2  }
0x30: {  	s31 =	sshll.u32 s1, $0xD;
	s1 =	sshrl.u32 s1, $0x2  }
0x31: {  	s3 =	sand.u32 $0x4000, s31;
	s1 =	sadd.s32 s1, s30  }
0x32: {  	s0 =	sor.u32 s3, s0;
	s1 =	sshll.u32 s1, $0x11  }
0x33: {  	s0 =	sor.u32 s1, s0  }
0x34: {  	s0 =	sadd.s32 $0x8F2B, s0  }
0x35: {  	[sflag:s0] =	ssyncadd.remote.s32 $0x1  }
0x36: {  	_ =	sfence.sel $0xFFFF  }
0x37: {  	[dreg:$0x0] =	wrdreg $0xFFFFFFFF;
	(pc) =	sbr.abs _section_cstart, $3  }
0x38: {  	[dreg:$0x1] =	wrdreg $0xFFFFFFFF  }
0x39: {  	_ =	task.clear_ibuf [dreg:s7], $0x2FFFF;
	_ =	strace $0x9FFFFFFF  }
0x3a: {  	(tm) =	ssettm $0x7FFFFFFF  }
0x3b: {  	_ =	shalt  }
tec
execute0_lowered:
.L_overlay_start_1:
0x0: {  	(tag) =	ssettag $0x1  }
0x1: {  	s1 =	rddreg [dreg:$0x0]  }
0x2: {  	s2 =	rddreg [dreg:$0x1]  }
0x3: {  	s0 =	rddreg [dreg:$0x2];
	_ =	strace $0x80000047;
	s4 =	srdreg.scid  }
0x4: {  	s6 =	simm.s32 $0x2;
	s11 =	simm.s32 $0x0;
	p0 =	por $0x0, $0x0  }
.Ltmp0:
0x5: {  	s7 =	simm.s32 $0x800;
	s12 =	simm.s32 $0x0;
	(pc) =	sbr.rel .LBB1_1-.Ltmp0, $4  }
0x6: {  	s9 =	simm.s32 $0x0;
	s3 =	sadd.s32 $0x200600, s1;
	s5 =	sshll.u32 s4, $0x4  }
0x7: {  	s1 =	stileid.u32;
	s4 =	simm.s32 $0x1;
	s5 =	sand.u32 $0x10, s5  }
0x8: {  	s8 =	simm.s32 $0x0;
	[sflag:s4] =	ssyncpa.u1 $0x0;
	s5 =	sor.u32 s1, s5  }
0x9: {  	[sflag:s6] =	ssyncpa.u1 $0x0;
	s6 =	simm.s32 $0x400;
	s10 =	smov.u32 s5  }
.LBB1_7:
0xa: {  	s13 =	sadd.s32 $0x8, s9  }
0xb: {  	s11 =	sadd.s32 $0x20, s10;
	s15 =	smov.u32 s10;
	p2 =	sgt.s32 s13, $0xF  }
0xc: {  	p1 =	slt.u32 s8, $0x2;
	s15 =	smov.u32 @p2 s11  }
0xd: {  	s8 =	sadd.s32 $0x1, s8;
	s13 =	simm.s32 @p2 $0x0;
	p2 =	sgt.s32 s15, $0xFF  }
0xe: {  	s15 =	smov.u32 @p2 s5;
	p2 =	sne.s32 s8, $0x12  }
.Ltmp1:
0xf: {  	_ = 	snop;
	(pc) =	sbr.rel @!p2 .LBB1_8-.Ltmp1, $4  }
0x10: {  	s14 =	simm.s32 @!p1 $0x2  }
0x11: {  	s12 =	smov.u32 s10;
	_ =	swait.ge @!p1 [sflag:s14], $0x4000  }
0x12: {  	p0 =	por !p0, !p0;
	s11 =	smov.u32 s9;
	[sflag:s14] =	ssyncset.done @!p1 $0x0  }
0x13: {  	s9 =	smov.u32 s13;
	[sflag:s14] =	ssyncadd.s32 @!p1 $0xFFFFC000;
	s10 =	smov.u32 s15  }
.LBB1_1:
0x14: {  	p1 =	sgt.u32 s8, $0xF  }
0x15: {  	s13 =	sxor.u32 @!p1 $0xFFFFFFFF, s8;
	s14 =	sshll.u32 @!p1 s10, $0xC  }
0x16: {  	s15 =	sshll.u32 @!p1 s9, $0x8;
	s13 =	sshll.u32 @!p1 s13, $0xE;
	s14 =	sadd.s32 @!p1 s3, s14  }
0x17: {  	s13 =	sand.u32 @!p1 $0x4000, s13;
	s14 =	sadd.s32 @!p1 s15, s14;
	s15 =	simm.s32 @!p1 $0x0  }
0x18: {  	[tilespmem:s13], [sflag:$0x1] =	stream.linear.gather @!p1 [hbm4b:s14+s15], $0x4000, $0x38;
	[tilespmem:$0x10000] =	vst v63  }
0x19: {  	p1 =	seq.s32 s8, $0x0  }
0x1a: {  	p2 =	seq.s32 @!p1 s8, $0x11  }
0x1b: {  	p1 =	por p1, p2  }
.Ltmp2:
0x1c: {  	_ = 	snop;
	(pc) =	sbr.rel @p1 .LBB1_7-.Ltmp2, $1  }
0x1d: {  	_ =	sdelay $0x3  }
0x1e: {  	s13 =	simm.s32 $0x1;
	_ =	swait.ge [sflag:s4], $0x4000;
	s16 =	sshll.u32 s8, $0xE  }
0x1f: {  	s13 =	simm.s32 @!p0 $0x0;
	[sflag:s4] =	ssyncset.done $0x0;
	s31 =	sand.u32 $0x4000, s16  }
0x20: {  	s16 =	simm.s32 $0x0;
	s14 =	sshll.u32 s13, $0xE;
	[sflag:s4] =	ssyncadd.s32 $0xFFFFC000  }
0x21: {  	s13 =	sor.u32 $0x8040, s14;
	s15 =	sor.u32 $0x40, s14;
	s14 =	sor.u32 $0x8000, s31  }
.LBB1_3:
0x22: {  	v0 =	vmov s15;
	_ =	sdelay $0x3  }
0x23: {  	s18 =	simm.s32 $0x0  }
0x24: {  	v6 =	vld.idx.msk [tilespmem:v0+s18+$0x30 ss:$0x1], $0xffff  }
0x25: {  	v7 =	vld.idx.msk [tilespmem:v0+s18+$0xFFFFFFC0 ss:$0x1], $0xffff  }
0x26: {  	v5 =	vld.idx.msk [tilespmem:v0+s18+$0xFFFFFFD0 ss:$0x1], $0xffff  }
0x27: {  	v4 =	vld.idx.msk [tilespmem:v0+s18+$0xFFFFFFE0 ss:$0x1], $0xffff  }
0x28: {  	v3 =	vld.idx.msk [tilespmem:v0+s18+$0xFFFFFFF0 ss:$0x1], $0xffff  }
0x29: {  	v1 =	vld.idx.msk [tilespmem:v0+s18+$0x0 ss:$0x1], $0xffff  }
0x2a: {  	v2 =	vld.idx.msk [tilespmem:v0+s18+$0x10 ss:$0x1], $0xffff;
	[tilespmem:s13+$0x30] =	vst v6  }
0x2b: {  	s17 =	simm.s32 $0x80;
	s19 =	simm.s32 $0x400;
	[tilespmem:s13+$0xFFFFFFC0] =	vst v7;
	v6 =	vld.idx.msk [tilespmem:v0+s18+$0x20 ss:$0x1], $0xffff;
	s18 =	smov.u32 s13  }
.LBB1_4:
0x2c: {  	p1 =	sne.s32 s19, $0x1E00;
	v7 =	vld.idx.msk [tilespmem:v0+s17+$0x30 ss:$0x1], $0xffff;
	[tilespmem:s18+$0xFFFFFFD0] =	vst v5  }
0x2d: {  	v8 =	vld.idx.msk [tilespmem:v0+s17+$0xFFFFFFC0 ss:$0x1], $0xffff;
	[tilespmem:s18+$0xFFFFFFE0] =	vst v4  }
0x2e: {  	v5 =	vld.idx.msk [tilespmem:v0+s17+$0xFFFFFFD0 ss:$0x1], $0xffff;
	[tilespmem:s18+$0xFFFFFFF0] =	vst v3  }
.Ltmp3:
0x2f: {  	v4 =	vld.idx.msk [tilespmem:v0+s17+$0xFFFFFFE0 ss:$0x1], $0xffff;
	[tilespmem:s18+$0x0] =	vst v1;
	(pc) =	sbr.rel @p1 .LBB1_4-.Ltmp3, $4  }
0x30: {  	v3 =	vld.idx.msk [tilespmem:v0+s17+$0xFFFFFFF0 ss:$0x1], $0xffff;
	[tilespmem:s18+$0x10] =	vst v2  }
0x31: {  	v1 =	vld.idx.msk [tilespmem:v0+s17+$0x0 ss:$0x1], $0xffff;
	[tilespmem:s18+$0x20] =	vst v6;
	s18 =	sadd.s32 $0x400, s18  }
0x32: {  	v2 =	vld.idx.msk [tilespmem:v0+s17+$0x10 ss:$0x1], $0xffff;
	[tilespmem:s18+$0x30] =	vst v7  }
0x33: {  	[tilespmem:s18+$0xFFFFFFC0] =	vst v8;
	v6 =	vld.idx.msk [tilespmem:v0+s17+$0x20 ss:$0x1], $0xffff;
	s17 =	sshra.s32 s19, $0x2;
	s19 =	sadd.s32 $0x200, s19  }
0x34: {  	_ =	sdelay $0x2  }
0x35: {  	[tilespmem:s18+$0xFFFFFFD0] =	vst v5  }
0x36: {  	v56 =	vld.idx.msk [tilespmem:v0+s17+$0x30 ss:$0x1], $0xffff;
	[tilespmem:s18+$0xFFFFFFE0] =	vst v4  }
0x37: {  	v57 =	vld.idx.msk [tilespmem:v0+s17+$0xFFFFFFC0 ss:$0x1], $0xffff;
	[tilespmem:s18+$0xFFFFFFF0] =	vst v3  }
0x38: {  	v58 =	vld.idx.msk [tilespmem:v0+s17+$0xFFFFFFD0 ss:$0x1], $0xffff;
	[tilespmem:s18+$0x0] =	vst v1  }
0x39: {  	v59 =	vld.idx.msk [tilespmem:v0+s17+$0xFFFFFFE0 ss:$0x1], $0xffff;
	[tilespmem:s18+$0x10] =	vst v2  }
0x3a: {  	v60 =	vld.idx.msk [tilespmem:v0+s17+$0xFFFFFFF0 ss:$0x1], $0xffff;
	s31 =	sadd.s32 $0x400, s18;
	[tilespmem:s18+$0x20] =	vst v6  }
0x3b: {  	v61 =	vld.idx.msk [tilespmem:v0+s17+$0x0 ss:$0x1], $0xffff;
	[tilespmem:s31+$0x30] =	vst v56  }
0x3c: {  	v62 =	vld.idx.msk [tilespmem:v0+s17+$0x10 ss:$0x1], $0xffff;
	s16 =	sadd.s32 $0x1, s16;
	[tilespmem:s31+$0xFFFFFFC0] =	vst v57  }
0x3d: {  	v63 =	vld.idx.msk [tilespmem:v0+s17+$0x20 ss:$0x1], $0xffff;
	p1 =	sne.s32 s16, $0x8;
	[tilespmem:s31+$0xFFFFFFD0] =	vst v58  }
.Ltmp4:
0x3e: {  	[tilespmem:s31+$0xFFFFFFE0] =	vst v59;
	(pc) =	sbr.rel @p1 .LBB1_3-.Ltmp4, $4  }
0x3f: {  	[tilespmem:s31+$0xFFFFFFF0] =	vst v60  }
0x40: {  	[tilespmem:s31+$0x0] =	vst v61  }
0x41: {  	[tilespmem:s31+$0x10] =	vst v62  }
0x42: {  	s13 =	sadd.s32 $0x80, s13;
	s15 =	sadd.s32 $0x800, s15;
	[tilespmem:s31+$0x20] =	vst v63  }
.Ltmp5:
0x43: {  	(pc) =	sbr.rel .LBB1_7-.Ltmp5, $4  }
0x44: {  	s12 =	sshll.u32 s12, $0xC;
	s11 =	sshll.u32 s11, $0x4  }
0x45: {  	s11 =	sand.u32 $0xF0, s11;
	s12 =	sadd.s32 s2, s12  }
0x46: {  	s11 =	sadd.s32 s11, s12  }
0x47: {  	[hbm4b:s11+s6] =	stream.strided.scatter [tilespmem:s14], [sflag:$0x2], $0x4000, s7, s6, $0x38;
	[tilespmem:$0x10000] =	vst v63  }
.LBB1_8:
0x48: {  	_ =	sfence.sel $0x180000  }
0x49: {  	s2 =	simm.s32 $0x1;
	[bflag:$0x0] =	sbarrier.arrive $0xFFFF  }
0x4a: {  	s31 =	simm.s32 $0x2;
	[sflag:s2] =	ssyncpa.u1 $0x1  }
0x4b: {  	[sflag:s31] =	ssyncpa.u1 $0x1  }
0x4c: {  	p0 =	sne.s32 s1, $0x0;
	_ =	strace $0x90000047  }
0x4d: {  	s0 =	sadd.s32 @!p0 $0x100000, s0;
	[bflag:$0x2] =	sbarrier.arrive $0xFFFF  }
0x4e: {  	[sflag:s0] =	ssyncadd.tile.s32 @!p0 $0x1;
	_ =	shalt  }
.Lfunc_end1:
_tile_overlayer_lowered:
.L_overlay_start_2:
0x4f: {  	(tag) =	ssettag $0x2  }
0x50: {  	s0 =	rddreg [dreg:$0x0];
	s2 =	stileid.u32  }
0x51: {  	s1 =	rddreg [dreg:$0x1];
	p0 =	sne.s32 s2, $0x0  }
0x52: {  	s3 =	rddreg [dreg:$0x2];
	[bflag:$0x3] =	sbarrier.arrive $0xFFFF;
	s2 =	simm.s32 @!p0 $0x1C01  }
0x53: {  	[timem:s3], [sflag:s2] =	dma.local @!p0 [hbm:s0], s1  }
0x54: {  	s0 =	simm.s32 @!p0 $0x1  }
0x55: {  	_ =	swait.ge @!p0 [sflag:s0], s1  }
0x56: {  	s1 =	ssub.s32 @!p0 $0x0, s1;
	[sflag:s0] =	ssyncset.done @!p0 $0x0  }
0x57: {  	[sflag:s0] =	ssyncadd.s32 @!p0 s1  }
0x58: {  	[bflag:$0x3] =	sbarrier.arrive $0xFFFF  }
0x59: {  	_ =	shalt  }

</sc_bundles>
